<compile_context>
chip_gen: v7x
topology: tpu7x:2x2x1
jax: 0.10.2.dev20260603
libtpu: 0.0.44.dev20260713+nightly
codegen_flags: <defaults>
</compile_context>

<pallas_src>
import functools

import jax
import jax.numpy as jnp
from jax import lax
from jax.experimental import pallas as pl
from jax.experimental.pallas import tpu as pltpu
from jax.experimental.pallas import tpu_sc as plsc

N = 10000
E = 320000
IN_DIM = 128
D = 64
T = 4
L = 2
C = 16
VTH = 1.0
STEP = 0.1

CH = 128
NTILES = 16
RPT = 640
RCH = 80
NPAD = RPT * NTILES
BLK = 8
ECH_ENC = 1280
ECH_LAY = 2560
FAKE_LAY = ECH_LAY * CH - E


def _spike(v):
    s = (v >= VTH).astype(v.dtype)
    sg = jax.nn.sigmoid(4.0 * (v - VTH))
    return sg + (s - sg)



BN = 1000
GRID = N // BN


def _enc_matmul_body(f_ref, w_ref, b_ref, o_ref):
    h = jnp.dot(f_ref[...], w_ref[...], preferred_element_type=jnp.float32) + b_ref[...]
    pad = jnp.concatenate(
        [jnp.ones((h.shape[0], 1), jnp.float32),
         jnp.zeros((h.shape[0], D - 1), jnp.float32)], axis=1)
    o_ref[...] = jnp.concatenate([h, pad], axis=1)


def _enc_matmul(features, W_enc, b_enc):
    return pl.pallas_call(
        _enc_matmul_body,
        grid=(GRID,),
        in_specs=[
            pl.BlockSpec((BN, IN_DIM), lambda i: (i, 0)),
            pl.BlockSpec((IN_DIM, D), lambda i: (0, 0)),
            pl.BlockSpec((1, D), lambda i: (0, 0)),
        ],
        out_specs=pl.BlockSpec((BN, 2 * D), lambda i: (i, 0)),
        out_shape=jax.ShapeDtypeStruct((N, 2 * D), jnp.float32),
    )(features, W_enc, b_enc.reshape(1, D))


def _enc_if_body(sums_ref, x2_ref, z_ref, dinv_ref):
    deg = sums_ref[0][:, D:D + 1] + sums_ref[1][:, D:D + 1]
    dinv = 1.0 / jnp.maximum(deg, 1.0)
    agg = (sums_ref[0][:, :D] + sums_ref[1][:, :D]) * dinv
    v = jnp.zeros_like(agg)
    sp = []
    for _ in range(T):
        v = v + agg
        s = _spike(v)
        v = v - s * VTH
        sp.append(s)
    x2_ref[0] = jnp.concatenate([sp[0], sp[1]], axis=1)
    x2_ref[1] = jnp.concatenate([sp[2], sp[3]], axis=1)
    z_ref[...] = STEP * (sp[0] + sp[1] + sp[2] + sp[3])
    dinv_ref[...] = dinv


def _enc_if(sums):
    return pl.pallas_call(
        _enc_if_body,
        grid=(GRID,),
        in_specs=[
            pl.BlockSpec((2, BN, IN_DIM), lambda i: (0, i, 0)),
        ],
        out_specs=[
            pl.BlockSpec((2, BN, 2 * D), lambda i: (0, i, 0)),
            pl.BlockSpec((BN, D), lambda i: (i, 0)),
            pl.BlockSpec((BN, 1), lambda i: (i, 0)),
        ],
        out_shape=[
            jax.ShapeDtypeStruct((2, N, 2 * D), jnp.float32),
            jax.ShapeDtypeStruct((N, D), jnp.float32),
            jax.ShapeDtypeStruct((N, 1), jnp.float32),
        ],
    )(sums)


def _layer_body(m2_ref, dinv_ref, w_ref, b_ref, z_ref, x2_ref, zn_ref):
    dinv = dinv_ref[...]
    v = jnp.zeros((BN, D), jnp.float32)
    sp = []
    for t in range(T):
        m_t = m2_ref[t // 2][:, (t % 2) * D:(t % 2 + 1) * D] * dinv
        u = jnp.dot(m_t, w_ref[...], preferred_element_type=jnp.float32) + b_ref[...]
        v = v + u
        s = _spike(v)
        v = v - s * VTH
        sp.append(s)
    x2_ref[0] = jnp.concatenate([sp[0], sp[1]], axis=1)
    x2_ref[1] = jnp.concatenate([sp[2], sp[3]], axis=1)
    zn_ref[...] = z_ref[...] + STEP * (sp[0] + sp[1] + sp[2] + sp[3])


def _layer_tc(m2, dinv, W, b, z):
    return pl.pallas_call(
        _layer_body,
        grid=(GRID,),
        in_specs=[
            pl.BlockSpec((2, BN, 2 * D), lambda i: (0, i, 0)),
            pl.BlockSpec((BN, 1), lambda i: (i, 0)),
            pl.BlockSpec((D, D), lambda i: (0, 0)),
            pl.BlockSpec((1, D), lambda i: (0, 0)),
            pl.BlockSpec((BN, D), lambda i: (i, 0)),
        ],
        out_specs=[
            pl.BlockSpec((2, BN, 2 * D), lambda i: (0, i, 0)),
            pl.BlockSpec((BN, D), lambda i: (i, 0)),
        ],
        out_shape=[
            jax.ShapeDtypeStruct((2, N, 2 * D), jnp.float32),
            jax.ShapeDtypeStruct((N, D), jnp.float32),
        ],
    )(m2, dinv, W, b.reshape(1, D), z)


def _final_body(m2_ref, dinv_ref, w_ref, b_ref, z_ref, fcw_ref, fcb_ref, o_ref):
    dinv = dinv_ref[...]
    v = jnp.zeros((BN, D), jnp.float32)
    acc = jnp.zeros((BN, D), jnp.float32)
    for t in range(T):
        m_t = m2_ref[t // 2][:, (t % 2) * D:(t % 2 + 1) * D] * dinv
        u = jnp.dot(m_t, w_ref[...], preferred_element_type=jnp.float32) + b_ref[...]
        v = v + u
        s = _spike(v)
        v = v - s * VTH
        acc = acc + s
    zf = z_ref[...] + STEP * acc
    o_ref[...] = (
        jnp.dot(zf, fcw_ref[...], preferred_element_type=jnp.float32) + fcb_ref[...]
    )


def _final_tc(m2, dinv, W, b, z, fc_W, fc_b):
    return pl.pallas_call(
        _final_body,
        grid=(GRID,),
        in_specs=[
            pl.BlockSpec((2, BN, 2 * D), lambda i: (0, i, 0)),
            pl.BlockSpec((BN, 1), lambda i: (i, 0)),
            pl.BlockSpec((D, D), lambda i: (0, 0)),
            pl.BlockSpec((1, D), lambda i: (0, 0)),
            pl.BlockSpec((BN, D), lambda i: (i, 0)),
            pl.BlockSpec((D, C), lambda i: (0, 0)),
            pl.BlockSpec((1, C), lambda i: (0, 0)),
        ],
        out_specs=pl.BlockSpec((BN, C), lambda i: (i, 0)),
        out_shape=jax.ShapeDtypeStruct((N, C), jnp.float32),
    )(m2, dinv, W, b.reshape(1, D), z, fc_W, fc_b.reshape(1, C))



_MESH = plsc.VectorSubcoreMesh(core_axis_name="c", subcore_axis_name="s")


def _zero_stripe(shared, s, tbuf):
    def body(k, _):
        pltpu.sync_copy(tbuf, shared.at[pl.ds(s * RPT + k * RCH, RCH)])
        return 0

    lax.fori_loop(0, jnp.where(s == NTILES - 1, 5, 8), body, 0)


def _stripe_writeback(shared, hbm, s, tbuf):
    def body(k, _):
        off = s * RPT + k * RCH
        pltpu.sync_copy(shared.at[pl.ds(off, RCH)], tbuf)
        pltpu.sync_copy(tbuf, hbm.at[pl.ds(off, RCH)])
        return 0

    lax.fori_loop(0, jnp.where(s == NTILES - 1, 5, 8), body, 0)


def _block_pair(table, accum, src_hbm, dst_hbm, base, idx, rows, sems, isem):
    sblk0, dblk0, sblk1, dblk1 = idx
    pltpu.sync_copy(src_hbm.at[pl.ds(base, BLK)], sblk0)
    pltpu.sync_copy(dst_hbm.at[pl.ds(base, BLK)], dblk0)
    pf = [pltpu.async_copy(src_hbm.at[pl.ds(base + BLK, BLK)], sblk1, isem),
          pltpu.async_copy(dst_hbm.at[pl.ds(base + BLK, BLK)], dblk1, isem)]
    _pipelined_block(table, accum, sblk0, dblk0, rows, sems)
    pf[0].wait()
    pf[1].wait()
    _pipelined_block(table, accum, sblk1, dblk1, rows, sems)


def _pipelined_block(table, accum, sblk, dblk, rows, sems):
    gsem, _ = sems
    for half in range(BLK // 2):
        gd = [pltpu.async_copy(table.at[sblk.at[2 * half + k]], rows[k], gsem)
              for k in range(2)]
        for k in range(2):
            gd[k].wait()
            pltpu.sync_copy(rows[k], accum.at[dblk.at[2 * half + k]], add=True)


@functools.partial(
    pl.kernel,
    mesh=_MESH,
    out_type=jax.ShapeDtypeStruct((2, N, IN_DIM), jnp.float32),
    scratch_types=[
        pltpu.VMEM((BLK, CH), jnp.int32),
        pltpu.VMEM((BLK, CH), jnp.int32),
        pltpu.VMEM((BLK, CH), jnp.int32),
        pltpu.VMEM((BLK, CH), jnp.int32),
        pltpu.VMEM((CH, IN_DIM), jnp.float32),
        pltpu.VMEM((CH, IN_DIM), jnp.float32),
        pltpu.VMEM((RCH, IN_DIM), jnp.float32),
        pltpu.VMEM_SHARED((N + BLK, IN_DIM), jnp.float32),
        pltpu.SemaphoreType.DMA,
        pltpu.SemaphoreType.DMA,
        pltpu.SemaphoreType.DMA,
    ],
)
def _enc_agg_sc(f_hbm, src_hbm, dst_hbm, zrow_hbm, sums_hbm,
                sblk0, dblk0, sblk1, dblk1, rows0, rows1, tbuf, accum,
                sem0, sem1, isem):
    c = lax.axis_index("c")
    s = lax.axis_index("s")

    pltpu.sync_copy(zrow_hbm, tbuf)
    _zero_stripe(accum, s, tbuf)
    plsc.subcore_barrier()

    def body(pair, _):
        base = c * ECH_ENC + s * 80 + pair * 2 * BLK
        _block_pair(f_hbm, accum, src_hbm, dst_hbm, base,
                    (sblk0, dblk0, sblk1, dblk1), (rows0, rows1),
                    (sem0, sem1), isem)
        return 0

    lax.fori_loop(0, 5, body, 0)
    plsc.subcore_barrier()

    _stripe_writeback(accum, sums_hbm.at[c], s, tbuf)


@functools.partial(
    pl.kernel,
    mesh=_MESH,
    out_type=jax.ShapeDtypeStruct((2, N, 2 * D), jnp.float32),
    scratch_types=[
        pltpu.VMEM((BLK, CH), jnp.int32),
        pltpu.VMEM((BLK, CH), jnp.int32),
        pltpu.VMEM((BLK, CH), jnp.int32),
        pltpu.VMEM((BLK, CH), jnp.int32),
        pltpu.VMEM((CH, 2 * D), jnp.float32),
        pltpu.VMEM((CH, 2 * D), jnp.float32),
        pltpu.VMEM((RCH, 2 * D), jnp.float32),
        pltpu.VMEM_SHARED((N + BLK, 2 * D), jnp.float32),
        pltpu.SemaphoreType.DMA,
        pltpu.SemaphoreType.DMA,
        pltpu.SemaphoreType.DMA,
    ],
)
def _layer_agg_sc(x2_hbm, src_hbm, dst_hbm, zrow_hbm, m2_hbm,
                  sblk0, dblk0, sblk1, dblk1, rows0, rows1, tbuf, accum,
                  sem0, sem1, isem):
    c = lax.axis_index("c")
    s = lax.axis_index("s")

    pltpu.sync_copy(zrow_hbm, tbuf)
    _zero_stripe(accum, s, tbuf)
    plsc.subcore_barrier()

    def body(pair, _):
        base = s * 160 + pair * 2 * BLK
        _block_pair(x2_hbm.at[c], accum, src_hbm, dst_hbm, base,
                    (sblk0, dblk0, sblk1, dblk1), (rows0, rows1),
                    (sem0, sem1), isem)
        return 0

    lax.fori_loop(0, 10, body, 0)
    plsc.subcore_barrier()

    _stripe_writeback(accum, m2_hbm.at[c], s, tbuf)



@jax.jit
def kernel(features, edge_index, W_enc, b_enc, W_layers, b_layers, fc_W, fc_b):
    src = edge_index[0]
    dst = edge_index[1]
    zrow = jnp.zeros((RCH, IN_DIM), jnp.float32)

    fsrc_l = jnp.arange(FAKE_LAY, dtype=jnp.int32) % N
    fdst_l = N + jnp.arange(FAKE_LAY, dtype=jnp.int32) % BLK
    lsrc = jnp.concatenate([src, fsrc_l]).reshape(-1, CH)
    ldst = jnp.concatenate([dst, fdst_l]).reshape(-1, CH)

    h = _enc_matmul(features, W_enc, b_enc)
    sums = _enc_agg_sc(h, lsrc, ldst, zrow)
    x2, z, dinv = _enc_if(sums)

    m2 = _layer_agg_sc(x2, lsrc, ldst, zrow)
    x2, z = _layer_tc(m2, dinv, W_layers[0], b_layers[0], z)

    m2 = _layer_agg_sc(x2, lsrc, ldst, zrow)
    out = _final_tc(m2, dinv, W_layers[1], b_layers[1], z, fc_W, fc_b)
    return out

# --- scband reference (transcript-rebuilt; emitter-appended) ---
"""Pipeline reference for scband-riemannian-spike-gnn-80126909874817 (READ-ONLY COPY).

The authoritative reference and input builder live on the scoring server;
editing this copy changes nothing except your own understanding.
"""

import jax, jax.numpy as jnp
import numpy as np

N = 10000
E = 320000
IN_DIM = 128
D = 64
T = 4
L = 2
C = 16
VTH = 1.0
STEP = 0.1


def spike_fn(v):
    # Integrate-and-fire spike with sigmoid surrogate gradient (straight-through)
    s = (v >= VTH).astype(v.dtype)
    sg = jax.nn.sigmoid(4.0 * (v - VTH))
    return sg + jax.lax.stop_gradient(s - sg)


def setup_inputs(seed: int = 0) -> dict:
    key = jax.random.key(seed)
    ks = jax.random.split(key, 10)
    features = jax.random.normal(ks[0], (N, IN_DIM), jnp.float32)
    edge_index = jax.random.randint(ks[1], (2, E), 0, N, dtype=jnp.int32)
    W_enc = jax.random.normal(ks[2], (IN_DIM, D), jnp.float32) * (1.0 / np.sqrt(IN_DIM))
    b_enc = jnp.zeros((D,), jnp.float32)
    W_layers = jax.random.normal(ks[3], (L, D, D), jnp.float32) * (1.0 / np.sqrt(D))
    b_layers = jnp.zeros((L, D), jnp.float32)
    fc_W = jax.random.normal(ks[4], (D, C), jnp.float32) * (1.0 / np.sqrt(D))
    fc_b = jnp.zeros((C,), jnp.float32)
    return {"features": features, "edge_index": edge_index, "W_enc": W_enc,
            "b_enc": b_enc, "W_layers": W_layers, "b_layers": b_layers,
            "fc_W": fc_W, "fc_b": fc_b}


def reference(features, edge_index, W_enc, b_enc, W_layers, b_layers, fc_W, fc_b):
    src = edge_index[0]
    dst = edge_index[1]
    deg = jax.ops.segment_sum(jnp.ones((E,), jnp.float32), dst, num_segments=N)
    deg_inv = 1.0 / jnp.clip(deg, 1.0)

    def aggregate(h):
        m = jax.ops.segment_sum(h[src], dst, num_segments=N)
        return m * deg_inv[:, None]

    # RSEncoderLayer: linear -> mean neighbor aggregation -> IF spiking over T steps
    h = features @ W_enc + b_enc
    agg = aggregate(h)
    v = jnp.zeros_like(agg)
    spikes = []
    for _ in range(T):
        v = v + agg
        s = spike_fn(v)
        v = v - s * VTH
        spikes.append(s)
    x = jnp.stack(spikes)  # [T, N, D] spike trains
    # Euclidean manifold: expmap0 is identity, z accumulates step_size * spike sum
    z = STEP * jnp.sum(x, axis=0)

    # RiemannianSGNNLayer stack
    for l in range(L):
        W = W_layers[l]
        b = b_layers[l]
        v = jnp.zeros((N, D), jnp.float32)
        new_spikes = []
        for t in range(T):
            m = aggregate(x[t])
            u = m @ W + b
            v = v + u
            s = spike_fn(v)
            v = v - s * VTH
            new_spikes.append(s)
        x = jnp.stack(new_spikes)
        z = z + STEP * jnp.sum(x, axis=0)

    # task == 'NC', Euclidean manifold -> logmap0/proju0 skipped; final classifier
    return z @ fc_W + fc_b

if __name__ == "__main__":
    import jax
    _d = setup_inputs()
    print(jax.jit(kernel)(*tuple(_d.values())))

</pallas_src>

<mosaic_0001>
#map = affine_map<(d0, d1) -> (0, 0)>
#map1 = affine_map<(d0, d1) -> (0, 0, 0)>
module attributes {stable_mosaic.version = 14 : i64} {
  func.func @_enc_agg_sc(%arg0: i32, %arg1: i32, %arg2: memref<10000x128xf32, #tpu.memory_space<hbm>>, %arg3: memref<2560x128xi32, #tpu.memory_space<hbm>>, %arg4: memref<2560x128xi32, #tpu.memory_space<hbm>>, %arg5: memref<80x128xf32, #tpu.memory_space<hbm>>, %arg6: memref<2x10000x128xf32, #tpu.memory_space<hbm>>, %arg7: memref<8x128xi32, #tpu.memory_space<vmem>>, %arg8: memref<8x128xi32, #tpu.memory_space<vmem>>, %arg9: memref<8x128xi32, #tpu.memory_space<vmem>>, %arg10: memref<8x128xi32, #tpu.memory_space<vmem>>, %arg11: memref<128x128xf32, #tpu.memory_space<vmem>>, %arg12: memref<128x128xf32, #tpu.memory_space<vmem>>, %arg13: memref<80x128xf32, #tpu.memory_space<vmem>>, %arg14: memref<10008x128xf32, #tpu.memory_space<vmem_shared>>, %arg15: memref<!tpu.dma_semaphore, #tpu.memory_space<semaphore_mem>>, %arg16: memref<!tpu.dma_semaphore, #tpu.memory_space<semaphore_mem>>, %arg17: memref<!tpu.dma_semaphore, #tpu.memory_space<semaphore_mem>>) attributes {dimension_semantics = [#tpu.dimension_semantics<core_parallel>, #tpu.dimension_semantics<subcore_parallel>], iteration_bounds = array<i64: 2, 16>, scalar_prefetch = 0 : i64, scratch_operands = 11 : i64, tpu.core_type = #tpu.core_type<sc_vector_subcore>, window_params = [{transform_indices = #map}, {transform_indices = #map}, {transform_indices = #map}, {transform_indices = #map}, {transform_indices = #map1}]} {
    "tpu.region"() ({
      %run_scoped3A = tpu.sem_alloc : memref<!tpu.dma_semaphore, #tpu.memory_space<semaphore_mem>>
      tpu.enqueue_dma source(%arg5 : memref<80x128xf32, #tpu.memory_space<hbm>>) target(%arg13 : memref<80x128xf32, #tpu.memory_space<vmem>>) target_semaphore(%run_scoped3A : memref<!tpu.dma_semaphore, #tpu.memory_space<semaphore_mem>>)
      tpu.wait_dma2 semaphore(%run_scoped3A : memref<!tpu.dma_semaphore, #tpu.memory_space<semaphore_mem>>) src(%arg5 : memref<80x128xf32, #tpu.memory_space<hbm>>) dst(%arg13 : memref<80x128xf32, #tpu.memory_space<vmem>>)
      tpu.yield
    }) : () -> ()
    %eq3A = arith.constant 15 : i32
    %eq3A_0 = arith.cmpi eq, %arg1, %eq3A : i32
    %jit3A = arith.constant 5 : i32
    %jit3A_1 = arith.constant 8 : i32
    %select_n3A = arith.select %eq3A_0, %jit3A, %jit3A_1 : i32
    %while3A = arith.constant 0 : i32
    %while3A_2 = arith.constant 0 : i32
    %while3A_3 = arith.subi %select_n3A, %while3A : i32
    %while3A_4 = arith.addi %while3A, %while3A_3 : i32
    %while3A_5 = arith.constant 1 : i32
    %while3A_6 = arith.divsi %while3A_3, %while3A_5 : i32
    %while3A_7 = arith.muli %while3A_6, %while3A_5 : i32
    %while3A_8 = arith.addi %while3A, %while3A_7 : i32
    %while3A_9 = arith.constant 1 : i32
    %while3A_10 = scf.for %while3A_37 = %while3A to %while3A_8 step %while3A_9 iter_args(%while3A_38 = %while3A_2) -> (i32)  : i32 {
      %mul3A = arith.constant 640 : i32
      %mul3A_39 = arith.muli %arg1, %mul3A : i32
      %mul3A_40 = arith.constant 80 : i32
      %mul3A_41 = arith.muli %while3A_37, %mul3A_40 : i32
      %add3A = arith.addi %mul3A_39, %mul3A_41 : i32
      "tpu.region"() ({
        %run_scoped3A = tpu.sem_alloc : memref<!tpu.dma_semaphore, #tpu.memory_space<semaphore_mem>>
        %dma_start3A = arith.constant 0 : i32
        %dma_start3A_43 = tpu.memref_slice %arg14[%add3A, %dma_start3A] : memref<10008x128xf32, #tpu.memory_space<vmem_shared>> -> memref<80x128xf32, #tpu.memory_space<vmem_shared>>
        %dma_start3A_44 = arith.constant 0 : i32
        %dma_start3A_45 = tpu.memref_slice %arg14[%add3A, %dma_start3A_44] : memref<10008x128xf32, #tpu.memory_space<vmem_shared>> -> memref<80x128xf32, #tpu.memory_space<vmem_shared>>
        tpu.enqueue_dma source(%arg13 : memref<80x128xf32, #tpu.memory_space<vmem>>) target(%dma_start3A_45 : memref<80x128xf32, #tpu.memory_space<vmem_shared>>) target_semaphore(%run_scoped3A : memref<!tpu.dma_semaphore, #tpu.memory_space<semaphore_mem>>)
        %dma_wait3A = arith.constant 0 : i32
        %dma_wait3A_46 = tpu.memref_slice %arg14[%add3A, %dma_wait3A] : memref<10008x128xf32, #tpu.memory_space<vmem_shared>> -> memref<80x128xf32, #tpu.memory_space<vmem_shared>>
        %dma_wait3A_47 = arith.constant 0 : i32
        %dma_wait3A_48 = tpu.memref_slice %arg14[%add3A, %dma_wait3A_47] : memref<10008x128xf32, #tpu.memory_space<vmem_shared>> -> memref<80x128xf32, #tpu.memory_space<vmem_shared>>
        tpu.wait_dma2 semaphore(%run_scoped3A : memref<!tpu.dma_semaphore, #tpu.memory_space<semaphore_mem>>) src(%arg13 : memref<80x128xf32, #tpu.memory_space<vmem>>) dst(%dma_wait3A_48 : memref<80x128xf32, #tpu.memory_space<vmem_shared>>)
        tpu.yield
      }) : () -> ()
      %while3A_42 = arith.constant 0 : i32
      scf.yield %while3A_42 : i32
    }
    %while3A_11 = arith.constant 1 : i32
    %while3A_12 = scf.for %while3A_37 = %while3A_8 to %while3A_4 step %while3A_11 iter_args(%while3A_38 = %while3A_10) -> (i32)  : i32 {
      %mul3A = arith.constant 640 : i32
      %mul3A_39 = arith.muli %arg1, %mul3A : i32
      %mul3A_40 = arith.constant 80 : i32
      %mul3A_41 = arith.muli %while3A_37, %mul3A_40 : i32
      %add3A = arith.addi %mul3A_39, %mul3A_41 : i32
      "tpu.region"() ({
        %run_scoped3A = tpu.sem_alloc : memref<!tpu.dma_semaphore, #tpu.memory_space<semaphore_mem>>
        %dma_start3A = arith.constant 0 : i32
        %dma_start3A_43 = tpu.memref_slice %arg14[%add3A, %dma_start3A] : memref<10008x128xf32, #tpu.memory_space<vmem_shared>> -> memref<80x128xf32, #tpu.memory_space<vmem_shared>>
        %dma_start3A_44 = arith.constant 0 : i32
        %dma_start3A_45 = tpu.memref_slice %arg14[%add3A, %dma_start3A_44] : memref<10008x128xf32, #tpu.memory_space<vmem_shared>> -> memref<80x128xf32, #tpu.memory_space<vmem_shared>>
        tpu.enqueue_dma source(%arg13 : memref<80x128xf32, #tpu.memory_space<vmem>>) target(%dma_start3A_45 : memref<80x128xf32, #tpu.memory_space<vmem_shared>>) target_semaphore(%run_scoped3A : memref<!tpu.dma_semaphore, #tpu.memory_space<semaphore_mem>>)
        %dma_wait3A = arith.constant 0 : i32
        %dma_wait3A_46 = tpu.memref_slice %arg14[%add3A, %dma_wait3A] : memref<10008x128xf32, #tpu.memory_space<vmem_shared>> -> memref<80x128xf32, #tpu.memory_space<vmem_shared>>
        %dma_wait3A_47 = arith.constant 0 : i32
        %dma_wait3A_48 = tpu.memref_slice %arg14[%add3A, %dma_wait3A_47] : memref<10008x128xf32, #tpu.memory_space<vmem_shared>> -> memref<80x128xf32, #tpu.memory_space<vmem_shared>>
        tpu.wait_dma2 semaphore(%run_scoped3A : memref<!tpu.dma_semaphore, #tpu.memory_space<semaphore_mem>>) src(%arg13 : memref<80x128xf32, #tpu.memory_space<vmem>>) dst(%dma_wait3A_48 : memref<80x128xf32, #tpu.memory_space<vmem_shared>>)
        tpu.yield
      }) : () -> ()
      %while3A_42 = arith.constant 0 : i32
      scf.yield %while3A_42 : i32
    }
    %barrier3A = arith.constant 0 : index
    tpu.barrier barrier_id(%barrier3A)
    %scan3A = arith.constant 0 : i32
    %scan3A_13 = arith.constant 0 : i32
    %scan3A_14 = arith.constant 5 : i32
    %scan3A_15 = arith.addi %scan3A_13, %scan3A_14 : i32
    %scan3A_16 = arith.constant 1 : i32
    %scan3A_17 = scf.for %scan3A_37 = %scan3A_13 to %scan3A_15 step %scan3A_16 iter_args(%scan3A_38 = %scan3A) -> (i32)  : i32 {
      %mul3A = arith.constant 1280 : i32
      %mul3A_39 = arith.muli %arg0, %mul3A : i32
      %mul3A_40 = arith.constant 80 : i32
      %mul3A_41 = arith.muli %arg1, %mul3A_40 : i32
      %add3A = arith.addi %mul3A_39, %mul3A_41 : i32
      %mul3A_42 = arith.constant 2 : i32
      %mul3A_43 = arith.muli %scan3A_37, %mul3A_42 : i32
      %mul3A_44 = arith.constant 8 : i32
      %mul3A_45 = arith.muli %mul3A_43, %mul3A_44 : i32
      %add3A_46 = arith.addi %add3A, %mul3A_45 : i32
      "tpu.region"() ({
        %run_scoped3A_305 = tpu.sem_alloc : memref<!tpu.dma_semaphore, #tpu.memory_space<semaphore_mem>>
        %dma_start3A_306 = arith.constant 0 : i32
        %dma_start3A_307 = tpu.memref_slice %arg3[%add3A_46, %dma_start3A_306] : memref<2560x128xi32, #tpu.memory_space<hbm>> -> memref<8x128xi32, #tpu.memory_space<hbm>>
        %dma_start3A_308 = arith.constant 0 : i32
        %dma_start3A_309 = tpu.memref_slice %arg3[%add3A_46, %dma_start3A_308] : memref<2560x128xi32, #tpu.memory_space<hbm>> -> memref<8x128xi32, #tpu.memory_space<hbm>>
        tpu.enqueue_dma source(%dma_start3A_309 : memref<8x128xi32, #tpu.memory_space<hbm>>) target(%arg7 : memref<8x128xi32, #tpu.memory_space<vmem>>) target_semaphore(%run_scoped3A_305 : memref<!tpu.dma_semaphore, #tpu.memory_space<semaphore_mem>>)
        %dma_wait3A_310 = arith.constant 0 : i32
        %dma_wait3A_311 = tpu.memref_slice %arg3[%add3A_46, %dma_wait3A_310] : memref<2560x128xi32, #tpu.memory_space<hbm>> -> memref<8x128xi32, #tpu.memory_space<hbm>>
        %dma_wait3A_312 = arith.constant 0 : i32
        %dma_wait3A_313 = tpu.memref_slice %arg3[%add3A_46, %dma_wait3A_312] : memref<2560x128xi32, #tpu.memory_space<hbm>> -> memref<8x128xi32, #tpu.memory_space<hbm>>
        tpu.wait_dma2 semaphore(%run_scoped3A_305 : memref<!tpu.dma_semaphore, #tpu.memory_space<semaphore_mem>>) src(%dma_wait3A_313 : memref<8x128xi32, #tpu.memory_space<hbm>>) dst(%arg7 : memref<8x128xi32, #tpu.memory_space<vmem>>)
        tpu.yield
      }) : () -> ()
      "tpu.region"() ({
        %run_scoped3A_305 = tpu.sem_alloc : memref<!tpu.dma_semaphore, #tpu.memory_space<semaphore_mem>>
        %dma_start3A_306 = arith.constant 0 : i32
        %dma_start3A_307 = tpu.memref_slice %arg4[%add3A_46, %dma_start3A_306] : memref<2560x128xi32, #tpu.memory_space<hbm>> -> memref<8x128xi32, #tpu.memory_space<hbm>>
        %dma_start3A_308 = arith.constant 0 : i32
        %dma_start3A_309 = tpu.memref_slice %arg4[%add3A_46, %dma_start3A_308] : memref<2560x128xi32, #tpu.memory_space<hbm>> -> memref<8x128xi32, #tpu.memory_space<hbm>>
        tpu.enqueue_dma source(%dma_start3A_309 : memref<8x128xi32, #tpu.memory_space<hbm>>) target(%arg8 : memref<8x128xi32, #tpu.memory_space<vmem>>) target_semaphore(%run_scoped3A_305 : memref<!tpu.dma_semaphore, #tpu.memory_space<semaphore_mem>>)
        %dma_wait3A_310 = arith.constant 0 : i32
        %dma_wait3A_311 = tpu.memref_slice %arg4[%add3A_46, %dma_wait3A_310] : memref<2560x128xi32, #tpu.memory_space<hbm>> -> memref<8x128xi32, #tpu.memory_space<hbm>>
        %dma_wait3A_312 = arith.constant 0 : i32
        %dma_wait3A_313 = tpu.memref_slice %arg4[%add3A_46, %dma_wait3A_312] : memref<2560x128xi32, #tpu.memory_space<hbm>> -> memref<8x128xi32, #tpu.memory_space<hbm>>
        tpu.wait_dma2 semaphore(%run_scoped3A_305 : memref<!tpu.dma_semaphore, #tpu.memory_space<semaphore_mem>>) src(%dma_wait3A_313 : memref<8x128xi32, #tpu.memory_space<hbm>>) dst(%arg8 : memref<8x128xi32, #tpu.memory_space<vmem>>)
        tpu.yield
      }) : () -> ()
      %add3A_47 = arith.constant 8 : i32
      %add3A_48 = arith.addi %add3A_46, %add3A_47 : i32
      %dma_start3A = arith.constant 0 : i32
      %dma_start3A_49 = tpu.memref_slice %arg3[%add3A_48, %dma_start3A] : memref<2560x128xi32, #tpu.memory_space<hbm>> -> memref<8x128xi32, #tpu.memory_space<hbm>>
      %dma_start3A_50 = arith.constant 0 : i32
      %dma_start3A_51 = tpu.memref_slice %arg3[%add3A_48, %dma_start3A_50] : memref<2560x128xi32, #tpu.memory_space<hbm>> -> memref<8x128xi32, #tpu.memory_space<hbm>>
      tpu.enqueue_dma source(%dma_start3A_51 : memref<8x128xi32, #tpu.memory_space<hbm>>) target(%arg9 : memref<8x128xi32, #tpu.memory_space<vmem>>) target_semaphore(%arg17 : memref<!tpu.dma_semaphore, #tpu.memory_space<semaphore_mem>>)
      %add3A_52 = arith.constant 8 : i32
      %add3A_53 = arith.addi %add3A_46, %add3A_52 : i32
      %dma_start3A_54 = arith.constant 0 : i32
      %dma_start3A_55 = tpu.memref_slice %arg4[%add3A_53, %dma_start3A_54] : memref<2560x128xi32, #tpu.memory_space<hbm>> -> memref<8x128xi32, #tpu.memory_space<hbm>>
      %dma_start3A_56 = arith.constant 0 : i32
      %dma_start3A_57 = tpu.memref_slice %arg4[%add3A_53, %dma_start3A_56] : memref<2560x128xi32, #tpu.memory_space<hbm>> -> memref<8x128xi32, #tpu.memory_space<hbm>>
      tpu.enqueue_dma source(%dma_start3A_57 : memref<8x128xi32, #tpu.memory_space<hbm>>) target(%arg10 : memref<8x128xi32, #tpu.memory_space<vmem>>) target_semaphore(%arg17 : memref<!tpu.dma_semaphore, #tpu.memory_space<semaphore_mem>>)
      %dma_start3A_58 = arith.constant 0 : i32
      %dma_start3A_59 = arith.constant 0 : i32
      %dma_start3A_60 = tpu.memref_slice %arg7[%dma_start3A_58, %dma_start3A_59] : memref<8x128xi32, #tpu.memory_space<vmem>> -> memref<1x128xi32, #tpu.memory_space<vmem>>
      %dma_start3A_61 = tpu.memref_squeeze %dma_start3A_60 : memref<1x128xi32, #tpu.memory_space<vmem>> -> memref<128xi32, #tpu.memory_space<vmem>>
      %dma_start3A_62 = arith.constant 0 : i32
      %dma_start3A_63 = arith.constant 0 : i32
      %dma_start3A_64 = tpu.memref_slice %arg2[%dma_start3A_62, %dma_start3A_63] : memref<10000x128xf32, #tpu.memory_space<hbm>> -> memref<10000x128xf32, #tpu.memory_space<hbm>>
      tpu.enqueue_indirect_dma source(%dma_start3A_64 : memref<10000x128xf32, #tpu.memory_space<hbm>>) target(%arg11 : memref<128x128xf32, #tpu.memory_space<vmem>>) offsets(%dma_start3A_61 : memref<128xi32, #tpu.memory_space<vmem>>) semaphore(%arg15 : memref<!tpu.dma_semaphore, #tpu.memory_space<semaphore_mem>>)
      %dma_start3A_65 = arith.constant 1 : i32
      %dma_start3A_66 = arith.constant 0 : i32
      %dma_start3A_67 = tpu.memref_slice %arg7[%dma_start3A_65, %dma_start3A_66] : memref<8x128xi32, #tpu.memory_space<vmem>> -> memref<1x128xi32, #tpu.memory_space<vmem>>
      %dma_start3A_68 = tpu.memref_squeeze %dma_start3A_67 : memref<1x128xi32, #tpu.memory_space<vmem>> -> memref<128xi32, #tpu.memory_space<vmem>>
      %dma_start3A_69 = arith.constant 0 : i32
      %dma_start3A_70 = arith.constant 0 : i32
      %dma_start3A_71 = tpu.memref_slice %arg2[%dma_start3A_69, %dma_start3A_70] : memref<10000x128xf32, #tpu.memory_space<hbm>> -> memref<10000x128xf32, #tpu.memory_space<hbm>>
      tpu.enqueue_indirect_dma source(%dma_start3A_71 : memref<10000x128xf32, #tpu.memory_space<hbm>>) target(%arg12 : memref<128x128xf32, #tpu.memory_space<vmem>>) offsets(%dma_start3A_68 : memref<128xi32, #tpu.memory_space<vmem>>) semaphore(%arg15 : memref<!tpu.dma_semaphore, #tpu.memory_space<semaphore_mem>>)
      %dma_wait3A = arith.constant 0 : i32
      %dma_wait3A_72 = arith.constant 0 : i32
      %dma_wait3A_73 = tpu.memref_slice %arg7[%dma_wait3A, %dma_wait3A_72] : memref<8x128xi32, #tpu.memory_space<vmem>> -> memref<1x128xi32, #tpu.memory_space<vmem>>
      %dma_wait3A_74 = tpu.memref_squeeze %dma_wait3A_73 : memref<1x128xi32, #tpu.memory_space<vmem>> -> memref<128xi32, #tpu.memory_space<vmem>>
      %dma_wait3A_75 = arith.constant 0 : i32
      %dma_wait3A_76 = arith.constant 0 : i32
      %dma_wait3A_77 = tpu.memref_slice %arg2[%dma_wait3A_75, %dma_wait3A_76] : memref<10000x128xf32, #tpu.memory_space<hbm>> -> memref<10000x128xf32, #tpu.memory_space<hbm>>
      tpu.wait_indirect_dma semaphore(%arg15 : memref<!tpu.dma_semaphore, #tpu.memory_space<semaphore_mem>>) src(%dma_wait3A_77 : memref<10000x128xf32, #tpu.memory_space<hbm>>) dst(%arg11 : memref<128x128xf32, #tpu.memory_space<vmem>>)
      %run_scoped3A = arith.constant 0 : i32
      "tpu.region"() ({
        %run_scoped3A_305 = tpu.sem_alloc : memref<!tpu.dma_semaphore, #tpu.memory_space<semaphore_mem>>
        %dma_start3A_306 = arith.constant 0 : i32
        %dma_start3A_307 = tpu.memref_slice %arg8[%run_scoped3A, %dma_start3A_306] : memref<8x128xi32, #tpu.memory_space<vmem>> -> memref<1x128xi32, #tpu.memory_space<vmem>>
        %dma_start3A_308 = tpu.memref_squeeze %dma_start3A_307 : memref<1x128xi32, #tpu.memory_space<vmem>> -> memref<128xi32, #tpu.memory_space<vmem>>
        %dma_start3A_309 = arith.constant 0 : i32
        %dma_start3A_310 = arith.constant 0 : i32
        %dma_start3A_311 = tpu.memref_slice %arg14[%dma_start3A_309, %dma_start3A_310] : memref<10008x128xf32, #tpu.memory_space<vmem_shared>> -> memref<10008x128xf32, #tpu.memory_space<vmem_shared>>
        tpu.enqueue_indirect_dma source(%arg11 : memref<128x128xf32, #tpu.memory_space<vmem>>) target(%dma_start3A_311 : memref<10008x128xf32, #tpu.memory_space<vmem_shared>>) offsets(%dma_start3A_308 : memref<128xi32, #tpu.memory_space<vmem>>) semaphore(%run_scoped3A_305 : memref<!tpu.dma_semaphore, #tpu.memory_space<semaphore_mem>>) {add = true}
        %dma_wait3A_312 = arith.constant 0 : i32
        %dma_wait3A_313 = tpu.memref_slice %arg8[%run_scoped3A, %dma_wait3A_312] : memref<8x128xi32, #tpu.memory_space<vmem>> -> memref<1x128xi32, #tpu.memory_space<vmem>>
        %dma_wait3A_314 = tpu.memref_squeeze %dma_wait3A_313 : memref<1x128xi32, #tpu.memory_space<vmem>> -> memref<128xi32, #tpu.memory_space<vmem>>
        %dma_wait3A_315 = arith.constant 0 : i32
        %dma_wait3A_316 = arith.constant 0 : i32
        %dma_wait3A_317 = tpu.memref_slice %arg14[%dma_wait3A_315, %dma_wait3A_316] : memref<10008x128xf32, #tpu.memory_space<vmem_shared>> -> memref<10008x128xf32, #tpu.memory_space<vmem_shared>>
        tpu.wait_indirect_dma semaphore(%run_scoped3A_305 : memref<!tpu.dma_semaphore, #tpu.memory_space<semaphore_mem>>) src(%arg11 : memref<128x128xf32, #tpu.memory_space<vmem>>) dst(%dma_wait3A_317 : memref<10008x128xf32, #tpu.memory_space<vmem_shared>>)
        tpu.yield
      }) : () -> ()
      %dma_wait3A_78 = arith.constant 1 : i32
      %dma_wait3A_79 = arith.constant 0 : i32
      %dma_wait3A_80 = tpu.memref_slice %arg7[%dma_wait3A_78, %dma_wait3A_79] : memref<8x128xi32, #tpu.memory_space<vmem>> -> memref<1x128xi32, #tpu.memory_space<vmem>>
      %dma_wait3A_81 = tpu.memref_squeeze %dma_wait3A_80 : memref<1x128xi32, #tpu.memory_space<vmem>> -> memref<128xi32, #tpu.memory_space<vmem>>
      %dma_wait3A_82 = arith.constant 0 : i32
      %dma_wait3A_83 = arith.constant 0 : i32
      %dma_wait3A_84 = tpu.memref_slice %arg2[%dma_wait3A_82, %dma_wait3A_83] : memref<10000x128xf32, #tpu.memory_space<hbm>> -> memref<10000x128xf32, #tpu.memory_space<hbm>>
      tpu.wait_indirect_dma semaphore(%arg15 : memref<!tpu.dma_semaphore, #tpu.memory_space<semaphore_mem>>) src(%dma_wait3A_84 : memref<10000x128xf32, #tpu.memory_space<hbm>>) dst(%arg12 : memref<128x128xf32, #tpu.memory_space<vmem>>)
      %run_scoped3A_85 = arith.constant 1 : i32
      "tpu.region"() ({
        %run_scoped3A_305 = tpu.sem_alloc : memref<!tpu.dma_semaphore, #tpu.memory_space<semaphore_mem>>
        %dma_start3A_306 = arith.constant 0 : i32
        %dma_start3A_307 = tpu.memref_slice %arg8[%run_scoped3A_85, %dma_start3A_306] : memref<8x128xi32, #tpu.memory_space<vmem>> -> memref<1x128xi32, #tpu.memory_space<vmem>>
        %dma_start3A_308 = tpu.memref_squeeze %dma_start3A_307 : memref<1x128xi32, #tpu.memory_space<vmem>> -> memref<128xi32, #tpu.memory_space<vmem>>
        %dma_start3A_309 = arith.constant 0 : i32
        %dma_start3A_310 = arith.constant 0 : i32
        %dma_start3A_311 = tpu.memref_slice %arg14[%dma_start3A_309, %dma_start3A_310] : memref<10008x128xf32, #tpu.memory_space<vmem_shared>> -> memref<10008x128xf32, #tpu.memory_space<vmem_shared>>
        tpu.enqueue_indirect_dma source(%arg12 : memref<128x128xf32, #tpu.memory_space<vmem>>) target(%dma_start3A_311 : memref<10008x128xf32, #tpu.memory_space<vmem_shared>>) offsets(%dma_start3A_308 : memref<128xi32, #tpu.memory_space<vmem>>) semaphore(%run_scoped3A_305 : memref<!tpu.dma_semaphore, #tpu.memory_space<semaphore_mem>>) {add = true}
        %dma_wait3A_312 = arith.constant 0 : i32
        %dma_wait3A_313 = tpu.memref_slice %arg8[%run_scoped3A_85, %dma_wait3A_312] : memref<8x128xi32, #tpu.memory_space<vmem>> -> memref<1x128xi32, #tpu.memory_space<vmem>>
        %dma_wait3A_314 = tpu.memref_squeeze %dma_wait3A_313 : memref<1x128xi32, #tpu.memory_space<vmem>> -> memref<128xi32, #tpu.memory_space<vmem>>
        %dma_wait3A_315 = arith.constant 0 : i32
        %dma_wait3A_316 = arith.constant 0 : i32
        %dma_wait3A_317 = tpu.memref_slice %arg14[%dma_wait3A_315, %dma_wait3A_316] : memref<10008x128xf32, #tpu.memory_space<vmem_shared>> -> memref<10008x128xf32, #tpu.memory_space<vmem_shared>>
        tpu.wait_indirect_dma semaphore(%run_scoped3A_305 : memref<!tpu.dma_semaphore, #tpu.memory_space<semaphore_mem>>) src(%arg12 : memref<128x128xf32, #tpu.memory_space<vmem>>) dst(%dma_wait3A_317 : memref<10008x128xf32, #tpu.memory_space<vmem_shared>>)
        tpu.yield
      }) : () -> ()
      %dma_start3A_86 = arith.constant 2 : i32
      %dma_start3A_87 = arith.constant 0 : i32
      %dma_start3A_88 = tpu.memref_slice %arg7[%dma_start3A_86, %dma_start3A_87] : memref<8x128xi32, #tpu.memory_space<vmem>> -> memref<1x128xi32, #tpu.memory_space<vmem>>
      %dma_start3A_89 = tpu.memref_squeeze %dma_start3A_88 : memref<1x128xi32, #tpu.memory_space<vmem>> -> memref<128xi32, #tpu.memory_space<vmem>>
      %dma_start3A_90 = arith.constant 0 : i32
      %dma_start3A_91 = arith.constant 0 : i32
      %dma_start3A_92 = tpu.memref_slice %arg2[%dma_start3A_90, %dma_start3A_91] : memref<10000x128xf32, #tpu.memory_space<hbm>> -> memref<10000x128xf32, #tpu.memory_space<hbm>>
      tpu.enqueue_indirect_dma source(%dma_start3A_92 : memref<10000x128xf32, #tpu.memory_space<hbm>>) target(%arg11 : memref<128x128xf32, #tpu.memory_space<vmem>>) offsets(%dma_start3A_89 : memref<128xi32, #tpu.memory_space<vmem>>) semaphore(%arg15 : memref<!tpu.dma_semaphore, #tpu.memory_space<semaphore_mem>>)
      %dma_start3A_93 = arith.constant 3 : i32
      %dma_start3A_94 = arith.constant 0 : i32
      %dma_start3A_95 = tpu.memref_slice %arg7[%dma_start3A_93, %dma_start3A_94] : memref<8x128xi32, #tpu.memory_space<vmem>> -> memref<1x128xi32, #tpu.memory_space<vmem>>
      %dma_start3A_96 = tpu.memref_squeeze %dma_start3A_95 : memref<1x128xi32, #tpu.memory_space<vmem>> -> memref<128xi32, #tpu.memory_space<vmem>>
      %dma_start3A_97 = arith.constant 0 : i32
      %dma_start3A_98 = arith.constant 0 : i32
      %dma_start3A_99 = tpu.memref_slice %arg2[%dma_start3A_97, %dma_start3A_98] : memref<10000x128xf32, #tpu.memory_space<hbm>> -> memref<10000x128xf32, #tpu.memory_space<hbm>>
      tpu.enqueue_indirect_dma source(%dma_start3A_99 : memref<10000x128xf32, #tpu.memory_space<hbm>>) target(%arg12 : memref<128x128xf32, #tpu.memory_space<vmem>>) offsets(%dma_start3A_96 : memref<128xi32, #tpu.memory_space<vmem>>) semaphore(%arg15 : memref<!tpu.dma_semaphore, #tpu.memory_space<semaphore_mem>>)
      %dma_wait3A_100 = arith.constant 2 : i32
      %dma_wait3A_101 = arith.constant 0 : i32
      %dma_wait3A_102 = tpu.memref_slice %arg7[%dma_wait3A_100, %dma_wait3A_101] : memref<8x128xi32, #tpu.memory_space<vmem>> -> memref<1x128xi32, #tpu.memory_space<vmem>>
      %dma_wait3A_103 = tpu.memref_squeeze %dma_wait3A_102 : memref<1x128xi32, #tpu.memory_space<vmem>> -> memref<128xi32, #tpu.memory_space<vmem>>
      %dma_wait3A_104 = arith.constant 0 : i32
      %dma_wait3A_105 = arith.constant 0 : i32
      %dma_wait3A_106 = tpu.memref_slice %arg2[%dma_wait3A_104, %dma_wait3A_105] : memref<10000x128xf32, #tpu.memory_space<hbm>> -> memref<10000x128xf32, #tpu.memory_space<hbm>>
      tpu.wait_indirect_dma semaphore(%arg15 : memref<!tpu.dma_semaphore, #tpu.memory_space<semaphore_mem>>) src(%dma_wait3A_106 : memref<10000x128xf32, #tpu.memory_space<hbm>>) dst(%arg11 : memref<128x128xf32, #tpu.memory_space<vmem>>)
      %run_scoped3A_107 = arith.constant 2 : i32
      "tpu.region"() ({
        %run_scoped3A_305 = tpu.sem_alloc : memref<!tpu.dma_semaphore, #tpu.memory_space<semaphore_mem>>
        %dma_start3A_306 = arith.constant 0 : i32
        %dma_start3A_307 = tpu.memref_slice %arg8[%run_scoped3A_107, %dma_start3A_306] : memref<8x128xi32, #tpu.memory_space<vmem>> -> memref<1x128xi32, #tpu.memory_space<vmem>>
        %dma_start3A_308 = tpu.memref_squeeze %dma_start3A_307 : memref<1x128xi32, #tpu.memory_space<vmem>> -> memref<128xi32, #tpu.memory_space<vmem>>
        %dma_start3A_309 = arith.constant 0 : i32
        %dma_start3A_310 = arith.constant 0 : i32
        %dma_start3A_311 = tpu.memref_slice %arg14[%dma_start3A_309, %dma_start3A_310] : memref<10008x128xf32, #tpu.memory_space<vmem_shared>> -> memref<10008x128xf32, #tpu.memory_space<vmem_shared>>
        tpu.enqueue_indirect_dma source(%arg11 : memref<128x128xf32, #tpu.memory_space<vmem>>) target(%dma_start3A_311 : memref<10008x128xf32, #tpu.memory_space<vmem_shared>>) offsets(%dma_start3A_308 : memref<128xi32, #tpu.memory_space<vmem>>) semaphore(%run_scoped3A_305 : memref<!tpu.dma_semaphore, #tpu.memory_space<semaphore_mem>>) {add = true}
        %dma_wait3A_312 = arith.constant 0 : i32
        %dma_wait3A_313 = tpu.memref_slice %arg8[%run_scoped3A_107, %dma_wait3A_312] : memref<8x128xi32, #tpu.memory_space<vmem>> -> memref<1x128xi32, #tpu.memory_space<vmem>>
        %dma_wait3A_314 = tpu.memref_squeeze %dma_wait3A_313 : memref<1x128xi32, #tpu.memory_space<vmem>> -> memref<128xi32, #tpu.memory_space<vmem>>
        %dma_wait3A_315 = arith.constant 0 : i32
        %dma_wait3A_316 = arith.constant 0 : i32
        %dma_wait3A_317 = tpu.memref_slice %arg14[%dma_wait3A_315, %dma_wait3A_316] : memref<10008x128xf32, #tpu.memory_space<vmem_shared>> -> memref<10008x128xf32, #tpu.memory_space<vmem_shared>>
        tpu.wait_indirect_dma semaphore(%run_scoped3A_305 : memref<!tpu.dma_semaphore, #tpu.memory_space<semaphore_mem>>) src(%arg11 : memref<128x128xf32, #tpu.memory_space<vmem>>) dst(%dma_wait3A_317 : memref<10008x128xf32, #tpu.memory_space<vmem_shared>>)
        tpu.yield
      }) : () -> ()
      %dma_wait3A_108 = arith.constant 3 : i32
      %dma_wait3A_109 = arith.constant 0 : i32
      %dma_wait3A_110 = tpu.memref_slice %arg7[%dma_wait3A_108, %dma_wait3A_109] : memref<8x128xi32, #tpu.memory_space<vmem>> -> memref<1x128xi32, #tpu.memory_space<vmem>>
      %dma_wait3A_111 = tpu.memref_squeeze %dma_wait3A_110 : memref<1x128xi32, #tpu.memory_space<vmem>> -> memref<128xi32, #tpu.memory_space<vmem>>
      %dma_wait3A_112 = arith.constant 0 : i32
      %dma_wait3A_113 = arith.constant 0 : i32
      %dma_wait3A_114 = tpu.memref_slice %arg2[%dma_wait3A_112, %dma_wait3A_113] : memref<10000x128xf32, #tpu.memory_space<hbm>> -> memref<10000x128xf32, #tpu.memory_space<hbm>>
      tpu.wait_indirect_dma semaphore(%arg15 : memref<!tpu.dma_semaphore, #tpu.memory_space<semaphore_mem>>) src(%dma_wait3A_114 : memref<10000x128xf32, #tpu.memory_space<hbm>>) dst(%arg12 : memref<128x128xf32, #tpu.memory_space<vmem>>)
      %run_scoped3A_115 = arith.constant 3 : i32
      "tpu.region"() ({
        %run_scoped3A_305 = tpu.sem_alloc : memref<!tpu.dma_semaphore, #tpu.memory_space<semaphore_mem>>
        %dma_start3A_306 = arith.constant 0 : i32
        %dma_start3A_307 = tpu.memref_slice %arg8[%run_scoped3A_115, %dma_start3A_306] : memref<8x128xi32, #tpu.memory_space<vmem>> -> memref<1x128xi32, #tpu.memory_space<vmem>>
        %dma_start3A_308 = tpu.memref_squeeze %dma_start3A_307 : memref<1x128xi32, #tpu.memory_space<vmem>> -> memref<128xi32, #tpu.memory_space<vmem>>
        %dma_start3A_309 = arith.constant 0 : i32
        %dma_start3A_310 = arith.constant 0 : i32
        %dma_start3A_311 = tpu.memref_slice %arg14[%dma_start3A_309, %dma_start3A_310] : memref<10008x128xf32, #tpu.memory_space<vmem_shared>> -> memref<10008x128xf32, #tpu.memory_space<vmem_shared>>
        tpu.enqueue_indirect_dma source(%arg12 : memref<128x128xf32, #tpu.memory_space<vmem>>) target(%dma_start3A_311 : memref<10008x128xf32, #tpu.memory_space<vmem_shared>>) offsets(%dma_start3A_308 : memref<128xi32, #tpu.memory_space<vmem>>) semaphore(%run_scoped3A_305 : memref<!tpu.dma_semaphore, #tpu.memory_space<semaphore_mem>>) {add = true}
        %dma_wait3A_312 = arith.constant 0 : i32
        %dma_wait3A_313 = tpu.memref_slice %arg8[%run_scoped3A_115, %dma_wait3A_312] : memref<8x128xi32, #tpu.memory_space<vmem>> -> memref<1x128xi32, #tpu.memory_space<vmem>>
        %dma_wait3A_314 = tpu.memref_squeeze %dma_wait3A_313 : memref<1x128xi32, #tpu.memory_space<vmem>> -> memref<128xi32, #tpu.memory_space<vmem>>
        %dma_wait3A_315 = arith.constant 0 : i32
        %dma_wait3A_316 = arith.constant 0 : i32
        %dma_wait3A_317 = tpu.memref_slice %arg14[%dma_wait3A_315, %dma_wait3A_316] : memref<10008x128xf32, #tpu.memory_space<vmem_shared>> -> memref<10008x128xf32, #tpu.memory_space<vmem_shared>>
        tpu.wait_indirect_dma semaphore(%run_scoped3A_305 : memref<!tpu.dma_semaphore, #tpu.memory_space<semaphore_mem>>) src(%arg12 : memref<128x128xf32, #tpu.memory_space<vmem>>) dst(%dma_wait3A_317 : memref<10008x128xf32, #tpu.memory_space<vmem_shared>>)
        tpu.yield
      }) : () -> ()
      %dma_start3A_116 = arith.constant 4 : i32
      %dma_start3A_117 = arith.constant 0 : i32
      %dma_start3A_118 = tpu.memref_slice %arg7[%dma_start3A_116, %dma_start3A_117] : memref<8x128xi32, #tpu.memory_space<vmem>> -> memref<1x128xi32, #tpu.memory_space<vmem>>
      %dma_start3A_119 = tpu.memref_squeeze %dma_start3A_118 : memref<1x128xi32, #tpu.memory_space<vmem>> -> memref<128xi32, #tpu.memory_space<vmem>>
      %dma_start3A_120 = arith.constant 0 : i32
      %dma_start3A_121 = arith.constant 0 : i32
      %dma_start3A_122 = tpu.memref_slice %arg2[%dma_start3A_120, %dma_start3A_121] : memref<10000x128xf32, #tpu.memory_space<hbm>> -> memref<10000x128xf32, #tpu.memory_space<hbm>>
      tpu.enqueue_indirect_dma source(%dma_start3A_122 : memref<10000x128xf32, #tpu.memory_space<hbm>>) target(%arg11 : memref<128x128xf32, #tpu.memory_space<vmem>>) offsets(%dma_start3A_119 : memref<128xi32, #tpu.memory_space<vmem>>) semaphore(%arg15 : memref<!tpu.dma_semaphore, #tpu.memory_space<semaphore_mem>>)
      %dma_start3A_123 = arith.constant 5 : i32
      %dma_start3A_124 = arith.constant 0 : i32
      %dma_start3A_125 = tpu.memref_slice %arg7[%dma_start3A_123, %dma_start3A_124] : memref<8x128xi32, #tpu.memory_space<vmem>> -> memref<1x128xi32, #tpu.memory_space<vmem>>
      %dma_start3A_126 = tpu.memref_squeeze %dma_start3A_125 : memref<1x128xi32, #tpu.memory_space<vmem>> -> memref<128xi32, #tpu.memory_space<vmem>>
      %dma_start3A_127 = arith.constant 0 : i32
      %dma_start3A_128 = arith.constant 0 : i32
      %dma_start3A_129 = tpu.memref_slice %arg2[%dma_start3A_127, %dma_start3A_128] : memref<10000x128xf32, #tpu.memory_space<hbm>> -> memref<10000x128xf32, #tpu.memory_space<hbm>>
      tpu.enqueue_indirect_dma source(%dma_start3A_129 : memref<10000x128xf32, #tpu.memory_space<hbm>>) target(%arg12 : memref<128x128xf32, #tpu.memory_space<vmem>>) offsets(%dma_start3A_126 : memref<128xi32, #tpu.memory_space<vmem>>) semaphore(%arg15 : memref<!tpu.dma_semaphore, #tpu.memory_space<semaphore_mem>>)
      %dma_wait3A_130 = arith.constant 4 : i32
      %dma_wait3A_131 = arith.constant 0 : i32
      %dma_wait3A_132 = tpu.memref_slice %arg7[%dma_wait3A_130, %dma_wait3A_131] : memref<8x128xi32, #tpu.memory_space<vmem>> -> memref<1x128xi32, #tpu.memory_space<vmem>>
      %dma_wait3A_133 = tpu.memref_squeeze %dma_wait3A_132 : memref<1x128xi32, #tpu.memory_space<vmem>> -> memref<128xi32, #tpu.memory_space<vmem>>
      %dma_wait3A_134 = arith.constant 0 : i32
      %dma_wait3A_135 = arith.constant 0 : i32
      %dma_wait3A_136 = tpu.memref_slice %arg2[%dma_wait3A_134, %dma_wait3A_135] : memref<10000x128xf32, #tpu.memory_space<hbm>> -> memref<10000x128xf32, #tpu.memory_space<hbm>>
      tpu.wait_indirect_dma semaphore(%arg15 : memref<!tpu.dma_semaphore, #tpu.memory_space<semaphore_mem>>) src(%dma_wait3A_136 : memref<10000x128xf32, #tpu.memory_space<hbm>>) dst(%arg11 : memref<128x128xf32, #tpu.memory_space<vmem>>)
      %run_scoped3A_137 = arith.constant 4 : i32
      "tpu.region"() ({
        %run_scoped3A_305 = tpu.sem_alloc : memref<!tpu.dma_semaphore, #tpu.memory_space<semaphore_mem>>
        %dma_start3A_306 = arith.constant 0 : i32
        %dma_start3A_307 = tpu.memref_slice %arg8[%run_scoped3A_137, %dma_start3A_306] : memref<8x128xi32, #tpu.memory_space<vmem>> -> memref<1x128xi32, #tpu.memory_space<vmem>>
        %dma_start3A_308 = tpu.memref_squeeze %dma_start3A_307 : memref<1x128xi32, #tpu.memory_space<vmem>> -> memref<128xi32, #tpu.memory_space<vmem>>
        %dma_start3A_309 = arith.constant 0 : i32
        %dma_start3A_310 = arith.constant 0 : i32
        %dma_start3A_311 = tpu.memref_slice %arg14[%dma_start3A_309, %dma_start3A_310] : memref<10008x128xf32, #tpu.memory_space<vmem_shared>> -> memref<10008x128xf32, #tpu.memory_space<vmem_shared>>
        tpu.enqueue_indirect_dma source(%arg11 : memref<128x128xf32, #tpu.memory_space<vmem>>) target(%dma_start3A_311 : memref<10008x128xf32, #tpu.memory_space<vmem_shared>>) offsets(%dma_start3A_308 : memref<128xi32, #tpu.memory_space<vmem>>) semaphore(%run_scoped3A_305 : memref<!tpu.dma_semaphore, #tpu.memory_space<semaphore_mem>>) {add = true}
        %dma_wait3A_312 = arith.constant 0 : i32
        %dma_wait3A_313 = tpu.memref_slice %arg8[%run_scoped3A_137, %dma_wait3A_312] : memref<8x128xi32, #tpu.memory_space<vmem>> -> memref<1x128xi32, #tpu.memory_space<vmem>>
        %dma_wait3A_314 = tpu.memref_squeeze %dma_wait3A_313 : memref<1x128xi32, #tpu.memory_space<vmem>> -> memref<128xi32, #tpu.memory_space<vmem>>
        %dma_wait3A_315 = arith.constant 0 : i32
        %dma_wait3A_316 = arith.constant 0 : i32
        %dma_wait3A_317 = tpu.memref_slice %arg14[%dma_wait3A_315, %dma_wait3A_316] : memref<10008x128xf32, #tpu.memory_space<vmem_shared>> -> memref<10008x128xf32, #tpu.memory_space<vmem_shared>>
        tpu.wait_indirect_dma semaphore(%run_scoped3A_305 : memref<!tpu.dma_semaphore, #tpu.memory_space<semaphore_mem>>) src(%arg11 : memref<128x128xf32, #tpu.memory_space<vmem>>) dst(%dma_wait3A_317 : memref<10008x128xf32, #tpu.memory_space<vmem_shared>>)
        tpu.yield
      }) : () -> ()
      %dma_wait3A_138 = arith.constant 5 : i32
      %dma_wait3A_139 = arith.constant 0 : i32
      %dma_wait3A_140 = tpu.memref_slice %arg7[%dma_wait3A_138, %dma_wait3A_139] : memref<8x128xi32, #tpu.memory_space<vmem>> -> memref<1x128xi32, #tpu.memory_space<vmem>>
      %dma_wait3A_141 = tpu.memref_squeeze %dma_wait3A_140 : memref<1x128xi32, #tpu.memory_space<vmem>> -> memref<128xi32, #tpu.memory_space<vmem>>
      %dma_wait3A_142 = arith.constant 0 : i32
      %dma_wait3A_143 = arith.constant 0 : i32
      %dma_wait3A_144 = tpu.memref_slice %arg2[%dma_wait3A_142, %dma_wait3A_143] : memref<10000x128xf32, #tpu.memory_space<hbm>> -> memref<10000x128xf32, #tpu.memory_space<hbm>>
      tpu.wait_indirect_dma semaphore(%arg15 : memref<!tpu.dma_semaphore, #tpu.memory_space<semaphore_mem>>) src(%dma_wait3A_144 : memref<10000x128xf32, #tpu.memory_space<hbm>>) dst(%arg12 : memref<128x128xf32, #tpu.memory_space<vmem>>)
      %run_scoped3A_145 = arith.constant 5 : i32
      "tpu.region"() ({
        %run_scoped3A_305 = tpu.sem_alloc : memref<!tpu.dma_semaphore, #tpu.memory_space<semaphore_mem>>
        %dma_start3A_306 = arith.constant 0 : i32
        %dma_start3A_307 = tpu.memref_slice %arg8[%run_scoped3A_145, %dma_start3A_306] : memref<8x128xi32, #tpu.memory_space<vmem>> -> memref<1x128xi32, #tpu.memory_space<vmem>>
        %dma_start3A_308 = tpu.memref_squeeze %dma_start3A_307 : memref<1x128xi32, #tpu.memory_space<vmem>> -> memref<128xi32, #tpu.memory_space<vmem>>
        %dma_start3A_309 = arith.constant 0 : i32
        %dma_start3A_310 = arith.constant 0 : i32
        %dma_start3A_311 = tpu.memref_slice %arg14[%dma_start3A_309, %dma_start3A_310] : memref<10008x128xf32, #tpu.memory_space<vmem_shared>> -> memref<10008x128xf32, #tpu.memory_space<vmem_shared>>
        tpu.enqueue_indirect_dma source(%arg12 : memref<128x128xf32, #tpu.memory_space<vmem>>) target(%dma_start3A_311 : memref<10008x128xf32, #tpu.memory_space<vmem_shared>>) offsets(%dma_start3A_308 : memref<128xi32, #tpu.memory_space<vmem>>) semaphore(%run_scoped3A_305 : memref<!tpu.dma_semaphore, #tpu.memory_space<semaphore_mem>>) {add = true}
        %dma_wait3A_312 = arith.constant 0 : i32
        %dma_wait3A_313 = tpu.memref_slice %arg8[%run_scoped3A_145, %dma_wait3A_312] : memref<8x128xi32, #tpu.memory_space<vmem>> -> memref<1x128xi32, #tpu.memory_space<vmem>>
        %dma_wait3A_314 = tpu.memref_squeeze %dma_wait3A_313 : memref<1x128xi32, #tpu.memory_space<vmem>> -> memref<128xi32, #tpu.memory_space<vmem>>
        %dma_wait3A_315 = arith.constant 0 : i32
        %dma_wait3A_316 = arith.constant 0 : i32
        %dma_wait3A_317 = tpu.memref_slice %arg14[%dma_wait3A_315, %dma_wait3A_316] : memref<10008x128xf32, #tpu.memory_space<vmem_shared>> -> memref<10008x128xf32, #tpu.memory_space<vmem_shared>>
        tpu.wait_indirect_dma semaphore(%run_scoped3A_305 : memref<!tpu.dma_semaphore, #tpu.memory_space<semaphore_mem>>) src(%arg12 : memref<128x128xf32, #tpu.memory_space<vmem>>) dst(%dma_wait3A_317 : memref<10008x128xf32, #tpu.memory_space<vmem_shared>>)
        tpu.yield
      }) : () -> ()
      %dma_start3A_146 = arith.constant 6 : i32
      %dma_start3A_147 = arith.constant 0 : i32
      %dma_start3A_148 = tpu.memref_slice %arg7[%dma_start3A_146, %dma_start3A_147] : memref<8x128xi32, #tpu.memory_space<vmem>> -> memref<1x128xi32, #tpu.memory_space<vmem>>
      %dma_start3A_149 = tpu.memref_squeeze %dma_start3A_148 : memref<1x128xi32, #tpu.memory_space<vmem>> -> memref<128xi32, #tpu.memory_space<vmem>>
      %dma_start3A_150 = arith.constant 0 : i32
      %dma_start3A_151 = arith.constant 0 : i32
      %dma_start3A_152 = tpu.memref_slice %arg2[%dma_start3A_150, %dma_start3A_151] : memref<10000x128xf32, #tpu.memory_space<hbm>> -> memref<10000x128xf32, #tpu.memory_space<hbm>>
      tpu.enqueue_indirect_dma source(%dma_start3A_152 : memref<10000x128xf32, #tpu.memory_space<hbm>>) target(%arg11 : memref<128x128xf32, #tpu.memory_space<vmem>>) offsets(%dma_start3A_149 : memref<128xi32, #tpu.memory_space<vmem>>) semaphore(%arg15 : memref<!tpu.dma_semaphore, #tpu.memory_space<semaphore_mem>>)
      %dma_start3A_153 = arith.constant 7 : i32
      %dma_start3A_154 = arith.constant 0 : i32
      %dma_start3A_155 = tpu.memref_slice %arg7[%dma_start3A_153, %dma_start3A_154] : memref<8x128xi32, #tpu.memory_space<vmem>> -> memref<1x128xi32, #tpu.memory_space<vmem>>
      %dma_start3A_156 = tpu.memref_squeeze %dma_start3A_155 : memref<1x128xi32, #tpu.memory_space<vmem>> -> memref<128xi32, #tpu.memory_space<vmem>>
      %dma_start3A_157 = arith.constant 0 : i32
      %dma_start3A_158 = arith.constant 0 : i32
      %dma_start3A_159 = tpu.memref_slice %arg2[%dma_start3A_157, %dma_start3A_158] : memref<10000x128xf32, #tpu.memory_space<hbm>> -> memref<10000x128xf32, #tpu.memory_space<hbm>>
      tpu.enqueue_indirect_dma source(%dma_start3A_159 : memref<10000x128xf32, #tpu.memory_space<hbm>>) target(%arg12 : memref<128x128xf32, #tpu.memory_space<vmem>>) offsets(%dma_start3A_156 : memref<128xi32, #tpu.memory_space<vmem>>) semaphore(%arg15 : memref<!tpu.dma_semaphore, #tpu.memory_space<semaphore_mem>>)
      %dma_wait3A_160 = arith.constant 6 : i32
      %dma_wait3A_161 = arith.constant 0 : i32
      %dma_wait3A_162 = tpu.memref_slice %arg7[%dma_wait3A_160, %dma_wait3A_161] : memref<8x128xi32, #tpu.memory_space<vmem>> -> memref<1x128xi32, #tpu.memory_space<vmem>>
      %dma_wait3A_163 = tpu.memref_squeeze %dma_wait3A_162 : memref<1x128xi32, #tpu.memory_space<vmem>> -> memref<128xi32, #tpu.memory_space<vmem>>
      %dma_wait3A_164 = arith.constant 0 : i32
      %dma_wait3A_165 = arith.constant 0 : i32
      %dma_wait3A_166 = tpu.memref_slice %arg2[%dma_wait3A_164, %dma_wait3A_165] : memref<10000x128xf32, #tpu.memory_space<hbm>> -> memref<10000x128xf32, #tpu.memory_space<hbm>>
      tpu.wait_indirect_dma semaphore(%arg15 : memref<!tpu.dma_semaphore, #tpu.memory_space<semaphore_mem>>) src(%dma_wait3A_166 : memref<10000x128xf32, #tpu.memory_space<hbm>>) dst(%arg11 : memref<128x128xf32, #tpu.memory_space<vmem>>)
      %run_scoped3A_167 = arith.constant 6 : i32
      "tpu.region"() ({
        %run_scoped3A_305 = tpu.sem_alloc : memref<!tpu.dma_semaphore, #tpu.memory_space<semaphore_mem>>
        %dma_start3A_306 = arith.constant 0 : i32
        %dma_start3A_307 = tpu.memref_slice %arg8[%run_scoped3A_167, %dma_start3A_306] : memref<8x128xi32, #tpu.memory_space<vmem>> -> memref<1x128xi32, #tpu.memory_space<vmem>>
        %dma_start3A_308 = tpu.memref_squeeze %dma_start3A_307 : memref<1x128xi32, #tpu.memory_space<vmem>> -> memref<128xi32, #tpu.memory_space<vmem>>
        %dma_start3A_309 = arith.constant 0 : i32
        %dma_start3A_310 = arith.constant 0 : i32
        %dma_start3A_311 = tpu.memref_slice %arg14[%dma_start3A_309, %dma_start3A_310] : memref<10008x128xf32, #tpu.memory_space<vmem_shared>> -> memref<10008x128xf32, #tpu.memory_space<vmem_shared>>
        tpu.enqueue_indirect_dma source(%arg11 : memref<128x128xf32, #tpu.memory_space<vmem>>) target(%dma_start3A_311 : memref<10008x128xf32, #tpu.memory_space<vmem_shared>>) offsets(%dma_start3A_308 : memref<128xi32, #tpu.memory_space<vmem>>) semaphore(%run_scoped3A_305 : memref<!tpu.dma_semaphore, #tpu.memory_space<semaphore_mem>>) {add = true}
        %dma_wait3A_312 = arith.constant 0 : i32
        %dma_wait3A_313 = tpu.memref_slice %arg8[%run_scoped3A_167, %dma_wait3A_312] : memref<8x128xi32, #tpu.memory_space<vmem>> -> memref<1x128xi32, #tpu.memory_space<vmem>>
        %dma_wait3A_314 = tpu.memref_squeeze %dma_wait3A_313 : memref<1x128xi32, #tpu.memory_space<vmem>> -> memref<128xi32, #tpu.memory_space<vmem>>
        %dma_wait3A_315 = arith.constant 0 : i32
        %dma_wait3A_316 = arith.constant 0 : i32
        %dma_wait3A_317 = tpu.memref_slice %arg14[%dma_wait3A_315, %dma_wait3A_316] : memref<10008x128xf32, #tpu.memory_space<vmem_shared>> -> memref<10008x128xf32, #tpu.memory_space<vmem_shared>>
        tpu.wait_indirect_dma semaphore(%run_scoped3A_305 : memref<!tpu.dma_semaphore, #tpu.memory_space<semaphore_mem>>) src(%arg11 : memref<128x128xf32, #tpu.memory_space<vmem>>) dst(%dma_wait3A_317 : memref<10008x128xf32, #tpu.memory_space<vmem_shared>>)
        tpu.yield
      }) : () -> ()
      %dma_wait3A_168 = arith.constant 7 : i32
      %dma_wait3A_169 = arith.constant 0 : i32
      %dma_wait3A_170 = tpu.memref_slice %arg7[%dma_wait3A_168, %dma_wait3A_169] : memref<8x128xi32, #tpu.memory_space<vmem>> -> memref<1x128xi32, #tpu.memory_space<vmem>>
      %dma_wait3A_171 = tpu.memref_squeeze %dma_wait3A_170 : memref<1x128xi32, #tpu.memory_space<vmem>> -> memref<128xi32, #tpu.memory_space<vmem>>
      %dma_wait3A_172 = arith.constant 0 : i32
      %dma_wait3A_173 = arith.constant 0 : i32
      %dma_wait3A_174 = tpu.memref_slice %arg2[%dma_wait3A_172, %dma_wait3A_173] : memref<10000x128xf32, #tpu.memory_space<hbm>> -> memref<10000x128xf32, #tpu.memory_space<hbm>>
      tpu.wait_indirect_dma semaphore(%arg15 : memref<!tpu.dma_semaphore, #tpu.memory_space<semaphore_mem>>) src(%dma_wait3A_174 : memref<10000x128xf32, #tpu.memory_space<hbm>>) dst(%arg12 : memref<128x128xf32, #tpu.memory_space<vmem>>)
      %run_scoped3A_175 = arith.constant 7 : i32
      "tpu.region"() ({
        %run_scoped3A_305 = tpu.sem_alloc : memref<!tpu.dma_semaphore, #tpu.memory_space<semaphore_mem>>
        %dma_start3A_306 = arith.constant 0 : i32
        %dma_start3A_307 = tpu.memref_slice %arg8[%run_scoped3A_175, %dma_start3A_306] : memref<8x128xi32, #tpu.memory_space<vmem>> -> memref<1x128xi32, #tpu.memory_space<vmem>>
        %dma_start3A_308 = tpu.memref_squeeze %dma_start3A_307 : memref<1x128xi32, #tpu.memory_space<vmem>> -> memref<128xi32, #tpu.memory_space<vmem>>
        %dma_start3A_309 = arith.constant 0 : i32
        %dma_start3A_310 = arith.constant 0 : i32
        %dma_start3A_311 = tpu.memref_slice %arg14[%dma_start3A_309, %dma_start3A_310] : memref<10008x128xf32, #tpu.memory_space<vmem_shared>> -> memref<10008x128xf32, #tpu.memory_space<vmem_shared>>
        tpu.enqueue_indirect_dma source(%arg12 : memref<128x128xf32, #tpu.memory_space<vmem>>) target(%dma_start3A_311 : memref<10008x128xf32, #tpu.memory_space<vmem_shared>>) offsets(%dma_start3A_308 : memref<128xi32, #tpu.memory_space<vmem>>) semaphore(%run_scoped3A_305 : memref<!tpu.dma_semaphore, #tpu.memory_space<semaphore_mem>>) {add = true}
        %dma_wait3A_312 = arith.constant 0 : i32
        %dma_wait3A_313 = tpu.memref_slice %arg8[%run_scoped3A_175, %dma_wait3A_312] : memref<8x128xi32, #tpu.memory_space<vmem>> -> memref<1x128xi32, #tpu.memory_space<vmem>>
        %dma_wait3A_314 = tpu.memref_squeeze %dma_wait3A_313 : memref<1x128xi32, #tpu.memory_space<vmem>> -> memref<128xi32, #tpu.memory_space<vmem>>
        %dma_wait3A_315 = arith.constant 0 : i32
        %dma_wait3A_316 = arith.constant 0 : i32
        %dma_wait3A_317 = tpu.memref_slice %arg14[%dma_wait3A_315, %dma_wait3A_316] : memref<10008x128xf32, #tpu.memory_space<vmem_shared>> -> memref<10008x128xf32, #tpu.memory_space<vmem_shared>>
        tpu.wait_indirect_dma semaphore(%run_scoped3A_305 : memref<!tpu.dma_semaphore, #tpu.memory_space<semaphore_mem>>) src(%arg12 : memref<128x128xf32, #tpu.memory_space<vmem>>) dst(%dma_wait3A_317 : memref<10008x128xf32, #tpu.memory_space<vmem_shared>>)
        tpu.yield
      }) : () -> ()
      %dma_wait3A_176 = arith.constant 0 : i32
      %dma_wait3A_177 = tpu.memref_slice %arg3[%add3A_48, %dma_wait3A_176] : memref<2560x128xi32, #tpu.memory_space<hbm>> -> memref<8x128xi32, #tpu.memory_space<hbm>>
      %dma_wait3A_178 = arith.constant 0 : i32
      %dma_wait3A_179 = tpu.memref_slice %arg3[%add3A_48, %dma_wait3A_178] : memref<2560x128xi32, #tpu.memory_space<hbm>> -> memref<8x128xi32, #tpu.memory_space<hbm>>
      tpu.wait_dma2 semaphore(%arg17 : memref<!tpu.dma_semaphore, #tpu.memory_space<semaphore_mem>>) src(%dma_wait3A_179 : memref<8x128xi32, #tpu.memory_space<hbm>>) dst(%arg9 : memref<8x128xi32, #tpu.memory_space<vmem>>)
      %dma_wait3A_180 = arith.constant 0 : i32
      %dma_wait3A_181 = tpu.memref_slice %arg4[%add3A_53, %dma_wait3A_180] : memref<2560x128xi32, #tpu.memory_space<hbm>> -> memref<8x128xi32, #tpu.memory_space<hbm>>
      %dma_wait3A_182 = arith.constant 0 : i32
      %dma_wait3A_183 = tpu.memref_slice %arg4[%add3A_53, %dma_wait3A_182] : memref<2560x128xi32, #tpu.memory_space<hbm>> -> memref<8x128xi32, #tpu.memory_space<hbm>>
      tpu.wait_dma2 semaphore(%arg17 : memref<!tpu.dma_semaphore, #tpu.memory_space<semaphore_mem>>) src(%dma_wait3A_183 : memref<8x128xi32, #tpu.memory_space<hbm>>) dst(%arg10 : memref<8x128xi32, #tpu.memory_space<vmem>>)
      %dma_start3A_184 = arith.constant 0 : i32
      %dma_start3A_185 = arith.constant 0 : i32
      %dma_start3A_186 = tpu.memref_slice %arg9[%dma_start3A_184, %dma_start3A_185] : memref<8x128xi32, #tpu.memory_space<vmem>> -> memref<1x128xi32, #tpu.memory_space<vmem>>
      %dma_start3A_187 = tpu.memref_squeeze %dma_start3A_186 : memref<1x128xi32, #tpu.memory_space<vmem>> -> memref<128xi32, #tpu.memory_space<vmem>>
      %dma_start3A_188 = arith.constant 0 : i32
      %dma_start3A_189 = arith.constant 0 : i32
      %dma_start3A_190 = tpu.memref_slice %arg2[%dma_start3A_188, %dma_start3A_189] : memref<10000x128xf32, #tpu.memory_space<hbm>> -> memref<10000x128xf32, #tpu.memory_space<hbm>>
      tpu.enqueue_indirect_dma source(%dma_start3A_190 : memref<10000x128xf32, #tpu.memory_space<hbm>>) target(%arg11 : memref<128x128xf32, #tpu.memory_space<vmem>>) offsets(%dma_start3A_187 : memref<128xi32, #tpu.memory_space<vmem>>) semaphore(%arg15 : memref<!tpu.dma_semaphore, #tpu.memory_space<semaphore_mem>>)
      %dma_start3A_191 = arith.constant 1 : i32
      %dma_start3A_192 = arith.constant 0 : i32
      %dma_start3A_193 = tpu.memref_slice %arg9[%dma_start3A_191, %dma_start3A_192] : memref<8x128xi32, #tpu.memory_space<vmem>> -> memref<1x128xi32, #tpu.memory_space<vmem>>
      %dma_start3A_194 = tpu.memref_squeeze %dma_start3A_193 : memref<1x128xi32, #tpu.memory_space<vmem>> -> memref<128xi32, #tpu.memory_space<vmem>>
      %dma_start3A_195 = arith.constant 0 : i32
      %dma_start3A_196 = arith.constant 0 : i32
      %dma_start3A_197 = tpu.memref_slice %arg2[%dma_start3A_195, %dma_start3A_196] : memref<10000x128xf32, #tpu.memory_space<hbm>> -> memref<10000x128xf32, #tpu.memory_space<hbm>>
      tpu.enqueue_indirect_dma source(%dma_start3A_197 : memref<10000x128xf32, #tpu.memory_space<hbm>>) target(%arg12 : memref<128x128xf32, #tpu.memory_space<vmem>>) offsets(%dma_start3A_194 : memref<128xi32, #tpu.memory_space<vmem>>) semaphore(%arg15 : memref<!tpu.dma_semaphore, #tpu.memory_space<semaphore_mem>>)
      %dma_wait3A_198 = arith.constant 0 : i32
      %dma_wait3A_199 = arith.constant 0 : i32
      %dma_wait3A_200 = tpu.memref_slice %arg9[%dma_wait3A_198, %dma_wait3A_199] : memref<8x128xi32, #tpu.memory_space<vmem>> -> memref<1x128xi32, #tpu.memory_space<vmem>>
      %dma_wait3A_201 = tpu.memref_squeeze %dma_wait3A_200 : memref<1x128xi32, #tpu.memory_space<vmem>> -> memref<128xi32, #tpu.memory_space<vmem>>
      %dma_wait3A_202 = arith.constant 0 : i32
      %dma_wait3A_203 = arith.constant 0 : i32
      %dma_wait3A_204 = tpu.memref_slice %arg2[%dma_wait3A_202, %dma_wait3A_203] : memref<10000x128xf32, #tpu.memory_space<hbm>> -> memref<10000x128xf32, #tpu.memory_space<hbm>>
      tpu.wait_indirect_dma semaphore(%arg15 : memref<!tpu.dma_semaphore, #tpu.memory_space<semaphore_mem>>) src(%dma_wait3A_204 : memref<10000x128xf32, #tpu.memory_space<hbm>>) dst(%arg11 : memref<128x128xf32, #tpu.memory_space<vmem>>)
      %run_scoped3A_205 = arith.constant 0 : i32
      "tpu.region"() ({
        %run_scoped3A_305 = tpu.sem_alloc : memref<!tpu.dma_semaphore, #tpu.memory_space<semaphore_mem>>
        %dma_start3A_306 = arith.constant 0 : i32
        %dma_start3A_307 = tpu.memref_slice %arg10[%run_scoped3A_205, %dma_start3A_306] : memref<8x128xi32, #tpu.memory_space<vmem>> -> memref<1x128xi32, #tpu.memory_space<vmem>>
        %dma_start3A_308 = tpu.memref_squeeze %dma_start3A_307 : memref<1x128xi32, #tpu.memory_space<vmem>> -> memref<128xi32, #tpu.memory_space<vmem>>
        %dma_start3A_309 = arith.constant 0 : i32
        %dma_start3A_310 = arith.constant 0 : i32
        %dma_start3A_311 = tpu.memref_slice %arg14[%dma_start3A_309, %dma_start3A_310] : memref<10008x128xf32, #tpu.memory_space<vmem_shared>> -> memref<10008x128xf32, #tpu.memory_space<vmem_shared>>
        tpu.enqueue_indirect_dma source(%arg11 : memref<128x128xf32, #tpu.memory_space<vmem>>) target(%dma_start3A_311 : memref<10008x128xf32, #tpu.memory_space<vmem_shared>>) offsets(%dma_start3A_308 : memref<128xi32, #tpu.memory_space<vmem>>) semaphore(%run_scoped3A_305 : memref<!tpu.dma_semaphore, #tpu.memory_space<semaphore_mem>>) {add = true}
        %dma_wait3A_312 = arith.constant 0 : i32
        %dma_wait3A_313 = tpu.memref_slice %arg10[%run_scoped3A_205, %dma_wait3A_312] : memref<8x128xi32, #tpu.memory_space<vmem>> -> memref<1x128xi32, #tpu.memory_space<vmem>>
        %dma_wait3A_314 = tpu.memref_squeeze %dma_wait3A_313 : memref<1x128xi32, #tpu.memory_space<vmem>> -> memref<128xi32, #tpu.memory_space<vmem>>
        %dma_wait3A_315 = arith.constant 0 : i32
        %dma_wait3A_316 = arith.constant 0 : i32
        %dma_wait3A_317 = tpu.memref_slice %arg14[%dma_wait3A_315, %dma_wait3A_316] : memref<10008x128xf32, #tpu.memory_space<vmem_shared>> -> memref<10008x128xf32, #tpu.memory_space<vmem_shared>>
        tpu.wait_indirect_dma semaphore(%run_scoped3A_305 : memref<!tpu.dma_semaphore, #tpu.memory_space<semaphore_mem>>) src(%arg11 : memref<128x128xf32, #tpu.memory_space<vmem>>) dst(%dma_wait3A_317 : memref<10008x128xf32, #tpu.memory_space<vmem_shared>>)
        tpu.yield
      }) : () -> ()
      %dma_wait3A_206 = arith.constant 1 : i32
      %dma_wait3A_207 = arith.constant 0 : i32
      %dma_wait3A_208 = tpu.memref_slice %arg9[%dma_wait3A_206, %dma_wait3A_207] : memref<8x128xi32, #tpu.memory_space<vmem>> -> memref<1x128xi32, #tpu.memory_space<vmem>>
      %dma_wait3A_209 = tpu.memref_squeeze %dma_wait3A_208 : memref<1x128xi32, #tpu.memory_space<vmem>> -> memref<128xi32, #tpu.memory_space<vmem>>
      %dma_wait3A_210 = arith.constant 0 : i32
      %dma_wait3A_211 = arith.constant 0 : i32
      %dma_wait3A_212 = tpu.memref_slice %arg2[%dma_wait3A_210, %dma_wait3A_211] : memref<10000x128xf32, #tpu.memory_space<hbm>> -> memref<10000x128xf32, #tpu.memory_space<hbm>>
      tpu.wait_indirect_dma semaphore(%arg15 : memref<!tpu.dma_semaphore, #tpu.memory_space<semaphore_mem>>) src(%dma_wait3A_212 : memref<10000x128xf32, #tpu.memory_space<hbm>>) dst(%arg12 : memref<128x128xf32, #tpu.memory_space<vmem>>)
      %run_scoped3A_213 = arith.constant 1 : i32
      "tpu.region"() ({
        %run_scoped3A_305 = tpu.sem_alloc : memref<!tpu.dma_semaphore, #tpu.memory_space<semaphore_mem>>
        %dma_start3A_306 = arith.constant 0 : i32
        %dma_start3A_307 = tpu.memref_slice %arg10[%run_scoped3A_213, %dma_start3A_306] : memref<8x128xi32, #tpu.memory_space<vmem>> -> memref<1x128xi32, #tpu.memory_space<vmem>>
        %dma_start3A_308 = tpu.memref_squeeze %dma_start3A_307 : memref<1x128xi32, #tpu.memory_space<vmem>> -> memref<128xi32, #tpu.memory_space<vmem>>
        %dma_start3A_309 = arith.constant 0 : i32
        %dma_start3A_310 = arith.constant 0 : i32
        %dma_start3A_311 = tpu.memref_slice %arg14[%dma_start3A_309, %dma_start3A_310] : memref<10008x128xf32, #tpu.memory_space<vmem_shared>> -> memref<10008x128xf32, #tpu.memory_space<vmem_shared>>
        tpu.enqueue_indirect_dma source(%arg12 : memref<128x128xf32, #tpu.memory_space<vmem>>) target(%dma_start3A_311 : memref<10008x128xf32, #tpu.memory_space<vmem_shared>>) offsets(%dma_start3A_308 : memref<128xi32, #tpu.memory_space<vmem>>) semaphore(%run_scoped3A_305 : memref<!tpu.dma_semaphore, #tpu.memory_space<semaphore_mem>>) {add = true}
        %dma_wait3A_312 = arith.constant 0 : i32
        %dma_wait3A_313 = tpu.memref_slice %arg10[%run_scoped3A_213, %dma_wait3A_312] : memref<8x128xi32, #tpu.memory_space<vmem>> -> memref<1x128xi32, #tpu.memory_space<vmem>>
        %dma_wait3A_314 = tpu.memref_squeeze %dma_wait3A_313 : memref<1x128xi32, #tpu.memory_space<vmem>> -> memref<128xi32, #tpu.memory_space<vmem>>
        %dma_wait3A_315 = arith.constant 0 : i32
        %dma_wait3A_316 = arith.constant 0 : i32
        %dma_wait3A_317 = tpu.memref_slice %arg14[%dma_wait3A_315, %dma_wait3A_316] : memref<10008x128xf32, #tpu.memory_space<vmem_shared>> -> memref<10008x128xf32, #tpu.memory_space<vmem_shared>>
        tpu.wait_indirect_dma semaphore(%run_scoped3A_305 : memref<!tpu.dma_semaphore, #tpu.memory_space<semaphore_mem>>) src(%arg12 : memref<128x128xf32, #tpu.memory_space<vmem>>) dst(%dma_wait3A_317 : memref<10008x128xf32, #tpu.memory_space<vmem_shared>>)
        tpu.yield
      }) : () -> ()
      %dma_start3A_214 = arith.constant 2 : i32
      %dma_start3A_215 = arith.constant 0 : i32
      %dma_start3A_216 = tpu.memref_slice %arg9[%dma_start3A_214, %dma_start3A_215] : memref<8x128xi32, #tpu.memory_space<vmem>> -> memref<1x128xi32, #tpu.memory_space<vmem>>
      %dma_start3A_217 = tpu.memref_squeeze %dma_start3A_216 : memref<1x128xi32, #tpu.memory_space<vmem>> -> memref<128xi32, #tpu.memory_space<vmem>>
      %dma_start3A_218 = arith.constant 0 : i32
      %dma_start3A_219 = arith.constant 0 : i32
      %dma_start3A_220 = tpu.memref_slice %arg2[%dma_start3A_218, %dma_start3A_219] : memref<10000x128xf32, #tpu.memory_space<hbm>> -> memref<10000x128xf32, #tpu.memory_space<hbm>>
      tpu.enqueue_indirect_dma source(%dma_start3A_220 : memref<10000x128xf32, #tpu.memory_space<hbm>>) target(%arg11 : memref<128x128xf32, #tpu.memory_space<vmem>>) offsets(%dma_start3A_217 : memref<128xi32, #tpu.memory_space<vmem>>) semaphore(%arg15 : memref<!tpu.dma_semaphore, #tpu.memory_space<semaphore_mem>>)
      %dma_start3A_221 = arith.constant 3 : i32
      %dma_start3A_222 = arith.constant 0 : i32
      %dma_start3A_223 = tpu.memref_slice %arg9[%dma_start3A_221, %dma_start3A_222] : memref<8x128xi32, #tpu.memory_space<vmem>> -> memref<1x128xi32, #tpu.memory_space<vmem>>
      %dma_start3A_224 = tpu.memref_squeeze %dma_start3A_223 : memref<1x128xi32, #tpu.memory_space<vmem>> -> memref<128xi32, #tpu.memory_space<vmem>>
      %dma_start3A_225 = arith.constant 0 : i32
      %dma_start3A_226 = arith.constant 0 : i32
      %dma_start3A_227 = tpu.memref_slice %arg2[%dma_start3A_225, %dma_start3A_226] : memref<10000x128xf32, #tpu.memory_space<hbm>> -> memref<10000x128xf32, #tpu.memory_space<hbm>>
      tpu.enqueue_indirect_dma source(%dma_start3A_227 : memref<10000x128xf32, #tpu.memory_space<hbm>>) target(%arg12 : memref<128x128xf32, #tpu.memory_space<vmem>>) offsets(%dma_start3A_224 : memref<128xi32, #tpu.memory_space<vmem>>) semaphore(%arg15 : memref<!tpu.dma_semaphore, #tpu.memory_space<semaphore_mem>>)
      %dma_wait3A_228 = arith.constant 2 : i32
      %dma_wait3A_229 = arith.constant 0 : i32
      %dma_wait3A_230 = tpu.memref_slice %arg9[%dma_wait3A_228, %dma_wait3A_229] : memref<8x128xi32, #tpu.memory_space<vmem>> -> memref<1x128xi32, #tpu.memory_space<vmem>>
      %dma_wait3A_231 = tpu.memref_squeeze %dma_wait3A_230 : memref<1x128xi32, #tpu.memory_space<vmem>> -> memref<128xi32, #tpu.memory_space<vmem>>
      %dma_wait3A_232 = arith.constant 0 : i32
      %dma_wait3A_233 = arith.constant 0 : i32
      %dma_wait3A_234 = tpu.memref_slice %arg2[%dma_wait3A_232, %dma_wait3A_233] : memref<10000x128xf32, #tpu.memory_space<hbm>> -> memref<10000x128xf32, #tpu.memory_space<hbm>>
      tpu.wait_indirect_dma semaphore(%arg15 : memref<!tpu.dma_semaphore, #tpu.memory_space<semaphore_mem>>) src(%dma_wait3A_234 : memref<10000x128xf32, #tpu.memory_space<hbm>>) dst(%arg11 : memref<128x128xf32, #tpu.memory_space<vmem>>)
      %run_scoped3A_235 = arith.constant 2 : i32
      "tpu.region"() ({
        %run_scoped3A_305 = tpu.sem_alloc : memref<!tpu.dma_semaphore, #tpu.memory_space<semaphore_mem>>
        %dma_start3A_306 = arith.constant 0 : i32
        %dma_start3A_307 = tpu.memref_slice %arg10[%run_scoped3A_235, %dma_start3A_306] : memref<8x128xi32, #tpu.memory_space<vmem>> -> memref<1x128xi32, #tpu.memory_space<vmem>>
        %dma_start3A_308 = tpu.memref_squeeze %dma_start3A_307 : memref<1x128xi32, #tpu.memory_space<vmem>> -> memref<128xi32, #tpu.memory_space<vmem>>
        %dma_start3A_309 = arith.constant 0 : i32
        %dma_start3A_310 = arith.constant 0 : i32
        %dma_start3A_311 = tpu.memref_slice %arg14[%dma_start3A_309, %dma_start3A_310] : memref<10008x128xf32, #tpu.memory_space<vmem_shared>> -> memref<10008x128xf32, #tpu.memory_space<vmem_shared>>
        tpu.enqueue_indirect_dma source(%arg11 : memref<128x128xf32, #tpu.memory_space<vmem>>) target(%dma_start3A_311 : memref<10008x128xf32, #tpu.memory_space<vmem_shared>>) offsets(%dma_start3A_308 : memref<128xi32, #tpu.memory_space<vmem>>) semaphore(%run_scoped3A_305 : memref<!tpu.dma_semaphore, #tpu.memory_space<semaphore_mem>>) {add = true}
        %dma_wait3A_312 = arith.constant 0 : i32
        %dma_wait3A_313 = tpu.memref_slice %arg10[%run_scoped3A_235, %dma_wait3A_312] : memref<8x128xi32, #tpu.memory_space<vmem>> -> memref<1x128xi32, #tpu.memory_space<vmem>>
        %dma_wait3A_314 = tpu.memref_squeeze %dma_wait3A_313 : memref<1x128xi32, #tpu.memory_space<vmem>> -> memref<128xi32, #tpu.memory_space<vmem>>
        %dma_wait3A_315 = arith.constant 0 : i32
        %dma_wait3A_316 = arith.constant 0 : i32
        %dma_wait3A_317 = tpu.memref_slice %arg14[%dma_wait3A_315, %dma_wait3A_316] : memref<10008x128xf32, #tpu.memory_space<vmem_shared>> -> memref<10008x128xf32, #tpu.memory_space<vmem_shared>>
        tpu.wait_indirect_dma semaphore(%run_scoped3A_305 : memref<!tpu.dma_semaphore, #tpu.memory_space<semaphore_mem>>) src(%arg11 : memref<128x128xf32, #tpu.memory_space<vmem>>) dst(%dma_wait3A_317 : memref<10008x128xf32, #tpu.memory_space<vmem_shared>>)
        tpu.yield
      }) : () -> ()
      %dma_wait3A_236 = arith.constant 3 : i32
      %dma_wait3A_237 = arith.constant 0 : i32
      %dma_wait3A_238 = tpu.memref_slice %arg9[%dma_wait3A_236, %dma_wait3A_237] : memref<8x128xi32, #tpu.memory_space<vmem>> -> memref<1x128xi32, #tpu.memory_space<vmem>>
      %dma_wait3A_239 = tpu.memref_squeeze %dma_wait3A_238 : memref<1x128xi32, #tpu.memory_space<vmem>> -> memref<128xi32, #tpu.memory_space<vmem>>
      %dma_wait3A_240 = arith.constant 0 : i32
      %dma_wait3A_241 = arith.constant 0 : i32
      %dma_wait3A_242 = tpu.memref_slice %arg2[%dma_wait3A_240, %dma_wait3A_241] : memref<10000x128xf32, #tpu.memory_space<hbm>> -> memref<10000x128xf32, #tpu.memory_space<hbm>>
      tpu.wait_indirect_dma semaphore(%arg15 : memref<!tpu.dma_semaphore, #tpu.memory_space<semaphore_mem>>) src(%dma_wait3A_242 : memref<10000x128xf32, #tpu.memory_space<hbm>>) dst(%arg12 : memref<128x128xf32, #tpu.memory_space<vmem>>)
      %run_scoped3A_243 = arith.constant 3 : i32
      "tpu.region"() ({
        %run_scoped3A_305 = tpu.sem_alloc : memref<!tpu.dma_semaphore, #tpu.memory_space<semaphore_mem>>
        %dma_start3A_306 = arith.constant 0 : i32
        %dma_start3A_307 = tpu.memref_slice %arg10[%run_scoped3A_243, %dma_start3A_306] : memref<8x128xi32, #tpu.memory_space<vmem>> -> memref<1x128xi32, #tpu.memory_space<vmem>>
        %dma_start3A_308 = tpu.memref_squeeze %dma_start3A_307 : memref<1x128xi32, #tpu.memory_space<vmem>> -> memref<128xi32, #tpu.memory_space<vmem>>
        %dma_start3A_309 = arith.constant 0 : i32
        %dma_start3A_310 = arith.constant 0 : i32
        %dma_start3A_311 = tpu.memref_slice %arg14[%dma_start3A_309, %dma_start3A_310] : memref<10008x128xf32, #tpu.memory_space<vmem_shared>> -> memref<10008x128xf32, #tpu.memory_space<vmem_shared>>
        tpu.enqueue_indirect_dma source(%arg12 : memref<128x128xf32, #tpu.memory_space<vmem>>) target(%dma_start3A_311 : memref<10008x128xf32, #tpu.memory_space<vmem_shared>>) offsets(%dma_start3A_308 : memref<128xi32, #tpu.memory_space<vmem>>) semaphore(%run_scoped3A_305 : memref<!tpu.dma_semaphore, #tpu.memory_space<semaphore_mem>>) {add = true}
        %dma_wait3A_312 = arith.constant 0 : i32
        %dma_wait3A_313 = tpu.memref_slice %arg10[%run_scoped3A_243, %dma_wait3A_312] : memref<8x128xi32, #tpu.memory_space<vmem>> -> memref<1x128xi32, #tpu.memory_space<vmem>>
        %dma_wait3A_314 = tpu.memref_squeeze %dma_wait3A_313 : memref<1x128xi32, #tpu.memory_space<vmem>> -> memref<128xi32, #tpu.memory_space<vmem>>
        %dma_wait3A_315 = arith.constant 0 : i32
        %dma_wait3A_316 = arith.constant 0 : i32
        %dma_wait3A_317 = tpu.memref_slice %arg14[%dma_wait3A_315, %dma_wait3A_316] : memref<10008x128xf32, #tpu.memory_space<vmem_shared>> -> memref<10008x128xf32, #tpu.memory_space<vmem_shared>>
        tpu.wait_indirect_dma semaphore(%run_scoped3A_305 : memref<!tpu.dma_semaphore, #tpu.memory_space<semaphore_mem>>) src(%arg12 : memref<128x128xf32, #tpu.memory_space<vmem>>) dst(%dma_wait3A_317 : memref<10008x128xf32, #tpu.memory_space<vmem_shared>>)
        tpu.yield
      }) : () -> ()
      %dma_start3A_244 = arith.constant 4 : i32
      %dma_start3A_245 = arith.constant 0 : i32
      %dma_start3A_246 = tpu.memref_slice %arg9[%dma_start3A_244, %dma_start3A_245] : memref<8x128xi32, #tpu.memory_space<vmem>> -> memref<1x128xi32, #tpu.memory_space<vmem>>
      %dma_start3A_247 = tpu.memref_squeeze %dma_start3A_246 : memref<1x128xi32, #tpu.memory_space<vmem>> -> memref<128xi32, #tpu.memory_space<vmem>>
      %dma_start3A_248 = arith.constant 0 : i32
      %dma_start3A_249 = arith.constant 0 : i32
      %dma_start3A_250 = tpu.memref_slice %arg2[%dma_start3A_248, %dma_start3A_249] : memref<10000x128xf32, #tpu.memory_space<hbm>> -> memref<10000x128xf32, #tpu.memory_space<hbm>>
      tpu.enqueue_indirect_dma source(%dma_start3A_250 : memref<10000x128xf32, #tpu.memory_space<hbm>>) target(%arg11 : memref<128x128xf32, #tpu.memory_space<vmem>>) offsets(%dma_start3A_247 : memref<128xi32, #tpu.memory_space<vmem>>) semaphore(%arg15 : memref<!tpu.dma_semaphore, #tpu.memory_space<semaphore_mem>>)
      %dma_start3A_251 = arith.constant 5 : i32
      %dma_start3A_252 = arith.constant 0 : i32
      %dma_start3A_253 = tpu.memref_slice %arg9[%dma_start3A_251, %dma_start3A_252] : memref<8x128xi32, #tpu.memory_space<vmem>> -> memref<1x128xi32, #tpu.memory_space<vmem>>
      %dma_start3A_254 = tpu.memref_squeeze %dma_start3A_253 : memref<1x128xi32, #tpu.memory_space<vmem>> -> memref<128xi32, #tpu.memory_space<vmem>>
      %dma_start3A_255 = arith.constant 0 : i32
      %dma_start3A_256 = arith.constant 0 : i32
      %dma_start3A_257 = tpu.memref_slice %arg2[%dma_start3A_255, %dma_start3A_256] : memref<10000x128xf32, #tpu.memory_space<hbm>> -> memref<10000x128xf32, #tpu.memory_space<hbm>>
      tpu.enqueue_indirect_dma source(%dma_start3A_257 : memref<10000x128xf32, #tpu.memory_space<hbm>>) target(%arg12 : memref<128x128xf32, #tpu.memory_space<vmem>>) offsets(%dma_start3A_254 : memref<128xi32, #tpu.memory_space<vmem>>) semaphore(%arg15 : memref<!tpu.dma_semaphore, #tpu.memory_space<semaphore_mem>>)
      %dma_wait3A_258 = arith.constant 4 : i32
      %dma_wait3A_259 = arith.constant 0 : i32
      %dma_wait3A_260 = tpu.memref_slice %arg9[%dma_wait3A_258, %dma_wait3A_259] : memref<8x128xi32, #tpu.memory_space<vmem>> -> memref<1x128xi32, #tpu.memory_space<vmem>>
      %dma_wait3A_261 = tpu.memref_squeeze %dma_wait3A_260 : memref<1x128xi32, #tpu.memory_space<vmem>> -> memref<128xi32, #tpu.memory_space<vmem>>
      %dma_wait3A_262 = arith.constant 0 : i32
      %dma_wait3A_263 = arith.constant 0 : i32
      %dma_wait3A_264 = tpu.memref_slice %arg2[%dma_wait3A_262, %dma_wait3A_263] : memref<10000x128xf32, #tpu.memory_space<hbm>> -> memref<10000x128xf32, #tpu.memory_space<hbm>>
      tpu.wait_indirect_dma semaphore(%arg15 : memref<!tpu.dma_semaphore, #tpu.memory_space<semaphore_mem>>) src(%dma_wait3A_264 : memref<10000x128xf32, #tpu.memory_space<hbm>>) dst(%arg11 : memref<128x128xf32, #tpu.memory_space<vmem>>)
      %run_scoped3A_265 = arith.constant 4 : i32
      "tpu.region"() ({
        %run_scoped3A_305 = tpu.sem_alloc : memref<!tpu.dma_semaphore, #tpu.memory_space<semaphore_mem>>
        %dma_start3A_306 = arith.constant 0 : i32
        %dma_start3A_307 = tpu.memref_slice %arg10[%run_scoped3A_265, %dma_start3A_306] : memref<8x128xi32, #tpu.memory_space<vmem>> -> memref<1x128xi32, #tpu.memory_space<vmem>>
        %dma_start3A_308 = tpu.memref_squeeze %dma_start3A_307 : memref<1x128xi32, #tpu.memory_space<vmem>> -> memref<128xi32, #tpu.memory_space<vmem>>
        %dma_start3A_309 = arith.constant 0 : i32
        %dma_start3A_310 = arith.constant 0 : i32
        %dma_start3A_311 = tpu.memref_slice %arg14[%dma_start3A_309, %dma_start3A_310] : memref<10008x128xf32, #tpu.memory_space<vmem_shared>> -> memref<10008x128xf32, #tpu.memory_space<vmem_shared>>
        tpu.enqueue_indirect_dma source(%arg11 : memref<128x128xf32, #tpu.memory_space<vmem>>) target(%dma_start3A_311 : memref<10008x128xf32, #tpu.memory_space<vmem_shared>>) offsets(%dma_start3A_308 : memref<128xi32, #tpu.memory_space<vmem>>) semaphore(%run_scoped3A_305 : memref<!tpu.dma_semaphore, #tpu.memory_space<semaphore_mem>>) {add = true}
        %dma_wait3A_312 = arith.constant 0 : i32
        %dma_wait3A_313 = tpu.memref_slice %arg10[%run_scoped3A_265, %dma_wait3A_312] : memref<8x128xi32, #tpu.memory_space<vmem>> -> memref<1x128xi32, #tpu.memory_space<vmem>>
        %dma_wait3A_314 = tpu.memref_squeeze %dma_wait3A_313 : memref<1x128xi32, #tpu.memory_space<vmem>> -> memref<128xi32, #tpu.memory_space<vmem>>
        %dma_wait3A_315 = arith.constant 0 : i32
        %dma_wait3A_316 = arith.constant 0 : i32
        %dma_wait3A_317 = tpu.memref_slice %arg14[%dma_wait3A_315, %dma_wait3A_316] : memref<10008x128xf32, #tpu.memory_space<vmem_shared>> -> memref<10008x128xf32, #tpu.memory_space<vmem_shared>>
        tpu.wait_indirect_dma semaphore(%run_scoped3A_305 : memref<!tpu.dma_semaphore, #tpu.memory_space<semaphore_mem>>) src(%arg11 : memref<128x128xf32, #tpu.memory_space<vmem>>) dst(%dma_wait3A_317 : memref<10008x128xf32, #tpu.memory_space<vmem_shared>>)
        tpu.yield
      }) : () -> ()
      %dma_wait3A_266 = arith.constant 5 : i32
      %dma_wait3A_267 = arith.constant 0 : i32
      %dma_wait3A_268 = tpu.memref_slice %arg9[%dma_wait3A_266, %dma_wait3A_267] : memref<8x128xi32, #tpu.memory_space<vmem>> -> memref<1x128xi32, #tpu.memory_space<vmem>>
      %dma_wait3A_269 = tpu.memref_squeeze %dma_wait3A_268 : memref<1x128xi32, #tpu.memory_space<vmem>> -> memref<128xi32, #tpu.memory_space<vmem>>
      %dma_wait3A_270 = arith.constant 0 : i32
      %dma_wait3A_271 = arith.constant 0 : i32
      %dma_wait3A_272 = tpu.memref_slice %arg2[%dma_wait3A_270, %dma_wait3A_271] : memref<10000x128xf32, #tpu.memory_space<hbm>> -> memref<10000x128xf32, #tpu.memory_space<hbm>>
      tpu.wait_indirect_dma semaphore(%arg15 : memref<!tpu.dma_semaphore, #tpu.memory_space<semaphore_mem>>) src(%dma_wait3A_272 : memref<10000x128xf32, #tpu.memory_space<hbm>>) dst(%arg12 : memref<128x128xf32, #tpu.memory_space<vmem>>)
      %run_scoped3A_273 = arith.constant 5 : i32
      "tpu.region"() ({
        %run_scoped3A_305 = tpu.sem_alloc : memref<!tpu.dma_semaphore, #tpu.memory_space<semaphore_mem>>
        %dma_start3A_306 = arith.constant 0 : i32
        %dma_start3A_307 = tpu.memref_slice %arg10[%run_scoped3A_273, %dma_start3A_306] : memref<8x128xi32, #tpu.memory_space<vmem>> -> memref<1x128xi32, #tpu.memory_space<vmem>>
        %dma_start3A_308 = tpu.memref_squeeze %dma_start3A_307 : memref<1x128xi32, #tpu.memory_space<vmem>> -> memref<128xi32, #tpu.memory_space<vmem>>
        %dma_start3A_309 = arith.constant 0 : i32
        %dma_start3A_310 = arith.constant 0 : i32
        %dma_start3A_311 = tpu.memref_slice %arg14[%dma_start3A_309, %dma_start3A_310] : memref<10008x128xf32, #tpu.memory_space<vmem_shared>> -> memref<10008x128xf32, #tpu.memory_space<vmem_shared>>
        tpu.enqueue_indirect_dma source(%arg12 : memref<128x128xf32, #tpu.memory_space<vmem>>) target(%dma_start3A_311 : memref<10008x128xf32, #tpu.memory_space<vmem_shared>>) offsets(%dma_start3A_308 : memref<128xi32, #tpu.memory_space<vmem>>) semaphore(%run_scoped3A_305 : memref<!tpu.dma_semaphore, #tpu.memory_space<semaphore_mem>>) {add = true}
        %dma_wait3A_312 = arith.constant 0 : i32
        %dma_wait3A_313 = tpu.memref_slice %arg10[%run_scoped3A_273, %dma_wait3A_312] : memref<8x128xi32, #tpu.memory_space<vmem>> -> memref<1x128xi32, #tpu.memory_space<vmem>>
        %dma_wait3A_314 = tpu.memref_squeeze %dma_wait3A_313 : memref<1x128xi32, #tpu.memory_space<vmem>> -> memref<128xi32, #tpu.memory_space<vmem>>
        %dma_wait3A_315 = arith.constant 0 : i32
        %dma_wait3A_316 = arith.constant 0 : i32
        %dma_wait3A_317 = tpu.memref_slice %arg14[%dma_wait3A_315, %dma_wait3A_316] : memref<10008x128xf32, #tpu.memory_space<vmem_shared>> -> memref<10008x128xf32, #tpu.memory_space<vmem_shared>>
        tpu.wait_indirect_dma semaphore(%run_scoped3A_305 : memref<!tpu.dma_semaphore, #tpu.memory_space<semaphore_mem>>) src(%arg12 : memref<128x128xf32, #tpu.memory_space<vmem>>) dst(%dma_wait3A_317 : memref<10008x128xf32, #tpu.memory_space<vmem_shared>>)
        tpu.yield
      }) : () -> ()
      %dma_start3A_274 = arith.constant 6 : i32
      %dma_start3A_275 = arith.constant 0 : i32
      %dma_start3A_276 = tpu.memref_slice %arg9[%dma_start3A_274, %dma_start3A_275] : memref<8x128xi32, #tpu.memory_space<vmem>> -> memref<1x128xi32, #tpu.memory_space<vmem>>
      %dma_start3A_277 = tpu.memref_squeeze %dma_start3A_276 : memref<1x128xi32, #tpu.memory_space<vmem>> -> memref<128xi32, #tpu.memory_space<vmem>>
      %dma_start3A_278 = arith.constant 0 : i32
      %dma_start3A_279 = arith.constant 0 : i32
      %dma_start3A_280 = tpu.memref_slice %arg2[%dma_start3A_278, %dma_start3A_279] : memref<10000x128xf32, #tpu.memory_space<hbm>> -> memref<10000x128xf32, #tpu.memory_space<hbm>>
      tpu.enqueue_indirect_dma source(%dma_start3A_280 : memref<10000x128xf32, #tpu.memory_space<hbm>>) target(%arg11 : memref<128x128xf32, #tpu.memory_space<vmem>>) offsets(%dma_start3A_277 : memref<128xi32, #tpu.memory_space<vmem>>) semaphore(%arg15 : memref<!tpu.dma_semaphore, #tpu.memory_space<semaphore_mem>>)
      %dma_start3A_281 = arith.constant 7 : i32
      %dma_start3A_282 = arith.constant 0 : i32
      %dma_start3A_283 = tpu.memref_slice %arg9[%dma_start3A_281, %dma_start3A_282] : memref<8x128xi32, #tpu.memory_space<vmem>> -> memref<1x128xi32, #tpu.memory_space<vmem>>
      %dma_start3A_284 = tpu.memref_squeeze %dma_start3A_283 : memref<1x128xi32, #tpu.memory_space<vmem>> -> memref<128xi32, #tpu.memory_space<vmem>>
      %dma_start3A_285 = arith.constant 0 : i32
      %dma_start3A_286 = arith.constant 0 : i32
      %dma_start3A_287 = tpu.memref_slice %arg2[%dma_start3A_285, %dma_start3A_286] : memref<10000x128xf32, #tpu.memory_space<hbm>> -> memref<10000x128xf32, #tpu.memory_space<hbm>>
      tpu.enqueue_indirect_dma source(%dma_start3A_287 : memref<10000x128xf32, #tpu.memory_space<hbm>>) target(%arg12 : memref<128x128xf32, #tpu.memory_space<vmem>>) offsets(%dma_start3A_284 : memref<128xi32, #tpu.memory_space<vmem>>) semaphore(%arg15 : memref<!tpu.dma_semaphore, #tpu.memory_space<semaphore_mem>>)
      %dma_wait3A_288 = arith.constant 6 : i32
      %dma_wait3A_289 = arith.constant 0 : i32
      %dma_wait3A_290 = tpu.memref_slice %arg9[%dma_wait3A_288, %dma_wait3A_289] : memref<8x128xi32, #tpu.memory_space<vmem>> -> memref<1x128xi32, #tpu.memory_space<vmem>>
      %dma_wait3A_291 = tpu.memref_squeeze %dma_wait3A_290 : memref<1x128xi32, #tpu.memory_space<vmem>> -> memref<128xi32, #tpu.memory_space<vmem>>
      %dma_wait3A_292 = arith.constant 0 : i32
      %dma_wait3A_293 = arith.constant 0 : i32
      %dma_wait3A_294 = tpu.memref_slice %arg2[%dma_wait3A_292, %dma_wait3A_293] : memref<10000x128xf32, #tpu.memory_space<hbm>> -> memref<10000x128xf32, #tpu.memory_space<hbm>>
      tpu.wait_indirect_dma semaphore(%arg15 : memref<!tpu.dma_semaphore, #tpu.memory_space<semaphore_mem>>) src(%dma_wait3A_294 : memref<10000x128xf32, #tpu.memory_space<hbm>>) dst(%arg11 : memref<128x128xf32, #tpu.memory_space<vmem>>)
      %run_scoped3A_295 = arith.constant 6 : i32
      "tpu.region"() ({
        %run_scoped3A_305 = tpu.sem_alloc : memref<!tpu.dma_semaphore, #tpu.memory_space<semaphore_mem>>
        %dma_start3A_306 = arith.constant 0 : i32
        %dma_start3A_307 = tpu.memref_slice %arg10[%run_scoped3A_295, %dma_start3A_306] : memref<8x128xi32, #tpu.memory_space<vmem>> -> memref<1x128xi32, #tpu.memory_space<vmem>>
        %dma_start3A_308 = tpu.memref_squeeze %dma_start3A_307 : memref<1x128xi32, #tpu.memory_space<vmem>> -> memref<128xi32, #tpu.memory_space<vmem>>
        %dma_start3A_309 = arith.constant 0 : i32
        %dma_start3A_310 = arith.constant 0 : i32
        %dma_start3A_311 = tpu.memref_slice %arg14[%dma_start3A_309, %dma_start3A_310] : memref<10008x128xf32, #tpu.memory_space<vmem_shared>> -> memref<10008x128xf32, #tpu.memory_space<vmem_shared>>
        tpu.enqueue_indirect_dma source(%arg11 : memref<128x128xf32, #tpu.memory_space<vmem>>) target(%dma_start3A_311 : memref<10008x128xf32, #tpu.memory_space<vmem_shared>>) offsets(%dma_start3A_308 : memref<128xi32, #tpu.memory_space<vmem>>) semaphore(%run_scoped3A_305 : memref<!tpu.dma_semaphore, #tpu.memory_space<semaphore_mem>>) {add = true}
        %dma_wait3A_312 = arith.constant 0 : i32
        %dma_wait3A_313 = tpu.memref_slice %arg10[%run_scoped3A_295, %dma_wait3A_312] : memref<8x128xi32, #tpu.memory_space<vmem>> -> memref<1x128xi32, #tpu.memory_space<vmem>>
        %dma_wait3A_314 = tpu.memref_squeeze %dma_wait3A_313 : memref<1x128xi32, #tpu.memory_space<vmem>> -> memref<128xi32, #tpu.memory_space<vmem>>
        %dma_wait3A_315 = arith.constant 0 : i32
        %dma_wait3A_316 = arith.constant 0 : i32
        %dma_wait3A_317 = tpu.memref_slice %arg14[%dma_wait3A_315, %dma_wait3A_316] : memref<10008x128xf32, #tpu.memory_space<vmem_shared>> -> memref<10008x128xf32, #tpu.memory_space<vmem_shared>>
        tpu.wait_indirect_dma semaphore(%run_scoped3A_305 : memref<!tpu.dma_semaphore, #tpu.memory_space<semaphore_mem>>) src(%arg11 : memref<128x128xf32, #tpu.memory_space<vmem>>) dst(%dma_wait3A_317 : memref<10008x128xf32, #tpu.memory_space<vmem_shared>>)
        tpu.yield
      }) : () -> ()
      %dma_wait3A_296 = arith.constant 7 : i32
      %dma_wait3A_297 = arith.constant 0 : i32
      %dma_wait3A_298 = tpu.memref_slice %arg9[%dma_wait3A_296, %dma_wait3A_297] : memref<8x128xi32, #tpu.memory_space<vmem>> -> memref<1x128xi32, #tpu.memory_space<vmem>>
      %dma_wait3A_299 = tpu.memref_squeeze %dma_wait3A_298 : memref<1x128xi32, #tpu.memory_space<vmem>> -> memref<128xi32, #tpu.memory_space<vmem>>
      %dma_wait3A_300 = arith.constant 0 : i32
      %dma_wait3A_301 = arith.constant 0 : i32
      %dma_wait3A_302 = tpu.memref_slice %arg2[%dma_wait3A_300, %dma_wait3A_301] : memref<10000x128xf32, #tpu.memory_space<hbm>> -> memref<10000x128xf32, #tpu.memory_space<hbm>>
      tpu.wait_indirect_dma semaphore(%arg15 : memref<!tpu.dma_semaphore, #tpu.memory_space<semaphore_mem>>) src(%dma_wait3A_302 : memref<10000x128xf32, #tpu.memory_space<hbm>>) dst(%arg12 : memref<128x128xf32, #tpu.memory_space<vmem>>)
      %run_scoped3A_303 = arith.constant 7 : i32
      "tpu.region"() ({
        %run_scoped3A_305 = tpu.sem_alloc : memref<!tpu.dma_semaphore, #tpu.memory_space<semaphore_mem>>
        %dma_start3A_306 = arith.constant 0 : i32
        %dma_start3A_307 = tpu.memref_slice %arg10[%run_scoped3A_303, %dma_start3A_306] : memref<8x128xi32, #tpu.memory_space<vmem>> -> memref<1x128xi32, #tpu.memory_space<vmem>>
        %dma_start3A_308 = tpu.memref_squeeze %dma_start3A_307 : memref<1x128xi32, #tpu.memory_space<vmem>> -> memref<128xi32, #tpu.memory_space<vmem>>
        %dma_start3A_309 = arith.constant 0 : i32
        %dma_start3A_310 = arith.constant 0 : i32
        %dma_start3A_311 = tpu.memref_slice %arg14[%dma_start3A_309, %dma_start3A_310] : memref<10008x128xf32, #tpu.memory_space<vmem_shared>> -> memref<10008x128xf32, #tpu.memory_space<vmem_shared>>
        tpu.enqueue_indirect_dma source(%arg12 : memref<128x128xf32, #tpu.memory_space<vmem>>) target(%dma_start3A_311 : memref<10008x128xf32, #tpu.memory_space<vmem_shared>>) offsets(%dma_start3A_308 : memref<128xi32, #tpu.memory_space<vmem>>) semaphore(%run_scoped3A_305 : memref<!tpu.dma_semaphore, #tpu.memory_space<semaphore_mem>>) {add = true}
        %dma_wait3A_312 = arith.constant 0 : i32
        %dma_wait3A_313 = tpu.memref_slice %arg10[%run_scoped3A_303, %dma_wait3A_312] : memref<8x128xi32, #tpu.memory_space<vmem>> -> memref<1x128xi32, #tpu.memory_space<vmem>>
        %dma_wait3A_314 = tpu.memref_squeeze %dma_wait3A_313 : memref<1x128xi32, #tpu.memory_space<vmem>> -> memref<128xi32, #tpu.memory_space<vmem>>
        %dma_wait3A_315 = arith.constant 0 : i32
        %dma_wait3A_316 = arith.constant 0 : i32
        %dma_wait3A_317 = tpu.memref_slice %arg14[%dma_wait3A_315, %dma_wait3A_316] : memref<10008x128xf32, #tpu.memory_space<vmem_shared>> -> memref<10008x128xf32, #tpu.memory_space<vmem_shared>>
        tpu.wait_indirect_dma semaphore(%run_scoped3A_305 : memref<!tpu.dma_semaphore, #tpu.memory_space<semaphore_mem>>) src(%arg12 : memref<128x128xf32, #tpu.memory_space<vmem>>) dst(%dma_wait3A_317 : memref<10008x128xf32, #tpu.memory_space<vmem_shared>>)
        tpu.yield
      }) : () -> ()
      %scan3A_304 = arith.constant 0 : i32
      scf.yield %scan3A_304 : i32
    }
    %scan3A_18 = arith.constant 5 : i32
    %barrier3A_19 = arith.constant 0 : index
    tpu.barrier barrier_id(%barrier3A_19)
    %eq3A_20 = arith.constant 15 : i32
    %eq3A_21 = arith.cmpi eq, %arg1, %eq3A_20 : i32
    %jit3A_22 = arith.constant 5 : i32
    %jit3A_23 = arith.constant 8 : i32
    %select_n3A_24 = arith.select %eq3A_21, %jit3A_22, %jit3A_23 : i32
    %while3A_25 = arith.constant 0 : i32
    %while3A_26 = arith.constant 0 : i32
    %while3A_27 = arith.subi %select_n3A_24, %while3A_25 : i32
    %while3A_28 = arith.addi %while3A_25, %while3A_27 : i32
    %while3A_29 = arith.constant 1 : i32
    %while3A_30 = arith.divsi %while3A_27, %while3A_29 : i32
    %while3A_31 = arith.muli %while3A_30, %while3A_29 : i32
    %while3A_32 = arith.addi %while3A_25, %while3A_31 : i32
    %while3A_33 = arith.constant 1 : i32
    %while3A_34 = scf.for %while3A_37 = %while3A_25 to %while3A_32 step %while3A_33 iter_args(%while3A_38 = %while3A_26) -> (i32)  : i32 {
      %mul3A = arith.constant 640 : i32
      %mul3A_39 = arith.muli %arg1, %mul3A : i32
      %mul3A_40 = arith.constant 80 : i32
      %mul3A_41 = arith.muli %while3A_37, %mul3A_40 : i32
      %add3A = arith.addi %mul3A_39, %mul3A_41 : i32
      "tpu.region"() ({
        %run_scoped3A = tpu.sem_alloc : memref<!tpu.dma_semaphore, #tpu.memory_space<semaphore_mem>>
        %dma_start3A = arith.constant 0 : i32
        %dma_start3A_43 = tpu.memref_slice %arg14[%add3A, %dma_start3A] : memref<10008x128xf32, #tpu.memory_space<vmem_shared>> -> memref<80x128xf32, #tpu.memory_space<vmem_shared>>
        %dma_start3A_44 = arith.constant 0 : i32
        %dma_start3A_45 = tpu.memref_slice %arg14[%add3A, %dma_start3A_44] : memref<10008x128xf32, #tpu.memory_space<vmem_shared>> -> memref<80x128xf32, #tpu.memory_space<vmem_shared>>
        tpu.enqueue_dma source(%dma_start3A_45 : memref<80x128xf32, #tpu.memory_space<vmem_shared>>) target(%arg13 : memref<80x128xf32, #tpu.memory_space<vmem>>) target_semaphore(%run_scoped3A : memref<!tpu.dma_semaphore, #tpu.memory_space<semaphore_mem>>)
        %dma_wait3A = arith.constant 0 : i32
        %dma_wait3A_46 = tpu.memref_slice %arg14[%add3A, %dma_wait3A] : memref<10008x128xf32, #tpu.memory_space<vmem_shared>> -> memref<80x128xf32, #tpu.memory_space<vmem_shared>>
        %dma_wait3A_47 = arith.constant 0 : i32
        %dma_wait3A_48 = tpu.memref_slice %arg14[%add3A, %dma_wait3A_47] : memref<10008x128xf32, #tpu.memory_space<vmem_shared>> -> memref<80x128xf32, #tpu.memory_space<vmem_shared>>
        tpu.wait_dma2 semaphore(%run_scoped3A : memref<!tpu.dma_semaphore, #tpu.memory_space<semaphore_mem>>) src(%dma_wait3A_48 : memref<80x128xf32, #tpu.memory_space<vmem_shared>>) dst(%arg13 : memref<80x128xf32, #tpu.memory_space<vmem>>)
        tpu.yield
      }) : () -> ()
      "tpu.region"() ({
        %run_scoped3A = tpu.sem_alloc : memref<!tpu.dma_semaphore, #tpu.memory_space<semaphore_mem>>
        %dma_start3A = arith.constant 0 : i32
        %dma_start3A_43 = arith.constant 0 : i32
        %dma_start3A_44 = tpu.memref_slice %arg6[%arg0, %dma_start3A, %dma_start3A_43] : memref<2x10000x128xf32, #tpu.memory_space<hbm>> -> memref<1x10000x128xf32, #tpu.memory_space<hbm>>
        %dma_start3A_45 = tpu.memref_squeeze %dma_start3A_44 : memref<1x10000x128xf32, #tpu.memory_space<hbm>> -> memref<10000x128xf32, #tpu.memory_space<hbm>>
        %dma_start3A_46 = arith.constant 0 : i32
        %dma_start3A_47 = tpu.memref_slice %dma_start3A_45[%add3A, %dma_start3A_46] : memref<10000x128xf32, #tpu.memory_space<hbm>> -> memref<80x128xf32, #tpu.memory_space<hbm>>
        %dma_start3A_48 = arith.constant 0 : i32
        %dma_start3A_49 = arith.constant 0 : i32
        %dma_start3A_50 = tpu.memref_slice %arg6[%arg0, %dma_start3A_48, %dma_start3A_49] : memref<2x10000x128xf32, #tpu.memory_space<hbm>> -> memref<1x10000x128xf32, #tpu.memory_space<hbm>>
        %dma_start3A_51 = tpu.memref_squeeze %dma_start3A_50 : memref<1x10000x128xf32, #tpu.memory_space<hbm>> -> memref<10000x128xf32, #tpu.memory_space<hbm>>
        %dma_start3A_52 = arith.constant 0 : i32
        %dma_start3A_53 = tpu.memref_slice %dma_start3A_51[%add3A, %dma_start3A_52] : memref<10000x128xf32, #tpu.memory_space<hbm>> -> memref<80x128xf32, #tpu.memory_space<hbm>>
        tpu.enqueue_dma source(%arg13 : memref<80x128xf32, #tpu.memory_space<vmem>>) target(%dma_start3A_53 : memref<80x128xf32, #tpu.memory_space<hbm>>) target_semaphore(%run_scoped3A : memref<!tpu.dma_semaphore, #tpu.memory_space<semaphore_mem>>)
        %dma_wait3A = arith.constant 0 : i32
        %dma_wait3A_54 = arith.constant 0 : i32
        %dma_wait3A_55 = tpu.memref_slice %arg6[%arg0, %dma_wait3A, %dma_wait3A_54] : memref<2x10000x128xf32, #tpu.memory_space<hbm>> -> memref<1x10000x128xf32, #tpu.memory_space<hbm>>
        %dma_wait3A_56 = tpu.memref_squeeze %dma_wait3A_55 : memref<1x10000x128xf32, #tpu.memory_space<hbm>> -> memref<10000x128xf32, #tpu.memory_space<hbm>>
        %dma_wait3A_57 = arith.constant 0 : i32
        %dma_wait3A_58 = tpu.memref_slice %dma_wait3A_56[%add3A, %dma_wait3A_57] : memref<10000x128xf32, #tpu.memory_space<hbm>> -> memref<80x128xf32, #tpu.memory_space<hbm>>
        %dma_wait3A_59 = arith.constant 0 : i32
        %dma_wait3A_60 = arith.constant 0 : i32
        %dma_wait3A_61 = tpu.memref_slice %arg6[%arg0, %dma_wait3A_59, %dma_wait3A_60] : memref<2x10000x128xf32, #tpu.memory_space<hbm>> -> memref<1x10000x128xf32, #tpu.memory_space<hbm>>
        %dma_wait3A_62 = tpu.memref_squeeze %dma_wait3A_61 : memref<1x10000x128xf32, #tpu.memory_space<hbm>> -> memref<10000x128xf32, #tpu.memory_space<hbm>>
        %dma_wait3A_63 = arith.constant 0 : i32
        %dma_wait3A_64 = tpu.memref_slice %dma_wait3A_62[%add3A, %dma_wait3A_63] : memref<10000x128xf32, #tpu.memory_space<hbm>> -> memref<80x128xf32, #tpu.memory_space<hbm>>
        tpu.wait_dma2 semaphore(%run_scoped3A : memref<!tpu.dma_semaphore, #tpu.memory_space<semaphore_mem>>) src(%arg13 : memref<80x128xf32, #tpu.memory_space<vmem>>) dst(%dma_wait3A_64 : memref<80x128xf32, #tpu.memory_space<hbm>>)
        tpu.yield
      }) : () -> ()
      %while3A_42 = arith.constant 0 : i32
      scf.yield %while3A_42 : i32
    }
    %while3A_35 = arith.constant 1 : i32
    %while3A_36 = scf.for %while3A_37 = %while3A_32 to %while3A_28 step %while3A_35 iter_args(%while3A_38 = %while3A_34) -> (i32)  : i32 {
      %mul3A = arith.constant 640 : i32
      %mul3A_39 = arith.muli %arg1, %mul3A : i32
      %mul3A_40 = arith.constant 80 : i32
      %mul3A_41 = arith.muli %while3A_37, %mul3A_40 : i32
      %add3A = arith.addi %mul3A_39, %mul3A_41 : i32
      "tpu.region"() ({
        %run_scoped3A = tpu.sem_alloc : memref<!tpu.dma_semaphore, #tpu.memory_space<semaphore_mem>>
        %dma_start3A = arith.constant 0 : i32
        %dma_start3A_43 = tpu.memref_slice %arg14[%add3A, %dma_start3A] : memref<10008x128xf32, #tpu.memory_space<vmem_shared>> -> memref<80x128xf32, #tpu.memory_space<vmem_shared>>
        %dma_start3A_44 = arith.constant 0 : i32
        %dma_start3A_45 = tpu.memref_slice %arg14[%add3A, %dma_start3A_44] : memref<10008x128xf32, #tpu.memory_space<vmem_shared>> -> memref<80x128xf32, #tpu.memory_space<vmem_shared>>
        tpu.enqueue_dma source(%dma_start3A_45 : memref<80x128xf32, #tpu.memory_space<vmem_shared>>) target(%arg13 : memref<80x128xf32, #tpu.memory_space<vmem>>) target_semaphore(%run_scoped3A : memref<!tpu.dma_semaphore, #tpu.memory_space<semaphore_mem>>)
        %dma_wait3A = arith.constant 0 : i32
        %dma_wait3A_46 = tpu.memref_slice %arg14[%add3A, %dma_wait3A] : memref<10008x128xf32, #tpu.memory_space<vmem_shared>> -> memref<80x128xf32, #tpu.memory_space<vmem_shared>>
        %dma_wait3A_47 = arith.constant 0 : i32
        %dma_wait3A_48 = tpu.memref_slice %arg14[%add3A, %dma_wait3A_47] : memref<10008x128xf32, #tpu.memory_space<vmem_shared>> -> memref<80x128xf32, #tpu.memory_space<vmem_shared>>
        tpu.wait_dma2 semaphore(%run_scoped3A : memref<!tpu.dma_semaphore, #tpu.memory_space<semaphore_mem>>) src(%dma_wait3A_48 : memref<80x128xf32, #tpu.memory_space<vmem_shared>>) dst(%arg13 : memref<80x128xf32, #tpu.memory_space<vmem>>)
        tpu.yield
      }) : () -> ()
      "tpu.region"() ({
        %run_scoped3A = tpu.sem_alloc : memref<!tpu.dma_semaphore, #tpu.memory_space<semaphore_mem>>
        %dma_start3A = arith.constant 0 : i32
        %dma_start3A_43 = arith.constant 0 : i32
        %dma_start3A_44 = tpu.memref_slice %arg6[%arg0, %dma_start3A, %dma_start3A_43] : memref<2x10000x128xf32, #tpu.memory_space<hbm>> -> memref<1x10000x128xf32, #tpu.memory_space<hbm>>
        %dma_start3A_45 = tpu.memref_squeeze %dma_start3A_44 : memref<1x10000x128xf32, #tpu.memory_space<hbm>> -> memref<10000x128xf32, #tpu.memory_space<hbm>>
        %dma_start3A_46 = arith.constant 0 : i32
        %dma_start3A_47 = tpu.memref_slice %dma_start3A_45[%add3A, %dma_start3A_46] : memref<10000x128xf32, #tpu.memory_space<hbm>> -> memref<80x128xf32, #tpu.memory_space<hbm>>
        %dma_start3A_48 = arith.constant 0 : i32
        %dma_start3A_49 = arith.constant 0 : i32
        %dma_start3A_50 = tpu.memref_slice %arg6[%arg0, %dma_start3A_48, %dma_start3A_49] : memref<2x10000x128xf32, #tpu.memory_space<hbm>> -> memref<1x10000x128xf32, #tpu.memory_space<hbm>>
        %dma_start3A_51 = tpu.memref_squeeze %dma_start3A_50 : memref<1x10000x128xf32, #tpu.memory_space<hbm>> -> memref<10000x128xf32, #tpu.memory_space<hbm>>
        %dma_start3A_52 = arith.constant 0 : i32
        %dma_start3A_53 = tpu.memref_slice %dma_start3A_51[%add3A, %dma_start3A_52] : memref<10000x128xf32, #tpu.memory_space<hbm>> -> memref<80x128xf32, #tpu.memory_space<hbm>>
        tpu.enqueue_dma source(%arg13 : memref<80x128xf32, #tpu.memory_space<vmem>>) target(%dma_start3A_53 : memref<80x128xf32, #tpu.memory_space<hbm>>) target_semaphore(%run_scoped3A : memref<!tpu.dma_semaphore, #tpu.memory_space<semaphore_mem>>)
        %dma_wait3A = arith.constant 0 : i32
        %dma_wait3A_54 = arith.constant 0 : i32
        %dma_wait3A_55 = tpu.memref_slice %arg6[%arg0, %dma_wait3A, %dma_wait3A_54] : memref<2x10000x128xf32, #tpu.memory_space<hbm>> -> memref<1x10000x128xf32, #tpu.memory_space<hbm>>
        %dma_wait3A_56 = tpu.memref_squeeze %dma_wait3A_55 : memref<1x10000x128xf32, #tpu.memory_space<hbm>> -> memref<10000x128xf32, #tpu.memory_space<hbm>>
        %dma_wait3A_57 = arith.constant 0 : i32
        %dma_wait3A_58 = tpu.memref_slice %dma_wait3A_56[%add3A, %dma_wait3A_57] : memref<10000x128xf32, #tpu.memory_space<hbm>> -> memref<80x128xf32, #tpu.memory_space<hbm>>
        %dma_wait3A_59 = arith.constant 0 : i32
        %dma_wait3A_60 = arith.constant 0 : i32
        %dma_wait3A_61 = tpu.memref_slice %arg6[%arg0, %dma_wait3A_59, %dma_wait3A_60] : memref<2x10000x128xf32, #tpu.memory_space<hbm>> -> memref<1x10000x128xf32, #tpu.memory_space<hbm>>
        %dma_wait3A_62 = tpu.memref_squeeze %dma_wait3A_61 : memref<1x10000x128xf32, #tpu.memory_space<hbm>> -> memref<10000x128xf32, #tpu.memory_space<hbm>>
        %dma_wait3A_63 = arith.constant 0 : i32
        %dma_wait3A_64 = tpu.memref_slice %dma_wait3A_62[%add3A, %dma_wait3A_63] : memref<10000x128xf32, #tpu.memory_space<hbm>> -> memref<80x128xf32, #tpu.memory_space<hbm>>
        tpu.wait_dma2 semaphore(%run_scoped3A : memref<!tpu.dma_semaphore, #tpu.memory_space<semaphore_mem>>) src(%arg13 : memref<80x128xf32, #tpu.memory_space<vmem>>) dst(%dma_wait3A_64 : memref<80x128xf32, #tpu.memory_space<hbm>>)
        tpu.yield
      }) : () -> ()
      %while3A_42 = arith.constant 0 : i32
      scf.yield %while3A_42 : i32
    }
    return
  }
}

#map = affine_map<(d0, d1) -> (0, 0, 0)>
#map1 = affine_map<(d0, d1) -> (0, 0)>
module attributes {stable_mosaic.version = 14 : i64} {
  func.func @_layer_agg_sc(%arg0: i32, %arg1: i32, %arg2: memref<2x10000x128xf32, #tpu.memory_space<hbm>>, %arg3: memref<2560x128xi32, #tpu.memory_space<hbm>>, %arg4: memref<2560x128xi32, #tpu.memory_space<hbm>>, %arg5: memref<80x128xf32, #tpu.memory_space<hbm>>, %arg6: memref<2x10000x128xf32, #tpu.memory_space<hbm>>, %arg7: memref<8x128xi32, #tpu.memory_space<vmem>>, %arg8: memref<8x128xi32, #tpu.memory_space<vmem>>, %arg9: memref<8x128xi32, #tpu.memory_space<vmem>>, %arg10: memref<8x128xi32, #tpu.memory_space<vmem>>, %arg11: memref<128x128xf32, #tpu.memory_space<vmem>>, %arg12: memref<128x128xf32, #tpu.memory_space<vmem>>, %arg13: memref<80x128xf32, #tpu.memory_space<vmem>>, %arg14: memref<10008x128xf32, #tpu.memory_space<vmem_shared>>, %arg15: memref<!tpu.dma_semaphore, #tpu.memory_space<semaphore_mem>>, %arg16: memref<!tpu.dma_semaphore, #tpu.memory_space<semaphore_mem>>, %arg17: memref<!tpu.dma_semaphore, #tpu.memory_space<semaphore_mem>>) attributes {dimension_semantics = [#tpu.dimension_semantics<core_parallel>, #tpu.dimension_semantics<subcore_parallel>], iteration_bounds = array<i64: 2, 16>, scalar_prefetch = 0 : i64, scratch_operands = 11 : i64, tpu.core_type = #tpu.core_type<sc_vector_subcore>, window_params = [{transform_indices = #map}, {transform_indices = #map1}, {transform_indices = #map1}, {transform_indices = #map1}, {transform_indices = #map}]} {
    "tpu.region"() ({
      %run_scoped3A = tpu.sem_alloc : memref<!tpu.dma_semaphore, #tpu.memory_space<semaphore_mem>>
      tpu.enqueue_dma source(%arg5 : memref<80x128xf32, #tpu.memory_space<hbm>>) target(%arg13 : memref<80x128xf32, #tpu.memory_space<vmem>>) target_semaphore(%run_scoped3A : memref<!tpu.dma_semaphore, #tpu.memory_space<semaphore_mem>>)
      tpu.wait_dma2 semaphore(%run_scoped3A : memref<!tpu.dma_semaphore, #tpu.memory_space<semaphore_mem>>) src(%arg5 : memref<80x128xf32, #tpu.memory_space<hbm>>) dst(%arg13 : memref<80x128xf32, #tpu.memory_space<vmem>>)
      tpu.yield
    }) : () -> ()
    %eq3A = arith.constant 15 : i32
    %eq3A_0 = arith.cmpi eq, %arg1, %eq3A : i32
    %jit3A = arith.constant 5 : i32
    %jit3A_1 = arith.constant 8 : i32
    %select_n3A = arith.select %eq3A_0, %jit3A, %jit3A_1 : i32
    %while3A = arith.constant 0 : i32
    %while3A_2 = arith.constant 0 : i32
    %while3A_3 = arith.subi %select_n3A, %while3A : i32
    %while3A_4 = arith.addi %while3A, %while3A_3 : i32
    %while3A_5 = arith.constant 1 : i32
    %while3A_6 = arith.divsi %while3A_3, %while3A_5 : i32
    %while3A_7 = arith.muli %while3A_6, %while3A_5 : i32
    %while3A_8 = arith.addi %while3A, %while3A_7 : i32
    %while3A_9 = arith.constant 1 : i32
    %while3A_10 = scf.for %while3A_37 = %while3A to %while3A_8 step %while3A_9 iter_args(%while3A_38 = %while3A_2) -> (i32)  : i32 {
      %mul3A = arith.constant 640 : i32
      %mul3A_39 = arith.muli %arg1, %mul3A : i32
      %mul3A_40 = arith.constant 80 : i32
      %mul3A_41 = arith.muli %while3A_37, %mul3A_40 : i32
      %add3A = arith.addi %mul3A_39, %mul3A_41 : i32
      "tpu.region"() ({
        %run_scoped3A = tpu.sem_alloc : memref<!tpu.dma_semaphore, #tpu.memory_space<semaphore_mem>>
        %dma_start3A = arith.constant 0 : i32
        %dma_start3A_43 = tpu.memref_slice %arg14[%add3A, %dma_start3A] : memref<10008x128xf32, #tpu.memory_space<vmem_shared>> -> memref<80x128xf32, #tpu.memory_space<vmem_shared>>
        %dma_start3A_44 = arith.constant 0 : i32
        %dma_start3A_45 = tpu.memref_slice %arg14[%add3A, %dma_start3A_44] : memref<10008x128xf32, #tpu.memory_space<vmem_shared>> -> memref<80x128xf32, #tpu.memory_space<vmem_shared>>
        tpu.enqueue_dma source(%arg13 : memref<80x128xf32, #tpu.memory_space<vmem>>) target(%dma_start3A_45 : memref<80x128xf32, #tpu.memory_space<vmem_shared>>) target_semaphore(%run_scoped3A : memref<!tpu.dma_semaphore, #tpu.memory_space<semaphore_mem>>)
        %dma_wait3A = arith.constant 0 : i32
        %dma_wait3A_46 = tpu.memref_slice %arg14[%add3A, %dma_wait3A] : memref<10008x128xf32, #tpu.memory_space<vmem_shared>> -> memref<80x128xf32, #tpu.memory_space<vmem_shared>>
        %dma_wait3A_47 = arith.constant 0 : i32
        %dma_wait3A_48 = tpu.memref_slice %arg14[%add3A, %dma_wait3A_47] : memref<10008x128xf32, #tpu.memory_space<vmem_shared>> -> memref<80x128xf32, #tpu.memory_space<vmem_shared>>
        tpu.wait_dma2 semaphore(%run_scoped3A : memref<!tpu.dma_semaphore, #tpu.memory_space<semaphore_mem>>) src(%arg13 : memref<80x128xf32, #tpu.memory_space<vmem>>) dst(%dma_wait3A_48 : memref<80x128xf32, #tpu.memory_space<vmem_shared>>)
        tpu.yield
      }) : () -> ()
      %while3A_42 = arith.constant 0 : i32
      scf.yield %while3A_42 : i32
    }
    %while3A_11 = arith.constant 1 : i32
    %while3A_12 = scf.for %while3A_37 = %while3A_8 to %while3A_4 step %while3A_11 iter_args(%while3A_38 = %while3A_10) -> (i32)  : i32 {
      %mul3A = arith.constant 640 : i32
      %mul3A_39 = arith.muli %arg1, %mul3A : i32
      %mul3A_40 = arith.constant 80 : i32
      %mul3A_41 = arith.muli %while3A_37, %mul3A_40 : i32
      %add3A = arith.addi %mul3A_39, %mul3A_41 : i32
      "tpu.region"() ({
        %run_scoped3A = tpu.sem_alloc : memref<!tpu.dma_semaphore, #tpu.memory_space<semaphore_mem>>
        %dma_start3A = arith.constant 0 : i32
        %dma_start3A_43 = tpu.memref_slice %arg14[%add3A, %dma_start3A] : memref<10008x128xf32, #tpu.memory_space<vmem_shared>> -> memref<80x128xf32, #tpu.memory_space<vmem_shared>>
        %dma_start3A_44 = arith.constant 0 : i32
        %dma_start3A_45 = tpu.memref_slice %arg14[%add3A, %dma_start3A_44] : memref<10008x128xf32, #tpu.memory_space<vmem_shared>> -> memref<80x128xf32, #tpu.memory_space<vmem_shared>>
        tpu.enqueue_dma source(%arg13 : memref<80x128xf32, #tpu.memory_space<vmem>>) target(%dma_start3A_45 : memref<80x128xf32, #tpu.memory_space<vmem_shared>>) target_semaphore(%run_scoped3A : memref<!tpu.dma_semaphore, #tpu.memory_space<semaphore_mem>>)
        %dma_wait3A = arith.constant 0 : i32
        %dma_wait3A_46 = tpu.memref_slice %arg14[%add3A, %dma_wait3A] : memref<10008x128xf32, #tpu.memory_space<vmem_shared>> -> memref<80x128xf32, #tpu.memory_space<vmem_shared>>
        %dma_wait3A_47 = arith.constant 0 : i32
        %dma_wait3A_48 = tpu.memref_slice %arg14[%add3A, %dma_wait3A_47] : memref<10008x128xf32, #tpu.memory_space<vmem_shared>> -> memref<80x128xf32, #tpu.memory_space<vmem_shared>>
        tpu.wait_dma2 semaphore(%run_scoped3A : memref<!tpu.dma_semaphore, #tpu.memory_space<semaphore_mem>>) src(%arg13 : memref<80x128xf32, #tpu.memory_space<vmem>>) dst(%dma_wait3A_48 : memref<80x128xf32, #tpu.memory_space<vmem_shared>>)
        tpu.yield
      }) : () -> ()
      %while3A_42 = arith.constant 0 : i32
      scf.yield %while3A_42 : i32
    }
    %barrier3A = arith.constant 0 : index
    tpu.barrier barrier_id(%barrier3A)
    %scan3A = arith.constant 0 : i32
    %scan3A_13 = arith.constant 0 : i32
    %scan3A_14 = arith.constant 10 : i32
    %scan3A_15 = arith.addi %scan3A_13, %scan3A_14 : i32
    %scan3A_16 = arith.constant 1 : i32
    %scan3A_17 = scf.for %scan3A_37 = %scan3A_13 to %scan3A_15 step %scan3A_16 iter_args(%scan3A_38 = %scan3A) -> (i32)  : i32 {
      %mul3A = arith.constant 160 : i32
      %mul3A_39 = arith.muli %arg1, %mul3A : i32
      %mul3A_40 = arith.constant 2 : i32
      %mul3A_41 = arith.muli %scan3A_37, %mul3A_40 : i32
      %mul3A_42 = arith.constant 8 : i32
      %mul3A_43 = arith.muli %mul3A_41, %mul3A_42 : i32
      %add3A = arith.addi %mul3A_39, %mul3A_43 : i32
      "tpu.region"() ({
        %run_scoped3A_430 = tpu.sem_alloc : memref<!tpu.dma_semaphore, #tpu.memory_space<semaphore_mem>>
        %dma_start3A_431 = arith.constant 0 : i32
        %dma_start3A_432 = tpu.memref_slice %arg3[%add3A, %dma_start3A_431] : memref<2560x128xi32, #tpu.memory_space<hbm>> -> memref<8x128xi32, #tpu.memory_space<hbm>>
        %dma_start3A_433 = arith.constant 0 : i32
        %dma_start3A_434 = tpu.memref_slice %arg3[%add3A, %dma_start3A_433] : memref<2560x128xi32, #tpu.memory_space<hbm>> -> memref<8x128xi32, #tpu.memory_space<hbm>>
        tpu.enqueue_dma source(%dma_start3A_434 : memref<8x128xi32, #tpu.memory_space<hbm>>) target(%arg7 : memref<8x128xi32, #tpu.memory_space<vmem>>) target_semaphore(%run_scoped3A_430 : memref<!tpu.dma_semaphore, #tpu.memory_space<semaphore_mem>>)
        %dma_wait3A_435 = arith.constant 0 : i32
        %dma_wait3A_436 = tpu.memref_slice %arg3[%add3A, %dma_wait3A_435] : memref<2560x128xi32, #tpu.memory_space<hbm>> -> memref<8x128xi32, #tpu.memory_space<hbm>>
        %dma_wait3A_437 = arith.constant 0 : i32
        %dma_wait3A_438 = tpu.memref_slice %arg3[%add3A, %dma_wait3A_437] : memref<2560x128xi32, #tpu.memory_space<hbm>> -> memref<8x128xi32, #tpu.memory_space<hbm>>
        tpu.wait_dma2 semaphore(%run_scoped3A_430 : memref<!tpu.dma_semaphore, #tpu.memory_space<semaphore_mem>>) src(%dma_wait3A_438 : memref<8x128xi32, #tpu.memory_space<hbm>>) dst(%arg7 : memref<8x128xi32, #tpu.memory_space<vmem>>)
        tpu.yield
      }) : () -> ()
      "tpu.region"() ({
        %run_scoped3A_430 = tpu.sem_alloc : memref<!tpu.dma_semaphore, #tpu.memory_space<semaphore_mem>>
        %dma_start3A_431 = arith.constant 0 : i32
        %dma_start3A_432 = tpu.memref_slice %arg4[%add3A, %dma_start3A_431] : memref<2560x128xi32, #tpu.memory_space<hbm>> -> memref<8x128xi32, #tpu.memory_space<hbm>>
        %dma_start3A_433 = arith.constant 0 : i32
        %dma_start3A_434 = tpu.memref_slice %arg4[%add3A, %dma_start3A_433] : memref<2560x128xi32, #tpu.memory_space<hbm>> -> memref<8x128xi32, #tpu.memory_space<hbm>>
        tpu.enqueue_dma source(%dma_start3A_434 : memref<8x128xi32, #tpu.memory_space<hbm>>) target(%arg8 : memref<8x128xi32, #tpu.memory_space<vmem>>) target_semaphore(%run_scoped3A_430 : memref<!tpu.dma_semaphore, #tpu.memory_space<semaphore_mem>>)
        %dma_wait3A_435 = arith.constant 0 : i32
        %dma_wait3A_436 = tpu.memref_slice %arg4[%add3A, %dma_wait3A_435] : memref<2560x128xi32, #tpu.memory_space<hbm>> -> memref<8x128xi32, #tpu.memory_space<hbm>>
        %dma_wait3A_437 = arith.constant 0 : i32
        %dma_wait3A_438 = tpu.memref_slice %arg4[%add3A, %dma_wait3A_437] : memref<2560x128xi32, #tpu.memory_space<hbm>> -> memref<8x128xi32, #tpu.memory_space<hbm>>
        tpu.wait_dma2 semaphore(%run_scoped3A_430 : memref<!tpu.dma_semaphore, #tpu.memory_space<semaphore_mem>>) src(%dma_wait3A_438 : memref<8x128xi32, #tpu.memory_space<hbm>>) dst(%arg8 : memref<8x128xi32, #tpu.memory_space<vmem>>)
        tpu.yield
      }) : () -> ()
      %add3A_44 = arith.constant 8 : i32
      %add3A_45 = arith.addi %add3A, %add3A_44 : i32
      %dma_start3A = arith.constant 0 : i32
      %dma_start3A_46 = tpu.memref_slice %arg3[%add3A_45, %dma_start3A] : memref<2560x128xi32, #tpu.memory_space<hbm>> -> memref<8x128xi32, #tpu.memory_space<hbm>>
      %dma_start3A_47 = arith.constant 0 : i32
      %dma_start3A_48 = tpu.memref_slice %arg3[%add3A_45, %dma_start3A_47] : memref<2560x128xi32, #tpu.memory_space<hbm>> -> memref<8x128xi32, #tpu.memory_space<hbm>>
      tpu.enqueue_dma source(%dma_start3A_48 : memref<8x128xi32, #tpu.memory_space<hbm>>) target(%arg9 : memref<8x128xi32, #tpu.memory_space<vmem>>) target_semaphore(%arg17 : memref<!tpu.dma_semaphore, #tpu.memory_space<semaphore_mem>>)
      %add3A_49 = arith.constant 8 : i32
      %add3A_50 = arith.addi %add3A, %add3A_49 : i32
      %dma_start3A_51 = arith.constant 0 : i32
      %dma_start3A_52 = tpu.memref_slice %arg4[%add3A_50, %dma_start3A_51] : memref<2560x128xi32, #tpu.memory_space<hbm>> -> memref<8x128xi32, #tpu.memory_space<hbm>>
      %dma_start3A_53 = arith.constant 0 : i32
      %dma_start3A_54 = tpu.memref_slice %arg4[%add3A_50, %dma_start3A_53] : memref<2560x128xi32, #tpu.memory_space<hbm>> -> memref<8x128xi32, #tpu.memory_space<hbm>>
      tpu.enqueue_dma source(%dma_start3A_54 : memref<8x128xi32, #tpu.memory_space<hbm>>) target(%arg10 : memref<8x128xi32, #tpu.memory_space<vmem>>) target_semaphore(%arg17 : memref<!tpu.dma_semaphore, #tpu.memory_space<semaphore_mem>>)
      %dma_start3A_55 = arith.constant 0 : i32
      %dma_start3A_56 = arith.constant 0 : i32
      %dma_start3A_57 = tpu.memref_slice %arg7[%dma_start3A_55, %dma_start3A_56] : memref<8x128xi32, #tpu.memory_space<vmem>> -> memref<1x128xi32, #tpu.memory_space<vmem>>
      %dma_start3A_58 = tpu.memref_squeeze %dma_start3A_57 : memref<1x128xi32, #tpu.memory_space<vmem>> -> memref<128xi32, #tpu.memory_space<vmem>>
      %dma_start3A_59 = arith.constant 0 : i32
      %dma_start3A_60 = arith.constant 0 : i32
      %dma_start3A_61 = tpu.memref_slice %arg2[%arg0, %dma_start3A_59, %dma_start3A_60] : memref<2x10000x128xf32, #tpu.memory_space<hbm>> -> memref<1x10000x128xf32, #tpu.memory_space<hbm>>
      %dma_start3A_62 = tpu.memref_squeeze %dma_start3A_61 : memref<1x10000x128xf32, #tpu.memory_space<hbm>> -> memref<10000x128xf32, #tpu.memory_space<hbm>>
      %dma_start3A_63 = arith.constant 0 : i32
      %dma_start3A_64 = arith.constant 0 : i32
      %dma_start3A_65 = tpu.memref_slice %dma_start3A_62[%dma_start3A_63, %dma_start3A_64] : memref<10000x128xf32, #tpu.memory_space<hbm>> -> memref<10000x128xf32, #tpu.memory_space<hbm>>
      tpu.enqueue_indirect_dma source(%dma_start3A_65 : memref<10000x128xf32, #tpu.memory_space<hbm>>) target(%arg11 : memref<128x128xf32, #tpu.memory_space<vmem>>) offsets(%dma_start3A_58 : memref<128xi32, #tpu.memory_space<vmem>>) semaphore(%arg15 : memref<!tpu.dma_semaphore, #tpu.memory_space<semaphore_mem>>)
      %dma_start3A_66 = arith.constant 1 : i32
      %dma_start3A_67 = arith.constant 0 : i32
      %dma_start3A_68 = tpu.memref_slice %arg7[%dma_start3A_66, %dma_start3A_67] : memref<8x128xi32, #tpu.memory_space<vmem>> -> memref<1x128xi32, #tpu.memory_space<vmem>>
      %dma_start3A_69 = tpu.memref_squeeze %dma_start3A_68 : memref<1x128xi32, #tpu.memory_space<vmem>> -> memref<128xi32, #tpu.memory_space<vmem>>
      %dma_start3A_70 = arith.constant 0 : i32
      %dma_start3A_71 = arith.constant 0 : i32
      %dma_start3A_72 = tpu.memref_slice %arg2[%arg0, %dma_start3A_70, %dma_start3A_71] : memref<2x10000x128xf32, #tpu.memory_space<hbm>> -> memref<1x10000x128xf32, #tpu.memory_space<hbm>>
      %dma_start3A_73 = tpu.memref_squeeze %dma_start3A_72 : memref<1x10000x128xf32, #tpu.memory_space<hbm>> -> memref<10000x128xf32, #tpu.memory_space<hbm>>
      %dma_start3A_74 = arith.constant 0 : i32
      %dma_start3A_75 = arith.constant 0 : i32
      %dma_start3A_76 = tpu.memref_slice %dma_start3A_73[%dma_start3A_74, %dma_start3A_75] : memref<10000x128xf32, #tpu.memory_space<hbm>> -> memref<10000x128xf32, #tpu.memory_space<hbm>>
      tpu.enqueue_indirect_dma source(%dma_start3A_76 : memref<10000x128xf32, #tpu.memory_space<hbm>>) target(%arg12 : memref<128x128xf32, #tpu.memory_space<vmem>>) offsets(%dma_start3A_69 : memref<128xi32, #tpu.memory_space<vmem>>) semaphore(%arg15 : memref<!tpu.dma_semaphore, #tpu.memory_space<semaphore_mem>>)
      %dma_wait3A = arith.constant 0 : i32
      %dma_wait3A_77 = arith.constant 0 : i32
      %dma_wait3A_78 = tpu.memref_slice %arg7[%dma_wait3A, %dma_wait3A_77] : memref<8x128xi32, #tpu.memory_space<vmem>> -> memref<1x128xi32, #tpu.memory_space<vmem>>
      %dma_wait3A_79 = tpu.memref_squeeze %dma_wait3A_78 : memref<1x128xi32, #tpu.memory_space<vmem>> -> memref<128xi32, #tpu.memory_space<vmem>>
      %dma_wait3A_80 = arith.constant 0 : i32
      %dma_wait3A_81 = arith.constant 0 : i32
      %dma_wait3A_82 = tpu.memref_slice %arg2[%arg0, %dma_wait3A_80, %dma_wait3A_81] : memref<2x10000x128xf32, #tpu.memory_space<hbm>> -> memref<1x10000x128xf32, #tpu.memory_space<hbm>>
      %dma_wait3A_83 = tpu.memref_squeeze %dma_wait3A_82 : memref<1x10000x128xf32, #tpu.memory_space<hbm>> -> memref<10000x128xf32, #tpu.memory_space<hbm>>
      %dma_wait3A_84 = arith.constant 0 : i32
      %dma_wait3A_85 = arith.constant 0 : i32
      %dma_wait3A_86 = tpu.memref_slice %dma_wait3A_83[%dma_wait3A_84, %dma_wait3A_85] : memref<10000x128xf32, #tpu.memory_space<hbm>> -> memref<10000x128xf32, #tpu.memory_space<hbm>>
      tpu.wait_indirect_dma semaphore(%arg15 : memref<!tpu.dma_semaphore, #tpu.memory_space<semaphore_mem>>) src(%dma_wait3A_86 : memref<10000x128xf32, #tpu.memory_space<hbm>>) dst(%arg11 : memref<128x128xf32, #tpu.memory_space<vmem>>)
      %run_scoped3A = arith.constant 0 : i32
      "tpu.region"() ({
        %run_scoped3A_430 = tpu.sem_alloc : memref<!tpu.dma_semaphore, #tpu.memory_space<semaphore_mem>>
        %dma_start3A_431 = arith.constant 0 : i32
        %dma_start3A_432 = tpu.memref_slice %arg8[%run_scoped3A, %dma_start3A_431] : memref<8x128xi32, #tpu.memory_space<vmem>> -> memref<1x128xi32, #tpu.memory_space<vmem>>
        %dma_start3A_433 = tpu.memref_squeeze %dma_start3A_432 : memref<1x128xi32, #tpu.memory_space<vmem>> -> memref<128xi32, #tpu.memory_space<vmem>>
        %dma_start3A_434 = arith.constant 0 : i32
        %dma_start3A_435 = arith.constant 0 : i32
        %dma_start3A_436 = tpu.memref_slice %arg14[%dma_start3A_434, %dma_start3A_435] : memref<10008x128xf32, #tpu.memory_space<vmem_shared>> -> memref<10008x128xf32, #tpu.memory_space<vmem_shared>>
        tpu.enqueue_indirect_dma source(%arg11 : memref<128x128xf32, #tpu.memory_space<vmem>>) target(%dma_start3A_436 : memref<10008x128xf32, #tpu.memory_space<vmem_shared>>) offsets(%dma_start3A_433 : memref<128xi32, #tpu.memory_space<vmem>>) semaphore(%run_scoped3A_430 : memref<!tpu.dma_semaphore, #tpu.memory_space<semaphore_mem>>) {add = true}
        %dma_wait3A_437 = arith.constant 0 : i32
        %dma_wait3A_438 = tpu.memref_slice %arg8[%run_scoped3A, %dma_wait3A_437] : memref<8x128xi32, #tpu.memory_space<vmem>> -> memref<1x128xi32, #tpu.memory_space<vmem>>
        %dma_wait3A_439 = tpu.memref_squeeze %dma_wait3A_438 : memref<1x128xi32, #tpu.memory_space<vmem>> -> memref<128xi32, #tpu.memory_space<vmem>>
        %dma_wait3A_440 = arith.constant 0 : i32
        %dma_wait3A_441 = arith.constant 0 : i32
        %dma_wait3A_442 = tpu.memref_slice %arg14[%dma_wait3A_440, %dma_wait3A_441] : memref<10008x128xf32, #tpu.memory_space<vmem_shared>> -> memref<10008x128xf32, #tpu.memory_space<vmem_shared>>
        tpu.wait_indirect_dma semaphore(%run_scoped3A_430 : memref<!tpu.dma_semaphore, #tpu.memory_space<semaphore_mem>>) src(%arg11 : memref<128x128xf32, #tpu.memory_space<vmem>>) dst(%dma_wait3A_442 : memref<10008x128xf32, #tpu.memory_space<vmem_shared>>)
        tpu.yield
      }) : () -> ()
      %dma_wait3A_87 = arith.constant 1 : i32
      %dma_wait3A_88 = arith.constant 0 : i32
      %dma_wait3A_89 = tpu.memref_slice %arg7[%dma_wait3A_87, %dma_wait3A_88] : memref<8x128xi32, #tpu.memory_space<vmem>> -> memref<1x128xi32, #tpu.memory_space<vmem>>
      %dma_wait3A_90 = tpu.memref_squeeze %dma_wait3A_89 : memref<1x128xi32, #tpu.memory_space<vmem>> -> memref<128xi32, #tpu.memory_space<vmem>>
      %dma_wait3A_91 = arith.constant 0 : i32
      %dma_wait3A_92 = arith.constant 0 : i32
      %dma_wait3A_93 = tpu.memref_slice %arg2[%arg0, %dma_wait3A_91, %dma_wait3A_92] : memref<2x10000x128xf32, #tpu.memory_space<hbm>> -> memref<1x10000x128xf32, #tpu.memory_space<hbm>>
      %dma_wait3A_94 = tpu.memref_squeeze %dma_wait3A_93 : memref<1x10000x128xf32, #tpu.memory_space<hbm>> -> memref<10000x128xf32, #tpu.memory_space<hbm>>
      %dma_wait3A_95 = arith.constant 0 : i32
      %dma_wait3A_96 = arith.constant 0 : i32
      %dma_wait3A_97 = tpu.memref_slice %dma_wait3A_94[%dma_wait3A_95, %dma_wait3A_96] : memref<10000x128xf32, #tpu.memory_space<hbm>> -> memref<10000x128xf32, #tpu.memory_space<hbm>>
      tpu.wait_indirect_dma semaphore(%arg15 : memref<!tpu.dma_semaphore, #tpu.memory_space<semaphore_mem>>) src(%dma_wait3A_97 : memref<10000x128xf32, #tpu.memory_space<hbm>>) dst(%arg12 : memref<128x128xf32, #tpu.memory_space<vmem>>)
      %run_scoped3A_98 = arith.constant 1 : i32
      "tpu.region"() ({
        %run_scoped3A_430 = tpu.sem_alloc : memref<!tpu.dma_semaphore, #tpu.memory_space<semaphore_mem>>
        %dma_start3A_431 = arith.constant 0 : i32
        %dma_start3A_432 = tpu.memref_slice %arg8[%run_scoped3A_98, %dma_start3A_431] : memref<8x128xi32, #tpu.memory_space<vmem>> -> memref<1x128xi32, #tpu.memory_space<vmem>>
        %dma_start3A_433 = tpu.memref_squeeze %dma_start3A_432 : memref<1x128xi32, #tpu.memory_space<vmem>> -> memref<128xi32, #tpu.memory_space<vmem>>
        %dma_start3A_434 = arith.constant 0 : i32
        %dma_start3A_435 = arith.constant 0 : i32
        %dma_start3A_436 = tpu.memref_slice %arg14[%dma_start3A_434, %dma_start3A_435] : memref<10008x128xf32, #tpu.memory_space<vmem_shared>> -> memref<10008x128xf32, #tpu.memory_space<vmem_shared>>
        tpu.enqueue_indirect_dma source(%arg12 : memref<128x128xf32, #tpu.memory_space<vmem>>) target(%dma_start3A_436 : memref<10008x128xf32, #tpu.memory_space<vmem_shared>>) offsets(%dma_start3A_433 : memref<128xi32, #tpu.memory_space<vmem>>) semaphore(%run_scoped3A_430 : memref<!tpu.dma_semaphore, #tpu.memory_space<semaphore_mem>>) {add = true}
        %dma_wait3A_437 = arith.constant 0 : i32
        %dma_wait3A_438 = tpu.memref_slice %arg8[%run_scoped3A_98, %dma_wait3A_437] : memref<8x128xi32, #tpu.memory_space<vmem>> -> memref<1x128xi32, #tpu.memory_space<vmem>>
        %dma_wait3A_439 = tpu.memref_squeeze %dma_wait3A_438 : memref<1x128xi32, #tpu.memory_space<vmem>> -> memref<128xi32, #tpu.memory_space<vmem>>
        %dma_wait3A_440 = arith.constant 0 : i32
        %dma_wait3A_441 = arith.constant 0 : i32
        %dma_wait3A_442 = tpu.memref_slice %arg14[%dma_wait3A_440, %dma_wait3A_441] : memref<10008x128xf32, #tpu.memory_space<vmem_shared>> -> memref<10008x128xf32, #tpu.memory_space<vmem_shared>>
        tpu.wait_indirect_dma semaphore(%run_scoped3A_430 : memref<!tpu.dma_semaphore, #tpu.memory_space<semaphore_mem>>) src(%arg12 : memref<128x128xf32, #tpu.memory_space<vmem>>) dst(%dma_wait3A_442 : memref<10008x128xf32, #tpu.memory_space<vmem_shared>>)
        tpu.yield
      }) : () -> ()
      %dma_start3A_99 = arith.constant 2 : i32
      %dma_start3A_100 = arith.constant 0 : i32
      %dma_start3A_101 = tpu.memref_slice %arg7[%dma_start3A_99, %dma_start3A_100] : memref<8x128xi32, #tpu.memory_space<vmem>> -> memref<1x128xi32, #tpu.memory_space<vmem>>
      %dma_start3A_102 = tpu.memref_squeeze %dma_start3A_101 : memref<1x128xi32, #tpu.memory_space<vmem>> -> memref<128xi32, #tpu.memory_space<vmem>>
      %dma_start3A_103 = arith.constant 0 : i32
      %dma_start3A_104 = arith.constant 0 : i32
      %dma_start3A_105 = tpu.memref_slice %arg2[%arg0, %dma_start3A_103, %dma_start3A_104] : memref<2x10000x128xf32, #tpu.memory_space<hbm>> -> memref<1x10000x128xf32, #tpu.memory_space<hbm>>
      %dma_start3A_106 = tpu.memref_squeeze %dma_start3A_105 : memref<1x10000x128xf32, #tpu.memory_space<hbm>> -> memref<10000x128xf32, #tpu.memory_space<hbm>>
      %dma_start3A_107 = arith.constant 0 : i32
      %dma_start3A_108 = arith.constant 0 : i32
      %dma_start3A_109 = tpu.memref_slice %dma_start3A_106[%dma_start3A_107, %dma_start3A_108] : memref<10000x128xf32, #tpu.memory_space<hbm>> -> memref<10000x128xf32, #tpu.memory_space<hbm>>
      tpu.enqueue_indirect_dma source(%dma_start3A_109 : memref<10000x128xf32, #tpu.memory_space<hbm>>) target(%arg11 : memref<128x128xf32, #tpu.memory_space<vmem>>) offsets(%dma_start3A_102 : memref<128xi32, #tpu.memory_space<vmem>>) semaphore(%arg15 : memref<!tpu.dma_semaphore, #tpu.memory_space<semaphore_mem>>)
      %dma_start3A_110 = arith.constant 3 : i32
      %dma_start3A_111 = arith.constant 0 : i32
      %dma_start3A_112 = tpu.memref_slice %arg7[%dma_start3A_110, %dma_start3A_111] : memref<8x128xi32, #tpu.memory_space<vmem>> -> memref<1x128xi32, #tpu.memory_space<vmem>>
      %dma_start3A_113 = tpu.memref_squeeze %dma_start3A_112 : memref<1x128xi32, #tpu.memory_space<vmem>> -> memref<128xi32, #tpu.memory_space<vmem>>
      %dma_start3A_114 = arith.constant 0 : i32
      %dma_start3A_115 = arith.constant 0 : i32
      %dma_start3A_116 = tpu.memref_slice %arg2[%arg0, %dma_start3A_114, %dma_start3A_115] : memref<2x10000x128xf32, #tpu.memory_space<hbm>> -> memref<1x10000x128xf32, #tpu.memory_space<hbm>>
      %dma_start3A_117 = tpu.memref_squeeze %dma_start3A_116 : memref<1x10000x128xf32, #tpu.memory_space<hbm>> -> memref<10000x128xf32, #tpu.memory_space<hbm>>
      %dma_start3A_118 = arith.constant 0 : i32
      %dma_start3A_119 = arith.constant 0 : i32
      %dma_start3A_120 = tpu.memref_slice %dma_start3A_117[%dma_start3A_118, %dma_start3A_119] : memref<10000x128xf32, #tpu.memory_space<hbm>> -> memref<10000x128xf32, #tpu.memory_space<hbm>>
      tpu.enqueue_indirect_dma source(%dma_start3A_120 : memref<10000x128xf32, #tpu.memory_space<hbm>>) target(%arg12 : memref<128x128xf32, #tpu.memory_space<vmem>>) offsets(%dma_start3A_113 : memref<128xi32, #tpu.memory_space<vmem>>) semaphore(%arg15 : memref<!tpu.dma_semaphore, #tpu.memory_space<semaphore_mem>>)
      %dma_wait3A_121 = arith.constant 2 : i32
      %dma_wait3A_122 = arith.constant 0 : i32
      %dma_wait3A_123 = tpu.memref_slice %arg7[%dma_wait3A_121, %dma_wait3A_122] : memref<8x128xi32, #tpu.memory_space<vmem>> -> memref<1x128xi32, #tpu.memory_space<vmem>>
      %dma_wait3A_124 = tpu.memref_squeeze %dma_wait3A_123 : memref<1x128xi32, #tpu.memory_space<vmem>> -> memref<128xi32, #tpu.memory_space<vmem>>
      %dma_wait3A_125 = arith.constant 0 : i32
      %dma_wait3A_126 = arith.constant 0 : i32
      %dma_wait3A_127 = tpu.memref_slice %arg2[%arg0, %dma_wait3A_125, %dma_wait3A_126] : memref<2x10000x128xf32, #tpu.memory_space<hbm>> -> memref<1x10000x128xf32, #tpu.memory_space<hbm>>
      %dma_wait3A_128 = tpu.memref_squeeze %dma_wait3A_127 : memref<1x10000x128xf32, #tpu.memory_space<hbm>> -> memref<10000x128xf32, #tpu.memory_space<hbm>>
      %dma_wait3A_129 = arith.constant 0 : i32
      %dma_wait3A_130 = arith.constant 0 : i32
      %dma_wait3A_131 = tpu.memref_slice %dma_wait3A_128[%dma_wait3A_129, %dma_wait3A_130] : memref<10000x128xf32, #tpu.memory_space<hbm>> -> memref<10000x128xf32, #tpu.memory_space<hbm>>
      tpu.wait_indirect_dma semaphore(%arg15 : memref<!tpu.dma_semaphore, #tpu.memory_space<semaphore_mem>>) src(%dma_wait3A_131 : memref<10000x128xf32, #tpu.memory_space<hbm>>) dst(%arg11 : memref<128x128xf32, #tpu.memory_space<vmem>>)
      %run_scoped3A_132 = arith.constant 2 : i32
      "tpu.region"() ({
        %run_scoped3A_430 = tpu.sem_alloc : memref<!tpu.dma_semaphore, #tpu.memory_space<semaphore_mem>>
        %dma_start3A_431 = arith.constant 0 : i32
        %dma_start3A_432 = tpu.memref_slice %arg8[%run_scoped3A_132, %dma_start3A_431] : memref<8x128xi32, #tpu.memory_space<vmem>> -> memref<1x128xi32, #tpu.memory_space<vmem>>
        %dma_start3A_433 = tpu.memref_squeeze %dma_start3A_432 : memref<1x128xi32, #tpu.memory_space<vmem>> -> memref<128xi32, #tpu.memory_space<vmem>>
        %dma_start3A_434 = arith.constant 0 : i32
        %dma_start3A_435 = arith.constant 0 : i32
        %dma_start3A_436 = tpu.memref_slice %arg14[%dma_start3A_434, %dma_start3A_435] : memref<10008x128xf32, #tpu.memory_space<vmem_shared>> -> memref<10008x128xf32, #tpu.memory_space<vmem_shared>>
        tpu.enqueue_indirect_dma source(%arg11 : memref<128x128xf32, #tpu.memory_space<vmem>>) target(%dma_start3A_436 : memref<10008x128xf32, #tpu.memory_space<vmem_shared>>) offsets(%dma_start3A_433 : memref<128xi32, #tpu.memory_space<vmem>>) semaphore(%run_scoped3A_430 : memref<!tpu.dma_semaphore, #tpu.memory_space<semaphore_mem>>) {add = true}
        %dma_wait3A_437 = arith.constant 0 : i32
        %dma_wait3A_438 = tpu.memref_slice %arg8[%run_scoped3A_132, %dma_wait3A_437] : memref<8x128xi32, #tpu.memory_space<vmem>> -> memref<1x128xi32, #tpu.memory_space<vmem>>
        %dma_wait3A_439 = tpu.memref_squeeze %dma_wait3A_438 : memref<1x128xi32, #tpu.memory_space<vmem>> -> memref<128xi32, #tpu.memory_space<vmem>>
        %dma_wait3A_440 = arith.constant 0 : i32
        %dma_wait3A_441 = arith.constant 0 : i32
        %dma_wait3A_442 = tpu.memref_slice %arg14[%dma_wait3A_440, %dma_wait3A_441] : memref<10008x128xf32, #tpu.memory_space<vmem_shared>> -> memref<10008x128xf32, #tpu.memory_space<vmem_shared>>
        tpu.wait_indirect_dma semaphore(%run_scoped3A_430 : memref<!tpu.dma_semaphore, #tpu.memory_space<semaphore_mem>>) src(%arg11 : memref<128x128xf32, #tpu.memory_space<vmem>>) dst(%dma_wait3A_442 : memref<10008x128xf32, #tpu.memory_space<vmem_shared>>)
        tpu.yield
      }) : () -> ()
      %dma_wait3A_133 = arith.constant 3 : i32
      %dma_wait3A_134 = arith.constant 0 : i32
      %dma_wait3A_135 = tpu.memref_slice %arg7[%dma_wait3A_133, %dma_wait3A_134] : memref<8x128xi32, #tpu.memory_space<vmem>> -> memref<1x128xi32, #tpu.memory_space<vmem>>
      %dma_wait3A_136 = tpu.memref_squeeze %dma_wait3A_135 : memref<1x128xi32, #tpu.memory_space<vmem>> -> memref<128xi32, #tpu.memory_space<vmem>>
      %dma_wait3A_137 = arith.constant 0 : i32
      %dma_wait3A_138 = arith.constant 0 : i32
      %dma_wait3A_139 = tpu.memref_slice %arg2[%arg0, %dma_wait3A_137, %dma_wait3A_138] : memref<2x10000x128xf32, #tpu.memory_space<hbm>> -> memref<1x10000x128xf32, #tpu.memory_space<hbm>>
      %dma_wait3A_140 = tpu.memref_squeeze %dma_wait3A_139 : memref<1x10000x128xf32, #tpu.memory_space<hbm>> -> memref<10000x128xf32, #tpu.memory_space<hbm>>
      %dma_wait3A_141 = arith.constant 0 : i32
      %dma_wait3A_142 = arith.constant 0 : i32
      %dma_wait3A_143 = tpu.memref_slice %dma_wait3A_140[%dma_wait3A_141, %dma_wait3A_142] : memref<10000x128xf32, #tpu.memory_space<hbm>> -> memref<10000x128xf32, #tpu.memory_space<hbm>>
      tpu.wait_indirect_dma semaphore(%arg15 : memref<!tpu.dma_semaphore, #tpu.memory_space<semaphore_mem>>) src(%dma_wait3A_143 : memref<10000x128xf32, #tpu.memory_space<hbm>>) dst(%arg12 : memref<128x128xf32, #tpu.memory_space<vmem>>)
      %run_scoped3A_144 = arith.constant 3 : i32
      "tpu.region"() ({
        %run_scoped3A_430 = tpu.sem_alloc : memref<!tpu.dma_semaphore, #tpu.memory_space<semaphore_mem>>
        %dma_start3A_431 = arith.constant 0 : i32
        %dma_start3A_432 = tpu.memref_slice %arg8[%run_scoped3A_144, %dma_start3A_431] : memref<8x128xi32, #tpu.memory_space<vmem>> -> memref<1x128xi32, #tpu.memory_space<vmem>>
        %dma_start3A_433 = tpu.memref_squeeze %dma_start3A_432 : memref<1x128xi32, #tpu.memory_space<vmem>> -> memref<128xi32, #tpu.memory_space<vmem>>
        %dma_start3A_434 = arith.constant 0 : i32
        %dma_start3A_435 = arith.constant 0 : i32
        %dma_start3A_436 = tpu.memref_slice %arg14[%dma_start3A_434, %dma_start3A_435] : memref<10008x128xf32, #tpu.memory_space<vmem_shared>> -> memref<10008x128xf32, #tpu.memory_space<vmem_shared>>
        tpu.enqueue_indirect_dma source(%arg12 : memref<128x128xf32, #tpu.memory_space<vmem>>) target(%dma_start3A_436 : memref<10008x128xf32, #tpu.memory_space<vmem_shared>>) offsets(%dma_start3A_433 : memref<128xi32, #tpu.memory_space<vmem>>) semaphore(%run_scoped3A_430 : memref<!tpu.dma_semaphore, #tpu.memory_space<semaphore_mem>>) {add = true}
        %dma_wait3A_437 = arith.constant 0 : i32
        %dma_wait3A_438 = tpu.memref_slice %arg8[%run_scoped3A_144, %dma_wait3A_437] : memref<8x128xi32, #tpu.memory_space<vmem>> -> memref<1x128xi32, #tpu.memory_space<vmem>>
        %dma_wait3A_439 = tpu.memref_squeeze %dma_wait3A_438 : memref<1x128xi32, #tpu.memory_space<vmem>> -> memref<128xi32, #tpu.memory_space<vmem>>
        %dma_wait3A_440 = arith.constant 0 : i32
        %dma_wait3A_441 = arith.constant 0 : i32
        %dma_wait3A_442 = tpu.memref_slice %arg14[%dma_wait3A_440, %dma_wait3A_441] : memref<10008x128xf32, #tpu.memory_space<vmem_shared>> -> memref<10008x128xf32, #tpu.memory_space<vmem_shared>>
        tpu.wait_indirect_dma semaphore(%run_scoped3A_430 : memref<!tpu.dma_semaphore, #tpu.memory_space<semaphore_mem>>) src(%arg12 : memref<128x128xf32, #tpu.memory_space<vmem>>) dst(%dma_wait3A_442 : memref<10008x128xf32, #tpu.memory_space<vmem_shared>>)
        tpu.yield
      }) : () -> ()
      %dma_start3A_145 = arith.constant 4 : i32
      %dma_start3A_146 = arith.constant 0 : i32
      %dma_start3A_147 = tpu.memref_slice %arg7[%dma_start3A_145, %dma_start3A_146] : memref<8x128xi32, #tpu.memory_space<vmem>> -> memref<1x128xi32, #tpu.memory_space<vmem>>
      %dma_start3A_148 = tpu.memref_squeeze %dma_start3A_147 : memref<1x128xi32, #tpu.memory_space<vmem>> -> memref<128xi32, #tpu.memory_space<vmem>>
      %dma_start3A_149 = arith.constant 0 : i32
      %dma_start3A_150 = arith.constant 0 : i32
      %dma_start3A_151 = tpu.memref_slice %arg2[%arg0, %dma_start3A_149, %dma_start3A_150] : memref<2x10000x128xf32, #tpu.memory_space<hbm>> -> memref<1x10000x128xf32, #tpu.memory_space<hbm>>
      %dma_start3A_152 = tpu.memref_squeeze %dma_start3A_151 : memref<1x10000x128xf32, #tpu.memory_space<hbm>> -> memref<10000x128xf32, #tpu.memory_space<hbm>>
      %dma_start3A_153 = arith.constant 0 : i32
      %dma_start3A_154 = arith.constant 0 : i32
      %dma_start3A_155 = tpu.memref_slice %dma_start3A_152[%dma_start3A_153, %dma_start3A_154] : memref<10000x128xf32, #tpu.memory_space<hbm>> -> memref<10000x128xf32, #tpu.memory_space<hbm>>
      tpu.enqueue_indirect_dma source(%dma_start3A_155 : memref<10000x128xf32, #tpu.memory_space<hbm>>) target(%arg11 : memref<128x128xf32, #tpu.memory_space<vmem>>) offsets(%dma_start3A_148 : memref<128xi32, #tpu.memory_space<vmem>>) semaphore(%arg15 : memref<!tpu.dma_semaphore, #tpu.memory_space<semaphore_mem>>)
      %dma_start3A_156 = arith.constant 5 : i32
      %dma_start3A_157 = arith.constant 0 : i32
      %dma_start3A_158 = tpu.memref_slice %arg7[%dma_start3A_156, %dma_start3A_157] : memref<8x128xi32, #tpu.memory_space<vmem>> -> memref<1x128xi32, #tpu.memory_space<vmem>>
      %dma_start3A_159 = tpu.memref_squeeze %dma_start3A_158 : memref<1x128xi32, #tpu.memory_space<vmem>> -> memref<128xi32, #tpu.memory_space<vmem>>
      %dma_start3A_160 = arith.constant 0 : i32
      %dma_start3A_161 = arith.constant 0 : i32
      %dma_start3A_162 = tpu.memref_slice %arg2[%arg0, %dma_start3A_160, %dma_start3A_161] : memref<2x10000x128xf32, #tpu.memory_space<hbm>> -> memref<1x10000x128xf32, #tpu.memory_space<hbm>>
      %dma_start3A_163 = tpu.memref_squeeze %dma_start3A_162 : memref<1x10000x128xf32, #tpu.memory_space<hbm>> -> memref<10000x128xf32, #tpu.memory_space<hbm>>
      %dma_start3A_164 = arith.constant 0 : i32
      %dma_start3A_165 = arith.constant 0 : i32
      %dma_start3A_166 = tpu.memref_slice %dma_start3A_163[%dma_start3A_164, %dma_start3A_165] : memref<10000x128xf32, #tpu.memory_space<hbm>> -> memref<10000x128xf32, #tpu.memory_space<hbm>>
      tpu.enqueue_indirect_dma source(%dma_start3A_166 : memref<10000x128xf32, #tpu.memory_space<hbm>>) target(%arg12 : memref<128x128xf32, #tpu.memory_space<vmem>>) offsets(%dma_start3A_159 : memref<128xi32, #tpu.memory_space<vmem>>) semaphore(%arg15 : memref<!tpu.dma_semaphore, #tpu.memory_space<semaphore_mem>>)
      %dma_wait3A_167 = arith.constant 4 : i32
      %dma_wait3A_168 = arith.constant 0 : i32
      %dma_wait3A_169 = tpu.memref_slice %arg7[%dma_wait3A_167, %dma_wait3A_168] : memref<8x128xi32, #tpu.memory_space<vmem>> -> memref<1x128xi32, #tpu.memory_space<vmem>>
      %dma_wait3A_170 = tpu.memref_squeeze %dma_wait3A_169 : memref<1x128xi32, #tpu.memory_space<vmem>> -> memref<128xi32, #tpu.memory_space<vmem>>
      %dma_wait3A_171 = arith.constant 0 : i32
      %dma_wait3A_172 = arith.constant 0 : i32
      %dma_wait3A_173 = tpu.memref_slice %arg2[%arg0, %dma_wait3A_171, %dma_wait3A_172] : memref<2x10000x128xf32, #tpu.memory_space<hbm>> -> memref<1x10000x128xf32, #tpu.memory_space<hbm>>
      %dma_wait3A_174 = tpu.memref_squeeze %dma_wait3A_173 : memref<1x10000x128xf32, #tpu.memory_space<hbm>> -> memref<10000x128xf32, #tpu.memory_space<hbm>>
      %dma_wait3A_175 = arith.constant 0 : i32
      %dma_wait3A_176 = arith.constant 0 : i32
      %dma_wait3A_177 = tpu.memref_slice %dma_wait3A_174[%dma_wait3A_175, %dma_wait3A_176] : memref<10000x128xf32, #tpu.memory_space<hbm>> -> memref<10000x128xf32, #tpu.memory_space<hbm>>
      tpu.wait_indirect_dma semaphore(%arg15 : memref<!tpu.dma_semaphore, #tpu.memory_space<semaphore_mem>>) src(%dma_wait3A_177 : memref<10000x128xf32, #tpu.memory_space<hbm>>) dst(%arg11 : memref<128x128xf32, #tpu.memory_space<vmem>>)
      %run_scoped3A_178 = arith.constant 4 : i32
      "tpu.region"() ({
        %run_scoped3A_430 = tpu.sem_alloc : memref<!tpu.dma_semaphore, #tpu.memory_space<semaphore_mem>>
        %dma_start3A_431 = arith.constant 0 : i32
        %dma_start3A_432 = tpu.memref_slice %arg8[%run_scoped3A_178, %dma_start3A_431] : memref<8x128xi32, #tpu.memory_space<vmem>> -> memref<1x128xi32, #tpu.memory_space<vmem>>
        %dma_start3A_433 = tpu.memref_squeeze %dma_start3A_432 : memref<1x128xi32, #tpu.memory_space<vmem>> -> memref<128xi32, #tpu.memory_space<vmem>>
        %dma_start3A_434 = arith.constant 0 : i32
        %dma_start3A_435 = arith.constant 0 : i32
        %dma_start3A_436 = tpu.memref_slice %arg14[%dma_start3A_434, %dma_start3A_435] : memref<10008x128xf32, #tpu.memory_space<vmem_shared>> -> memref<10008x128xf32, #tpu.memory_space<vmem_shared>>
        tpu.enqueue_indirect_dma source(%arg11 : memref<128x128xf32, #tpu.memory_space<vmem>>) target(%dma_start3A_436 : memref<10008x128xf32, #tpu.memory_space<vmem_shared>>) offsets(%dma_start3A_433 : memref<128xi32, #tpu.memory_space<vmem>>) semaphore(%run_scoped3A_430 : memref<!tpu.dma_semaphore, #tpu.memory_space<semaphore_mem>>) {add = true}
        %dma_wait3A_437 = arith.constant 0 : i32
        %dma_wait3A_438 = tpu.memref_slice %arg8[%run_scoped3A_178, %dma_wait3A_437] : memref<8x128xi32, #tpu.memory_space<vmem>> -> memref<1x128xi32, #tpu.memory_space<vmem>>
        %dma_wait3A_439 = tpu.memref_squeeze %dma_wait3A_438 : memref<1x128xi32, #tpu.memory_space<vmem>> -> memref<128xi32, #tpu.memory_space<vmem>>
        %dma_wait3A_440 = arith.constant 0 : i32
        %dma_wait3A_441 = arith.constant 0 : i32
        %dma_wait3A_442 = tpu.memref_slice %arg14[%dma_wait3A_440, %dma_wait3A_441] : memref<10008x128xf32, #tpu.memory_space<vmem_shared>> -> memref<10008x128xf32, #tpu.memory_space<vmem_shared>>
        tpu.wait_indirect_dma semaphore(%run_scoped3A_430 : memref<!tpu.dma_semaphore, #tpu.memory_space<semaphore_mem>>) src(%arg11 : memref<128x128xf32, #tpu.memory_space<vmem>>) dst(%dma_wait3A_442 : memref<10008x128xf32, #tpu.memory_space<vmem_shared>>)
        tpu.yield
      }) : () -> ()
      %dma_wait3A_179 = arith.constant 5 : i32
      %dma_wait3A_180 = arith.constant 0 : i32
      %dma_wait3A_181 = tpu.memref_slice %arg7[%dma_wait3A_179, %dma_wait3A_180] : memref<8x128xi32, #tpu.memory_space<vmem>> -> memref<1x128xi32, #tpu.memory_space<vmem>>
      %dma_wait3A_182 = tpu.memref_squeeze %dma_wait3A_181 : memref<1x128xi32, #tpu.memory_space<vmem>> -> memref<128xi32, #tpu.memory_space<vmem>>
      %dma_wait3A_183 = arith.constant 0 : i32
      %dma_wait3A_184 = arith.constant 0 : i32
      %dma_wait3A_185 = tpu.memref_slice %arg2[%arg0, %dma_wait3A_183, %dma_wait3A_184] : memref<2x10000x128xf32, #tpu.memory_space<hbm>> -> memref<1x10000x128xf32, #tpu.memory_space<hbm>>
      %dma_wait3A_186 = tpu.memref_squeeze %dma_wait3A_185 : memref<1x10000x128xf32, #tpu.memory_space<hbm>> -> memref<10000x128xf32, #tpu.memory_space<hbm>>
      %dma_wait3A_187 = arith.constant 0 : i32
      %dma_wait3A_188 = arith.constant 0 : i32
      %dma_wait3A_189 = tpu.memref_slice %dma_wait3A_186[%dma_wait3A_187, %dma_wait3A_188] : memref<10000x128xf32, #tpu.memory_space<hbm>> -> memref<10000x128xf32, #tpu.memory_space<hbm>>
      tpu.wait_indirect_dma semaphore(%arg15 : memref<!tpu.dma_semaphore, #tpu.memory_space<semaphore_mem>>) src(%dma_wait3A_189 : memref<10000x128xf32, #tpu.memory_space<hbm>>) dst(%arg12 : memref<128x128xf32, #tpu.memory_space<vmem>>)
      %run_scoped3A_190 = arith.constant 5 : i32
      "tpu.region"() ({
        %run_scoped3A_430 = tpu.sem_alloc : memref<!tpu.dma_semaphore, #tpu.memory_space<semaphore_mem>>
        %dma_start3A_431 = arith.constant 0 : i32
        %dma_start3A_432 = tpu.memref_slice %arg8[%run_scoped3A_190, %dma_start3A_431] : memref<8x128xi32, #tpu.memory_space<vmem>> -> memref<1x128xi32, #tpu.memory_space<vmem>>
        %dma_start3A_433 = tpu.memref_squeeze %dma_start3A_432 : memref<1x128xi32, #tpu.memory_space<vmem>> -> memref<128xi32, #tpu.memory_space<vmem>>
        %dma_start3A_434 = arith.constant 0 : i32
        %dma_start3A_435 = arith.constant 0 : i32
        %dma_start3A_436 = tpu.memref_slice %arg14[%dma_start3A_434, %dma_start3A_435] : memref<10008x128xf32, #tpu.memory_space<vmem_shared>> -> memref<10008x128xf32, #tpu.memory_space<vmem_shared>>
        tpu.enqueue_indirect_dma source(%arg12 : memref<128x128xf32, #tpu.memory_space<vmem>>) target(%dma_start3A_436 : memref<10008x128xf32, #tpu.memory_space<vmem_shared>>) offsets(%dma_start3A_433 : memref<128xi32, #tpu.memory_space<vmem>>) semaphore(%run_scoped3A_430 : memref<!tpu.dma_semaphore, #tpu.memory_space<semaphore_mem>>) {add = true}
        %dma_wait3A_437 = arith.constant 0 : i32
        %dma_wait3A_438 = tpu.memref_slice %arg8[%run_scoped3A_190, %dma_wait3A_437] : memref<8x128xi32, #tpu.memory_space<vmem>> -> memref<1x128xi32, #tpu.memory_space<vmem>>
        %dma_wait3A_439 = tpu.memref_squeeze %dma_wait3A_438 : memref<1x128xi32, #tpu.memory_space<vmem>> -> memref<128xi32, #tpu.memory_space<vmem>>
        %dma_wait3A_440 = arith.constant 0 : i32
        %dma_wait3A_441 = arith.constant 0 : i32
        %dma_wait3A_442 = tpu.memref_slice %arg14[%dma_wait3A_440, %dma_wait3A_441] : memref<10008x128xf32, #tpu.memory_space<vmem_shared>> -> memref<10008x128xf32, #tpu.memory_space<vmem_shared>>
        tpu.wait_indirect_dma semaphore(%run_scoped3A_430 : memref<!tpu.dma_semaphore, #tpu.memory_space<semaphore_mem>>) src(%arg12 : memref<128x128xf32, #tpu.memory_space<vmem>>) dst(%dma_wait3A_442 : memref<10008x128xf32, #tpu.memory_space<vmem_shared>>)
        tpu.yield
      }) : () -> ()
      %dma_start3A_191 = arith.constant 6 : i32
      %dma_start3A_192 = arith.constant 0 : i32
      %dma_start3A_193 = tpu.memref_slice %arg7[%dma_start3A_191, %dma_start3A_192] : memref<8x128xi32, #tpu.memory_space<vmem>> -> memref<1x128xi32, #tpu.memory_space<vmem>>
      %dma_start3A_194 = tpu.memref_squeeze %dma_start3A_193 : memref<1x128xi32, #tpu.memory_space<vmem>> -> memref<128xi32, #tpu.memory_space<vmem>>
      %dma_start3A_195 = arith.constant 0 : i32
      %dma_start3A_196 = arith.constant 0 : i32
      %dma_start3A_197 = tpu.memref_slice %arg2[%arg0, %dma_start3A_195, %dma_start3A_196] : memref<2x10000x128xf32, #tpu.memory_space<hbm>> -> memref<1x10000x128xf32, #tpu.memory_space<hbm>>
      %dma_start3A_198 = tpu.memref_squeeze %dma_start3A_197 : memref<1x10000x128xf32, #tpu.memory_space<hbm>> -> memref<10000x128xf32, #tpu.memory_space<hbm>>
      %dma_start3A_199 = arith.constant 0 : i32
      %dma_start3A_200 = arith.constant 0 : i32
      %dma_start3A_201 = tpu.memref_slice %dma_start3A_198[%dma_start3A_199, %dma_start3A_200] : memref<10000x128xf32, #tpu.memory_space<hbm>> -> memref<10000x128xf32, #tpu.memory_space<hbm>>
      tpu.enqueue_indirect_dma source(%dma_start3A_201 : memref<10000x128xf32, #tpu.memory_space<hbm>>) target(%arg11 : memref<128x128xf32, #tpu.memory_space<vmem>>) offsets(%dma_start3A_194 : memref<128xi32, #tpu.memory_space<vmem>>) semaphore(%arg15 : memref<!tpu.dma_semaphore, #tpu.memory_space<semaphore_mem>>)
      %dma_start3A_202 = arith.constant 7 : i32
      %dma_start3A_203 = arith.constant 0 : i32
      %dma_start3A_204 = tpu.memref_slice %arg7[%dma_start3A_202, %dma_start3A_203] : memref<8x128xi32, #tpu.memory_space<vmem>> -> memref<1x128xi32, #tpu.memory_space<vmem>>
      %dma_start3A_205 = tpu.memref_squeeze %dma_start3A_204 : memref<1x128xi32, #tpu.memory_space<vmem>> -> memref<128xi32, #tpu.memory_space<vmem>>
      %dma_start3A_206 = arith.constant 0 : i32
      %dma_start3A_207 = arith.constant 0 : i32
      %dma_start3A_208 = tpu.memref_slice %arg2[%arg0, %dma_start3A_206, %dma_start3A_207] : memref<2x10000x128xf32, #tpu.memory_space<hbm>> -> memref<1x10000x128xf32, #tpu.memory_space<hbm>>
      %dma_start3A_209 = tpu.memref_squeeze %dma_start3A_208 : memref<1x10000x128xf32, #tpu.memory_space<hbm>> -> memref<10000x128xf32, #tpu.memory_space<hbm>>
      %dma_start3A_210 = arith.constant 0 : i32
      %dma_start3A_211 = arith.constant 0 : i32
      %dma_start3A_212 = tpu.memref_slice %dma_start3A_209[%dma_start3A_210, %dma_start3A_211] : memref<10000x128xf32, #tpu.memory_space<hbm>> -> memref<10000x128xf32, #tpu.memory_space<hbm>>
      tpu.enqueue_indirect_dma source(%dma_start3A_212 : memref<10000x128xf32, #tpu.memory_space<hbm>>) target(%arg12 : memref<128x128xf32, #tpu.memory_space<vmem>>) offsets(%dma_start3A_205 : memref<128xi32, #tpu.memory_space<vmem>>) semaphore(%arg15 : memref<!tpu.dma_semaphore, #tpu.memory_space<semaphore_mem>>)
      %dma_wait3A_213 = arith.constant 6 : i32
      %dma_wait3A_214 = arith.constant 0 : i32
      %dma_wait3A_215 = tpu.memref_slice %arg7[%dma_wait3A_213, %dma_wait3A_214] : memref<8x128xi32, #tpu.memory_space<vmem>> -> memref<1x128xi32, #tpu.memory_space<vmem>>
      %dma_wait3A_216 = tpu.memref_squeeze %dma_wait3A_215 : memref<1x128xi32, #tpu.memory_space<vmem>> -> memref<128xi32, #tpu.memory_space<vmem>>
      %dma_wait3A_217 = arith.constant 0 : i32
      %dma_wait3A_218 = arith.constant 0 : i32
      %dma_wait3A_219 = tpu.memref_slice %arg2[%arg0, %dma_wait3A_217, %dma_wait3A_218] : memref<2x10000x128xf32, #tpu.memory_space<hbm>> -> memref<1x10000x128xf32, #tpu.memory_space<hbm>>
      %dma_wait3A_220 = tpu.memref_squeeze %dma_wait3A_219 : memref<1x10000x128xf32, #tpu.memory_space<hbm>> -> memref<10000x128xf32, #tpu.memory_space<hbm>>
      %dma_wait3A_221 = arith.constant 0 : i32
      %dma_wait3A_222 = arith.constant 0 : i32
      %dma_wait3A_223 = tpu.memref_slice %dma_wait3A_220[%dma_wait3A_221, %dma_wait3A_222] : memref<10000x128xf32, #tpu.memory_space<hbm>> -> memref<10000x128xf32, #tpu.memory_space<hbm>>
      tpu.wait_indirect_dma semaphore(%arg15 : memref<!tpu.dma_semaphore, #tpu.memory_space<semaphore_mem>>) src(%dma_wait3A_223 : memref<10000x128xf32, #tpu.memory_space<hbm>>) dst(%arg11 : memref<128x128xf32, #tpu.memory_space<vmem>>)
      %run_scoped3A_224 = arith.constant 6 : i32
      "tpu.region"() ({
        %run_scoped3A_430 = tpu.sem_alloc : memref<!tpu.dma_semaphore, #tpu.memory_space<semaphore_mem>>
        %dma_start3A_431 = arith.constant 0 : i32
        %dma_start3A_432 = tpu.memref_slice %arg8[%run_scoped3A_224, %dma_start3A_431] : memref<8x128xi32, #tpu.memory_space<vmem>> -> memref<1x128xi32, #tpu.memory_space<vmem>>
        %dma_start3A_433 = tpu.memref_squeeze %dma_start3A_432 : memref<1x128xi32, #tpu.memory_space<vmem>> -> memref<128xi32, #tpu.memory_space<vmem>>
        %dma_start3A_434 = arith.constant 0 : i32
        %dma_start3A_435 = arith.constant 0 : i32
        %dma_start3A_436 = tpu.memref_slice %arg14[%dma_start3A_434, %dma_start3A_435] : memref<10008x128xf32, #tpu.memory_space<vmem_shared>> -> memref<10008x128xf32, #tpu.memory_space<vmem_shared>>
        tpu.enqueue_indirect_dma source(%arg11 : memref<128x128xf32, #tpu.memory_space<vmem>>) target(%dma_start3A_436 : memref<10008x128xf32, #tpu.memory_space<vmem_shared>>) offsets(%dma_start3A_433 : memref<128xi32, #tpu.memory_space<vmem>>) semaphore(%run_scoped3A_430 : memref<!tpu.dma_semaphore, #tpu.memory_space<semaphore_mem>>) {add = true}
        %dma_wait3A_437 = arith.constant 0 : i32
        %dma_wait3A_438 = tpu.memref_slice %arg8[%run_scoped3A_224, %dma_wait3A_437] : memref<8x128xi32, #tpu.memory_space<vmem>> -> memref<1x128xi32, #tpu.memory_space<vmem>>
        %dma_wait3A_439 = tpu.memref_squeeze %dma_wait3A_438 : memref<1x128xi32, #tpu.memory_space<vmem>> -> memref<128xi32, #tpu.memory_space<vmem>>
        %dma_wait3A_440 = arith.constant 0 : i32
        %dma_wait3A_441 = arith.constant 0 : i32
        %dma_wait3A_442 = tpu.memref_slice %arg14[%dma_wait3A_440, %dma_wait3A_441] : memref<10008x128xf32, #tpu.memory_space<vmem_shared>> -> memref<10008x128xf32, #tpu.memory_space<vmem_shared>>
        tpu.wait_indirect_dma semaphore(%run_scoped3A_430 : memref<!tpu.dma_semaphore, #tpu.memory_space<semaphore_mem>>) src(%arg11 : memref<128x128xf32, #tpu.memory_space<vmem>>) dst(%dma_wait3A_442 : memref<10008x128xf32, #tpu.memory_space<vmem_shared>>)
        tpu.yield
      }) : () -> ()
      %dma_wait3A_225 = arith.constant 7 : i32
      %dma_wait3A_226 = arith.constant 0 : i32
      %dma_wait3A_227 = tpu.memref_slice %arg7[%dma_wait3A_225, %dma_wait3A_226] : memref<8x128xi32, #tpu.memory_space<vmem>> -> memref<1x128xi32, #tpu.memory_space<vmem>>
      %dma_wait3A_228 = tpu.memref_squeeze %dma_wait3A_227 : memref<1x128xi32, #tpu.memory_space<vmem>> -> memref<128xi32, #tpu.memory_space<vmem>>
      %dma_wait3A_229 = arith.constant 0 : i32
      %dma_wait3A_230 = arith.constant 0 : i32
      %dma_wait3A_231 = tpu.memref_slice %arg2[%arg0, %dma_wait3A_229, %dma_wait3A_230] : memref<2x10000x128xf32, #tpu.memory_space<hbm>> -> memref<1x10000x128xf32, #tpu.memory_space<hbm>>
      %dma_wait3A_232 = tpu.memref_squeeze %dma_wait3A_231 : memref<1x10000x128xf32, #tpu.memory_space<hbm>> -> memref<10000x128xf32, #tpu.memory_space<hbm>>
      %dma_wait3A_233 = arith.constant 0 : i32
      %dma_wait3A_234 = arith.constant 0 : i32
      %dma_wait3A_235 = tpu.memref_slice %dma_wait3A_232[%dma_wait3A_233, %dma_wait3A_234] : memref<10000x128xf32, #tpu.memory_space<hbm>> -> memref<10000x128xf32, #tpu.memory_space<hbm>>
      tpu.wait_indirect_dma semaphore(%arg15 : memref<!tpu.dma_semaphore, #tpu.memory_space<semaphore_mem>>) src(%dma_wait3A_235 : memref<10000x128xf32, #tpu.memory_space<hbm>>) dst(%arg12 : memref<128x128xf32, #tpu.memory_space<vmem>>)
      %run_scoped3A_236 = arith.constant 7 : i32
      "tpu.region"() ({
        %run_scoped3A_430 = tpu.sem_alloc : memref<!tpu.dma_semaphore, #tpu.memory_space<semaphore_mem>>
        %dma_start3A_431 = arith.constant 0 : i32
        %dma_start3A_432 = tpu.memref_slice %arg8[%run_scoped3A_236, %dma_start3A_431] : memref<8x128xi32, #tpu.memory_space<vmem>> -> memref<1x128xi32, #tpu.memory_space<vmem>>
        %dma_start3A_433 = tpu.memref_squeeze %dma_start3A_432 : memref<1x128xi32, #tpu.memory_space<vmem>> -> memref<128xi32, #tpu.memory_space<vmem>>
        %dma_start3A_434 = arith.constant 0 : i32
        %dma_start3A_435 = arith.constant 0 : i32
        %dma_start3A_436 = tpu.memref_slice %arg14[%dma_start3A_434, %dma_start3A_435] : memref<10008x128xf32, #tpu.memory_space<vmem_shared>> -> memref<10008x128xf32, #tpu.memory_space<vmem_shared>>
        tpu.enqueue_indirect_dma source(%arg12 : memref<128x128xf32, #tpu.memory_space<vmem>>) target(%dma_start3A_436 : memref<10008x128xf32, #tpu.memory_space<vmem_shared>>) offsets(%dma_start3A_433 : memref<128xi32, #tpu.memory_space<vmem>>) semaphore(%run_scoped3A_430 : memref<!tpu.dma_semaphore, #tpu.memory_space<semaphore_mem>>) {add = true}
        %dma_wait3A_437 = arith.constant 0 : i32
        %dma_wait3A_438 = tpu.memref_slice %arg8[%run_scoped3A_236, %dma_wait3A_437] : memref<8x128xi32, #tpu.memory_space<vmem>> -> memref<1x128xi32, #tpu.memory_space<vmem>>
        %dma_wait3A_439 = tpu.memref_squeeze %dma_wait3A_438 : memref<1x128xi32, #tpu.memory_space<vmem>> -> memref<128xi32, #tpu.memory_space<vmem>>
        %dma_wait3A_440 = arith.constant 0 : i32
        %dma_wait3A_441 = arith.constant 0 : i32
        %dma_wait3A_442 = tpu.memref_slice %arg14[%dma_wait3A_440, %dma_wait3A_441] : memref<10008x128xf32, #tpu.memory_space<vmem_shared>> -> memref<10008x128xf32, #tpu.memory_space<vmem_shared>>
        tpu.wait_indirect_dma semaphore(%run_scoped3A_430 : memref<!tpu.dma_semaphore, #tpu.memory_space<semaphore_mem>>) src(%arg12 : memref<128x128xf32, #tpu.memory_space<vmem>>) dst(%dma_wait3A_442 : memref<10008x128xf32, #tpu.memory_space<vmem_shared>>)
        tpu.yield
      }) : () -> ()
      %dma_wait3A_237 = arith.constant 0 : i32
      %dma_wait3A_238 = tpu.memref_slice %arg3[%add3A_45, %dma_wait3A_237] : memref<2560x128xi32, #tpu.memory_space<hbm>> -> memref<8x128xi32, #tpu.memory_space<hbm>>
      %dma_wait3A_239 = arith.constant 0 : i32
      %dma_wait3A_240 = tpu.memref_slice %arg3[%add3A_45, %dma_wait3A_239] : memref<2560x128xi32, #tpu.memory_space<hbm>> -> memref<8x128xi32, #tpu.memory_space<hbm>>
      tpu.wait_dma2 semaphore(%arg17 : memref<!tpu.dma_semaphore, #tpu.memory_space<semaphore_mem>>) src(%dma_wait3A_240 : memref<8x128xi32, #tpu.memory_space<hbm>>) dst(%arg9 : memref<8x128xi32, #tpu.memory_space<vmem>>)
      %dma_wait3A_241 = arith.constant 0 : i32
      %dma_wait3A_242 = tpu.memref_slice %arg4[%add3A_50, %dma_wait3A_241] : memref<2560x128xi32, #tpu.memory_space<hbm>> -> memref<8x128xi32, #tpu.memory_space<hbm>>
      %dma_wait3A_243 = arith.constant 0 : i32
      %dma_wait3A_244 = tpu.memref_slice %arg4[%add3A_50, %dma_wait3A_243] : memref<2560x128xi32, #tpu.memory_space<hbm>> -> memref<8x128xi32, #tpu.memory_space<hbm>>
      tpu.wait_dma2 semaphore(%arg17 : memref<!tpu.dma_semaphore, #tpu.memory_space<semaphore_mem>>) src(%dma_wait3A_244 : memref<8x128xi32, #tpu.memory_space<hbm>>) dst(%arg10 : memref<8x128xi32, #tpu.memory_space<vmem>>)
      %dma_start3A_245 = arith.constant 0 : i32
      %dma_start3A_246 = arith.constant 0 : i32
      %dma_start3A_247 = tpu.memref_slice %arg9[%dma_start3A_245, %dma_start3A_246] : memref<8x128xi32, #tpu.memory_space<vmem>> -> memref<1x128xi32, #tpu.memory_space<vmem>>
      %dma_start3A_248 = tpu.memref_squeeze %dma_start3A_247 : memref<1x128xi32, #tpu.memory_space<vmem>> -> memref<128xi32, #tpu.memory_space<vmem>>
      %dma_start3A_249 = arith.constant 0 : i32
      %dma_start3A_250 = arith.constant 0 : i32
      %dma_start3A_251 = tpu.memref_slice %arg2[%arg0, %dma_start3A_249, %dma_start3A_250] : memref<2x10000x128xf32, #tpu.memory_space<hbm>> -> memref<1x10000x128xf32, #tpu.memory_space<hbm>>
      %dma_start3A_252 = tpu.memref_squeeze %dma_start3A_251 : memref<1x10000x128xf32, #tpu.memory_space<hbm>> -> memref<10000x128xf32, #tpu.memory_space<hbm>>
      %dma_start3A_253 = arith.constant 0 : i32
      %dma_start3A_254 = arith.constant 0 : i32
      %dma_start3A_255 = tpu.memref_slice %dma_start3A_252[%dma_start3A_253, %dma_start3A_254] : memref<10000x128xf32, #tpu.memory_space<hbm>> -> memref<10000x128xf32, #tpu.memory_space<hbm>>
      tpu.enqueue_indirect_dma source(%dma_start3A_255 : memref<10000x128xf32, #tpu.memory_space<hbm>>) target(%arg11 : memref<128x128xf32, #tpu.memory_space<vmem>>) offsets(%dma_start3A_248 : memref<128xi32, #tpu.memory_space<vmem>>) semaphore(%arg15 : memref<!tpu.dma_semaphore, #tpu.memory_space<semaphore_mem>>)
      %dma_start3A_256 = arith.constant 1 : i32
      %dma_start3A_257 = arith.constant 0 : i32
      %dma_start3A_258 = tpu.memref_slice %arg9[%dma_start3A_256, %dma_start3A_257] : memref<8x128xi32, #tpu.memory_space<vmem>> -> memref<1x128xi32, #tpu.memory_space<vmem>>
      %dma_start3A_259 = tpu.memref_squeeze %dma_start3A_258 : memref<1x128xi32, #tpu.memory_space<vmem>> -> memref<128xi32, #tpu.memory_space<vmem>>
      %dma_start3A_260 = arith.constant 0 : i32
      %dma_start3A_261 = arith.constant 0 : i32
      %dma_start3A_262 = tpu.memref_slice %arg2[%arg0, %dma_start3A_260, %dma_start3A_261] : memref<2x10000x128xf32, #tpu.memory_space<hbm>> -> memref<1x10000x128xf32, #tpu.memory_space<hbm>>
      %dma_start3A_263 = tpu.memref_squeeze %dma_start3A_262 : memref<1x10000x128xf32, #tpu.memory_space<hbm>> -> memref<10000x128xf32, #tpu.memory_space<hbm>>
      %dma_start3A_264 = arith.constant 0 : i32
      %dma_start3A_265 = arith.constant 0 : i32
      %dma_start3A_266 = tpu.memref_slice %dma_start3A_263[%dma_start3A_264, %dma_start3A_265] : memref<10000x128xf32, #tpu.memory_space<hbm>> -> memref<10000x128xf32, #tpu.memory_space<hbm>>
      tpu.enqueue_indirect_dma source(%dma_start3A_266 : memref<10000x128xf32, #tpu.memory_space<hbm>>) target(%arg12 : memref<128x128xf32, #tpu.memory_space<vmem>>) offsets(%dma_start3A_259 : memref<128xi32, #tpu.memory_space<vmem>>) semaphore(%arg15 : memref<!tpu.dma_semaphore, #tpu.memory_space<semaphore_mem>>)
      %dma_wait3A_267 = arith.constant 0 : i32
      %dma_wait3A_268 = arith.constant 0 : i32
      %dma_wait3A_269 = tpu.memref_slice %arg9[%dma_wait3A_267, %dma_wait3A_268] : memref<8x128xi32, #tpu.memory_space<vmem>> -> memref<1x128xi32, #tpu.memory_space<vmem>>
      %dma_wait3A_270 = tpu.memref_squeeze %dma_wait3A_269 : memref<1x128xi32, #tpu.memory_space<vmem>> -> memref<128xi32, #tpu.memory_space<vmem>>
      %dma_wait3A_271 = arith.constant 0 : i32
      %dma_wait3A_272 = arith.constant 0 : i32
      %dma_wait3A_273 = tpu.memref_slice %arg2[%arg0, %dma_wait3A_271, %dma_wait3A_272] : memref<2x10000x128xf32, #tpu.memory_space<hbm>> -> memref<1x10000x128xf32, #tpu.memory_space<hbm>>
      %dma_wait3A_274 = tpu.memref_squeeze %dma_wait3A_273 : memref<1x10000x128xf32, #tpu.memory_space<hbm>> -> memref<10000x128xf32, #tpu.memory_space<hbm>>
      %dma_wait3A_275 = arith.constant 0 : i32
      %dma_wait3A_276 = arith.constant 0 : i32
      %dma_wait3A_277 = tpu.memref_slice %dma_wait3A_274[%dma_wait3A_275, %dma_wait3A_276] : memref<10000x128xf32, #tpu.memory_space<hbm>> -> memref<10000x128xf32, #tpu.memory_space<hbm>>
      tpu.wait_indirect_dma semaphore(%arg15 : memref<!tpu.dma_semaphore, #tpu.memory_space<semaphore_mem>>) src(%dma_wait3A_277 : memref<10000x128xf32, #tpu.memory_space<hbm>>) dst(%arg11 : memref<128x128xf32, #tpu.memory_space<vmem>>)
      %run_scoped3A_278 = arith.constant 0 : i32
      "tpu.region"() ({
        %run_scoped3A_430 = tpu.sem_alloc : memref<!tpu.dma_semaphore, #tpu.memory_space<semaphore_mem>>
        %dma_start3A_431 = arith.constant 0 : i32
        %dma_start3A_432 = tpu.memref_slice %arg10[%run_scoped3A_278, %dma_start3A_431] : memref<8x128xi32, #tpu.memory_space<vmem>> -> memref<1x128xi32, #tpu.memory_space<vmem>>
        %dma_start3A_433 = tpu.memref_squeeze %dma_start3A_432 : memref<1x128xi32, #tpu.memory_space<vmem>> -> memref<128xi32, #tpu.memory_space<vmem>>
        %dma_start3A_434 = arith.constant 0 : i32
        %dma_start3A_435 = arith.constant 0 : i32
        %dma_start3A_436 = tpu.memref_slice %arg14[%dma_start3A_434, %dma_start3A_435] : memref<10008x128xf32, #tpu.memory_space<vmem_shared>> -> memref<10008x128xf32, #tpu.memory_space<vmem_shared>>
        tpu.enqueue_indirect_dma source(%arg11 : memref<128x128xf32, #tpu.memory_space<vmem>>) target(%dma_start3A_436 : memref<10008x128xf32, #tpu.memory_space<vmem_shared>>) offsets(%dma_start3A_433 : memref<128xi32, #tpu.memory_space<vmem>>) semaphore(%run_scoped3A_430 : memref<!tpu.dma_semaphore, #tpu.memory_space<semaphore_mem>>) {add = true}
        %dma_wait3A_437 = arith.constant 0 : i32
        %dma_wait3A_438 = tpu.memref_slice %arg10[%run_scoped3A_278, %dma_wait3A_437] : memref<8x128xi32, #tpu.memory_space<vmem>> -> memref<1x128xi32, #tpu.memory_space<vmem>>
        %dma_wait3A_439 = tpu.memref_squeeze %dma_wait3A_438 : memref<1x128xi32, #tpu.memory_space<vmem>> -> memref<128xi32, #tpu.memory_space<vmem>>
        %dma_wait3A_440 = arith.constant 0 : i32
        %dma_wait3A_441 = arith.constant 0 : i32
        %dma_wait3A_442 = tpu.memref_slice %arg14[%dma_wait3A_440, %dma_wait3A_441] : memref<10008x128xf32, #tpu.memory_space<vmem_shared>> -> memref<10008x128xf32, #tpu.memory_space<vmem_shared>>
        tpu.wait_indirect_dma semaphore(%run_scoped3A_430 : memref<!tpu.dma_semaphore, #tpu.memory_space<semaphore_mem>>) src(%arg11 : memref<128x128xf32, #tpu.memory_space<vmem>>) dst(%dma_wait3A_442 : memref<10008x128xf32, #tpu.memory_space<vmem_shared>>)
        tpu.yield
      }) : () -> ()
      %dma_wait3A_279 = arith.constant 1 : i32
      %dma_wait3A_280 = arith.constant 0 : i32
      %dma_wait3A_281 = tpu.memref_slice %arg9[%dma_wait3A_279, %dma_wait3A_280] : memref<8x128xi32, #tpu.memory_space<vmem>> -> memref<1x128xi32, #tpu.memory_space<vmem>>
      %dma_wait3A_282 = tpu.memref_squeeze %dma_wait3A_281 : memref<1x128xi32, #tpu.memory_space<vmem>> -> memref<128xi32, #tpu.memory_space<vmem>>
      %dma_wait3A_283 = arith.constant 0 : i32
      %dma_wait3A_284 = arith.constant 0 : i32
      %dma_wait3A_285 = tpu.memref_slice %arg2[%arg0, %dma_wait3A_283, %dma_wait3A_284] : memref<2x10000x128xf32, #tpu.memory_space<hbm>> -> memref<1x10000x128xf32, #tpu.memory_space<hbm>>
      %dma_wait3A_286 = tpu.memref_squeeze %dma_wait3A_285 : memref<1x10000x128xf32, #tpu.memory_space<hbm>> -> memref<10000x128xf32, #tpu.memory_space<hbm>>
      %dma_wait3A_287 = arith.constant 0 : i32
      %dma_wait3A_288 = arith.constant 0 : i32
      %dma_wait3A_289 = tpu.memref_slice %dma_wait3A_286[%dma_wait3A_287, %dma_wait3A_288] : memref<10000x128xf32, #tpu.memory_space<hbm>> -> memref<10000x128xf32, #tpu.memory_space<hbm>>
      tpu.wait_indirect_dma semaphore(%arg15 : memref<!tpu.dma_semaphore, #tpu.memory_space<semaphore_mem>>) src(%dma_wait3A_289 : memref<10000x128xf32, #tpu.memory_space<hbm>>) dst(%arg12 : memref<128x128xf32, #tpu.memory_space<vmem>>)
      %run_scoped3A_290 = arith.constant 1 : i32
      "tpu.region"() ({
        %run_scoped3A_430 = tpu.sem_alloc : memref<!tpu.dma_semaphore, #tpu.memory_space<semaphore_mem>>
        %dma_start3A_431 = arith.constant 0 : i32
        %dma_start3A_432 = tpu.memref_slice %arg10[%run_scoped3A_290, %dma_start3A_431] : memref<8x128xi32, #tpu.memory_space<vmem>> -> memref<1x128xi32, #tpu.memory_space<vmem>>
        %dma_start3A_433 = tpu.memref_squeeze %dma_start3A_432 : memref<1x128xi32, #tpu.memory_space<vmem>> -> memref<128xi32, #tpu.memory_space<vmem>>
        %dma_start3A_434 = arith.constant 0 : i32
        %dma_start3A_435 = arith.constant 0 : i32
        %dma_start3A_436 = tpu.memref_slice %arg14[%dma_start3A_434, %dma_start3A_435] : memref<10008x128xf32, #tpu.memory_space<vmem_shared>> -> memref<10008x128xf32, #tpu.memory_space<vmem_shared>>
        tpu.enqueue_indirect_dma source(%arg12 : memref<128x128xf32, #tpu.memory_space<vmem>>) target(%dma_start3A_436 : memref<10008x128xf32, #tpu.memory_space<vmem_shared>>) offsets(%dma_start3A_433 : memref<128xi32, #tpu.memory_space<vmem>>) semaphore(%run_scoped3A_430 : memref<!tpu.dma_semaphore, #tpu.memory_space<semaphore_mem>>) {add = true}
        %dma_wait3A_437 = arith.constant 0 : i32
        %dma_wait3A_438 = tpu.memref_slice %arg10[%run_scoped3A_290, %dma_wait3A_437] : memref<8x128xi32, #tpu.memory_space<vmem>> -> memref<1x128xi32, #tpu.memory_space<vmem>>
        %dma_wait3A_439 = tpu.memref_squeeze %dma_wait3A_438 : memref<1x128xi32, #tpu.memory_space<vmem>> -> memref<128xi32, #tpu.memory_space<vmem>>
        %dma_wait3A_440 = arith.constant 0 : i32
        %dma_wait3A_441 = arith.constant 0 : i32
        %dma_wait3A_442 = tpu.memref_slice %arg14[%dma_wait3A_440, %dma_wait3A_441] : memref<10008x128xf32, #tpu.memory_space<vmem_shared>> -> memref<10008x128xf32, #tpu.memory_space<vmem_shared>>
        tpu.wait_indirect_dma semaphore(%run_scoped3A_430 : memref<!tpu.dma_semaphore, #tpu.memory_space<semaphore_mem>>) src(%arg12 : memref<128x128xf32, #tpu.memory_space<vmem>>) dst(%dma_wait3A_442 : memref<10008x128xf32, #tpu.memory_space<vmem_shared>>)
        tpu.yield
      }) : () -> ()
      %dma_start3A_291 = arith.constant 2 : i32
      %dma_start3A_292 = arith.constant 0 : i32
      %dma_start3A_293 = tpu.memref_slice %arg9[%dma_start3A_291, %dma_start3A_292] : memref<8x128xi32, #tpu.memory_space<vmem>> -> memref<1x128xi32, #tpu.memory_space<vmem>>
      %dma_start3A_294 = tpu.memref_squeeze %dma_start3A_293 : memref<1x128xi32, #tpu.memory_space<vmem>> -> memref<128xi32, #tpu.memory_space<vmem>>
      %dma_start3A_295 = arith.constant 0 : i32
      %dma_start3A_296 = arith.constant 0 : i32
      %dma_start3A_297 = tpu.memref_slice %arg2[%arg0, %dma_start3A_295, %dma_start3A_296] : memref<2x10000x128xf32, #tpu.memory_space<hbm>> -> memref<1x10000x128xf32, #tpu.memory_space<hbm>>
      %dma_start3A_298 = tpu.memref_squeeze %dma_start3A_297 : memref<1x10000x128xf32, #tpu.memory_space<hbm>> -> memref<10000x128xf32, #tpu.memory_space<hbm>>
      %dma_start3A_299 = arith.constant 0 : i32
      %dma_start3A_300 = arith.constant 0 : i32
      %dma_start3A_301 = tpu.memref_slice %dma_start3A_298[%dma_start3A_299, %dma_start3A_300] : memref<10000x128xf32, #tpu.memory_space<hbm>> -> memref<10000x128xf32, #tpu.memory_space<hbm>>
      tpu.enqueue_indirect_dma source(%dma_start3A_301 : memref<10000x128xf32, #tpu.memory_space<hbm>>) target(%arg11 : memref<128x128xf32, #tpu.memory_space<vmem>>) offsets(%dma_start3A_294 : memref<128xi32, #tpu.memory_space<vmem>>) semaphore(%arg15 : memref<!tpu.dma_semaphore, #tpu.memory_space<semaphore_mem>>)
      %dma_start3A_302 = arith.constant 3 : i32
      %dma_start3A_303 = arith.constant 0 : i32
      %dma_start3A_304 = tpu.memref_slice %arg9[%dma_start3A_302, %dma_start3A_303] : memref<8x128xi32, #tpu.memory_space<vmem>> -> memref<1x128xi32, #tpu.memory_space<vmem>>
      %dma_start3A_305 = tpu.memref_squeeze %dma_start3A_304 : memref<1x128xi32, #tpu.memory_space<vmem>> -> memref<128xi32, #tpu.memory_space<vmem>>
      %dma_start3A_306 = arith.constant 0 : i32
      %dma_start3A_307 = arith.constant 0 : i32
      %dma_start3A_308 = tpu.memref_slice %arg2[%arg0, %dma_start3A_306, %dma_start3A_307] : memref<2x10000x128xf32, #tpu.memory_space<hbm>> -> memref<1x10000x128xf32, #tpu.memory_space<hbm>>
      %dma_start3A_309 = tpu.memref_squeeze %dma_start3A_308 : memref<1x10000x128xf32, #tpu.memory_space<hbm>> -> memref<10000x128xf32, #tpu.memory_space<hbm>>
      %dma_start3A_310 = arith.constant 0 : i32
      %dma_start3A_311 = arith.constant 0 : i32
      %dma_start3A_312 = tpu.memref_slice %dma_start3A_309[%dma_start3A_310, %dma_start3A_311] : memref<10000x128xf32, #tpu.memory_space<hbm>> -> memref<10000x128xf32, #tpu.memory_space<hbm>>
      tpu.enqueue_indirect_dma source(%dma_start3A_312 : memref<10000x128xf32, #tpu.memory_space<hbm>>) target(%arg12 : memref<128x128xf32, #tpu.memory_space<vmem>>) offsets(%dma_start3A_305 : memref<128xi32, #tpu.memory_space<vmem>>) semaphore(%arg15 : memref<!tpu.dma_semaphore, #tpu.memory_space<semaphore_mem>>)
      %dma_wait3A_313 = arith.constant 2 : i32
      %dma_wait3A_314 = arith.constant 0 : i32
      %dma_wait3A_315 = tpu.memref_slice %arg9[%dma_wait3A_313, %dma_wait3A_314] : memref<8x128xi32, #tpu.memory_space<vmem>> -> memref<1x128xi32, #tpu.memory_space<vmem>>
      %dma_wait3A_316 = tpu.memref_squeeze %dma_wait3A_315 : memref<1x128xi32, #tpu.memory_space<vmem>> -> memref<128xi32, #tpu.memory_space<vmem>>
      %dma_wait3A_317 = arith.constant 0 : i32
      %dma_wait3A_318 = arith.constant 0 : i32
      %dma_wait3A_319 = tpu.memref_slice %arg2[%arg0, %dma_wait3A_317, %dma_wait3A_318] : memref<2x10000x128xf32, #tpu.memory_space<hbm>> -> memref<1x10000x128xf32, #tpu.memory_space<hbm>>
      %dma_wait3A_320 = tpu.memref_squeeze %dma_wait3A_319 : memref<1x10000x128xf32, #tpu.memory_space<hbm>> -> memref<10000x128xf32, #tpu.memory_space<hbm>>
      %dma_wait3A_321 = arith.constant 0 : i32
      %dma_wait3A_322 = arith.constant 0 : i32
      %dma_wait3A_323 = tpu.memref_slice %dma_wait3A_320[%dma_wait3A_321, %dma_wait3A_322] : memref<10000x128xf32, #tpu.memory_space<hbm>> -> memref<10000x128xf32, #tpu.memory_space<hbm>>
      tpu.wait_indirect_dma semaphore(%arg15 : memref<!tpu.dma_semaphore, #tpu.memory_space<semaphore_mem>>) src(%dma_wait3A_323 : memref<10000x128xf32, #tpu.memory_space<hbm>>) dst(%arg11 : memref<128x128xf32, #tpu.memory_space<vmem>>)
      %run_scoped3A_324 = arith.constant 2 : i32
      "tpu.region"() ({
        %run_scoped3A_430 = tpu.sem_alloc : memref<!tpu.dma_semaphore, #tpu.memory_space<semaphore_mem>>
        %dma_start3A_431 = arith.constant 0 : i32
        %dma_start3A_432 = tpu.memref_slice %arg10[%run_scoped3A_324, %dma_start3A_431] : memref<8x128xi32, #tpu.memory_space<vmem>> -> memref<1x128xi32, #tpu.memory_space<vmem>>
        %dma_start3A_433 = tpu.memref_squeeze %dma_start3A_432 : memref<1x128xi32, #tpu.memory_space<vmem>> -> memref<128xi32, #tpu.memory_space<vmem>>
        %dma_start3A_434 = arith.constant 0 : i32
        %dma_start3A_435 = arith.constant 0 : i32
        %dma_start3A_436 = tpu.memref_slice %arg14[%dma_start3A_434, %dma_start3A_435] : memref<10008x128xf32, #tpu.memory_space<vmem_shared>> -> memref<10008x128xf32, #tpu.memory_space<vmem_shared>>
        tpu.enqueue_indirect_dma source(%arg11 : memref<128x128xf32, #tpu.memory_space<vmem>>) target(%dma_start3A_436 : memref<10008x128xf32, #tpu.memory_space<vmem_shared>>) offsets(%dma_start3A_433 : memref<128xi32, #tpu.memory_space<vmem>>) semaphore(%run_scoped3A_430 : memref<!tpu.dma_semaphore, #tpu.memory_space<semaphore_mem>>) {add = true}
        %dma_wait3A_437 = arith.constant 0 : i32
        %dma_wait3A_438 = tpu.memref_slice %arg10[%run_scoped3A_324, %dma_wait3A_437] : memref<8x128xi32, #tpu.memory_space<vmem>> -> memref<1x128xi32, #tpu.memory_space<vmem>>
        %dma_wait3A_439 = tpu.memref_squeeze %dma_wait3A_438 : memref<1x128xi32, #tpu.memory_space<vmem>> -> memref<128xi32, #tpu.memory_space<vmem>>
        %dma_wait3A_440 = arith.constant 0 : i32
        %dma_wait3A_441 = arith.constant 0 : i32
        %dma_wait3A_442 = tpu.memref_slice %arg14[%dma_wait3A_440, %dma_wait3A_441] : memref<10008x128xf32, #tpu.memory_space<vmem_shared>> -> memref<10008x128xf32, #tpu.memory_space<vmem_shared>>
        tpu.wait_indirect_dma semaphore(%run_scoped3A_430 : memref<!tpu.dma_semaphore, #tpu.memory_space<semaphore_mem>>) src(%arg11 : memref<128x128xf32, #tpu.memory_space<vmem>>) dst(%dma_wait3A_442 : memref<10008x128xf32, #tpu.memory_space<vmem_shared>>)
        tpu.yield
      }) : () -> ()
      %dma_wait3A_325 = arith.constant 3 : i32
      %dma_wait3A_326 = arith.constant 0 : i32
      %dma_wait3A_327 = tpu.memref_slice %arg9[%dma_wait3A_325, %dma_wait3A_326] : memref<8x128xi32, #tpu.memory_space<vmem>> -> memref<1x128xi32, #tpu.memory_space<vmem>>
      %dma_wait3A_328 = tpu.memref_squeeze %dma_wait3A_327 : memref<1x128xi32, #tpu.memory_space<vmem>> -> memref<128xi32, #tpu.memory_space<vmem>>
      %dma_wait3A_329 = arith.constant 0 : i32
      %dma_wait3A_330 = arith.constant 0 : i32
      %dma_wait3A_331 = tpu.memref_slice %arg2[%arg0, %dma_wait3A_329, %dma_wait3A_330] : memref<2x10000x128xf32, #tpu.memory_space<hbm>> -> memref<1x10000x128xf32, #tpu.memory_space<hbm>>
      %dma_wait3A_332 = tpu.memref_squeeze %dma_wait3A_331 : memref<1x10000x128xf32, #tpu.memory_space<hbm>> -> memref<10000x128xf32, #tpu.memory_space<hbm>>
      %dma_wait3A_333 = arith.constant 0 : i32
      %dma_wait3A_334 = arith.constant 0 : i32
      %dma_wait3A_335 = tpu.memref_slice %dma_wait3A_332[%dma_wait3A_333, %dma_wait3A_334] : memref<10000x128xf32, #tpu.memory_space<hbm>> -> memref<10000x128xf32, #tpu.memory_space<hbm>>
      tpu.wait_indirect_dma semaphore(%arg15 : memref<!tpu.dma_semaphore, #tpu.memory_space<semaphore_mem>>) src(%dma_wait3A_335 : memref<10000x128xf32, #tpu.memory_space<hbm>>) dst(%arg12 : memref<128x128xf32, #tpu.memory_space<vmem>>)
      %run_scoped3A_336 = arith.constant 3 : i32
      "tpu.region"() ({
        %run_scoped3A_430 = tpu.sem_alloc : memref<!tpu.dma_semaphore, #tpu.memory_space<semaphore_mem>>
        %dma_start3A_431 = arith.constant 0 : i32
        %dma_start3A_432 = tpu.memref_slice %arg10[%run_scoped3A_336, %dma_start3A_431] : memref<8x128xi32, #tpu.memory_space<vmem>> -> memref<1x128xi32, #tpu.memory_space<vmem>>
        %dma_start3A_433 = tpu.memref_squeeze %dma_start3A_432 : memref<1x128xi32, #tpu.memory_space<vmem>> -> memref<128xi32, #tpu.memory_space<vmem>>
        %dma_start3A_434 = arith.constant 0 : i32
        %dma_start3A_435 = arith.constant 0 : i32
        %dma_start3A_436 = tpu.memref_slice %arg14[%dma_start3A_434, %dma_start3A_435] : memref<10008x128xf32, #tpu.memory_space<vmem_shared>> -> memref<10008x128xf32, #tpu.memory_space<vmem_shared>>
        tpu.enqueue_indirect_dma source(%arg12 : memref<128x128xf32, #tpu.memory_space<vmem>>) target(%dma_start3A_436 : memref<10008x128xf32, #tpu.memory_space<vmem_shared>>) offsets(%dma_start3A_433 : memref<128xi32, #tpu.memory_space<vmem>>) semaphore(%run_scoped3A_430 : memref<!tpu.dma_semaphore, #tpu.memory_space<semaphore_mem>>) {add = true}
        %dma_wait3A_437 = arith.constant 0 : i32
        %dma_wait3A_438 = tpu.memref_slice %arg10[%run_scoped3A_336, %dma_wait3A_437] : memref<8x128xi32, #tpu.memory_space<vmem>> -> memref<1x128xi32, #tpu.memory_space<vmem>>
        %dma_wait3A_439 = tpu.memref_squeeze %dma_wait3A_438 : memref<1x128xi32, #tpu.memory_space<vmem>> -> memref<128xi32, #tpu.memory_space<vmem>>
        %dma_wait3A_440 = arith.constant 0 : i32
        %dma_wait3A_441 = arith.constant 0 : i32
        %dma_wait3A_442 = tpu.memref_slice %arg14[%dma_wait3A_440, %dma_wait3A_441] : memref<10008x128xf32, #tpu.memory_space<vmem_shared>> -> memref<10008x128xf32, #tpu.memory_space<vmem_shared>>
        tpu.wait_indirect_dma semaphore(%run_scoped3A_430 : memref<!tpu.dma_semaphore, #tpu.memory_space<semaphore_mem>>) src(%arg12 : memref<128x128xf32, #tpu.memory_space<vmem>>) dst(%dma_wait3A_442 : memref<10008x128xf32, #tpu.memory_space<vmem_shared>>)
        tpu.yield
      }) : () -> ()
      %dma_start3A_337 = arith.constant 4 : i32
      %dma_start3A_338 = arith.constant 0 : i32
      %dma_start3A_339 = tpu.memref_slice %arg9[%dma_start3A_337, %dma_start3A_338] : memref<8x128xi32, #tpu.memory_space<vmem>> -> memref<1x128xi32, #tpu.memory_space<vmem>>
      %dma_start3A_340 = tpu.memref_squeeze %dma_start3A_339 : memref<1x128xi32, #tpu.memory_space<vmem>> -> memref<128xi32, #tpu.memory_space<vmem>>
      %dma_start3A_341 = arith.constant 0 : i32
      %dma_start3A_342 = arith.constant 0 : i32
      %dma_start3A_343 = tpu.memref_slice %arg2[%arg0, %dma_start3A_341, %dma_start3A_342] : memref<2x10000x128xf32, #tpu.memory_space<hbm>> -> memref<1x10000x128xf32, #tpu.memory_space<hbm>>
      %dma_start3A_344 = tpu.memref_squeeze %dma_start3A_343 : memref<1x10000x128xf32, #tpu.memory_space<hbm>> -> memref<10000x128xf32, #tpu.memory_space<hbm>>
      %dma_start3A_345 = arith.constant 0 : i32
      %dma_start3A_346 = arith.constant 0 : i32
      %dma_start3A_347 = tpu.memref_slice %dma_start3A_344[%dma_start3A_345, %dma_start3A_346] : memref<10000x128xf32, #tpu.memory_space<hbm>> -> memref<10000x128xf32, #tpu.memory_space<hbm>>
      tpu.enqueue_indirect_dma source(%dma_start3A_347 : memref<10000x128xf32, #tpu.memory_space<hbm>>) target(%arg11 : memref<128x128xf32, #tpu.memory_space<vmem>>) offsets(%dma_start3A_340 : memref<128xi32, #tpu.memory_space<vmem>>) semaphore(%arg15 : memref<!tpu.dma_semaphore, #tpu.memory_space<semaphore_mem>>)
      %dma_start3A_348 = arith.constant 5 : i32
      %dma_start3A_349 = arith.constant 0 : i32
      %dma_start3A_350 = tpu.memref_slice %arg9[%dma_start3A_348, %dma_start3A_349] : memref<8x128xi32, #tpu.memory_space<vmem>> -> memref<1x128xi32, #tpu.memory_space<vmem>>
      %dma_start3A_351 = tpu.memref_squeeze %dma_start3A_350 : memref<1x128xi32, #tpu.memory_space<vmem>> -> memref<128xi32, #tpu.memory_space<vmem>>
      %dma_start3A_352 = arith.constant 0 : i32
      %dma_start3A_353 = arith.constant 0 : i32
      %dma_start3A_354 = tpu.memref_slice %arg2[%arg0, %dma_start3A_352, %dma_start3A_353] : memref<2x10000x128xf32, #tpu.memory_space<hbm>> -> memref<1x10000x128xf32, #tpu.memory_space<hbm>>
      %dma_start3A_355 = tpu.memref_squeeze %dma_start3A_354 : memref<1x10000x128xf32, #tpu.memory_space<hbm>> -> memref<10000x128xf32, #tpu.memory_space<hbm>>
      %dma_start3A_356 = arith.constant 0 : i32
      %dma_start3A_357 = arith.constant 0 : i32
      %dma_start3A_358 = tpu.memref_slice %dma_start3A_355[%dma_start3A_356, %dma_start3A_357] : memref<10000x128xf32, #tpu.memory_space<hbm>> -> memref<10000x128xf32, #tpu.memory_space<hbm>>
      tpu.enqueue_indirect_dma source(%dma_start3A_358 : memref<10000x128xf32, #tpu.memory_space<hbm>>) target(%arg12 : memref<128x128xf32, #tpu.memory_space<vmem>>) offsets(%dma_start3A_351 : memref<128xi32, #tpu.memory_space<vmem>>) semaphore(%arg15 : memref<!tpu.dma_semaphore, #tpu.memory_space<semaphore_mem>>)
      %dma_wait3A_359 = arith.constant 4 : i32
      %dma_wait3A_360 = arith.constant 0 : i32
      %dma_wait3A_361 = tpu.memref_slice %arg9[%dma_wait3A_359, %dma_wait3A_360] : memref<8x128xi32, #tpu.memory_space<vmem>> -> memref<1x128xi32, #tpu.memory_space<vmem>>
      %dma_wait3A_362 = tpu.memref_squeeze %dma_wait3A_361 : memref<1x128xi32, #tpu.memory_space<vmem>> -> memref<128xi32, #tpu.memory_space<vmem>>
      %dma_wait3A_363 = arith.constant 0 : i32
      %dma_wait3A_364 = arith.constant 0 : i32
      %dma_wait3A_365 = tpu.memref_slice %arg2[%arg0, %dma_wait3A_363, %dma_wait3A_364] : memref<2x10000x128xf32, #tpu.memory_space<hbm>> -> memref<1x10000x128xf32, #tpu.memory_space<hbm>>
      %dma_wait3A_366 = tpu.memref_squeeze %dma_wait3A_365 : memref<1x10000x128xf32, #tpu.memory_space<hbm>> -> memref<10000x128xf32, #tpu.memory_space<hbm>>
      %dma_wait3A_367 = arith.constant 0 : i32
      %dma_wait3A_368 = arith.constant 0 : i32
      %dma_wait3A_369 = tpu.memref_slice %dma_wait3A_366[%dma_wait3A_367, %dma_wait3A_368] : memref<10000x128xf32, #tpu.memory_space<hbm>> -> memref<10000x128xf32, #tpu.memory_space<hbm>>
      tpu.wait_indirect_dma semaphore(%arg15 : memref<!tpu.dma_semaphore, #tpu.memory_space<semaphore_mem>>) src(%dma_wait3A_369 : memref<10000x128xf32, #tpu.memory_space<hbm>>) dst(%arg11 : memref<128x128xf32, #tpu.memory_space<vmem>>)
      %run_scoped3A_370 = arith.constant 4 : i32
      "tpu.region"() ({
        %run_scoped3A_430 = tpu.sem_alloc : memref<!tpu.dma_semaphore, #tpu.memory_space<semaphore_mem>>
        %dma_start3A_431 = arith.constant 0 : i32
        %dma_start3A_432 = tpu.memref_slice %arg10[%run_scoped3A_370, %dma_start3A_431] : memref<8x128xi32, #tpu.memory_space<vmem>> -> memref<1x128xi32, #tpu.memory_space<vmem>>
        %dma_start3A_433 = tpu.memref_squeeze %dma_start3A_432 : memref<1x128xi32, #tpu.memory_space<vmem>> -> memref<128xi32, #tpu.memory_space<vmem>>
        %dma_start3A_434 = arith.constant 0 : i32
        %dma_start3A_435 = arith.constant 0 : i32
        %dma_start3A_436 = tpu.memref_slice %arg14[%dma_start3A_434, %dma_start3A_435] : memref<10008x128xf32, #tpu.memory_space<vmem_shared>> -> memref<10008x128xf32, #tpu.memory_space<vmem_shared>>
        tpu.enqueue_indirect_dma source(%arg11 : memref<128x128xf32, #tpu.memory_space<vmem>>) target(%dma_start3A_436 : memref<10008x128xf32, #tpu.memory_space<vmem_shared>>) offsets(%dma_start3A_433 : memref<128xi32, #tpu.memory_space<vmem>>) semaphore(%run_scoped3A_430 : memref<!tpu.dma_semaphore, #tpu.memory_space<semaphore_mem>>) {add = true}
        %dma_wait3A_437 = arith.constant 0 : i32
        %dma_wait3A_438 = tpu.memref_slice %arg10[%run_scoped3A_370, %dma_wait3A_437] : memref<8x128xi32, #tpu.memory_space<vmem>> -> memref<1x128xi32, #tpu.memory_space<vmem>>
        %dma_wait3A_439 = tpu.memref_squeeze %dma_wait3A_438 : memref<1x128xi32, #tpu.memory_space<vmem>> -> memref<128xi32, #tpu.memory_space<vmem>>
        %dma_wait3A_440 = arith.constant 0 : i32
        %dma_wait3A_441 = arith.constant 0 : i32
        %dma_wait3A_442 = tpu.memref_slice %arg14[%dma_wait3A_440, %dma_wait3A_441] : memref<10008x128xf32, #tpu.memory_space<vmem_shared>> -> memref<10008x128xf32, #tpu.memory_space<vmem_shared>>
        tpu.wait_indirect_dma semaphore(%run_scoped3A_430 : memref<!tpu.dma_semaphore, #tpu.memory_space<semaphore_mem>>) src(%arg11 : memref<128x128xf32, #tpu.memory_space<vmem>>) dst(%dma_wait3A_442 : memref<10008x128xf32, #tpu.memory_space<vmem_shared>>)
        tpu.yield
      }) : () -> ()
      %dma_wait3A_371 = arith.constant 5 : i32
      %dma_wait3A_372 = arith.constant 0 : i32
      %dma_wait3A_373 = tpu.memref_slice %arg9[%dma_wait3A_371, %dma_wait3A_372] : memref<8x128xi32, #tpu.memory_space<vmem>> -> memref<1x128xi32, #tpu.memory_space<vmem>>
      %dma_wait3A_374 = tpu.memref_squeeze %dma_wait3A_373 : memref<1x128xi32, #tpu.memory_space<vmem>> -> memref<128xi32, #tpu.memory_space<vmem>>
      %dma_wait3A_375 = arith.constant 0 : i32
      %dma_wait3A_376 = arith.constant 0 : i32
      %dma_wait3A_377 = tpu.memref_slice %arg2[%arg0, %dma_wait3A_375, %dma_wait3A_376] : memref<2x10000x128xf32, #tpu.memory_space<hbm>> -> memref<1x10000x128xf32, #tpu.memory_space<hbm>>
      %dma_wait3A_378 = tpu.memref_squeeze %dma_wait3A_377 : memref<1x10000x128xf32, #tpu.memory_space<hbm>> -> memref<10000x128xf32, #tpu.memory_space<hbm>>
      %dma_wait3A_379 = arith.constant 0 : i32
      %dma_wait3A_380 = arith.constant 0 : i32
      %dma_wait3A_381 = tpu.memref_slice %dma_wait3A_378[%dma_wait3A_379, %dma_wait3A_380] : memref<10000x128xf32, #tpu.memory_space<hbm>> -> memref<10000x128xf32, #tpu.memory_space<hbm>>
      tpu.wait_indirect_dma semaphore(%arg15 : memref<!tpu.dma_semaphore, #tpu.memory_space<semaphore_mem>>) src(%dma_wait3A_381 : memref<10000x128xf32, #tpu.memory_space<hbm>>) dst(%arg12 : memref<128x128xf32, #tpu.memory_space<vmem>>)
      %run_scoped3A_382 = arith.constant 5 : i32
      "tpu.region"() ({
        %run_scoped3A_430 = tpu.sem_alloc : memref<!tpu.dma_semaphore, #tpu.memory_space<semaphore_mem>>
        %dma_start3A_431 = arith.constant 0 : i32
        %dma_start3A_432 = tpu.memref_slice %arg10[%run_scoped3A_382, %dma_start3A_431] : memref<8x128xi32, #tpu.memory_space<vmem>> -> memref<1x128xi32, #tpu.memory_space<vmem>>
        %dma_start3A_433 = tpu.memref_squeeze %dma_start3A_432 : memref<1x128xi32, #tpu.memory_space<vmem>> -> memref<128xi32, #tpu.memory_space<vmem>>
        %dma_start3A_434 = arith.constant 0 : i32
        %dma_start3A_435 = arith.constant 0 : i32
        %dma_start3A_436 = tpu.memref_slice %arg14[%dma_start3A_434, %dma_start3A_435] : memref<10008x128xf32, #tpu.memory_space<vmem_shared>> -> memref<10008x128xf32, #tpu.memory_space<vmem_shared>>
        tpu.enqueue_indirect_dma source(%arg12 : memref<128x128xf32, #tpu.memory_space<vmem>>) target(%dma_start3A_436 : memref<10008x128xf32, #tpu.memory_space<vmem_shared>>) offsets(%dma_start3A_433 : memref<128xi32, #tpu.memory_space<vmem>>) semaphore(%run_scoped3A_430 : memref<!tpu.dma_semaphore, #tpu.memory_space<semaphore_mem>>) {add = true}
        %dma_wait3A_437 = arith.constant 0 : i32
        %dma_wait3A_438 = tpu.memref_slice %arg10[%run_scoped3A_382, %dma_wait3A_437] : memref<8x128xi32, #tpu.memory_space<vmem>> -> memref<1x128xi32, #tpu.memory_space<vmem>>
        %dma_wait3A_439 = tpu.memref_squeeze %dma_wait3A_438 : memref<1x128xi32, #tpu.memory_space<vmem>> -> memref<128xi32, #tpu.memory_space<vmem>>
        %dma_wait3A_440 = arith.constant 0 : i32
        %dma_wait3A_441 = arith.constant 0 : i32
        %dma_wait3A_442 = tpu.memref_slice %arg14[%dma_wait3A_440, %dma_wait3A_441] : memref<10008x128xf32, #tpu.memory_space<vmem_shared>> -> memref<10008x128xf32, #tpu.memory_space<vmem_shared>>
        tpu.wait_indirect_dma semaphore(%run_scoped3A_430 : memref<!tpu.dma_semaphore, #tpu.memory_space<semaphore_mem>>) src(%arg12 : memref<128x128xf32, #tpu.memory_space<vmem>>) dst(%dma_wait3A_442 : memref<10008x128xf32, #tpu.memory_space<vmem_shared>>)
        tpu.yield
      }) : () -> ()
      %dma_start3A_383 = arith.constant 6 : i32
      %dma_start3A_384 = arith.constant 0 : i32
      %dma_start3A_385 = tpu.memref_slice %arg9[%dma_start3A_383, %dma_start3A_384] : memref<8x128xi32, #tpu.memory_space<vmem>> -> memref<1x128xi32, #tpu.memory_space<vmem>>
      %dma_start3A_386 = tpu.memref_squeeze %dma_start3A_385 : memref<1x128xi32, #tpu.memory_space<vmem>> -> memref<128xi32, #tpu.memory_space<vmem>>
      %dma_start3A_387 = arith.constant 0 : i32
      %dma_start3A_388 = arith.constant 0 : i32
      %dma_start3A_389 = tpu.memref_slice %arg2[%arg0, %dma_start3A_387, %dma_start3A_388] : memref<2x10000x128xf32, #tpu.memory_space<hbm>> -> memref<1x10000x128xf32, #tpu.memory_space<hbm>>
      %dma_start3A_390 = tpu.memref_squeeze %dma_start3A_389 : memref<1x10000x128xf32, #tpu.memory_space<hbm>> -> memref<10000x128xf32, #tpu.memory_space<hbm>>
      %dma_start3A_391 = arith.constant 0 : i32
      %dma_start3A_392 = arith.constant 0 : i32
      %dma_start3A_393 = tpu.memref_slice %dma_start3A_390[%dma_start3A_391, %dma_start3A_392] : memref<10000x128xf32, #tpu.memory_space<hbm>> -> memref<10000x128xf32, #tpu.memory_space<hbm>>
      tpu.enqueue_indirect_dma source(%dma_start3A_393 : memref<10000x128xf32, #tpu.memory_space<hbm>>) target(%arg11 : memref<128x128xf32, #tpu.memory_space<vmem>>) offsets(%dma_start3A_386 : memref<128xi32, #tpu.memory_space<vmem>>) semaphore(%arg15 : memref<!tpu.dma_semaphore, #tpu.memory_space<semaphore_mem>>)
      %dma_start3A_394 = arith.constant 7 : i32
      %dma_start3A_395 = arith.constant 0 : i32
      %dma_start3A_396 = tpu.memref_slice %arg9[%dma_start3A_394, %dma_start3A_395] : memref<8x128xi32, #tpu.memory_space<vmem>> -> memref<1x128xi32, #tpu.memory_space<vmem>>
      %dma_start3A_397 = tpu.memref_squeeze %dma_start3A_396 : memref<1x128xi32, #tpu.memory_space<vmem>> -> memref<128xi32, #tpu.memory_space<vmem>>
      %dma_start3A_398 = arith.constant 0 : i32
      %dma_start3A_399 = arith.constant 0 : i32
      %dma_start3A_400 = tpu.memref_slice %arg2[%arg0, %dma_start3A_398, %dma_start3A_399] : memref<2x10000x128xf32, #tpu.memory_space<hbm>> -> memref<1x10000x128xf32, #tpu.memory_space<hbm>>
      %dma_start3A_401 = tpu.memref_squeeze %dma_start3A_400 : memref<1x10000x128xf32, #tpu.memory_space<hbm>> -> memref<10000x128xf32, #tpu.memory_space<hbm>>
      %dma_start3A_402 = arith.constant 0 : i32
      %dma_start3A_403 = arith.constant 0 : i32
      %dma_start3A_404 = tpu.memref_slice %dma_start3A_401[%dma_start3A_402, %dma_start3A_403] : memref<10000x128xf32, #tpu.memory_space<hbm>> -> memref<10000x128xf32, #tpu.memory_space<hbm>>
      tpu.enqueue_indirect_dma source(%dma_start3A_404 : memref<10000x128xf32, #tpu.memory_space<hbm>>) target(%arg12 : memref<128x128xf32, #tpu.memory_space<vmem>>) offsets(%dma_start3A_397 : memref<128xi32, #tpu.memory_space<vmem>>) semaphore(%arg15 : memref<!tpu.dma_semaphore, #tpu.memory_space<semaphore_mem>>)
      %dma_wait3A_405 = arith.constant 6 : i32
      %dma_wait3A_406 = arith.constant 0 : i32
      %dma_wait3A_407 = tpu.memref_slice %arg9[%dma_wait3A_405, %dma_wait3A_406] : memref<8x128xi32, #tpu.memory_space<vmem>> -> memref<1x128xi32, #tpu.memory_space<vmem>>
      %dma_wait3A_408 = tpu.memref_squeeze %dma_wait3A_407 : memref<1x128xi32, #tpu.memory_space<vmem>> -> memref<128xi32, #tpu.memory_space<vmem>>
      %dma_wait3A_409 = arith.constant 0 : i32
      %dma_wait3A_410 = arith.constant 0 : i32
      %dma_wait3A_411 = tpu.memref_slice %arg2[%arg0, %dma_wait3A_409, %dma_wait3A_410] : memref<2x10000x128xf32, #tpu.memory_space<hbm>> -> memref<1x10000x128xf32, #tpu.memory_space<hbm>>
      %dma_wait3A_412 = tpu.memref_squeeze %dma_wait3A_411 : memref<1x10000x128xf32, #tpu.memory_space<hbm>> -> memref<10000x128xf32, #tpu.memory_space<hbm>>
      %dma_wait3A_413 = arith.constant 0 : i32
      %dma_wait3A_414 = arith.constant 0 : i32
      %dma_wait3A_415 = tpu.memref_slice %dma_wait3A_412[%dma_wait3A_413, %dma_wait3A_414] : memref<10000x128xf32, #tpu.memory_space<hbm>> -> memref<10000x128xf32, #tpu.memory_space<hbm>>
      tpu.wait_indirect_dma semaphore(%arg15 : memref<!tpu.dma_semaphore, #tpu.memory_space<semaphore_mem>>) src(%dma_wait3A_415 : memref<10000x128xf32, #tpu.memory_space<hbm>>) dst(%arg11 : memref<128x128xf32, #tpu.memory_space<vmem>>)
      %run_scoped3A_416 = arith.constant 6 : i32
      "tpu.region"() ({
        %run_scoped3A_430 = tpu.sem_alloc : memref<!tpu.dma_semaphore, #tpu.memory_space<semaphore_mem>>
        %dma_start3A_431 = arith.constant 0 : i32
        %dma_start3A_432 = tpu.memref_slice %arg10[%run_scoped3A_416, %dma_start3A_431] : memref<8x128xi32, #tpu.memory_space<vmem>> -> memref<1x128xi32, #tpu.memory_space<vmem>>
        %dma_start3A_433 = tpu.memref_squeeze %dma_start3A_432 : memref<1x128xi32, #tpu.memory_space<vmem>> -> memref<128xi32, #tpu.memory_space<vmem>>
        %dma_start3A_434 = arith.constant 0 : i32
        %dma_start3A_435 = arith.constant 0 : i32
        %dma_start3A_436 = tpu.memref_slice %arg14[%dma_start3A_434, %dma_start3A_435] : memref<10008x128xf32, #tpu.memory_space<vmem_shared>> -> memref<10008x128xf32, #tpu.memory_space<vmem_shared>>
        tpu.enqueue_indirect_dma source(%arg11 : memref<128x128xf32, #tpu.memory_space<vmem>>) target(%dma_start3A_436 : memref<10008x128xf32, #tpu.memory_space<vmem_shared>>) offsets(%dma_start3A_433 : memref<128xi32, #tpu.memory_space<vmem>>) semaphore(%run_scoped3A_430 : memref<!tpu.dma_semaphore, #tpu.memory_space<semaphore_mem>>) {add = true}
        %dma_wait3A_437 = arith.constant 0 : i32
        %dma_wait3A_438 = tpu.memref_slice %arg10[%run_scoped3A_416, %dma_wait3A_437] : memref<8x128xi32, #tpu.memory_space<vmem>> -> memref<1x128xi32, #tpu.memory_space<vmem>>
        %dma_wait3A_439 = tpu.memref_squeeze %dma_wait3A_438 : memref<1x128xi32, #tpu.memory_space<vmem>> -> memref<128xi32, #tpu.memory_space<vmem>>
        %dma_wait3A_440 = arith.constant 0 : i32
        %dma_wait3A_441 = arith.constant 0 : i32
        %dma_wait3A_442 = tpu.memref_slice %arg14[%dma_wait3A_440, %dma_wait3A_441] : memref<10008x128xf32, #tpu.memory_space<vmem_shared>> -> memref<10008x128xf32, #tpu.memory_space<vmem_shared>>
        tpu.wait_indirect_dma semaphore(%run_scoped3A_430 : memref<!tpu.dma_semaphore, #tpu.memory_space<semaphore_mem>>) src(%arg11 : memref<128x128xf32, #tpu.memory_space<vmem>>) dst(%dma_wait3A_442 : memref<10008x128xf32, #tpu.memory_space<vmem_shared>>)
        tpu.yield
      }) : () -> ()
      %dma_wait3A_417 = arith.constant 7 : i32
      %dma_wait3A_418 = arith.constant 0 : i32
      %dma_wait3A_419 = tpu.memref_slice %arg9[%dma_wait3A_417, %dma_wait3A_418] : memref<8x128xi32, #tpu.memory_space<vmem>> -> memref<1x128xi32, #tpu.memory_space<vmem>>
      %dma_wait3A_420 = tpu.memref_squeeze %dma_wait3A_419 : memref<1x128xi32, #tpu.memory_space<vmem>> -> memref<128xi32, #tpu.memory_space<vmem>>
      %dma_wait3A_421 = arith.constant 0 : i32
      %dma_wait3A_422 = arith.constant 0 : i32
      %dma_wait3A_423 = tpu.memref_slice %arg2[%arg0, %dma_wait3A_421, %dma_wait3A_422] : memref<2x10000x128xf32, #tpu.memory_space<hbm>> -> memref<1x10000x128xf32, #tpu.memory_space<hbm>>
      %dma_wait3A_424 = tpu.memref_squeeze %dma_wait3A_423 : memref<1x10000x128xf32, #tpu.memory_space<hbm>> -> memref<10000x128xf32, #tpu.memory_space<hbm>>
      %dma_wait3A_425 = arith.constant 0 : i32
      %dma_wait3A_426 = arith.constant 0 : i32
      %dma_wait3A_427 = tpu.memref_slice %dma_wait3A_424[%dma_wait3A_425, %dma_wait3A_426] : memref<10000x128xf32, #tpu.memory_space<hbm>> -> memref<10000x128xf32, #tpu.memory_space<hbm>>
      tpu.wait_indirect_dma semaphore(%arg15 : memref<!tpu.dma_semaphore, #tpu.memory_space<semaphore_mem>>) src(%dma_wait3A_427 : memref<10000x128xf32, #tpu.memory_space<hbm>>) dst(%arg12 : memref<128x128xf32, #tpu.memory_space<vmem>>)
      %run_scoped3A_428 = arith.constant 7 : i32
      "tpu.region"() ({
        %run_scoped3A_430 = tpu.sem_alloc : memref<!tpu.dma_semaphore, #tpu.memory_space<semaphore_mem>>
        %dma_start3A_431 = arith.constant 0 : i32
        %dma_start3A_432 = tpu.memref_slice %arg10[%run_scoped3A_428, %dma_start3A_431] : memref<8x128xi32, #tpu.memory_space<vmem>> -> memref<1x128xi32, #tpu.memory_space<vmem>>
        %dma_start3A_433 = tpu.memref_squeeze %dma_start3A_432 : memref<1x128xi32, #tpu.memory_space<vmem>> -> memref<128xi32, #tpu.memory_space<vmem>>
        %dma_start3A_434 = arith.constant 0 : i32
        %dma_start3A_435 = arith.constant 0 : i32
        %dma_start3A_436 = tpu.memref_slice %arg14[%dma_start3A_434, %dma_start3A_435] : memref<10008x128xf32, #tpu.memory_space<vmem_shared>> -> memref<10008x128xf32, #tpu.memory_space<vmem_shared>>
        tpu.enqueue_indirect_dma source(%arg12 : memref<128x128xf32, #tpu.memory_space<vmem>>) target(%dma_start3A_436 : memref<10008x128xf32, #tpu.memory_space<vmem_shared>>) offsets(%dma_start3A_433 : memref<128xi32, #tpu.memory_space<vmem>>) semaphore(%run_scoped3A_430 : memref<!tpu.dma_semaphore, #tpu.memory_space<semaphore_mem>>) {add = true}
        %dma_wait3A_437 = arith.constant 0 : i32
        %dma_wait3A_438 = tpu.memref_slice %arg10[%run_scoped3A_428, %dma_wait3A_437] : memref<8x128xi32, #tpu.memory_space<vmem>> -> memref<1x128xi32, #tpu.memory_space<vmem>>
        %dma_wait3A_439 = tpu.memref_squeeze %dma_wait3A_438 : memref<1x128xi32, #tpu.memory_space<vmem>> -> memref<128xi32, #tpu.memory_space<vmem>>
        %dma_wait3A_440 = arith.constant 0 : i32
        %dma_wait3A_441 = arith.constant 0 : i32
        %dma_wait3A_442 = tpu.memref_slice %arg14[%dma_wait3A_440, %dma_wait3A_441] : memref<10008x128xf32, #tpu.memory_space<vmem_shared>> -> memref<10008x128xf32, #tpu.memory_space<vmem_shared>>
        tpu.wait_indirect_dma semaphore(%run_scoped3A_430 : memref<!tpu.dma_semaphore, #tpu.memory_space<semaphore_mem>>) src(%arg12 : memref<128x128xf32, #tpu.memory_space<vmem>>) dst(%dma_wait3A_442 : memref<10008x128xf32, #tpu.memory_space<vmem_shared>>)
        tpu.yield
      }) : () -> ()
      %scan3A_429 = arith.constant 0 : i32
      scf.yield %scan3A_429 : i32
    }
    %scan3A_18 = arith.constant 10 : i32
    %barrier3A_19 = arith.constant 0 : index
    tpu.barrier barrier_id(%barrier3A_19)
    %eq3A_20 = arith.constant 15 : i32
    %eq3A_21 = arith.cmpi eq, %arg1, %eq3A_20 : i32
    %jit3A_22 = arith.constant 5 : i32
    %jit3A_23 = arith.constant 8 : i32
    %select_n3A_24 = arith.select %eq3A_21, %jit3A_22, %jit3A_23 : i32
    %while3A_25 = arith.constant 0 : i32
    %while3A_26 = arith.constant 0 : i32
    %while3A_27 = arith.subi %select_n3A_24, %while3A_25 : i32
    %while3A_28 = arith.addi %while3A_25, %while3A_27 : i32
    %while3A_29 = arith.constant 1 : i32
    %while3A_30 = arith.divsi %while3A_27, %while3A_29 : i32
    %while3A_31 = arith.muli %while3A_30, %while3A_29 : i32
    %while3A_32 = arith.addi %while3A_25, %while3A_31 : i32
    %while3A_33 = arith.constant 1 : i32
    %while3A_34 = scf.for %while3A_37 = %while3A_25 to %while3A_32 step %while3A_33 iter_args(%while3A_38 = %while3A_26) -> (i32)  : i32 {
      %mul3A = arith.constant 640 : i32
      %mul3A_39 = arith.muli %arg1, %mul3A : i32
      %mul3A_40 = arith.constant 80 : i32
      %mul3A_41 = arith.muli %while3A_37, %mul3A_40 : i32
      %add3A = arith.addi %mul3A_39, %mul3A_41 : i32
      "tpu.region"() ({
        %run_scoped3A = tpu.sem_alloc : memref<!tpu.dma_semaphore, #tpu.memory_space<semaphore_mem>>
        %dma_start3A = arith.constant 0 : i32
        %dma_start3A_43 = tpu.memref_slice %arg14[%add3A, %dma_start3A] : memref<10008x128xf32, #tpu.memory_space<vmem_shared>> -> memref<80x128xf32, #tpu.memory_space<vmem_shared>>
        %dma_start3A_44 = arith.constant 0 : i32
        %dma_start3A_45 = tpu.memref_slice %arg14[%add3A, %dma_start3A_44] : memref<10008x128xf32, #tpu.memory_space<vmem_shared>> -> memref<80x128xf32, #tpu.memory_space<vmem_shared>>
        tpu.enqueue_dma source(%dma_start3A_45 : memref<80x128xf32, #tpu.memory_space<vmem_shared>>) target(%arg13 : memref<80x128xf32, #tpu.memory_space<vmem>>) target_semaphore(%run_scoped3A : memref<!tpu.dma_semaphore, #tpu.memory_space<semaphore_mem>>)
        %dma_wait3A = arith.constant 0 : i32
        %dma_wait3A_46 = tpu.memref_slice %arg14[%add3A, %dma_wait3A] : memref<10008x128xf32, #tpu.memory_space<vmem_shared>> -> memref<80x128xf32, #tpu.memory_space<vmem_shared>>
        %dma_wait3A_47 = arith.constant 0 : i32
        %dma_wait3A_48 = tpu.memref_slice %arg14[%add3A, %dma_wait3A_47] : memref<10008x128xf32, #tpu.memory_space<vmem_shared>> -> memref<80x128xf32, #tpu.memory_space<vmem_shared>>
        tpu.wait_dma2 semaphore(%run_scoped3A : memref<!tpu.dma_semaphore, #tpu.memory_space<semaphore_mem>>) src(%dma_wait3A_48 : memref<80x128xf32, #tpu.memory_space<vmem_shared>>) dst(%arg13 : memref<80x128xf32, #tpu.memory_space<vmem>>)
        tpu.yield
      }) : () -> ()
      "tpu.region"() ({
        %run_scoped3A = tpu.sem_alloc : memref<!tpu.dma_semaphore, #tpu.memory_space<semaphore_mem>>
        %dma_start3A = arith.constant 0 : i32
        %dma_start3A_43 = arith.constant 0 : i32
        %dma_start3A_44 = tpu.memref_slice %arg6[%arg0, %dma_start3A, %dma_start3A_43] : memref<2x10000x128xf32, #tpu.memory_space<hbm>> -> memref<1x10000x128xf32, #tpu.memory_space<hbm>>
        %dma_start3A_45 = tpu.memref_squeeze %dma_start3A_44 : memref<1x10000x128xf32, #tpu.memory_space<hbm>> -> memref<10000x128xf32, #tpu.memory_space<hbm>>
        %dma_start3A_46 = arith.constant 0 : i32
        %dma_start3A_47 = tpu.memref_slice %dma_start3A_45[%add3A, %dma_start3A_46] : memref<10000x128xf32, #tpu.memory_space<hbm>> -> memref<80x128xf32, #tpu.memory_space<hbm>>
        %dma_start3A_48 = arith.constant 0 : i32
        %dma_start3A_49 = arith.constant 0 : i32
        %dma_start3A_50 = tpu.memref_slice %arg6[%arg0, %dma_start3A_48, %dma_start3A_49] : memref<2x10000x128xf32, #tpu.memory_space<hbm>> -> memref<1x10000x128xf32, #tpu.memory_space<hbm>>
        %dma_start3A_51 = tpu.memref_squeeze %dma_start3A_50 : memref<1x10000x128xf32, #tpu.memory_space<hbm>> -> memref<10000x128xf32, #tpu.memory_space<hbm>>
        %dma_start3A_52 = arith.constant 0 : i32
        %dma_start3A_53 = tpu.memref_slice %dma_start3A_51[%add3A, %dma_start3A_52] : memref<10000x128xf32, #tpu.memory_space<hbm>> -> memref<80x128xf32, #tpu.memory_space<hbm>>
        tpu.enqueue_dma source(%arg13 : memref<80x128xf32, #tpu.memory_space<vmem>>) target(%dma_start3A_53 : memref<80x128xf32, #tpu.memory_space<hbm>>) target_semaphore(%run_scoped3A : memref<!tpu.dma_semaphore, #tpu.memory_space<semaphore_mem>>)
        %dma_wait3A = arith.constant 0 : i32
        %dma_wait3A_54 = arith.constant 0 : i32
        %dma_wait3A_55 = tpu.memref_slice %arg6[%arg0, %dma_wait3A, %dma_wait3A_54] : memref<2x10000x128xf32, #tpu.memory_space<hbm>> -> memref<1x10000x128xf32, #tpu.memory_space<hbm>>
        %dma_wait3A_56 = tpu.memref_squeeze %dma_wait3A_55 : memref<1x10000x128xf32, #tpu.memory_space<hbm>> -> memref<10000x128xf32, #tpu.memory_space<hbm>>
        %dma_wait3A_57 = arith.constant 0 : i32
        %dma_wait3A_58 = tpu.memref_slice %dma_wait3A_56[%add3A, %dma_wait3A_57] : memref<10000x128xf32, #tpu.memory_space<hbm>> -> memref<80x128xf32, #tpu.memory_space<hbm>>
        %dma_wait3A_59 = arith.constant 0 : i32
        %dma_wait3A_60 = arith.constant 0 : i32
        %dma_wait3A_61 = tpu.memref_slice %arg6[%arg0, %dma_wait3A_59, %dma_wait3A_60] : memref<2x10000x128xf32, #tpu.memory_space<hbm>> -> memref<1x10000x128xf32, #tpu.memory_space<hbm>>
        %dma_wait3A_62 = tpu.memref_squeeze %dma_wait3A_61 : memref<1x10000x128xf32, #tpu.memory_space<hbm>> -> memref<10000x128xf32, #tpu.memory_space<hbm>>
        %dma_wait3A_63 = arith.constant 0 : i32
        %dma_wait3A_64 = tpu.memref_slice %dma_wait3A_62[%add3A, %dma_wait3A_63] : memref<10000x128xf32, #tpu.memory_space<hbm>> -> memref<80x128xf32, #tpu.memory_space<hbm>>
        tpu.wait_dma2 semaphore(%run_scoped3A : memref<!tpu.dma_semaphore, #tpu.memory_space<semaphore_mem>>) src(%arg13 : memref<80x128xf32, #tpu.memory_space<vmem>>) dst(%dma_wait3A_64 : memref<80x128xf32, #tpu.memory_space<hbm>>)
        tpu.yield
      }) : () -> ()
      %while3A_42 = arith.constant 0 : i32
      scf.yield %while3A_42 : i32
    }
    %while3A_35 = arith.constant 1 : i32
    %while3A_36 = scf.for %while3A_37 = %while3A_32 to %while3A_28 step %while3A_35 iter_args(%while3A_38 = %while3A_34) -> (i32)  : i32 {
      %mul3A = arith.constant 640 : i32
      %mul3A_39 = arith.muli %arg1, %mul3A : i32
      %mul3A_40 = arith.constant 80 : i32
      %mul3A_41 = arith.muli %while3A_37, %mul3A_40 : i32
      %add3A = arith.addi %mul3A_39, %mul3A_41 : i32
      "tpu.region"() ({
        %run_scoped3A = tpu.sem_alloc : memref<!tpu.dma_semaphore, #tpu.memory_space<semaphore_mem>>
        %dma_start3A = arith.constant 0 : i32
        %dma_start3A_43 = tpu.memref_slice %arg14[%add3A, %dma_start3A] : memref<10008x128xf32, #tpu.memory_space<vmem_shared>> -> memref<80x128xf32, #tpu.memory_space<vmem_shared>>
        %dma_start3A_44 = arith.constant 0 : i32
        %dma_start3A_45 = tpu.memref_slice %arg14[%add3A, %dma_start3A_44] : memref<10008x128xf32, #tpu.memory_space<vmem_shared>> -> memref<80x128xf32, #tpu.memory_space<vmem_shared>>
        tpu.enqueue_dma source(%dma_start3A_45 : memref<80x128xf32, #tpu.memory_space<vmem_shared>>) target(%arg13 : memref<80x128xf32, #tpu.memory_space<vmem>>) target_semaphore(%run_scoped3A : memref<!tpu.dma_semaphore, #tpu.memory_space<semaphore_mem>>)
        %dma_wait3A = arith.constant 0 : i32
        %dma_wait3A_46 = tpu.memref_slice %arg14[%add3A, %dma_wait3A] : memref<10008x128xf32, #tpu.memory_space<vmem_shared>> -> memref<80x128xf32, #tpu.memory_space<vmem_shared>>
        %dma_wait3A_47 = arith.constant 0 : i32
        %dma_wait3A_48 = tpu.memref_slice %arg14[%add3A, %dma_wait3A_47] : memref<10008x128xf32, #tpu.memory_space<vmem_shared>> -> memref<80x128xf32, #tpu.memory_space<vmem_shared>>
        tpu.wait_dma2 semaphore(%run_scoped3A : memref<!tpu.dma_semaphore, #tpu.memory_space<semaphore_mem>>) src(%dma_wait3A_48 : memref<80x128xf32, #tpu.memory_space<vmem_shared>>) dst(%arg13 : memref<80x128xf32, #tpu.memory_space<vmem>>)
        tpu.yield
      }) : () -> ()
      "tpu.region"() ({
        %run_scoped3A = tpu.sem_alloc : memref<!tpu.dma_semaphore, #tpu.memory_space<semaphore_mem>>
        %dma_start3A = arith.constant 0 : i32
        %dma_start3A_43 = arith.constant 0 : i32
        %dma_start3A_44 = tpu.memref_slice %arg6[%arg0, %dma_start3A, %dma_start3A_43] : memref<2x10000x128xf32, #tpu.memory_space<hbm>> -> memref<1x10000x128xf32, #tpu.memory_space<hbm>>
        %dma_start3A_45 = tpu.memref_squeeze %dma_start3A_44 : memref<1x10000x128xf32, #tpu.memory_space<hbm>> -> memref<10000x128xf32, #tpu.memory_space<hbm>>
        %dma_start3A_46 = arith.constant 0 : i32
        %dma_start3A_47 = tpu.memref_slice %dma_start3A_45[%add3A, %dma_start3A_46] : memref<10000x128xf32, #tpu.memory_space<hbm>> -> memref<80x128xf32, #tpu.memory_space<hbm>>
        %dma_start3A_48 = arith.constant 0 : i32
        %dma_start3A_49 = arith.constant 0 : i32
        %dma_start3A_50 = tpu.memref_slice %arg6[%arg0, %dma_start3A_48, %dma_start3A_49] : memref<2x10000x128xf32, #tpu.memory_space<hbm>> -> memref<1x10000x128xf32, #tpu.memory_space<hbm>>
        %dma_start3A_51 = tpu.memref_squeeze %dma_start3A_50 : memref<1x10000x128xf32, #tpu.memory_space<hbm>> -> memref<10000x128xf32, #tpu.memory_space<hbm>>
        %dma_start3A_52 = arith.constant 0 : i32
        %dma_start3A_53 = tpu.memref_slice %dma_start3A_51[%add3A, %dma_start3A_52] : memref<10000x128xf32, #tpu.memory_space<hbm>> -> memref<80x128xf32, #tpu.memory_space<hbm>>
        tpu.enqueue_dma source(%arg13 : memref<80x128xf32, #tpu.memory_space<vmem>>) target(%dma_start3A_53 : memref<80x128xf32, #tpu.memory_space<hbm>>) target_semaphore(%run_scoped3A : memref<!tpu.dma_semaphore, #tpu.memory_space<semaphore_mem>>)
        %dma_wait3A = arith.constant 0 : i32
        %dma_wait3A_54 = arith.constant 0 : i32
        %dma_wait3A_55 = tpu.memref_slice %arg6[%arg0, %dma_wait3A, %dma_wait3A_54] : memref<2x10000x128xf32, #tpu.memory_space<hbm>> -> memref<1x10000x128xf32, #tpu.memory_space<hbm>>
        %dma_wait3A_56 = tpu.memref_squeeze %dma_wait3A_55 : memref<1x10000x128xf32, #tpu.memory_space<hbm>> -> memref<10000x128xf32, #tpu.memory_space<hbm>>
        %dma_wait3A_57 = arith.constant 0 : i32
        %dma_wait3A_58 = tpu.memref_slice %dma_wait3A_56[%add3A, %dma_wait3A_57] : memref<10000x128xf32, #tpu.memory_space<hbm>> -> memref<80x128xf32, #tpu.memory_space<hbm>>
        %dma_wait3A_59 = arith.constant 0 : i32
        %dma_wait3A_60 = arith.constant 0 : i32
        %dma_wait3A_61 = tpu.memref_slice %arg6[%arg0, %dma_wait3A_59, %dma_wait3A_60] : memref<2x10000x128xf32, #tpu.memory_space<hbm>> -> memref<1x10000x128xf32, #tpu.memory_space<hbm>>
        %dma_wait3A_62 = tpu.memref_squeeze %dma_wait3A_61 : memref<1x10000x128xf32, #tpu.memory_space<hbm>> -> memref<10000x128xf32, #tpu.memory_space<hbm>>
        %dma_wait3A_63 = arith.constant 0 : i32
        %dma_wait3A_64 = tpu.memref_slice %dma_wait3A_62[%add3A, %dma_wait3A_63] : memref<10000x128xf32, #tpu.memory_space<hbm>> -> memref<80x128xf32, #tpu.memory_space<hbm>>
        tpu.wait_dma2 semaphore(%run_scoped3A : memref<!tpu.dma_semaphore, #tpu.memory_space<semaphore_mem>>) src(%arg13 : memref<80x128xf32, #tpu.memory_space<vmem>>) dst(%dma_wait3A_64 : memref<80x128xf32, #tpu.memory_space<hbm>>)
        tpu.yield
      }) : () -> ()
      %while3A_42 = arith.constant 0 : i32
      scf.yield %while3A_42 : i32
    }
    return
  }
}

#map = affine_map<(d0, d1) -> (0, 0, 0)>
#map1 = affine_map<(d0, d1) -> (0, 0)>
module attributes {stable_mosaic.version = 14 : i64} {
  func.func @_layer_agg_sc(%arg0: i32, %arg1: i32, %arg2: memref<2x10000x128xf32, #tpu.memory_space<hbm>>, %arg3: memref<2560x128xi32, #tpu.memory_space<hbm>>, %arg4: memref<2560x128xi32, #tpu.memory_space<hbm>>, %arg5: memref<80x128xf32, #tpu.memory_space<hbm>>, %arg6: memref<2x10000x128xf32, #tpu.memory_space<hbm>>, %arg7: memref<8x128xi32, #tpu.memory_space<vmem>>, %arg8: memref<8x128xi32, #tpu.memory_space<vmem>>, %arg9: memref<8x128xi32, #tpu.memory_space<vmem>>, %arg10: memref<8x128xi32, #tpu.memory_space<vmem>>, %arg11: memref<128x128xf32, #tpu.memory_space<vmem>>, %arg12: memref<128x128xf32, #tpu.memory_space<vmem>>, %arg13: memref<80x128xf32, #tpu.memory_space<vmem>>, %arg14: memref<10008x128xf32, #tpu.memory_space<vmem_shared>>, %arg15: memref<!tpu.dma_semaphore, #tpu.memory_space<semaphore_mem>>, %arg16: memref<!tpu.dma_semaphore, #tpu.memory_space<semaphore_mem>>, %arg17: memref<!tpu.dma_semaphore, #tpu.memory_space<semaphore_mem>>) attributes {dimension_semantics = [#tpu.dimension_semantics<core_parallel>, #tpu.dimension_semantics<subcore_parallel>], iteration_bounds = array<i64: 2, 16>, scalar_prefetch = 0 : i64, scratch_operands = 11 : i64, tpu.core_type = #tpu.core_type<sc_vector_subcore>, window_params = [{transform_indices = #map}, {transform_indices = #map1}, {transform_indices = #map1}, {transform_indices = #map1}, {transform_indices = #map}]} {
    "tpu.region"() ({
      %run_scoped3A = tpu.sem_alloc : memref<!tpu.dma_semaphore, #tpu.memory_space<semaphore_mem>>
      tpu.enqueue_dma source(%arg5 : memref<80x128xf32, #tpu.memory_space<hbm>>) target(%arg13 : memref<80x128xf32, #tpu.memory_space<vmem>>) target_semaphore(%run_scoped3A : memref<!tpu.dma_semaphore, #tpu.memory_space<semaphore_mem>>)
      tpu.wait_dma2 semaphore(%run_scoped3A : memref<!tpu.dma_semaphore, #tpu.memory_space<semaphore_mem>>) src(%arg5 : memref<80x128xf32, #tpu.memory_space<hbm>>) dst(%arg13 : memref<80x128xf32, #tpu.memory_space<vmem>>)
      tpu.yield
    }) : () -> ()
    %eq3A = arith.constant 15 : i32
    %eq3A_0 = arith.cmpi eq, %arg1, %eq3A : i32
    %jit3A = arith.constant 5 : i32
    %jit3A_1 = arith.constant 8 : i32
    %select_n3A = arith.select %eq3A_0, %jit3A, %jit3A_1 : i32
    %while3A = arith.constant 0 : i32
    %while3A_2 = arith.constant 0 : i32
    %while3A_3 = arith.subi %select_n3A, %while3A : i32
    %while3A_4 = arith.addi %while3A, %while3A_3 : i32
    %while3A_5 = arith.constant 1 : i32
    %while3A_6 = arith.divsi %while3A_3, %while3A_5 : i32
    %while3A_7 = arith.muli %while3A_6, %while3A_5 : i32
    %while3A_8 = arith.addi %while3A, %while3A_7 : i32
    %while3A_9 = arith.constant 1 : i32
    %while3A_10 = scf.for %while3A_37 = %while3A to %while3A_8 step %while3A_9 iter_args(%while3A_38 = %while3A_2) -> (i32)  : i32 {
      %mul3A = arith.constant 640 : i32
      %mul3A_39 = arith.muli %arg1, %mul3A : i32
      %mul3A_40 = arith.constant 80 : i32
      %mul3A_41 = arith.muli %while3A_37, %mul3A_40 : i32
      %add3A = arith.addi %mul3A_39, %mul3A_41 : i32
      "tpu.region"() ({
        %run_scoped3A = tpu.sem_alloc : memref<!tpu.dma_semaphore, #tpu.memory_space<semaphore_mem>>
        %dma_start3A = arith.constant 0 : i32
        %dma_start3A_43 = tpu.memref_slice %arg14[%add3A, %dma_start3A] : memref<10008x128xf32, #tpu.memory_space<vmem_shared>> -> memref<80x128xf32, #tpu.memory_space<vmem_shared>>
        %dma_start3A_44 = arith.constant 0 : i32
        %dma_start3A_45 = tpu.memref_slice %arg14[%add3A, %dma_start3A_44] : memref<10008x128xf32, #tpu.memory_space<vmem_shared>> -> memref<80x128xf32, #tpu.memory_space<vmem_shared>>
        tpu.enqueue_dma source(%arg13 : memref<80x128xf32, #tpu.memory_space<vmem>>) target(%dma_start3A_45 : memref<80x128xf32, #tpu.memory_space<vmem_shared>>) target_semaphore(%run_scoped3A : memref<!tpu.dma_semaphore, #tpu.memory_space<semaphore_mem>>)
        %dma_wait3A = arith.constant 0 : i32
        %dma_wait3A_46 = tpu.memref_slice %arg14[%add3A, %dma_wait3A] : memref<10008x128xf32, #tpu.memory_space<vmem_shared>> -> memref<80x128xf32, #tpu.memory_space<vmem_shared>>
        %dma_wait3A_47 = arith.constant 0 : i32
        %dma_wait3A_48 = tpu.memref_slice %arg14[%add3A, %dma_wait3A_47] : memref<10008x128xf32, #tpu.memory_space<vmem_shared>> -> memref<80x128xf32, #tpu.memory_space<vmem_shared>>
        tpu.wait_dma2 semaphore(%run_scoped3A : memref<!tpu.dma_semaphore, #tpu.memory_space<semaphore_mem>>) src(%arg13 : memref<80x128xf32, #tpu.memory_space<vmem>>) dst(%dma_wait3A_48 : memref<80x128xf32, #tpu.memory_space<vmem_shared>>)
        tpu.yield
      }) : () -> ()
      %while3A_42 = arith.constant 0 : i32
      scf.yield %while3A_42 : i32
    }
    %while3A_11 = arith.constant 1 : i32
    %while3A_12 = scf.for %while3A_37 = %while3A_8 to %while3A_4 step %while3A_11 iter_args(%while3A_38 = %while3A_10) -> (i32)  : i32 {
      %mul3A = arith.constant 640 : i32
      %mul3A_39 = arith.muli %arg1, %mul3A : i32
      %mul3A_40 = arith.constant 80 : i32
      %mul3A_41 = arith.muli %while3A_37, %mul3A_40 : i32
      %add3A = arith.addi %mul3A_39, %mul3A_41 : i32
      "tpu.region"() ({
        %run_scoped3A = tpu.sem_alloc : memref<!tpu.dma_semaphore, #tpu.memory_space<semaphore_mem>>
        %dma_start3A = arith.constant 0 : i32
        %dma_start3A_43 = tpu.memref_slice %arg14[%add3A, %dma_start3A] : memref<10008x128xf32, #tpu.memory_space<vmem_shared>> -> memref<80x128xf32, #tpu.memory_space<vmem_shared>>
        %dma_start3A_44 = arith.constant 0 : i32
        %dma_start3A_45 = tpu.memref_slice %arg14[%add3A, %dma_start3A_44] : memref<10008x128xf32, #tpu.memory_space<vmem_shared>> -> memref<80x128xf32, #tpu.memory_space<vmem_shared>>
        tpu.enqueue_dma source(%arg13 : memref<80x128xf32, #tpu.memory_space<vmem>>) target(%dma_start3A_45 : memref<80x128xf32, #tpu.memory_space<vmem_shared>>) target_semaphore(%run_scoped3A : memref<!tpu.dma_semaphore, #tpu.memory_space<semaphore_mem>>)
        %dma_wait3A = arith.constant 0 : i32
        %dma_wait3A_46 = tpu.memref_slice %arg14[%add3A, %dma_wait3A] : memref<10008x128xf32, #tpu.memory_space<vmem_shared>> -> memref<80x128xf32, #tpu.memory_space<vmem_shared>>
        %dma_wait3A_47 = arith.constant 0 : i32
        %dma_wait3A_48 = tpu.memref_slice %arg14[%add3A, %dma_wait3A_47] : memref<10008x128xf32, #tpu.memory_space<vmem_shared>> -> memref<80x128xf32, #tpu.memory_space<vmem_shared>>
        tpu.wait_dma2 semaphore(%run_scoped3A : memref<!tpu.dma_semaphore, #tpu.memory_space<semaphore_mem>>) src(%arg13 : memref<80x128xf32, #tpu.memory_space<vmem>>) dst(%dma_wait3A_48 : memref<80x128xf32, #tpu.memory_space<vmem_shared>>)
        tpu.yield
      }) : () -> ()
      %while3A_42 = arith.constant 0 : i32
      scf.yield %while3A_42 : i32
    }
    %barrier3A = arith.constant 0 : index
    tpu.barrier barrier_id(%barrier3A)
    %scan3A = arith.constant 0 : i32
    %scan3A_13 = arith.constant 0 : i32
    %scan3A_14 = arith.constant 10 : i32
    %scan3A_15 = arith.addi %scan3A_13, %scan3A_14 : i32
    %scan3A_16 = arith.constant 1 : i32
    %scan3A_17 = scf.for %scan3A_37 = %scan3A_13 to %scan3A_15 step %scan3A_16 iter_args(%scan3A_38 = %scan3A) -> (i32)  : i32 {
      %mul3A = arith.constant 160 : i32
      %mul3A_39 = arith.muli %arg1, %mul3A : i32
      %mul3A_40 = arith.constant 2 : i32
      %mul3A_41 = arith.muli %scan3A_37, %mul3A_40 : i32
      %mul3A_42 = arith.constant 8 : i32
      %mul3A_43 = arith.muli %mul3A_41, %mul3A_42 : i32
      %add3A = arith.addi %mul3A_39, %mul3A_43 : i32
      "tpu.region"() ({
        %run_scoped3A_430 = tpu.sem_alloc : memref<!tpu.dma_semaphore, #tpu.memory_space<semaphore_mem>>
        %dma_start3A_431 = arith.constant 0 : i32
        %dma_start3A_432 = tpu.memref_slice %arg3[%add3A, %dma_start3A_431] : memref<2560x128xi32, #tpu.memory_space<hbm>> -> memref<8x128xi32, #tpu.memory_space<hbm>>
        %dma_start3A_433 = arith.constant 0 : i32
        %dma_start3A_434 = tpu.memref_slice %arg3[%add3A, %dma_start3A_433] : memref<2560x128xi32, #tpu.memory_space<hbm>> -> memref<8x128xi32, #tpu.memory_space<hbm>>
        tpu.enqueue_dma source(%dma_start3A_434 : memref<8x128xi32, #tpu.memory_space<hbm>>) target(%arg7 : memref<8x128xi32, #tpu.memory_space<vmem>>) target_semaphore(%run_scoped3A_430 : memref<!tpu.dma_semaphore, #tpu.memory_space<semaphore_mem>>)
        %dma_wait3A_435 = arith.constant 0 : i32
        %dma_wait3A_436 = tpu.memref_slice %arg3[%add3A, %dma_wait3A_435] : memref<2560x128xi32, #tpu.memory_space<hbm>> -> memref<8x128xi32, #tpu.memory_space<hbm>>
        %dma_wait3A_437 = arith.constant 0 : i32
        %dma_wait3A_438 = tpu.memref_slice %arg3[%add3A, %dma_wait3A_437] : memref<2560x128xi32, #tpu.memory_space<hbm>> -> memref<8x128xi32, #tpu.memory_space<hbm>>
        tpu.wait_dma2 semaphore(%run_scoped3A_430 : memref<!tpu.dma_semaphore, #tpu.memory_space<semaphore_mem>>) src(%dma_wait3A_438 : memref<8x128xi32, #tpu.memory_space<hbm>>) dst(%arg7 : memref<8x128xi32, #tpu.memory_space<vmem>>)
        tpu.yield
      }) : () -> ()
      "tpu.region"() ({
        %run_scoped3A_430 = tpu.sem_alloc : memref<!tpu.dma_semaphore, #tpu.memory_space<semaphore_mem>>
        %dma_start3A_431 = arith.constant 0 : i32
        %dma_start3A_432 = tpu.memref_slice %arg4[%add3A, %dma_start3A_431] : memref<2560x128xi32, #tpu.memory_space<hbm>> -> memref<8x128xi32, #tpu.memory_space<hbm>>
        %dma_start3A_433 = arith.constant 0 : i32
        %dma_start3A_434 = tpu.memref_slice %arg4[%add3A, %dma_start3A_433] : memref<2560x128xi32, #tpu.memory_space<hbm>> -> memref<8x128xi32, #tpu.memory_space<hbm>>
        tpu.enqueue_dma source(%dma_start3A_434 : memref<8x128xi32, #tpu.memory_space<hbm>>) target(%arg8 : memref<8x128xi32, #tpu.memory_space<vmem>>) target_semaphore(%run_scoped3A_430 : memref<!tpu.dma_semaphore, #tpu.memory_space<semaphore_mem>>)
        %dma_wait3A_435 = arith.constant 0 : i32
        %dma_wait3A_436 = tpu.memref_slice %arg4[%add3A, %dma_wait3A_435] : memref<2560x128xi32, #tpu.memory_space<hbm>> -> memref<8x128xi32, #tpu.memory_space<hbm>>
        %dma_wait3A_437 = arith.constant 0 : i32
        %dma_wait3A_438 = tpu.memref_slice %arg4[%add3A, %dma_wait3A_437] : memref<2560x128xi32, #tpu.memory_space<hbm>> -> memref<8x128xi32, #tpu.memory_space<hbm>>
        tpu.wait_dma2 semaphore(%run_scoped3A_430 : memref<!tpu.dma_semaphore, #tpu.memory_space<semaphore_mem>>) src(%dma_wait3A_438 : memref<8x128xi32, #tpu.memory_space<hbm>>) dst(%arg8 : memref<8x128xi32, #tpu.memory_space<vmem>>)
        tpu.yield
      }) : () -> ()
      %add3A_44 = arith.constant 8 : i32
      %add3A_45 = arith.addi %add3A, %add3A_44 : i32
      %dma_start3A = arith.constant 0 : i32
      %dma_start3A_46 = tpu.memref_slice %arg3[%add3A_45, %dma_start3A] : memref<2560x128xi32, #tpu.memory_space<hbm>> -> memref<8x128xi32, #tpu.memory_space<hbm>>
      %dma_start3A_47 = arith.constant 0 : i32
      %dma_start3A_48 = tpu.memref_slice %arg3[%add3A_45, %dma_start3A_47] : memref<2560x128xi32, #tpu.memory_space<hbm>> -> memref<8x128xi32, #tpu.memory_space<hbm>>
      tpu.enqueue_dma source(%dma_start3A_48 : memref<8x128xi32, #tpu.memory_space<hbm>>) target(%arg9 : memref<8x128xi32, #tpu.memory_space<vmem>>) target_semaphore(%arg17 : memref<!tpu.dma_semaphore, #tpu.memory_space<semaphore_mem>>)
      %add3A_49 = arith.constant 8 : i32
      %add3A_50 = arith.addi %add3A, %add3A_49 : i32
      %dma_start3A_51 = arith.constant 0 : i32
      %dma_start3A_52 = tpu.memref_slice %arg4[%add3A_50, %dma_start3A_51] : memref<2560x128xi32, #tpu.memory_space<hbm>> -> memref<8x128xi32, #tpu.memory_space<hbm>>
      %dma_start3A_53 = arith.constant 0 : i32
      %dma_start3A_54 = tpu.memref_slice %arg4[%add3A_50, %dma_start3A_53] : memref<2560x128xi32, #tpu.memory_space<hbm>> -> memref<8x128xi32, #tpu.memory_space<hbm>>
      tpu.enqueue_dma source(%dma_start3A_54 : memref<8x128xi32, #tpu.memory_space<hbm>>) target(%arg10 : memref<8x128xi32, #tpu.memory_space<vmem>>) target_semaphore(%arg17 : memref<!tpu.dma_semaphore, #tpu.memory_space<semaphore_mem>>)
      %dma_start3A_55 = arith.constant 0 : i32
      %dma_start3A_56 = arith.constant 0 : i32
      %dma_start3A_57 = tpu.memref_slice %arg7[%dma_start3A_55, %dma_start3A_56] : memref<8x128xi32, #tpu.memory_space<vmem>> -> memref<1x128xi32, #tpu.memory_space<vmem>>
      %dma_start3A_58 = tpu.memref_squeeze %dma_start3A_57 : memref<1x128xi32, #tpu.memory_space<vmem>> -> memref<128xi32, #tpu.memory_space<vmem>>
      %dma_start3A_59 = arith.constant 0 : i32
      %dma_start3A_60 = arith.constant 0 : i32
      %dma_start3A_61 = tpu.memref_slice %arg2[%arg0, %dma_start3A_59, %dma_start3A_60] : memref<2x10000x128xf32, #tpu.memory_space<hbm>> -> memref<1x10000x128xf32, #tpu.memory_space<hbm>>
      %dma_start3A_62 = tpu.memref_squeeze %dma_start3A_61 : memref<1x10000x128xf32, #tpu.memory_space<hbm>> -> memref<10000x128xf32, #tpu.memory_space<hbm>>
      %dma_start3A_63 = arith.constant 0 : i32
      %dma_start3A_64 = arith.constant 0 : i32
      %dma_start3A_65 = tpu.memref_slice %dma_start3A_62[%dma_start3A_63, %dma_start3A_64] : memref<10000x128xf32, #tpu.memory_space<hbm>> -> memref<10000x128xf32, #tpu.memory_space<hbm>>
      tpu.enqueue_indirect_dma source(%dma_start3A_65 : memref<10000x128xf32, #tpu.memory_space<hbm>>) target(%arg11 : memref<128x128xf32, #tpu.memory_space<vmem>>) offsets(%dma_start3A_58 : memref<128xi32, #tpu.memory_space<vmem>>) semaphore(%arg15 : memref<!tpu.dma_semaphore, #tpu.memory_space<semaphore_mem>>)
      %dma_start3A_66 = arith.constant 1 : i32
      %dma_start3A_67 = arith.constant 0 : i32
      %dma_start3A_68 = tpu.memref_slice %arg7[%dma_start3A_66, %dma_start3A_67] : memref<8x128xi32, #tpu.memory_space<vmem>> -> memref<1x128xi32, #tpu.memory_space<vmem>>
      %dma_start3A_69 = tpu.memref_squeeze %dma_start3A_68 : memref<1x128xi32, #tpu.memory_space<vmem>> -> memref<128xi32, #tpu.memory_space<vmem>>
      %dma_start3A_70 = arith.constant 0 : i32
      %dma_start3A_71 = arith.constant 0 : i32
      %dma_start3A_72 = tpu.memref_slice %arg2[%arg0, %dma_start3A_70, %dma_start3A_71] : memref<2x10000x128xf32, #tpu.memory_space<hbm>> -> memref<1x10000x128xf32, #tpu.memory_space<hbm>>
      %dma_start3A_73 = tpu.memref_squeeze %dma_start3A_72 : memref<1x10000x128xf32, #tpu.memory_space<hbm>> -> memref<10000x128xf32, #tpu.memory_space<hbm>>
      %dma_start3A_74 = arith.constant 0 : i32
      %dma_start3A_75 = arith.constant 0 : i32
      %dma_start3A_76 = tpu.memref_slice %dma_start3A_73[%dma_start3A_74, %dma_start3A_75] : memref<10000x128xf32, #tpu.memory_space<hbm>> -> memref<10000x128xf32, #tpu.memory_space<hbm>>
      tpu.enqueue_indirect_dma source(%dma_start3A_76 : memref<10000x128xf32, #tpu.memory_space<hbm>>) target(%arg12 : memref<128x128xf32, #tpu.memory_space<vmem>>) offsets(%dma_start3A_69 : memref<128xi32, #tpu.memory_space<vmem>>) semaphore(%arg15 : memref<!tpu.dma_semaphore, #tpu.memory_space<semaphore_mem>>)
      %dma_wait3A = arith.constant 0 : i32
      %dma_wait3A_77 = arith.constant 0 : i32
      %dma_wait3A_78 = tpu.memref_slice %arg7[%dma_wait3A, %dma_wait3A_77] : memref<8x128xi32, #tpu.memory_space<vmem>> -> memref<1x128xi32, #tpu.memory_space<vmem>>
      %dma_wait3A_79 = tpu.memref_squeeze %dma_wait3A_78 : memref<1x128xi32, #tpu.memory_space<vmem>> -> memref<128xi32, #tpu.memory_space<vmem>>
      %dma_wait3A_80 = arith.constant 0 : i32
      %dma_wait3A_81 = arith.constant 0 : i32
      %dma_wait3A_82 = tpu.memref_slice %arg2[%arg0, %dma_wait3A_80, %dma_wait3A_81] : memref<2x10000x128xf32, #tpu.memory_space<hbm>> -> memref<1x10000x128xf32, #tpu.memory_space<hbm>>
      %dma_wait3A_83 = tpu.memref_squeeze %dma_wait3A_82 : memref<1x10000x128xf32, #tpu.memory_space<hbm>> -> memref<10000x128xf32, #tpu.memory_space<hbm>>
      %dma_wait3A_84 = arith.constant 0 : i32
      %dma_wait3A_85 = arith.constant 0 : i32
      %dma_wait3A_86 = tpu.memref_slice %dma_wait3A_83[%dma_wait3A_84, %dma_wait3A_85] : memref<10000x128xf32, #tpu.memory_space<hbm>> -> memref<10000x128xf32, #tpu.memory_space<hbm>>
      tpu.wait_indirect_dma semaphore(%arg15 : memref<!tpu.dma_semaphore, #tpu.memory_space<semaphore_mem>>) src(%dma_wait3A_86 : memref<10000x128xf32, #tpu.memory_space<hbm>>) dst(%arg11 : memref<128x128xf32, #tpu.memory_space<vmem>>)
      %run_scoped3A = arith.constant 0 : i32
      "tpu.region"() ({
        %run_scoped3A_430 = tpu.sem_alloc : memref<!tpu.dma_semaphore, #tpu.memory_space<semaphore_mem>>
        %dma_start3A_431 = arith.constant 0 : i32
        %dma_start3A_432 = tpu.memref_slice %arg8[%run_scoped3A, %dma_start3A_431] : memref<8x128xi32, #tpu.memory_space<vmem>> -> memref<1x128xi32, #tpu.memory_space<vmem>>
        %dma_start3A_433 = tpu.memref_squeeze %dma_start3A_432 : memref<1x128xi32, #tpu.memory_space<vmem>> -> memref<128xi32, #tpu.memory_space<vmem>>
        %dma_start3A_434 = arith.constant 0 : i32
        %dma_start3A_435 = arith.constant 0 : i32
        %dma_start3A_436 = tpu.memref_slice %arg14[%dma_start3A_434, %dma_start3A_435] : memref<10008x128xf32, #tpu.memory_space<vmem_shared>> -> memref<10008x128xf32, #tpu.memory_space<vmem_shared>>
        tpu.enqueue_indirect_dma source(%arg11 : memref<128x128xf32, #tpu.memory_space<vmem>>) target(%dma_start3A_436 : memref<10008x128xf32, #tpu.memory_space<vmem_shared>>) offsets(%dma_start3A_433 : memref<128xi32, #tpu.memory_space<vmem>>) semaphore(%run_scoped3A_430 : memref<!tpu.dma_semaphore, #tpu.memory_space<semaphore_mem>>) {add = true}
        %dma_wait3A_437 = arith.constant 0 : i32
        %dma_wait3A_438 = tpu.memref_slice %arg8[%run_scoped3A, %dma_wait3A_437] : memref<8x128xi32, #tpu.memory_space<vmem>> -> memref<1x128xi32, #tpu.memory_space<vmem>>
        %dma_wait3A_439 = tpu.memref_squeeze %dma_wait3A_438 : memref<1x128xi32, #tpu.memory_space<vmem>> -> memref<128xi32, #tpu.memory_space<vmem>>
        %dma_wait3A_440 = arith.constant 0 : i32
        %dma_wait3A_441 = arith.constant 0 : i32
        %dma_wait3A_442 = tpu.memref_slice %arg14[%dma_wait3A_440, %dma_wait3A_441] : memref<10008x128xf32, #tpu.memory_space<vmem_shared>> -> memref<10008x128xf32, #tpu.memory_space<vmem_shared>>
        tpu.wait_indirect_dma semaphore(%run_scoped3A_430 : memref<!tpu.dma_semaphore, #tpu.memory_space<semaphore_mem>>) src(%arg11 : memref<128x128xf32, #tpu.memory_space<vmem>>) dst(%dma_wait3A_442 : memref<10008x128xf32, #tpu.memory_space<vmem_shared>>)
        tpu.yield
      }) : () -> ()
      %dma_wait3A_87 = arith.constant 1 : i32
      %dma_wait3A_88 = arith.constant 0 : i32
      %dma_wait3A_89 = tpu.memref_slice %arg7[%dma_wait3A_87, %dma_wait3A_88] : memref<8x128xi32, #tpu.memory_space<vmem>> -> memref<1x128xi32, #tpu.memory_space<vmem>>
      %dma_wait3A_90 = tpu.memref_squeeze %dma_wait3A_89 : memref<1x128xi32, #tpu.memory_space<vmem>> -> memref<128xi32, #tpu.memory_space<vmem>>
      %dma_wait3A_91 = arith.constant 0 : i32
      %dma_wait3A_92 = arith.constant 0 : i32
      %dma_wait3A_93 = tpu.memref_slice %arg2[%arg0, %dma_wait3A_91, %dma_wait3A_92] : memref<2x10000x128xf32, #tpu.memory_space<hbm>> -> memref<1x10000x128xf32, #tpu.memory_space<hbm>>
      %dma_wait3A_94 = tpu.memref_squeeze %dma_wait3A_93 : memref<1x10000x128xf32, #tpu.memory_space<hbm>> -> memref<10000x128xf32, #tpu.memory_space<hbm>>
      %dma_wait3A_95 = arith.constant 0 : i32
      %dma_wait3A_96 = arith.constant 0 : i32
      %dma_wait3A_97 = tpu.memref_slice %dma_wait3A_94[%dma_wait3A_95, %dma_wait3A_96] : memref<10000x128xf32, #tpu.memory_space<hbm>> -> memref<10000x128xf32, #tpu.memory_space<hbm>>
      tpu.wait_indirect_dma semaphore(%arg15 : memref<!tpu.dma_semaphore, #tpu.memory_space<semaphore_mem>>) src(%dma_wait3A_97 : memref<10000x128xf32, #tpu.memory_space<hbm>>) dst(%arg12 : memref<128x128xf32, #tpu.memory_space<vmem>>)
      %run_scoped3A_98 = arith.constant 1 : i32
      "tpu.region"() ({
        %run_scoped3A_430 = tpu.sem_alloc : memref<!tpu.dma_semaphore, #tpu.memory_space<semaphore_mem>>
        %dma_start3A_431 = arith.constant 0 : i32
        %dma_start3A_432 = tpu.memref_slice %arg8[%run_scoped3A_98, %dma_start3A_431] : memref<8x128xi32, #tpu.memory_space<vmem>> -> memref<1x128xi32, #tpu.memory_space<vmem>>
        %dma_start3A_433 = tpu.memref_squeeze %dma_start3A_432 : memref<1x128xi32, #tpu.memory_space<vmem>> -> memref<128xi32, #tpu.memory_space<vmem>>
        %dma_start3A_434 = arith.constant 0 : i32
        %dma_start3A_435 = arith.constant 0 : i32
        %dma_start3A_436 = tpu.memref_slice %arg14[%dma_start3A_434, %dma_start3A_435] : memref<10008x128xf32, #tpu.memory_space<vmem_shared>> -> memref<10008x128xf32, #tpu.memory_space<vmem_shared>>
        tpu.enqueue_indirect_dma source(%arg12 : memref<128x128xf32, #tpu.memory_space<vmem>>) target(%dma_start3A_436 : memref<10008x128xf32, #tpu.memory_space<vmem_shared>>) offsets(%dma_start3A_433 : memref<128xi32, #tpu.memory_space<vmem>>) semaphore(%run_scoped3A_430 : memref<!tpu.dma_semaphore, #tpu.memory_space<semaphore_mem>>) {add = true}
        %dma_wait3A_437 = arith.constant 0 : i32
        %dma_wait3A_438 = tpu.memref_slice %arg8[%run_scoped3A_98, %dma_wait3A_437] : memref<8x128xi32, #tpu.memory_space<vmem>> -> memref<1x128xi32, #tpu.memory_space<vmem>>
        %dma_wait3A_439 = tpu.memref_squeeze %dma_wait3A_438 : memref<1x128xi32, #tpu.memory_space<vmem>> -> memref<128xi32, #tpu.memory_space<vmem>>
        %dma_wait3A_440 = arith.constant 0 : i32
        %dma_wait3A_441 = arith.constant 0 : i32
        %dma_wait3A_442 = tpu.memref_slice %arg14[%dma_wait3A_440, %dma_wait3A_441] : memref<10008x128xf32, #tpu.memory_space<vmem_shared>> -> memref<10008x128xf32, #tpu.memory_space<vmem_shared>>
        tpu.wait_indirect_dma semaphore(%run_scoped3A_430 : memref<!tpu.dma_semaphore, #tpu.memory_space<semaphore_mem>>) src(%arg12 : memref<128x128xf32, #tpu.memory_space<vmem>>) dst(%dma_wait3A_442 : memref<10008x128xf32, #tpu.memory_space<vmem_shared>>)
        tpu.yield
      }) : () -> ()
      %dma_start3A_99 = arith.constant 2 : i32
      %dma_start3A_100 = arith.constant 0 : i32
      %dma_start3A_101 = tpu.memref_slice %arg7[%dma_start3A_99, %dma_start3A_100] : memref<8x128xi32, #tpu.memory_space<vmem>> -> memref<1x128xi32, #tpu.memory_space<vmem>>
      %dma_start3A_102 = tpu.memref_squeeze %dma_start3A_101 : memref<1x128xi32, #tpu.memory_space<vmem>> -> memref<128xi32, #tpu.memory_space<vmem>>
      %dma_start3A_103 = arith.constant 0 : i32
      %dma_start3A_104 = arith.constant 0 : i32
      %dma_start3A_105 = tpu.memref_slice %arg2[%arg0, %dma_start3A_103, %dma_start3A_104] : memref<2x10000x128xf32, #tpu.memory_space<hbm>> -> memref<1x10000x128xf32, #tpu.memory_space<hbm>>
      %dma_start3A_106 = tpu.memref_squeeze %dma_start3A_105 : memref<1x10000x128xf32, #tpu.memory_space<hbm>> -> memref<10000x128xf32, #tpu.memory_space<hbm>>
      %dma_start3A_107 = arith.constant 0 : i32
      %dma_start3A_108 = arith.constant 0 : i32
      %dma_start3A_109 = tpu.memref_slice %dma_start3A_106[%dma_start3A_107, %dma_start3A_108] : memref<10000x128xf32, #tpu.memory_space<hbm>> -> memref<10000x128xf32, #tpu.memory_space<hbm>>
      tpu.enqueue_indirect_dma source(%dma_start3A_109 : memref<10000x128xf32, #tpu.memory_space<hbm>>) target(%arg11 : memref<128x128xf32, #tpu.memory_space<vmem>>) offsets(%dma_start3A_102 : memref<128xi32, #tpu.memory_space<vmem>>) semaphore(%arg15 : memref<!tpu.dma_semaphore, #tpu.memory_space<semaphore_mem>>)
      %dma_start3A_110 = arith.constant 3 : i32
      %dma_start3A_111 = arith.constant 0 : i32
      %dma_start3A_112 = tpu.memref_slice %arg7[%dma_start3A_110, %dma_start3A_111] : memref<8x128xi32, #tpu.memory_space<vmem>> -> memref<1x128xi32, #tpu.memory_space<vmem>>
      %dma_start3A_113 = tpu.memref_squeeze %dma_start3A_112 : memref<1x128xi32, #tpu.memory_space<vmem>> -> memref<128xi32, #tpu.memory_space<vmem>>
      %dma_start3A_114 = arith.constant 0 : i32
      %dma_start3A_115 = arith.constant 0 : i32
      %dma_start3A_116 = tpu.memref_slice %arg2[%arg0, %dma_start3A_114, %dma_start3A_115] : memref<2x10000x128xf32, #tpu.memory_space<hbm>> -> memref<1x10000x128xf32, #tpu.memory_space<hbm>>
      %dma_start3A_117 = tpu.memref_squeeze %dma_start3A_116 : memref<1x10000x128xf32, #tpu.memory_space<hbm>> -> memref<10000x128xf32, #tpu.memory_space<hbm>>
      %dma_start3A_118 = arith.constant 0 : i32
      %dma_start3A_119 = arith.constant 0 : i32
      %dma_start3A_120 = tpu.memref_slice %dma_start3A_117[%dma_start3A_118, %dma_start3A_119] : memref<10000x128xf32, #tpu.memory_space<hbm>> -> memref<10000x128xf32, #tpu.memory_space<hbm>>
      tpu.enqueue_indirect_dma source(%dma_start3A_120 : memref<10000x128xf32, #tpu.memory_space<hbm>>) target(%arg12 : memref<128x128xf32, #tpu.memory_space<vmem>>) offsets(%dma_start3A_113 : memref<128xi32, #tpu.memory_space<vmem>>) semaphore(%arg15 : memref<!tpu.dma_semaphore, #tpu.memory_space<semaphore_mem>>)
      %dma_wait3A_121 = arith.constant 2 : i32
      %dma_wait3A_122 = arith.constant 0 : i32
      %dma_wait3A_123 = tpu.memref_slice %arg7[%dma_wait3A_121, %dma_wait3A_122] : memref<8x128xi32, #tpu.memory_space<vmem>> -> memref<1x128xi32, #tpu.memory_space<vmem>>
      %dma_wait3A_124 = tpu.memref_squeeze %dma_wait3A_123 : memref<1x128xi32, #tpu.memory_space<vmem>> -> memref<128xi32, #tpu.memory_space<vmem>>
      %dma_wait3A_125 = arith.constant 0 : i32
      %dma_wait3A_126 = arith.constant 0 : i32
      %dma_wait3A_127 = tpu.memref_slice %arg2[%arg0, %dma_wait3A_125, %dma_wait3A_126] : memref<2x10000x128xf32, #tpu.memory_space<hbm>> -> memref<1x10000x128xf32, #tpu.memory_space<hbm>>
      %dma_wait3A_128 = tpu.memref_squeeze %dma_wait3A_127 : memref<1x10000x128xf32, #tpu.memory_space<hbm>> -> memref<10000x128xf32, #tpu.memory_space<hbm>>
      %dma_wait3A_129 = arith.constant 0 : i32
      %dma_wait3A_130 = arith.constant 0 : i32
      %dma_wait3A_131 = tpu.memref_slice %dma_wait3A_128[%dma_wait3A_129, %dma_wait3A_130] : memref<10000x128xf32, #tpu.memory_space<hbm>> -> memref<10000x128xf32, #tpu.memory_space<hbm>>
      tpu.wait_indirect_dma semaphore(%arg15 : memref<!tpu.dma_semaphore, #tpu.memory_space<semaphore_mem>>) src(%dma_wait3A_131 : memref<10000x128xf32, #tpu.memory_space<hbm>>) dst(%arg11 : memref<128x128xf32, #tpu.memory_space<vmem>>)
      %run_scoped3A_132 = arith.constant 2 : i32
      "tpu.region"() ({
        %run_scoped3A_430 = tpu.sem_alloc : memref<!tpu.dma_semaphore, #tpu.memory_space<semaphore_mem>>
        %dma_start3A_431 = arith.constant 0 : i32
        %dma_start3A_432 = tpu.memref_slice %arg8[%run_scoped3A_132, %dma_start3A_431] : memref<8x128xi32, #tpu.memory_space<vmem>> -> memref<1x128xi32, #tpu.memory_space<vmem>>
        %dma_start3A_433 = tpu.memref_squeeze %dma_start3A_432 : memref<1x128xi32, #tpu.memory_space<vmem>> -> memref<128xi32, #tpu.memory_space<vmem>>
        %dma_start3A_434 = arith.constant 0 : i32
        %dma_start3A_435 = arith.constant 0 : i32
        %dma_start3A_436 = tpu.memref_slice %arg14[%dma_start3A_434, %dma_start3A_435] : memref<10008x128xf32, #tpu.memory_space<vmem_shared>> -> memref<10008x128xf32, #tpu.memory_space<vmem_shared>>
        tpu.enqueue_indirect_dma source(%arg11 : memref<128x128xf32, #tpu.memory_space<vmem>>) target(%dma_start3A_436 : memref<10008x128xf32, #tpu.memory_space<vmem_shared>>) offsets(%dma_start3A_433 : memref<128xi32, #tpu.memory_space<vmem>>) semaphore(%run_scoped3A_430 : memref<!tpu.dma_semaphore, #tpu.memory_space<semaphore_mem>>) {add = true}
        %dma_wait3A_437 = arith.constant 0 : i32
        %dma_wait3A_438 = tpu.memref_slice %arg8[%run_scoped3A_132, %dma_wait3A_437] : memref<8x128xi32, #tpu.memory_space<vmem>> -> memref<1x128xi32, #tpu.memory_space<vmem>>
        %dma_wait3A_439 = tpu.memref_squeeze %dma_wait3A_438 : memref<1x128xi32, #tpu.memory_space<vmem>> -> memref<128xi32, #tpu.memory_space<vmem>>
        %dma_wait3A_440 = arith.constant 0 : i32
        %dma_wait3A_441 = arith.constant 0 : i32
        %dma_wait3A_442 = tpu.memref_slice %arg14[%dma_wait3A_440, %dma_wait3A_441] : memref<10008x128xf32, #tpu.memory_space<vmem_shared>> -> memref<10008x128xf32, #tpu.memory_space<vmem_shared>>
        tpu.wait_indirect_dma semaphore(%run_scoped3A_430 : memref<!tpu.dma_semaphore, #tpu.memory_space<semaphore_mem>>) src(%arg11 : memref<128x128xf32, #tpu.memory_space<vmem>>) dst(%dma_wait3A_442 : memref<10008x128xf32, #tpu.memory_space<vmem_shared>>)
        tpu.yield
      }) : () -> ()
      %dma_wait3A_133 = arith.constant 3 : i32
      %dma_wait3A_134 = arith.constant 0 : i32
      %dma_wait3A_135 = tpu.memref_slice %arg7[%dma_wait3A_133, %dma_wait3A_134] : memref<8x128xi32, #tpu.memory_space<vmem>> -> memref<1x128xi32, #tpu.memory_space<vmem>>
      %dma_wait3A_136 = tpu.memref_squeeze %dma_wait3A_135 : memref<1x128xi32, #tpu.memory_space<vmem>> -> memref<128xi32, #tpu.memory_space<vmem>>
      %dma_wait3A_137 = arith.constant 0 : i32
      %dma_wait3A_138 = arith.constant 0 : i32
      %dma_wait3A_139 = tpu.memref_slice %arg2[%arg0, %dma_wait3A_137, %dma_wait3A_138] : memref<2x10000x128xf32, #tpu.memory_space<hbm>> -> memref<1x10000x128xf32, #tpu.memory_space<hbm>>
      %dma_wait3A_140 = tpu.memref_squeeze %dma_wait3A_139 : memref<1x10000x128xf32, #tpu.memory_space<hbm>> -> memref<10000x128xf32, #tpu.memory_space<hbm>>
      %dma_wait3A_141 = arith.constant 0 : i32
      %dma_wait3A_142 = arith.constant 0 : i32
      %dma_wait3A_143 = tpu.memref_slice %dma_wait3A_140[%dma_wait3A_141, %dma_wait3A_142] : memref<10000x128xf32, #tpu.memory_space<hbm>> -> memref<10000x128xf32, #tpu.memory_space<hbm>>
      tpu.wait_indirect_dma semaphore(%arg15 : memref<!tpu.dma_semaphore, #tpu.memory_space<semaphore_mem>>) src(%dma_wait3A_143 : memref<10000x128xf32, #tpu.memory_space<hbm>>) dst(%arg12 : memref<128x128xf32, #tpu.memory_space<vmem>>)
      %run_scoped3A_144 = arith.constant 3 : i32
      "tpu.region"() ({
        %run_scoped3A_430 = tpu.sem_alloc : memref<!tpu.dma_semaphore, #tpu.memory_space<semaphore_mem>>
        %dma_start3A_431 = arith.constant 0 : i32
        %dma_start3A_432 = tpu.memref_slice %arg8[%run_scoped3A_144, %dma_start3A_431] : memref<8x128xi32, #tpu.memory_space<vmem>> -> memref<1x128xi32, #tpu.memory_space<vmem>>
        %dma_start3A_433 = tpu.memref_squeeze %dma_start3A_432 : memref<1x128xi32, #tpu.memory_space<vmem>> -> memref<128xi32, #tpu.memory_space<vmem>>
        %dma_start3A_434 = arith.constant 0 : i32
        %dma_start3A_435 = arith.constant 0 : i32
        %dma_start3A_436 = tpu.memref_slice %arg14[%dma_start3A_434, %dma_start3A_435] : memref<10008x128xf32, #tpu.memory_space<vmem_shared>> -> memref<10008x128xf32, #tpu.memory_space<vmem_shared>>
        tpu.enqueue_indirect_dma source(%arg12 : memref<128x128xf32, #tpu.memory_space<vmem>>) target(%dma_start3A_436 : memref<10008x128xf32, #tpu.memory_space<vmem_shared>>) offsets(%dma_start3A_433 : memref<128xi32, #tpu.memory_space<vmem>>) semaphore(%run_scoped3A_430 : memref<!tpu.dma_semaphore, #tpu.memory_space<semaphore_mem>>) {add = true}
        %dma_wait3A_437 = arith.constant 0 : i32
        %dma_wait3A_438 = tpu.memref_slice %arg8[%run_scoped3A_144, %dma_wait3A_437] : memref<8x128xi32, #tpu.memory_space<vmem>> -> memref<1x128xi32, #tpu.memory_space<vmem>>
        %dma_wait3A_439 = tpu.memref_squeeze %dma_wait3A_438 : memref<1x128xi32, #tpu.memory_space<vmem>> -> memref<128xi32, #tpu.memory_space<vmem>>
        %dma_wait3A_440 = arith.constant 0 : i32
        %dma_wait3A_441 = arith.constant 0 : i32
        %dma_wait3A_442 = tpu.memref_slice %arg14[%dma_wait3A_440, %dma_wait3A_441] : memref<10008x128xf32, #tpu.memory_space<vmem_shared>> -> memref<10008x128xf32, #tpu.memory_space<vmem_shared>>
        tpu.wait_indirect_dma semaphore(%run_scoped3A_430 : memref<!tpu.dma_semaphore, #tpu.memory_space<semaphore_mem>>) src(%arg12 : memref<128x128xf32, #tpu.memory_space<vmem>>) dst(%dma_wait3A_442 : memref<10008x128xf32, #tpu.memory_space<vmem_shared>>)
        tpu.yield
      }) : () -> ()
      %dma_start3A_145 = arith.constant 4 : i32
      %dma_start3A_146 = arith.constant 0 : i32
      %dma_start3A_147 = tpu.memref_slice %arg7[%dma_start3A_145, %dma_start3A_146] : memref<8x128xi32, #tpu.memory_space<vmem>> -> memref<1x128xi32, #tpu.memory_space<vmem>>
      %dma_start3A_148 = tpu.memref_squeeze %dma_start3A_147 : memref<1x128xi32, #tpu.memory_space<vmem>> -> memref<128xi32, #tpu.memory_space<vmem>>
      %dma_start3A_149 = arith.constant 0 : i32
      %dma_start3A_150 = arith.constant 0 : i32
      %dma_start3A_151 = tpu.memref_slice %arg2[%arg0, %dma_start3A_149, %dma_start3A_150] : memref<2x10000x128xf32, #tpu.memory_space<hbm>> -> memref<1x10000x128xf32, #tpu.memory_space<hbm>>
      %dma_start3A_152 = tpu.memref_squeeze %dma_start3A_151 : memref<1x10000x128xf32, #tpu.memory_space<hbm>> -> memref<10000x128xf32, #tpu.memory_space<hbm>>
      %dma_start3A_153 = arith.constant 0 : i32
      %dma_start3A_154 = arith.constant 0 : i32
      %dma_start3A_155 = tpu.memref_slice %dma_start3A_152[%dma_start3A_153, %dma_start3A_154] : memref<10000x128xf32, #tpu.memory_space<hbm>> -> memref<10000x128xf32, #tpu.memory_space<hbm>>
      tpu.enqueue_indirect_dma source(%dma_start3A_155 : memref<10000x128xf32, #tpu.memory_space<hbm>>) target(%arg11 : memref<128x128xf32, #tpu.memory_space<vmem>>) offsets(%dma_start3A_148 : memref<128xi32, #tpu.memory_space<vmem>>) semaphore(%arg15 : memref<!tpu.dma_semaphore, #tpu.memory_space<semaphore_mem>>)
      %dma_start3A_156 = arith.constant 5 : i32
      %dma_start3A_157 = arith.constant 0 : i32
      %dma_start3A_158 = tpu.memref_slice %arg7[%dma_start3A_156, %dma_start3A_157] : memref<8x128xi32, #tpu.memory_space<vmem>> -> memref<1x128xi32, #tpu.memory_space<vmem>>
      %dma_start3A_159 = tpu.memref_squeeze %dma_start3A_158 : memref<1x128xi32, #tpu.memory_space<vmem>> -> memref<128xi32, #tpu.memory_space<vmem>>
      %dma_start3A_160 = arith.constant 0 : i32
      %dma_start3A_161 = arith.constant 0 : i32
      %dma_start3A_162 = tpu.memref_slice %arg2[%arg0, %dma_start3A_160, %dma_start3A_161] : memref<2x10000x128xf32, #tpu.memory_space<hbm>> -> memref<1x10000x128xf32, #tpu.memory_space<hbm>>
      %dma_start3A_163 = tpu.memref_squeeze %dma_start3A_162 : memref<1x10000x128xf32, #tpu.memory_space<hbm>> -> memref<10000x128xf32, #tpu.memory_space<hbm>>
      %dma_start3A_164 = arith.constant 0 : i32
      %dma_start3A_165 = arith.constant 0 : i32
      %dma_start3A_166 = tpu.memref_slice %dma_start3A_163[%dma_start3A_164, %dma_start3A_165] : memref<10000x128xf32, #tpu.memory_space<hbm>> -> memref<10000x128xf32, #tpu.memory_space<hbm>>
      tpu.enqueue_indirect_dma source(%dma_start3A_166 : memref<10000x128xf32, #tpu.memory_space<hbm>>) target(%arg12 : memref<128x128xf32, #tpu.memory_space<vmem>>) offsets(%dma_start3A_159 : memref<128xi32, #tpu.memory_space<vmem>>) semaphore(%arg15 : memref<!tpu.dma_semaphore, #tpu.memory_space<semaphore_mem>>)
      %dma_wait3A_167 = arith.constant 4 : i32
      %dma_wait3A_168 = arith.constant 0 : i32
      %dma_wait3A_169 = tpu.memref_slice %arg7[%dma_wait3A_167, %dma_wait3A_168] : memref<8x128xi32, #tpu.memory_space<vmem>> -> memref<1x128xi32, #tpu.memory_space<vmem>>
      %dma_wait3A_170 = tpu.memref_squeeze %dma_wait3A_169 : memref<1x128xi32, #tpu.memory_space<vmem>> -> memref<128xi32, #tpu.memory_space<vmem>>
      %dma_wait3A_171 = arith.constant 0 : i32
      %dma_wait3A_172 = arith.constant 0 : i32
      %dma_wait3A_173 = tpu.memref_slice %arg2[%arg0, %dma_wait3A_171, %dma_wait3A_172] : memref<2x10000x128xf32, #tpu.memory_space<hbm>> -> memref<1x10000x128xf32, #tpu.memory_space<hbm>>
      %dma_wait3A_174 = tpu.memref_squeeze %dma_wait3A_173 : memref<1x10000x128xf32, #tpu.memory_space<hbm>> -> memref<10000x128xf32, #tpu.memory_space<hbm>>
      %dma_wait3A_175 = arith.constant 0 : i32
      %dma_wait3A_176 = arith.constant 0 : i32
      %dma_wait3A_177 = tpu.memref_slice %dma_wait3A_174[%dma_wait3A_175, %dma_wait3A_176] : memref<10000x128xf32, #tpu.memory_space<hbm>> -> memref<10000x128xf32, #tpu.memory_space<hbm>>
      tpu.wait_indirect_dma semaphore(%arg15 : memref<!tpu.dma_semaphore, #tpu.memory_space<semaphore_mem>>) src(%dma_wait3A_177 : memref<10000x128xf32, #tpu.memory_space<hbm>>) dst(%arg11 : memref<128x128xf32, #tpu.memory_space<vmem>>)
      %run_scoped3A_178 = arith.constant 4 : i32
      "tpu.region"() ({
        %run_scoped3A_430 = tpu.sem_alloc : memref<!tpu.dma_semaphore, #tpu.memory_space<semaphore_mem>>
        %dma_start3A_431 = arith.constant 0 : i32
        %dma_start3A_432 = tpu.memref_slice %arg8[%run_scoped3A_178, %dma_start3A_431] : memref<8x128xi32, #tpu.memory_space<vmem>> -> memref<1x128xi32, #tpu.memory_space<vmem>>
        %dma_start3A_433 = tpu.memref_squeeze %dma_start3A_432 : memref<1x128xi32, #tpu.memory_space<vmem>> -> memref<128xi32, #tpu.memory_space<vmem>>
        %dma_start3A_434 = arith.constant 0 : i32
        %dma_start3A_435 = arith.constant 0 : i32
        %dma_start3A_436 = tpu.memref_slice %arg14[%dma_start3A_434, %dma_start3A_435] : memref<10008x128xf32, #tpu.memory_space<vmem_shared>> -> memref<10008x128xf32, #tpu.memory_space<vmem_shared>>
        tpu.enqueue_indirect_dma source(%arg11 : memref<128x128xf32, #tpu.memory_space<vmem>>) target(%dma_start3A_436 : memref<10008x128xf32, #tpu.memory_space<vmem_shared>>) offsets(%dma_start3A_433 : memref<128xi32, #tpu.memory_space<vmem>>) semaphore(%run_scoped3A_430 : memref<!tpu.dma_semaphore, #tpu.memory_space<semaphore_mem>>) {add = true}
        %dma_wait3A_437 = arith.constant 0 : i32
        %dma_wait3A_438 = tpu.memref_slice %arg8[%run_scoped3A_178, %dma_wait3A_437] : memref<8x128xi32, #tpu.memory_space<vmem>> -> memref<1x128xi32, #tpu.memory_space<vmem>>
        %dma_wait3A_439 = tpu.memref_squeeze %dma_wait3A_438 : memref<1x128xi32, #tpu.memory_space<vmem>> -> memref<128xi32, #tpu.memory_space<vmem>>
        %dma_wait3A_440 = arith.constant 0 : i32
        %dma_wait3A_441 = arith.constant 0 : i32
        %dma_wait3A_442 = tpu.memref_slice %arg14[%dma_wait3A_440, %dma_wait3A_441] : memref<10008x128xf32, #tpu.memory_space<vmem_shared>> -> memref<10008x128xf32, #tpu.memory_space<vmem_shared>>
        tpu.wait_indirect_dma semaphore(%run_scoped3A_430 : memref<!tpu.dma_semaphore, #tpu.memory_space<semaphore_mem>>) src(%arg11 : memref<128x128xf32, #tpu.memory_space<vmem>>) dst(%dma_wait3A_442 : memref<10008x128xf32, #tpu.memory_space<vmem_shared>>)
        tpu.yield
      }) : () -> ()
      %dma_wait3A_179 = arith.constant 5 : i32
      %dma_wait3A_180 = arith.constant 0 : i32
      %dma_wait3A_181 = tpu.memref_slice %arg7[%dma_wait3A_179, %dma_wait3A_180] : memref<8x128xi32, #tpu.memory_space<vmem>> -> memref<1x128xi32, #tpu.memory_space<vmem>>
      %dma_wait3A_182 = tpu.memref_squeeze %dma_wait3A_181 : memref<1x128xi32, #tpu.memory_space<vmem>> -> memref<128xi32, #tpu.memory_space<vmem>>
      %dma_wait3A_183 = arith.constant 0 : i32
      %dma_wait3A_184 = arith.constant 0 : i32
      %dma_wait3A_185 = tpu.memref_slice %arg2[%arg0, %dma_wait3A_183, %dma_wait3A_184] : memref<2x10000x128xf32, #tpu.memory_space<hbm>> -> memref<1x10000x128xf32, #tpu.memory_space<hbm>>
      %dma_wait3A_186 = tpu.memref_squeeze %dma_wait3A_185 : memref<1x10000x128xf32, #tpu.memory_space<hbm>> -> memref<10000x128xf32, #tpu.memory_space<hbm>>
      %dma_wait3A_187 = arith.constant 0 : i32
      %dma_wait3A_188 = arith.constant 0 : i32
      %dma_wait3A_189 = tpu.memref_slice %dma_wait3A_186[%dma_wait3A_187, %dma_wait3A_188] : memref<10000x128xf32, #tpu.memory_space<hbm>> -> memref<10000x128xf32, #tpu.memory_space<hbm>>
      tpu.wait_indirect_dma semaphore(%arg15 : memref<!tpu.dma_semaphore, #tpu.memory_space<semaphore_mem>>) src(%dma_wait3A_189 : memref<10000x128xf32, #tpu.memory_space<hbm>>) dst(%arg12 : memref<128x128xf32, #tpu.memory_space<vmem>>)
      %run_scoped3A_190 = arith.constant 5 : i32
      "tpu.region"() ({
        %run_scoped3A_430 = tpu.sem_alloc : memref<!tpu.dma_semaphore, #tpu.memory_space<semaphore_mem>>
        %dma_start3A_431 = arith.constant 0 : i32
        %dma_start3A_432 = tpu.memref_slice %arg8[%run_scoped3A_190, %dma_start3A_431] : memref<8x128xi32, #tpu.memory_space<vmem>> -> memref<1x128xi32, #tpu.memory_space<vmem>>
        %dma_start3A_433 = tpu.memref_squeeze %dma_start3A_432 : memref<1x128xi32, #tpu.memory_space<vmem>> -> memref<128xi32, #tpu.memory_space<vmem>>
        %dma_start3A_434 = arith.constant 0 : i32
        %dma_start3A_435 = arith.constant 0 : i32
        %dma_start3A_436 = tpu.memref_slice %arg14[%dma_start3A_434, %dma_start3A_435] : memref<10008x128xf32, #tpu.memory_space<vmem_shared>> -> memref<10008x128xf32, #tpu.memory_space<vmem_shared>>
        tpu.enqueue_indirect_dma source(%arg12 : memref<128x128xf32, #tpu.memory_space<vmem>>) target(%dma_start3A_436 : memref<10008x128xf32, #tpu.memory_space<vmem_shared>>) offsets(%dma_start3A_433 : memref<128xi32, #tpu.memory_space<vmem>>) semaphore(%run_scoped3A_430 : memref<!tpu.dma_semaphore, #tpu.memory_space<semaphore_mem>>) {add = true}
        %dma_wait3A_437 = arith.constant 0 : i32
        %dma_wait3A_438 = tpu.memref_slice %arg8[%run_scoped3A_190, %dma_wait3A_437] : memref<8x128xi32, #tpu.memory_space<vmem>> -> memref<1x128xi32, #tpu.memory_space<vmem>>
        %dma_wait3A_439 = tpu.memref_squeeze %dma_wait3A_438 : memref<1x128xi32, #tpu.memory_space<vmem>> -> memref<128xi32, #tpu.memory_space<vmem>>
        %dma_wait3A_440 = arith.constant 0 : i32
        %dma_wait3A_441 = arith.constant 0 : i32
        %dma_wait3A_442 = tpu.memref_slice %arg14[%dma_wait3A_440, %dma_wait3A_441] : memref<10008x128xf32, #tpu.memory_space<vmem_shared>> -> memref<10008x128xf32, #tpu.memory_space<vmem_shared>>
        tpu.wait_indirect_dma semaphore(%run_scoped3A_430 : memref<!tpu.dma_semaphore, #tpu.memory_space<semaphore_mem>>) src(%arg12 : memref<128x128xf32, #tpu.memory_space<vmem>>) dst(%dma_wait3A_442 : memref<10008x128xf32, #tpu.memory_space<vmem_shared>>)
        tpu.yield
      }) : () -> ()
      %dma_start3A_191 = arith.constant 6 : i32
      %dma_start3A_192 = arith.constant 0 : i32
      %dma_start3A_193 = tpu.memref_slice %arg7[%dma_start3A_191, %dma_start3A_192] : memref<8x128xi32, #tpu.memory_space<vmem>> -> memref<1x128xi32, #tpu.memory_space<vmem>>
      %dma_start3A_194 = tpu.memref_squeeze %dma_start3A_193 : memref<1x128xi32, #tpu.memory_space<vmem>> -> memref<128xi32, #tpu.memory_space<vmem>>
      %dma_start3A_195 = arith.constant 0 : i32
      %dma_start3A_196 = arith.constant 0 : i32
      %dma_start3A_197 = tpu.memref_slice %arg2[%arg0, %dma_start3A_195, %dma_start3A_196] : memref<2x10000x128xf32, #tpu.memory_space<hbm>> -> memref<1x10000x128xf32, #tpu.memory_space<hbm>>
      %dma_start3A_198 = tpu.memref_squeeze %dma_start3A_197 : memref<1x10000x128xf32, #tpu.memory_space<hbm>> -> memref<10000x128xf32, #tpu.memory_space<hbm>>
      %dma_start3A_199 = arith.constant 0 : i32
      %dma_start3A_200 = arith.constant 0 : i32
      %dma_start3A_201 = tpu.memref_slice %dma_start3A_198[%dma_start3A_199, %dma_start3A_200] : memref<10000x128xf32, #tpu.memory_space<hbm>> -> memref<10000x128xf32, #tpu.memory_space<hbm>>
      tpu.enqueue_indirect_dma source(%dma_start3A_201 : memref<10000x128xf32, #tpu.memory_space<hbm>>) target(%arg11 : memref<128x128xf32, #tpu.memory_space<vmem>>) offsets(%dma_start3A_194 : memref<128xi32, #tpu.memory_space<vmem>>) semaphore(%arg15 : memref<!tpu.dma_semaphore, #tpu.memory_space<semaphore_mem>>)
      %dma_start3A_202 = arith.constant 7 : i32
      %dma_start3A_203 = arith.constant 0 : i32
      %dma_start3A_204 = tpu.memref_slice %arg7[%dma_start3A_202, %dma_start3A_203] : memref<8x128xi32, #tpu.memory_space<vmem>> -> memref<1x128xi32, #tpu.memory_space<vmem>>
      %dma_start3A_205 = tpu.memref_squeeze %dma_start3A_204 : memref<1x128xi32, #tpu.memory_space<vmem>> -> memref<128xi32, #tpu.memory_space<vmem>>
      %dma_start3A_206 = arith.constant 0 : i32
      %dma_start3A_207 = arith.constant 0 : i32
      %dma_start3A_208 = tpu.memref_slice %arg2[%arg0, %dma_start3A_206, %dma_start3A_207] : memref<2x10000x128xf32, #tpu.memory_space<hbm>> -> memref<1x10000x128xf32, #tpu.memory_space<hbm>>
      %dma_start3A_209 = tpu.memref_squeeze %dma_start3A_208 : memref<1x10000x128xf32, #tpu.memory_space<hbm>> -> memref<10000x128xf32, #tpu.memory_space<hbm>>
      %dma_start3A_210 = arith.constant 0 : i32
      %dma_start3A_211 = arith.constant 0 : i32
      %dma_start3A_212 = tpu.memref_slice %dma_start3A_209[%dma_start3A_210, %dma_start3A_211] : memref<10000x128xf32, #tpu.memory_space<hbm>> -> memref<10000x128xf32, #tpu.memory_space<hbm>>
      tpu.enqueue_indirect_dma source(%dma_start3A_212 : memref<10000x128xf32, #tpu.memory_space<hbm>>) target(%arg12 : memref<128x128xf32, #tpu.memory_space<vmem>>) offsets(%dma_start3A_205 : memref<128xi32, #tpu.memory_space<vmem>>) semaphore(%arg15 : memref<!tpu.dma_semaphore, #tpu.memory_space<semaphore_mem>>)
      %dma_wait3A_213 = arith.constant 6 : i32
      %dma_wait3A_214 = arith.constant 0 : i32
      %dma_wait3A_215 = tpu.memref_slice %arg7[%dma_wait3A_213, %dma_wait3A_214] : memref<8x128xi32, #tpu.memory_space<vmem>> -> memref<1x128xi32, #tpu.memory_space<vmem>>
      %dma_wait3A_216 = tpu.memref_squeeze %dma_wait3A_215 : memref<1x128xi32, #tpu.memory_space<vmem>> -> memref<128xi32, #tpu.memory_space<vmem>>
      %dma_wait3A_217 = arith.constant 0 : i32
      %dma_wait3A_218 = arith.constant 0 : i32
      %dma_wait3A_219 = tpu.memref_slice %arg2[%arg0, %dma_wait3A_217, %dma_wait3A_218] : memref<2x10000x128xf32, #tpu.memory_space<hbm>> -> memref<1x10000x128xf32, #tpu.memory_space<hbm>>
      %dma_wait3A_220 = tpu.memref_squeeze %dma_wait3A_219 : memref<1x10000x128xf32, #tpu.memory_space<hbm>> -> memref<10000x128xf32, #tpu.memory_space<hbm>>
      %dma_wait3A_221 = arith.constant 0 : i32
      %dma_wait3A_222 = arith.constant 0 : i32
      %dma_wait3A_223 = tpu.memref_slice %dma_wait3A_220[%dma_wait3A_221, %dma_wait3A_222] : memref<10000x128xf32, #tpu.memory_space<hbm>> -> memref<10000x128xf32, #tpu.memory_space<hbm>>
      tpu.wait_indirect_dma semaphore(%arg15 : memref<!tpu.dma_semaphore, #tpu.memory_space<semaphore_mem>>) src(%dma_wait3A_223 : memref<10000x128xf32, #tpu.memory_space<hbm>>) dst(%arg11 : memref<128x128xf32, #tpu.memory_space<vmem>>)
      %run_scoped3A_224 = arith.constant 6 : i32
      "tpu.region"() ({
        %run_scoped3A_430 = tpu.sem_alloc : memref<!tpu.dma_semaphore, #tpu.memory_space<semaphore_mem>>
        %dma_start3A_431 = arith.constant 0 : i32
        %dma_start3A_432 = tpu.memref_slice %arg8[%run_scoped3A_224, %dma_start3A_431] : memref<8x128xi32, #tpu.memory_space<vmem>> -> memref<1x128xi32, #tpu.memory_space<vmem>>
        %dma_start3A_433 = tpu.memref_squeeze %dma_start3A_432 : memref<1x128xi32, #tpu.memory_space<vmem>> -> memref<128xi32, #tpu.memory_space<vmem>>
        %dma_start3A_434 = arith.constant 0 : i32
        %dma_start3A_435 = arith.constant 0 : i32
        %dma_start3A_436 = tpu.memref_slice %arg14[%dma_start3A_434, %dma_start3A_435] : memref<10008x128xf32, #tpu.memory_space<vmem_shared>> -> memref<10008x128xf32, #tpu.memory_space<vmem_shared>>
        tpu.enqueue_indirect_dma source(%arg11 : memref<128x128xf32, #tpu.memory_space<vmem>>) target(%dma_start3A_436 : memref<10008x128xf32, #tpu.memory_space<vmem_shared>>) offsets(%dma_start3A_433 : memref<128xi32, #tpu.memory_space<vmem>>) semaphore(%run_scoped3A_430 : memref<!tpu.dma_semaphore, #tpu.memory_space<semaphore_mem>>) {add = true}
        %dma_wait3A_437 = arith.constant 0 : i32
        %dma_wait3A_438 = tpu.memref_slice %arg8[%run_scoped3A_224, %dma_wait3A_437] : memref<8x128xi32, #tpu.memory_space<vmem>> -> memref<1x128xi32, #tpu.memory_space<vmem>>
        %dma_wait3A_439 = tpu.memref_squeeze %dma_wait3A_438 : memref<1x128xi32, #tpu.memory_space<vmem>> -> memref<128xi32, #tpu.memory_space<vmem>>
        %dma_wait3A_440 = arith.constant 0 : i32
        %dma_wait3A_441 = arith.constant 0 : i32
        %dma_wait3A_442 = tpu.memref_slice %arg14[%dma_wait3A_440, %dma_wait3A_441] : memref<10008x128xf32, #tpu.memory_space<vmem_shared>> -> memref<10008x128xf32, #tpu.memory_space<vmem_shared>>
        tpu.wait_indirect_dma semaphore(%run_scoped3A_430 : memref<!tpu.dma_semaphore, #tpu.memory_space<semaphore_mem>>) src(%arg11 : memref<128x128xf32, #tpu.memory_space<vmem>>) dst(%dma_wait3A_442 : memref<10008x128xf32, #tpu.memory_space<vmem_shared>>)
        tpu.yield
      }) : () -> ()
      %dma_wait3A_225 = arith.constant 7 : i32
      %dma_wait3A_226 = arith.constant 0 : i32
      %dma_wait3A_227 = tpu.memref_slice %arg7[%dma_wait3A_225, %dma_wait3A_226] : memref<8x128xi32, #tpu.memory_space<vmem>> -> memref<1x128xi32, #tpu.memory_space<vmem>>
      %dma_wait3A_228 = tpu.memref_squeeze %dma_wait3A_227 : memref<1x128xi32, #tpu.memory_space<vmem>> -> memref<128xi32, #tpu.memory_space<vmem>>
      %dma_wait3A_229 = arith.constant 0 : i32
      %dma_wait3A_230 = arith.constant 0 : i32
      %dma_wait3A_231 = tpu.memref_slice %arg2[%arg0, %dma_wait3A_229, %dma_wait3A_230] : memref<2x10000x128xf32, #tpu.memory_space<hbm>> -> memref<1x10000x128xf32, #tpu.memory_space<hbm>>
      %dma_wait3A_232 = tpu.memref_squeeze %dma_wait3A_231 : memref<1x10000x128xf32, #tpu.memory_space<hbm>> -> memref<10000x128xf32, #tpu.memory_space<hbm>>
      %dma_wait3A_233 = arith.constant 0 : i32
      %dma_wait3A_234 = arith.constant 0 : i32
      %dma_wait3A_235 = tpu.memref_slice %dma_wait3A_232[%dma_wait3A_233, %dma_wait3A_234] : memref<10000x128xf32, #tpu.memory_space<hbm>> -> memref<10000x128xf32, #tpu.memory_space<hbm>>
      tpu.wait_indirect_dma semaphore(%arg15 : memref<!tpu.dma_semaphore, #tpu.memory_space<semaphore_mem>>) src(%dma_wait3A_235 : memref<10000x128xf32, #tpu.memory_space<hbm>>) dst(%arg12 : memref<128x128xf32, #tpu.memory_space<vmem>>)
      %run_scoped3A_236 = arith.constant 7 : i32
      "tpu.region"() ({
        %run_scoped3A_430 = tpu.sem_alloc : memref<!tpu.dma_semaphore, #tpu.memory_space<semaphore_mem>>
        %dma_start3A_431 = arith.constant 0 : i32
        %dma_start3A_432 = tpu.memref_slice %arg8[%run_scoped3A_236, %dma_start3A_431] : memref<8x128xi32, #tpu.memory_space<vmem>> -> memref<1x128xi32, #tpu.memory_space<vmem>>
        %dma_start3A_433 = tpu.memref_squeeze %dma_start3A_432 : memref<1x128xi32, #tpu.memory_space<vmem>> -> memref<128xi32, #tpu.memory_space<vmem>>
        %dma_start3A_434 = arith.constant 0 : i32
        %dma_start3A_435 = arith.constant 0 : i32
        %dma_start3A_436 = tpu.memref_slice %arg14[%dma_start3A_434, %dma_start3A_435] : memref<10008x128xf32, #tpu.memory_space<vmem_shared>> -> memref<10008x128xf32, #tpu.memory_space<vmem_shared>>
        tpu.enqueue_indirect_dma source(%arg12 : memref<128x128xf32, #tpu.memory_space<vmem>>) target(%dma_start3A_436 : memref<10008x128xf32, #tpu.memory_space<vmem_shared>>) offsets(%dma_start3A_433 : memref<128xi32, #tpu.memory_space<vmem>>) semaphore(%run_scoped3A_430 : memref<!tpu.dma_semaphore, #tpu.memory_space<semaphore_mem>>) {add = true}
        %dma_wait3A_437 = arith.constant 0 : i32
        %dma_wait3A_438 = tpu.memref_slice %arg8[%run_scoped3A_236, %dma_wait3A_437] : memref<8x128xi32, #tpu.memory_space<vmem>> -> memref<1x128xi32, #tpu.memory_space<vmem>>
        %dma_wait3A_439 = tpu.memref_squeeze %dma_wait3A_438 : memref<1x128xi32, #tpu.memory_space<vmem>> -> memref<128xi32, #tpu.memory_space<vmem>>
        %dma_wait3A_440 = arith.constant 0 : i32
        %dma_wait3A_441 = arith.constant 0 : i32
        %dma_wait3A_442 = tpu.memref_slice %arg14[%dma_wait3A_440, %dma_wait3A_441] : memref<10008x128xf32, #tpu.memory_space<vmem_shared>> -> memref<10008x128xf32, #tpu.memory_space<vmem_shared>>
        tpu.wait_indirect_dma semaphore(%run_scoped3A_430 : memref<!tpu.dma_semaphore, #tpu.memory_space<semaphore_mem>>) src(%arg12 : memref<128x128xf32, #tpu.memory_space<vmem>>) dst(%dma_wait3A_442 : memref<10008x128xf32, #tpu.memory_space<vmem_shared>>)
        tpu.yield
      }) : () -> ()
      %dma_wait3A_237 = arith.constant 0 : i32
      %dma_wait3A_238 = tpu.memref_slice %arg3[%add3A_45, %dma_wait3A_237] : memref<2560x128xi32, #tpu.memory_space<hbm>> -> memref<8x128xi32, #tpu.memory_space<hbm>>
      %dma_wait3A_239 = arith.constant 0 : i32
      %dma_wait3A_240 = tpu.memref_slice %arg3[%add3A_45, %dma_wait3A_239] : memref<2560x128xi32, #tpu.memory_space<hbm>> -> memref<8x128xi32, #tpu.memory_space<hbm>>
      tpu.wait_dma2 semaphore(%arg17 : memref<!tpu.dma_semaphore, #tpu.memory_space<semaphore_mem>>) src(%dma_wait3A_240 : memref<8x128xi32, #tpu.memory_space<hbm>>) dst(%arg9 : memref<8x128xi32, #tpu.memory_space<vmem>>)
      %dma_wait3A_241 = arith.constant 0 : i32
      %dma_wait3A_242 = tpu.memref_slice %arg4[%add3A_50, %dma_wait3A_241] : memref<2560x128xi32, #tpu.memory_space<hbm>> -> memref<8x128xi32, #tpu.memory_space<hbm>>
      %dma_wait3A_243 = arith.constant 0 : i32
      %dma_wait3A_244 = tpu.memref_slice %arg4[%add3A_50, %dma_wait3A_243] : memref<2560x128xi32, #tpu.memory_space<hbm>> -> memref<8x128xi32, #tpu.memory_space<hbm>>
      tpu.wait_dma2 semaphore(%arg17 : memref<!tpu.dma_semaphore, #tpu.memory_space<semaphore_mem>>) src(%dma_wait3A_244 : memref<8x128xi32, #tpu.memory_space<hbm>>) dst(%arg10 : memref<8x128xi32, #tpu.memory_space<vmem>>)
      %dma_start3A_245 = arith.constant 0 : i32
      %dma_start3A_246 = arith.constant 0 : i32
      %dma_start3A_247 = tpu.memref_slice %arg9[%dma_start3A_245, %dma_start3A_246] : memref<8x128xi32, #tpu.memory_space<vmem>> -> memref<1x128xi32, #tpu.memory_space<vmem>>
      %dma_start3A_248 = tpu.memref_squeeze %dma_start3A_247 : memref<1x128xi32, #tpu.memory_space<vmem>> -> memref<128xi32, #tpu.memory_space<vmem>>
      %dma_start3A_249 = arith.constant 0 : i32
      %dma_start3A_250 = arith.constant 0 : i32
      %dma_start3A_251 = tpu.memref_slice %arg2[%arg0, %dma_start3A_249, %dma_start3A_250] : memref<2x10000x128xf32, #tpu.memory_space<hbm>> -> memref<1x10000x128xf32, #tpu.memory_space<hbm>>
      %dma_start3A_252 = tpu.memref_squeeze %dma_start3A_251 : memref<1x10000x128xf32, #tpu.memory_space<hbm>> -> memref<10000x128xf32, #tpu.memory_space<hbm>>
      %dma_start3A_253 = arith.constant 0 : i32
      %dma_start3A_254 = arith.constant 0 : i32
      %dma_start3A_255 = tpu.memref_slice %dma_start3A_252[%dma_start3A_253, %dma_start3A_254] : memref<10000x128xf32, #tpu.memory_space<hbm>> -> memref<10000x128xf32, #tpu.memory_space<hbm>>
      tpu.enqueue_indirect_dma source(%dma_start3A_255 : memref<10000x128xf32, #tpu.memory_space<hbm>>) target(%arg11 : memref<128x128xf32, #tpu.memory_space<vmem>>) offsets(%dma_start3A_248 : memref<128xi32, #tpu.memory_space<vmem>>) semaphore(%arg15 : memref<!tpu.dma_semaphore, #tpu.memory_space<semaphore_mem>>)
      %dma_start3A_256 = arith.constant 1 : i32
      %dma_start3A_257 = arith.constant 0 : i32
      %dma_start3A_258 = tpu.memref_slice %arg9[%dma_start3A_256, %dma_start3A_257] : memref<8x128xi32, #tpu.memory_space<vmem>> -> memref<1x128xi32, #tpu.memory_space<vmem>>
      %dma_start3A_259 = tpu.memref_squeeze %dma_start3A_258 : memref<1x128xi32, #tpu.memory_space<vmem>> -> memref<128xi32, #tpu.memory_space<vmem>>
      %dma_start3A_260 = arith.constant 0 : i32
      %dma_start3A_261 = arith.constant 0 : i32
      %dma_start3A_262 = tpu.memref_slice %arg2[%arg0, %dma_start3A_260, %dma_start3A_261] : memref<2x10000x128xf32, #tpu.memory_space<hbm>> -> memref<1x10000x128xf32, #tpu.memory_space<hbm>>
      %dma_start3A_263 = tpu.memref_squeeze %dma_start3A_262 : memref<1x10000x128xf32, #tpu.memory_space<hbm>> -> memref<10000x128xf32, #tpu.memory_space<hbm>>
      %dma_start3A_264 = arith.constant 0 : i32
      %dma_start3A_265 = arith.constant 0 : i32
      %dma_start3A_266 = tpu.memref_slice %dma_start3A_263[%dma_start3A_264, %dma_start3A_265] : memref<10000x128xf32, #tpu.memory_space<hbm>> -> memref<10000x128xf32, #tpu.memory_space<hbm>>
      tpu.enqueue_indirect_dma source(%dma_start3A_266 : memref<10000x128xf32, #tpu.memory_space<hbm>>) target(%arg12 : memref<128x128xf32, #tpu.memory_space<vmem>>) offsets(%dma_start3A_259 : memref<128xi32, #tpu.memory_space<vmem>>) semaphore(%arg15 : memref<!tpu.dma_semaphore, #tpu.memory_space<semaphore_mem>>)
      %dma_wait3A_267 = arith.constant 0 : i32
      %dma_wait3A_268 = arith.constant 0 : i32
      %dma_wait3A_269 = tpu.memref_slice %arg9[%dma_wait3A_267, %dma_wait3A_268] : memref<8x128xi32, #tpu.memory_space<vmem>> -> memref<1x128xi32, #tpu.memory_space<vmem>>
      %dma_wait3A_270 = tpu.memref_squeeze %dma_wait3A_269 : memref<1x128xi32, #tpu.memory_space<vmem>> -> memref<128xi32, #tpu.memory_space<vmem>>
      %dma_wait3A_271 = arith.constant 0 : i32
      %dma_wait3A_272 = arith.constant 0 : i32
      %dma_wait3A_273 = tpu.memref_slice %arg2[%arg0, %dma_wait3A_271, %dma_wait3A_272] : memref<2x10000x128xf32, #tpu.memory_space<hbm>> -> memref<1x10000x128xf32, #tpu.memory_space<hbm>>
      %dma_wait3A_274 = tpu.memref_squeeze %dma_wait3A_273 : memref<1x10000x128xf32, #tpu.memory_space<hbm>> -> memref<10000x128xf32, #tpu.memory_space<hbm>>
      %dma_wait3A_275 = arith.constant 0 : i32
      %dma_wait3A_276 = arith.constant 0 : i32
      %dma_wait3A_277 = tpu.memref_slice %dma_wait3A_274[%dma_wait3A_275, %dma_wait3A_276] : memref<10000x128xf32, #tpu.memory_space<hbm>> -> memref<10000x128xf32, #tpu.memory_space<hbm>>
      tpu.wait_indirect_dma semaphore(%arg15 : memref<!tpu.dma_semaphore, #tpu.memory_space<semaphore_mem>>) src(%dma_wait3A_277 : memref<10000x128xf32, #tpu.memory_space<hbm>>) dst(%arg11 : memref<128x128xf32, #tpu.memory_space<vmem>>)
      %run_scoped3A_278 = arith.constant 0 : i32
      "tpu.region"() ({
        %run_scoped3A_430 = tpu.sem_alloc : memref<!tpu.dma_semaphore, #tpu.memory_space<semaphore_mem>>
        %dma_start3A_431 = arith.constant 0 : i32
        %dma_start3A_432 = tpu.memref_slice %arg10[%run_scoped3A_278, %dma_start3A_431] : memref<8x128xi32, #tpu.memory_space<vmem>> -> memref<1x128xi32, #tpu.memory_space<vmem>>
        %dma_start3A_433 = tpu.memref_squeeze %dma_start3A_432 : memref<1x128xi32, #tpu.memory_space<vmem>> -> memref<128xi32, #tpu.memory_space<vmem>>
        %dma_start3A_434 = arith.constant 0 : i32
        %dma_start3A_435 = arith.constant 0 : i32
        %dma_start3A_436 = tpu.memref_slice %arg14[%dma_start3A_434, %dma_start3A_435] : memref<10008x128xf32, #tpu.memory_space<vmem_shared>> -> memref<10008x128xf32, #tpu.memory_space<vmem_shared>>
        tpu.enqueue_indirect_dma source(%arg11 : memref<128x128xf32, #tpu.memory_space<vmem>>) target(%dma_start3A_436 : memref<10008x128xf32, #tpu.memory_space<vmem_shared>>) offsets(%dma_start3A_433 : memref<128xi32, #tpu.memory_space<vmem>>) semaphore(%run_scoped3A_430 : memref<!tpu.dma_semaphore, #tpu.memory_space<semaphore_mem>>) {add = true}
        %dma_wait3A_437 = arith.constant 0 : i32
        %dma_wait3A_438 = tpu.memref_slice %arg10[%run_scoped3A_278, %dma_wait3A_437] : memref<8x128xi32, #tpu.memory_space<vmem>> -> memref<1x128xi32, #tpu.memory_space<vmem>>
        %dma_wait3A_439 = tpu.memref_squeeze %dma_wait3A_438 : memref<1x128xi32, #tpu.memory_space<vmem>> -> memref<128xi32, #tpu.memory_space<vmem>>
        %dma_wait3A_440 = arith.constant 0 : i32
        %dma_wait3A_441 = arith.constant 0 : i32
        %dma_wait3A_442 = tpu.memref_slice %arg14[%dma_wait3A_440, %dma_wait3A_441] : memref<10008x128xf32, #tpu.memory_space<vmem_shared>> -> memref<10008x128xf32, #tpu.memory_space<vmem_shared>>
        tpu.wait_indirect_dma semaphore(%run_scoped3A_430 : memref<!tpu.dma_semaphore, #tpu.memory_space<semaphore_mem>>) src(%arg11 : memref<128x128xf32, #tpu.memory_space<vmem>>) dst(%dma_wait3A_442 : memref<10008x128xf32, #tpu.memory_space<vmem_shared>>)
        tpu.yield
      }) : () -> ()
      %dma_wait3A_279 = arith.constant 1 : i32
      %dma_wait3A_280 = arith.constant 0 : i32
      %dma_wait3A_281 = tpu.memref_slice %arg9[%dma_wait3A_279, %dma_wait3A_280] : memref<8x128xi32, #tpu.memory_space<vmem>> -> memref<1x128xi32, #tpu.memory_space<vmem>>
      %dma_wait3A_282 = tpu.memref_squeeze %dma_wait3A_281 : memref<1x128xi32, #tpu.memory_space<vmem>> -> memref<128xi32, #tpu.memory_space<vmem>>
      %dma_wait3A_283 = arith.constant 0 : i32
      %dma_wait3A_284 = arith.constant 0 : i32
      %dma_wait3A_285 = tpu.memref_slice %arg2[%arg0, %dma_wait3A_283, %dma_wait3A_284] : memref<2x10000x128xf32, #tpu.memory_space<hbm>> -> memref<1x10000x128xf32, #tpu.memory_space<hbm>>
      %dma_wait3A_286 = tpu.memref_squeeze %dma_wait3A_285 : memref<1x10000x128xf32, #tpu.memory_space<hbm>> -> memref<10000x128xf32, #tpu.memory_space<hbm>>
      %dma_wait3A_287 = arith.constant 0 : i32
      %dma_wait3A_288 = arith.constant 0 : i32
      %dma_wait3A_289 = tpu.memref_slice %dma_wait3A_286[%dma_wait3A_287, %dma_wait3A_288] : memref<10000x128xf32, #tpu.memory_space<hbm>> -> memref<10000x128xf32, #tpu.memory_space<hbm>>
      tpu.wait_indirect_dma semaphore(%arg15 : memref<!tpu.dma_semaphore, #tpu.memory_space<semaphore_mem>>) src(%dma_wait3A_289 : memref<10000x128xf32, #tpu.memory_space<hbm>>) dst(%arg12 : memref<128x128xf32, #tpu.memory_space<vmem>>)
      %run_scoped3A_290 = arith.constant 1 : i32
      "tpu.region"() ({
        %run_scoped3A_430 = tpu.sem_alloc : memref<!tpu.dma_semaphore, #tpu.memory_space<semaphore_mem>>
        %dma_start3A_431 = arith.constant 0 : i32
        %dma_start3A_432 = tpu.memref_slice %arg10[%run_scoped3A_290, %dma_start3A_431] : memref<8x128xi32, #tpu.memory_space<vmem>> -> memref<1x128xi32, #tpu.memory_space<vmem>>
        %dma_start3A_433 = tpu.memref_squeeze %dma_start3A_432 : memref<1x128xi32, #tpu.memory_space<vmem>> -> memref<128xi32, #tpu.memory_space<vmem>>
        %dma_start3A_434 = arith.constant 0 : i32
        %dma_start3A_435 = arith.constant 0 : i32
        %dma_start3A_436 = tpu.memref_slice %arg14[%dma_start3A_434, %dma_start3A_435] : memref<10008x128xf32, #tpu.memory_space<vmem_shared>> -> memref<10008x128xf32, #tpu.memory_space<vmem_shared>>
        tpu.enqueue_indirect_dma source(%arg12 : memref<128x128xf32, #tpu.memory_space<vmem>>) target(%dma_start3A_436 : memref<10008x128xf32, #tpu.memory_space<vmem_shared>>) offsets(%dma_start3A_433 : memref<128xi32, #tpu.memory_space<vmem>>) semaphore(%run_scoped3A_430 : memref<!tpu.dma_semaphore, #tpu.memory_space<semaphore_mem>>) {add = true}
        %dma_wait3A_437 = arith.constant 0 : i32
        %dma_wait3A_438 = tpu.memref_slice %arg10[%run_scoped3A_290, %dma_wait3A_437] : memref<8x128xi32, #tpu.memory_space<vmem>> -> memref<1x128xi32, #tpu.memory_space<vmem>>
        %dma_wait3A_439 = tpu.memref_squeeze %dma_wait3A_438 : memref<1x128xi32, #tpu.memory_space<vmem>> -> memref<128xi32, #tpu.memory_space<vmem>>
        %dma_wait3A_440 = arith.constant 0 : i32
        %dma_wait3A_441 = arith.constant 0 : i32
        %dma_wait3A_442 = tpu.memref_slice %arg14[%dma_wait3A_440, %dma_wait3A_441] : memref<10008x128xf32, #tpu.memory_space<vmem_shared>> -> memref<10008x128xf32, #tpu.memory_space<vmem_shared>>
        tpu.wait_indirect_dma semaphore(%run_scoped3A_430 : memref<!tpu.dma_semaphore, #tpu.memory_space<semaphore_mem>>) src(%arg12 : memref<128x128xf32, #tpu.memory_space<vmem>>) dst(%dma_wait3A_442 : memref<10008x128xf32, #tpu.memory_space<vmem_shared>>)
        tpu.yield
      }) : () -> ()
      %dma_start3A_291 = arith.constant 2 : i32
      %dma_start3A_292 = arith.constant 0 : i32
      %dma_start3A_293 = tpu.memref_slice %arg9[%dma_start3A_291, %dma_start3A_292] : memref<8x128xi32, #tpu.memory_space<vmem>> -> memref<1x128xi32, #tpu.memory_space<vmem>>
      %dma_start3A_294 = tpu.memref_squeeze %dma_start3A_293 : memref<1x128xi32, #tpu.memory_space<vmem>> -> memref<128xi32, #tpu.memory_space<vmem>>
      %dma_start3A_295 = arith.constant 0 : i32
      %dma_start3A_296 = arith.constant 0 : i32
      %dma_start3A_297 = tpu.memref_slice %arg2[%arg0, %dma_start3A_295, %dma_start3A_296] : memref<2x10000x128xf32, #tpu.memory_space<hbm>> -> memref<1x10000x128xf32, #tpu.memory_space<hbm>>
      %dma_start3A_298 = tpu.memref_squeeze %dma_start3A_297 : memref<1x10000x128xf32, #tpu.memory_space<hbm>> -> memref<10000x128xf32, #tpu.memory_space<hbm>>
      %dma_start3A_299 = arith.constant 0 : i32
      %dma_start3A_300 = arith.constant 0 : i32
      %dma_start3A_301 = tpu.memref_slice %dma_start3A_298[%dma_start3A_299, %dma_start3A_300] : memref<10000x128xf32, #tpu.memory_space<hbm>> -> memref<10000x128xf32, #tpu.memory_space<hbm>>
      tpu.enqueue_indirect_dma source(%dma_start3A_301 : memref<10000x128xf32, #tpu.memory_space<hbm>>) target(%arg11 : memref<128x128xf32, #tpu.memory_space<vmem>>) offsets(%dma_start3A_294 : memref<128xi32, #tpu.memory_space<vmem>>) semaphore(%arg15 : memref<!tpu.dma_semaphore, #tpu.memory_space<semaphore_mem>>)
      %dma_start3A_302 = arith.constant 3 : i32
      %dma_start3A_303 = arith.constant 0 : i32
      %dma_start3A_304 = tpu.memref_slice %arg9[%dma_start3A_302, %dma_start3A_303] : memref<8x128xi32, #tpu.memory_space<vmem>> -> memref<1x128xi32, #tpu.memory_space<vmem>>
      %dma_start3A_305 = tpu.memref_squeeze %dma_start3A_304 : memref<1x128xi32, #tpu.memory_space<vmem>> -> memref<128xi32, #tpu.memory_space<vmem>>
      %dma_start3A_306 = arith.constant 0 : i32
      %dma_start3A_307 = arith.constant 0 : i32
      %dma_start3A_308 = tpu.memref_slice %arg2[%arg0, %dma_start3A_306, %dma_start3A_307] : memref<2x10000x128xf32, #tpu.memory_space<hbm>> -> memref<1x10000x128xf32, #tpu.memory_space<hbm>>
      %dma_start3A_309 = tpu.memref_squeeze %dma_start3A_308 : memref<1x10000x128xf32, #tpu.memory_space<hbm>> -> memref<10000x128xf32, #tpu.memory_space<hbm>>
      %dma_start3A_310 = arith.constant 0 : i32
      %dma_start3A_311 = arith.constant 0 : i32
      %dma_start3A_312 = tpu.memref_slice %dma_start3A_309[%dma_start3A_310, %dma_start3A_311] : memref<10000x128xf32, #tpu.memory_space<hbm>> -> memref<10000x128xf32, #tpu.memory_space<hbm>>
      tpu.enqueue_indirect_dma source(%dma_start3A_312 : memref<10000x128xf32, #tpu.memory_space<hbm>>) target(%arg12 : memref<128x128xf32, #tpu.memory_space<vmem>>) offsets(%dma_start3A_305 : memref<128xi32, #tpu.memory_space<vmem>>) semaphore(%arg15 : memref<!tpu.dma_semaphore, #tpu.memory_space<semaphore_mem>>)
      %dma_wait3A_313 = arith.constant 2 : i32
      %dma_wait3A_314 = arith.constant 0 : i32
      %dma_wait3A_315 = tpu.memref_slice %arg9[%dma_wait3A_313, %dma_wait3A_314] : memref<8x128xi32, #tpu.memory_space<vmem>> -> memref<1x128xi32, #tpu.memory_space<vmem>>
      %dma_wait3A_316 = tpu.memref_squeeze %dma_wait3A_315 : memref<1x128xi32, #tpu.memory_space<vmem>> -> memref<128xi32, #tpu.memory_space<vmem>>
      %dma_wait3A_317 = arith.constant 0 : i32
      %dma_wait3A_318 = arith.constant 0 : i32
      %dma_wait3A_319 = tpu.memref_slice %arg2[%arg0, %dma_wait3A_317, %dma_wait3A_318] : memref<2x10000x128xf32, #tpu.memory_space<hbm>> -> memref<1x10000x128xf32, #tpu.memory_space<hbm>>
      %dma_wait3A_320 = tpu.memref_squeeze %dma_wait3A_319 : memref<1x10000x128xf32, #tpu.memory_space<hbm>> -> memref<10000x128xf32, #tpu.memory_space<hbm>>
      %dma_wait3A_321 = arith.constant 0 : i32
      %dma_wait3A_322 = arith.constant 0 : i32
      %dma_wait3A_323 = tpu.memref_slice %dma_wait3A_320[%dma_wait3A_321, %dma_wait3A_322] : memref<10000x128xf32, #tpu.memory_space<hbm>> -> memref<10000x128xf32, #tpu.memory_space<hbm>>
      tpu.wait_indirect_dma semaphore(%arg15 : memref<!tpu.dma_semaphore, #tpu.memory_space<semaphore_mem>>) src(%dma_wait3A_323 : memref<10000x128xf32, #tpu.memory_space<hbm>>) dst(%arg11 : memref<128x128xf32, #tpu.memory_space<vmem>>)
      %run_scoped3A_324 = arith.constant 2 : i32
      "tpu.region"() ({
        %run_scoped3A_430 = tpu.sem_alloc : memref<!tpu.dma_semaphore, #tpu.memory_space<semaphore_mem>>
        %dma_start3A_431 = arith.constant 0 : i32
        %dma_start3A_432 = tpu.memref_slice %arg10[%run_scoped3A_324, %dma_start3A_431] : memref<8x128xi32, #tpu.memory_space<vmem>> -> memref<1x128xi32, #tpu.memory_space<vmem>>
        %dma_start3A_433 = tpu.memref_squeeze %dma_start3A_432 : memref<1x128xi32, #tpu.memory_space<vmem>> -> memref<128xi32, #tpu.memory_space<vmem>>
        %dma_start3A_434 = arith.constant 0 : i32
        %dma_start3A_435 = arith.constant 0 : i32
        %dma_start3A_436 = tpu.memref_slice %arg14[%dma_start3A_434, %dma_start3A_435] : memref<10008x128xf32, #tpu.memory_space<vmem_shared>> -> memref<10008x128xf32, #tpu.memory_space<vmem_shared>>
        tpu.enqueue_indirect_dma source(%arg11 : memref<128x128xf32, #tpu.memory_space<vmem>>) target(%dma_start3A_436 : memref<10008x128xf32, #tpu.memory_space<vmem_shared>>) offsets(%dma_start3A_433 : memref<128xi32, #tpu.memory_space<vmem>>) semaphore(%run_scoped3A_430 : memref<!tpu.dma_semaphore, #tpu.memory_space<semaphore_mem>>) {add = true}
        %dma_wait3A_437 = arith.constant 0 : i32
        %dma_wait3A_438 = tpu.memref_slice %arg10[%run_scoped3A_324, %dma_wait3A_437] : memref<8x128xi32, #tpu.memory_space<vmem>> -> memref<1x128xi32, #tpu.memory_space<vmem>>
        %dma_wait3A_439 = tpu.memref_squeeze %dma_wait3A_438 : memref<1x128xi32, #tpu.memory_space<vmem>> -> memref<128xi32, #tpu.memory_space<vmem>>
        %dma_wait3A_440 = arith.constant 0 : i32
        %dma_wait3A_441 = arith.constant 0 : i32
        %dma_wait3A_442 = tpu.memref_slice %arg14[%dma_wait3A_440, %dma_wait3A_441] : memref<10008x128xf32, #tpu.memory_space<vmem_shared>> -> memref<10008x128xf32, #tpu.memory_space<vmem_shared>>
        tpu.wait_indirect_dma semaphore(%run_scoped3A_430 : memref<!tpu.dma_semaphore, #tpu.memory_space<semaphore_mem>>) src(%arg11 : memref<128x128xf32, #tpu.memory_space<vmem>>) dst(%dma_wait3A_442 : memref<10008x128xf32, #tpu.memory_space<vmem_shared>>)
        tpu.yield
      }) : () -> ()
      %dma_wait3A_325 = arith.constant 3 : i32
      %dma_wait3A_326 = arith.constant 0 : i32
      %dma_wait3A_327 = tpu.memref_slice %arg9[%dma_wait3A_325, %dma_wait3A_326] : memref<8x128xi32, #tpu.memory_space<vmem>> -> memref<1x128xi32, #tpu.memory_space<vmem>>
      %dma_wait3A_328 = tpu.memref_squeeze %dma_wait3A_327 : memref<1x128xi32, #tpu.memory_space<vmem>> -> memref<128xi32, #tpu.memory_space<vmem>>
      %dma_wait3A_329 = arith.constant 0 : i32
      %dma_wait3A_330 = arith.constant 0 : i32
      %dma_wait3A_331 = tpu.memref_slice %arg2[%arg0, %dma_wait3A_329, %dma_wait3A_330] : memref<2x10000x128xf32, #tpu.memory_space<hbm>> -> memref<1x10000x128xf32, #tpu.memory_space<hbm>>
      %dma_wait3A_332 = tpu.memref_squeeze %dma_wait3A_331 : memref<1x10000x128xf32, #tpu.memory_space<hbm>> -> memref<10000x128xf32, #tpu.memory_space<hbm>>
      %dma_wait3A_333 = arith.constant 0 : i32
      %dma_wait3A_334 = arith.constant 0 : i32
      %dma_wait3A_335 = tpu.memref_slice %dma_wait3A_332[%dma_wait3A_333, %dma_wait3A_334] : memref<10000x128xf32, #tpu.memory_space<hbm>> -> memref<10000x128xf32, #tpu.memory_space<hbm>>
      tpu.wait_indirect_dma semaphore(%arg15 : memref<!tpu.dma_semaphore, #tpu.memory_space<semaphore_mem>>) src(%dma_wait3A_335 : memref<10000x128xf32, #tpu.memory_space<hbm>>) dst(%arg12 : memref<128x128xf32, #tpu.memory_space<vmem>>)
      %run_scoped3A_336 = arith.constant 3 : i32
      "tpu.region"() ({
        %run_scoped3A_430 = tpu.sem_alloc : memref<!tpu.dma_semaphore, #tpu.memory_space<semaphore_mem>>
        %dma_start3A_431 = arith.constant 0 : i32
        %dma_start3A_432 = tpu.memref_slice %arg10[%run_scoped3A_336, %dma_start3A_431] : memref<8x128xi32, #tpu.memory_space<vmem>> -> memref<1x128xi32, #tpu.memory_space<vmem>>
        %dma_start3A_433 = tpu.memref_squeeze %dma_start3A_432 : memref<1x128xi32, #tpu.memory_space<vmem>> -> memref<128xi32, #tpu.memory_space<vmem>>
        %dma_start3A_434 = arith.constant 0 : i32
        %dma_start3A_435 = arith.constant 0 : i32
        %dma_start3A_436 = tpu.memref_slice %arg14[%dma_start3A_434, %dma_start3A_435] : memref<10008x128xf32, #tpu.memory_space<vmem_shared>> -> memref<10008x128xf32, #tpu.memory_space<vmem_shared>>
        tpu.enqueue_indirect_dma source(%arg12 : memref<128x128xf32, #tpu.memory_space<vmem>>) target(%dma_start3A_436 : memref<10008x128xf32, #tpu.memory_space<vmem_shared>>) offsets(%dma_start3A_433 : memref<128xi32, #tpu.memory_space<vmem>>) semaphore(%run_scoped3A_430 : memref<!tpu.dma_semaphore, #tpu.memory_space<semaphore_mem>>) {add = true}
        %dma_wait3A_437 = arith.constant 0 : i32
        %dma_wait3A_438 = tpu.memref_slice %arg10[%run_scoped3A_336, %dma_wait3A_437] : memref<8x128xi32, #tpu.memory_space<vmem>> -> memref<1x128xi32, #tpu.memory_space<vmem>>
        %dma_wait3A_439 = tpu.memref_squeeze %dma_wait3A_438 : memref<1x128xi32, #tpu.memory_space<vmem>> -> memref<128xi32, #tpu.memory_space<vmem>>
        %dma_wait3A_440 = arith.constant 0 : i32
        %dma_wait3A_441 = arith.constant 0 : i32
        %dma_wait3A_442 = tpu.memref_slice %arg14[%dma_wait3A_440, %dma_wait3A_441] : memref<10008x128xf32, #tpu.memory_space<vmem_shared>> -> memref<10008x128xf32, #tpu.memory_space<vmem_shared>>
        tpu.wait_indirect_dma semaphore(%run_scoped3A_430 : memref<!tpu.dma_semaphore, #tpu.memory_space<semaphore_mem>>) src(%arg12 : memref<128x128xf32, #tpu.memory_space<vmem>>) dst(%dma_wait3A_442 : memref<10008x128xf32, #tpu.memory_space<vmem_shared>>)
        tpu.yield
      }) : () -> ()
      %dma_start3A_337 = arith.constant 4 : i32
      %dma_start3A_338 = arith.constant 0 : i32
      %dma_start3A_339 = tpu.memref_slice %arg9[%dma_start3A_337, %dma_start3A_338] : memref<8x128xi32, #tpu.memory_space<vmem>> -> memref<1x128xi32, #tpu.memory_space<vmem>>
      %dma_start3A_340 = tpu.memref_squeeze %dma_start3A_339 : memref<1x128xi32, #tpu.memory_space<vmem>> -> memref<128xi32, #tpu.memory_space<vmem>>
      %dma_start3A_341 = arith.constant 0 : i32
      %dma_start3A_342 = arith.constant 0 : i32
      %dma_start3A_343 = tpu.memref_slice %arg2[%arg0, %dma_start3A_341, %dma_start3A_342] : memref<2x10000x128xf32, #tpu.memory_space<hbm>> -> memref<1x10000x128xf32, #tpu.memory_space<hbm>>
      %dma_start3A_344 = tpu.memref_squeeze %dma_start3A_343 : memref<1x10000x128xf32, #tpu.memory_space<hbm>> -> memref<10000x128xf32, #tpu.memory_space<hbm>>
      %dma_start3A_345 = arith.constant 0 : i32
      %dma_start3A_346 = arith.constant 0 : i32
      %dma_start3A_347 = tpu.memref_slice %dma_start3A_344[%dma_start3A_345, %dma_start3A_346] : memref<10000x128xf32, #tpu.memory_space<hbm>> -> memref<10000x128xf32, #tpu.memory_space<hbm>>
      tpu.enqueue_indirect_dma source(%dma_start3A_347 : memref<10000x128xf32, #tpu.memory_space<hbm>>) target(%arg11 : memref<128x128xf32, #tpu.memory_space<vmem>>) offsets(%dma_start3A_340 : memref<128xi32, #tpu.memory_space<vmem>>) semaphore(%arg15 : memref<!tpu.dma_semaphore, #tpu.memory_space<semaphore_mem>>)
      %dma_start3A_348 = arith.constant 5 : i32
      %dma_start3A_349 = arith.constant 0 : i32
      %dma_start3A_350 = tpu.memref_slice %arg9[%dma_start3A_348, %dma_start3A_349] : memref<8x128xi32, #tpu.memory_space<vmem>> -> memref<1x128xi32, #tpu.memory_space<vmem>>
      %dma_start3A_351 = tpu.memref_squeeze %dma_start3A_350 : memref<1x128xi32, #tpu.memory_space<vmem>> -> memref<128xi32, #tpu.memory_space<vmem>>
      %dma_start3A_352 = arith.constant 0 : i32
      %dma_start3A_353 = arith.constant 0 : i32
      %dma_start3A_354 = tpu.memref_slice %arg2[%arg0, %dma_start3A_352, %dma_start3A_353] : memref<2x10000x128xf32, #tpu.memory_space<hbm>> -> memref<1x10000x128xf32, #tpu.memory_space<hbm>>
      %dma_start3A_355 = tpu.memref_squeeze %dma_start3A_354 : memref<1x10000x128xf32, #tpu.memory_space<hbm>> -> memref<10000x128xf32, #tpu.memory_space<hbm>>
      %dma_start3A_356 = arith.constant 0 : i32
      %dma_start3A_357 = arith.constant 0 : i32
      %dma_start3A_358 = tpu.memref_slice %dma_start3A_355[%dma_start3A_356, %dma_start3A_357] : memref<10000x128xf32, #tpu.memory_space<hbm>> -> memref<10000x128xf32, #tpu.memory_space<hbm>>
      tpu.enqueue_indirect_dma source(%dma_start3A_358 : memref<10000x128xf32, #tpu.memory_space<hbm>>) target(%arg12 : memref<128x128xf32, #tpu.memory_space<vmem>>) offsets(%dma_start3A_351 : memref<128xi32, #tpu.memory_space<vmem>>) semaphore(%arg15 : memref<!tpu.dma_semaphore, #tpu.memory_space<semaphore_mem>>)
      %dma_wait3A_359 = arith.constant 4 : i32
      %dma_wait3A_360 = arith.constant 0 : i32
      %dma_wait3A_361 = tpu.memref_slice %arg9[%dma_wait3A_359, %dma_wait3A_360] : memref<8x128xi32, #tpu.memory_space<vmem>> -> memref<1x128xi32, #tpu.memory_space<vmem>>
      %dma_wait3A_362 = tpu.memref_squeeze %dma_wait3A_361 : memref<1x128xi32, #tpu.memory_space<vmem>> -> memref<128xi32, #tpu.memory_space<vmem>>
      %dma_wait3A_363 = arith.constant 0 : i32
      %dma_wait3A_364 = arith.constant 0 : i32
      %dma_wait3A_365 = tpu.memref_slice %arg2[%arg0, %dma_wait3A_363, %dma_wait3A_364] : memref<2x10000x128xf32, #tpu.memory_space<hbm>> -> memref<1x10000x128xf32, #tpu.memory_space<hbm>>
      %dma_wait3A_366 = tpu.memref_squeeze %dma_wait3A_365 : memref<1x10000x128xf32, #tpu.memory_space<hbm>> -> memref<10000x128xf32, #tpu.memory_space<hbm>>
      %dma_wait3A_367 = arith.constant 0 : i32
      %dma_wait3A_368 = arith.constant 0 : i32
      %dma_wait3A_369 = tpu.memref_slice %dma_wait3A_366[%dma_wait3A_367, %dma_wait3A_368] : memref<10000x128xf32, #tpu.memory_space<hbm>> -> memref<10000x128xf32, #tpu.memory_space<hbm>>
      tpu.wait_indirect_dma semaphore(%arg15 : memref<!tpu.dma_semaphore, #tpu.memory_space<semaphore_mem>>) src(%dma_wait3A_369 : memref<10000x128xf32, #tpu.memory_space<hbm>>) dst(%arg11 : memref<128x128xf32, #tpu.memory_space<vmem>>)
      %run_scoped3A_370 = arith.constant 4 : i32
      "tpu.region"() ({
        %run_scoped3A_430 = tpu.sem_alloc : memref<!tpu.dma_semaphore, #tpu.memory_space<semaphore_mem>>
        %dma_start3A_431 = arith.constant 0 : i32
        %dma_start3A_432 = tpu.memref_slice %arg10[%run_scoped3A_370, %dma_start3A_431] : memref<8x128xi32, #tpu.memory_space<vmem>> -> memref<1x128xi32, #tpu.memory_space<vmem>>
        %dma_start3A_433 = tpu.memref_squeeze %dma_start3A_432 : memref<1x128xi32, #tpu.memory_space<vmem>> -> memref<128xi32, #tpu.memory_space<vmem>>
        %dma_start3A_434 = arith.constant 0 : i32
        %dma_start3A_435 = arith.constant 0 : i32
        %dma_start3A_436 = tpu.memref_slice %arg14[%dma_start3A_434, %dma_start3A_435] : memref<10008x128xf32, #tpu.memory_space<vmem_shared>> -> memref<10008x128xf32, #tpu.memory_space<vmem_shared>>
        tpu.enqueue_indirect_dma source(%arg11 : memref<128x128xf32, #tpu.memory_space<vmem>>) target(%dma_start3A_436 : memref<10008x128xf32, #tpu.memory_space<vmem_shared>>) offsets(%dma_start3A_433 : memref<128xi32, #tpu.memory_space<vmem>>) semaphore(%run_scoped3A_430 : memref<!tpu.dma_semaphore, #tpu.memory_space<semaphore_mem>>) {add = true}
        %dma_wait3A_437 = arith.constant 0 : i32
        %dma_wait3A_438 = tpu.memref_slice %arg10[%run_scoped3A_370, %dma_wait3A_437] : memref<8x128xi32, #tpu.memory_space<vmem>> -> memref<1x128xi32, #tpu.memory_space<vmem>>
        %dma_wait3A_439 = tpu.memref_squeeze %dma_wait3A_438 : memref<1x128xi32, #tpu.memory_space<vmem>> -> memref<128xi32, #tpu.memory_space<vmem>>
        %dma_wait3A_440 = arith.constant 0 : i32
        %dma_wait3A_441 = arith.constant 0 : i32
        %dma_wait3A_442 = tpu.memref_slice %arg14[%dma_wait3A_440, %dma_wait3A_441] : memref<10008x128xf32, #tpu.memory_space<vmem_shared>> -> memref<10008x128xf32, #tpu.memory_space<vmem_shared>>
        tpu.wait_indirect_dma semaphore(%run_scoped3A_430 : memref<!tpu.dma_semaphore, #tpu.memory_space<semaphore_mem>>) src(%arg11 : memref<128x128xf32, #tpu.memory_space<vmem>>) dst(%dma_wait3A_442 : memref<10008x128xf32, #tpu.memory_space<vmem_shared>>)
        tpu.yield
      }) : () -> ()
      %dma_wait3A_371 = arith.constant 5 : i32
      %dma_wait3A_372 = arith.constant 0 : i32
      %dma_wait3A_373 = tpu.memref_slice %arg9[%dma_wait3A_371, %dma_wait3A_372] : memref<8x128xi32, #tpu.memory_space<vmem>> -> memref<1x128xi32, #tpu.memory_space<vmem>>
      %dma_wait3A_374 = tpu.memref_squeeze %dma_wait3A_373 : memref<1x128xi32, #tpu.memory_space<vmem>> -> memref<128xi32, #tpu.memory_space<vmem>>
      %dma_wait3A_375 = arith.constant 0 : i32
      %dma_wait3A_376 = arith.constant 0 : i32
      %dma_wait3A_377 = tpu.memref_slice %arg2[%arg0, %dma_wait3A_375, %dma_wait3A_376] : memref<2x10000x128xf32, #tpu.memory_space<hbm>> -> memref<1x10000x128xf32, #tpu.memory_space<hbm>>
      %dma_wait3A_378 = tpu.memref_squeeze %dma_wait3A_377 : memref<1x10000x128xf32, #tpu.memory_space<hbm>> -> memref<10000x128xf32, #tpu.memory_space<hbm>>
      %dma_wait3A_379 = arith.constant 0 : i32
      %dma_wait3A_380 = arith.constant 0 : i32
      %dma_wait3A_381 = tpu.memref_slice %dma_wait3A_378[%dma_wait3A_379, %dma_wait3A_380] : memref<10000x128xf32, #tpu.memory_space<hbm>> -> memref<10000x128xf32, #tpu.memory_space<hbm>>
      tpu.wait_indirect_dma semaphore(%arg15 : memref<!tpu.dma_semaphore, #tpu.memory_space<semaphore_mem>>) src(%dma_wait3A_381 : memref<10000x128xf32, #tpu.memory_space<hbm>>) dst(%arg12 : memref<128x128xf32, #tpu.memory_space<vmem>>)
      %run_scoped3A_382 = arith.constant 5 : i32
      "tpu.region"() ({
        %run_scoped3A_430 = tpu.sem_alloc : memref<!tpu.dma_semaphore, #tpu.memory_space<semaphore_mem>>
        %dma_start3A_431 = arith.constant 0 : i32
        %dma_start3A_432 = tpu.memref_slice %arg10[%run_scoped3A_382, %dma_start3A_431] : memref<8x128xi32, #tpu.memory_space<vmem>> -> memref<1x128xi32, #tpu.memory_space<vmem>>
        %dma_start3A_433 = tpu.memref_squeeze %dma_start3A_432 : memref<1x128xi32, #tpu.memory_space<vmem>> -> memref<128xi32, #tpu.memory_space<vmem>>
        %dma_start3A_434 = arith.constant 0 : i32
        %dma_start3A_435 = arith.constant 0 : i32
        %dma_start3A_436 = tpu.memref_slice %arg14[%dma_start3A_434, %dma_start3A_435] : memref<10008x128xf32, #tpu.memory_space<vmem_shared>> -> memref<10008x128xf32, #tpu.memory_space<vmem_shared>>
        tpu.enqueue_indirect_dma source(%arg12 : memref<128x128xf32, #tpu.memory_space<vmem>>) target(%dma_start3A_436 : memref<10008x128xf32, #tpu.memory_space<vmem_shared>>) offsets(%dma_start3A_433 : memref<128xi32, #tpu.memory_space<vmem>>) semaphore(%run_scoped3A_430 : memref<!tpu.dma_semaphore, #tpu.memory_space<semaphore_mem>>) {add = true}
        %dma_wait3A_437 = arith.constant 0 : i32
        %dma_wait3A_438 = tpu.memref_slice %arg10[%run_scoped3A_382, %dma_wait3A_437] : memref<8x128xi32, #tpu.memory_space<vmem>> -> memref<1x128xi32, #tpu.memory_space<vmem>>
        %dma_wait3A_439 = tpu.memref_squeeze %dma_wait3A_438 : memref<1x128xi32, #tpu.memory_space<vmem>> -> memref<128xi32, #tpu.memory_space<vmem>>
        %dma_wait3A_440 = arith.constant 0 : i32
        %dma_wait3A_441 = arith.constant 0 : i32
        %dma_wait3A_442 = tpu.memref_slice %arg14[%dma_wait3A_440, %dma_wait3A_441] : memref<10008x128xf32, #tpu.memory_space<vmem_shared>> -> memref<10008x128xf32, #tpu.memory_space<vmem_shared>>
        tpu.wait_indirect_dma semaphore(%run_scoped3A_430 : memref<!tpu.dma_semaphore, #tpu.memory_space<semaphore_mem>>) src(%arg12 : memref<128x128xf32, #tpu.memory_space<vmem>>) dst(%dma_wait3A_442 : memref<10008x128xf32, #tpu.memory_space<vmem_shared>>)
        tpu.yield
      }) : () -> ()
      %dma_start3A_383 = arith.constant 6 : i32
      %dma_start3A_384 = arith.constant 0 : i32
      %dma_start3A_385 = tpu.memref_slice %arg9[%dma_start3A_383, %dma_start3A_384] : memref<8x128xi32, #tpu.memory_space<vmem>> -> memref<1x128xi32, #tpu.memory_space<vmem>>
      %dma_start3A_386 = tpu.memref_squeeze %dma_start3A_385 : memref<1x128xi32, #tpu.memory_space<vmem>> -> memref<128xi32, #tpu.memory_space<vmem>>
      %dma_start3A_387 = arith.constant 0 : i32
      %dma_start3A_388 = arith.constant 0 : i32
      %dma_start3A_389 = tpu.memref_slice %arg2[%arg0, %dma_start3A_387, %dma_start3A_388] : memref<2x10000x128xf32, #tpu.memory_space<hbm>> -> memref<1x10000x128xf32, #tpu.memory_space<hbm>>
      %dma_start3A_390 = tpu.memref_squeeze %dma_start3A_389 : memref<1x10000x128xf32, #tpu.memory_space<hbm>> -> memref<10000x128xf32, #tpu.memory_space<hbm>>
      %dma_start3A_391 = arith.constant 0 : i32
      %dma_start3A_392 = arith.constant 0 : i32
      %dma_start3A_393 = tpu.memref_slice %dma_start3A_390[%dma_start3A_391, %dma_start3A_392] : memref<10000x128xf32, #tpu.memory_space<hbm>> -> memref<10000x128xf32, #tpu.memory_space<hbm>>
      tpu.enqueue_indirect_dma source(%dma_start3A_393 : memref<10000x128xf32, #tpu.memory_space<hbm>>) target(%arg11 : memref<128x128xf32, #tpu.memory_space<vmem>>) offsets(%dma_start3A_386 : memref<128xi32, #tpu.memory_space<vmem>>) semaphore(%arg15 : memref<!tpu.dma_semaphore, #tpu.memory_space<semaphore_mem>>)
      %dma_start3A_394 = arith.constant 7 : i32
      %dma_start3A_395 = arith.constant 0 : i32
      %dma_start3A_396 = tpu.memref_slice %arg9[%dma_start3A_394, %dma_start3A_395] : memref<8x128xi32, #tpu.memory_space<vmem>> -> memref<1x128xi32, #tpu.memory_space<vmem>>
      %dma_start3A_397 = tpu.memref_squeeze %dma_start3A_396 : memref<1x128xi32, #tpu.memory_space<vmem>> -> memref<128xi32, #tpu.memory_space<vmem>>
      %dma_start3A_398 = arith.constant 0 : i32
      %dma_start3A_399 = arith.constant 0 : i32
      %dma_start3A_400 = tpu.memref_slice %arg2[%arg0, %dma_start3A_398, %dma_start3A_399] : memref<2x10000x128xf32, #tpu.memory_space<hbm>> -> memref<1x10000x128xf32, #tpu.memory_space<hbm>>
      %dma_start3A_401 = tpu.memref_squeeze %dma_start3A_400 : memref<1x10000x128xf32, #tpu.memory_space<hbm>> -> memref<10000x128xf32, #tpu.memory_space<hbm>>
      %dma_start3A_402 = arith.constant 0 : i32
      %dma_start3A_403 = arith.constant 0 : i32
      %dma_start3A_404 = tpu.memref_slice %dma_start3A_401[%dma_start3A_402, %dma_start3A_403] : memref<10000x128xf32, #tpu.memory_space<hbm>> -> memref<10000x128xf32, #tpu.memory_space<hbm>>
      tpu.enqueue_indirect_dma source(%dma_start3A_404 : memref<10000x128xf32, #tpu.memory_space<hbm>>) target(%arg12 : memref<128x128xf32, #tpu.memory_space<vmem>>) offsets(%dma_start3A_397 : memref<128xi32, #tpu.memory_space<vmem>>) semaphore(%arg15 : memref<!tpu.dma_semaphore, #tpu.memory_space<semaphore_mem>>)
      %dma_wait3A_405 = arith.constant 6 : i32
      %dma_wait3A_406 = arith.constant 0 : i32
      %dma_wait3A_407 = tpu.memref_slice %arg9[%dma_wait3A_405, %dma_wait3A_406] : memref<8x128xi32, #tpu.memory_space<vmem>> -> memref<1x128xi32, #tpu.memory_space<vmem>>
      %dma_wait3A_408 = tpu.memref_squeeze %dma_wait3A_407 : memref<1x128xi32, #tpu.memory_space<vmem>> -> memref<128xi32, #tpu.memory_space<vmem>>
      %dma_wait3A_409 = arith.constant 0 : i32
      %dma_wait3A_410 = arith.constant 0 : i32
      %dma_wait3A_411 = tpu.memref_slice %arg2[%arg0, %dma_wait3A_409, %dma_wait3A_410] : memref<2x10000x128xf32, #tpu.memory_space<hbm>> -> memref<1x10000x128xf32, #tpu.memory_space<hbm>>
      %dma_wait3A_412 = tpu.memref_squeeze %dma_wait3A_411 : memref<1x10000x128xf32, #tpu.memory_space<hbm>> -> memref<10000x128xf32, #tpu.memory_space<hbm>>
      %dma_wait3A_413 = arith.constant 0 : i32
      %dma_wait3A_414 = arith.constant 0 : i32
      %dma_wait3A_415 = tpu.memref_slice %dma_wait3A_412[%dma_wait3A_413, %dma_wait3A_414] : memref<10000x128xf32, #tpu.memory_space<hbm>> -> memref<10000x128xf32, #tpu.memory_space<hbm>>
      tpu.wait_indirect_dma semaphore(%arg15 : memref<!tpu.dma_semaphore, #tpu.memory_space<semaphore_mem>>) src(%dma_wait3A_415 : memref<10000x128xf32, #tpu.memory_space<hbm>>) dst(%arg11 : memref<128x128xf32, #tpu.memory_space<vmem>>)
      %run_scoped3A_416 = arith.constant 6 : i32
      "tpu.region"() ({
        %run_scoped3A_430 = tpu.sem_alloc : memref<!tpu.dma_semaphore, #tpu.memory_space<semaphore_mem>>
        %dma_start3A_431 = arith.constant 0 : i32
        %dma_start3A_432 = tpu.memref_slice %arg10[%run_scoped3A_416, %dma_start3A_431] : memref<8x128xi32, #tpu.memory_space<vmem>> -> memref<1x128xi32, #tpu.memory_space<vmem>>
        %dma_start3A_433 = tpu.memref_squeeze %dma_start3A_432 : memref<1x128xi32, #tpu.memory_space<vmem>> -> memref<128xi32, #tpu.memory_space<vmem>>
        %dma_start3A_434 = arith.constant 0 : i32
        %dma_start3A_435 = arith.constant 0 : i32
        %dma_start3A_436 = tpu.memref_slice %arg14[%dma_start3A_434, %dma_start3A_435] : memref<10008x128xf32, #tpu.memory_space<vmem_shared>> -> memref<10008x128xf32, #tpu.memory_space<vmem_shared>>
        tpu.enqueue_indirect_dma source(%arg11 : memref<128x128xf32, #tpu.memory_space<vmem>>) target(%dma_start3A_436 : memref<10008x128xf32, #tpu.memory_space<vmem_shared>>) offsets(%dma_start3A_433 : memref<128xi32, #tpu.memory_space<vmem>>) semaphore(%run_scoped3A_430 : memref<!tpu.dma_semaphore, #tpu.memory_space<semaphore_mem>>) {add = true}
        %dma_wait3A_437 = arith.constant 0 : i32
        %dma_wait3A_438 = tpu.memref_slice %arg10[%run_scoped3A_416, %dma_wait3A_437] : memref<8x128xi32, #tpu.memory_space<vmem>> -> memref<1x128xi32, #tpu.memory_space<vmem>>
        %dma_wait3A_439 = tpu.memref_squeeze %dma_wait3A_438 : memref<1x128xi32, #tpu.memory_space<vmem>> -> memref<128xi32, #tpu.memory_space<vmem>>
        %dma_wait3A_440 = arith.constant 0 : i32
        %dma_wait3A_441 = arith.constant 0 : i32
        %dma_wait3A_442 = tpu.memref_slice %arg14[%dma_wait3A_440, %dma_wait3A_441] : memref<10008x128xf32, #tpu.memory_space<vmem_shared>> -> memref<10008x128xf32, #tpu.memory_space<vmem_shared>>
        tpu.wait_indirect_dma semaphore(%run_scoped3A_430 : memref<!tpu.dma_semaphore, #tpu.memory_space<semaphore_mem>>) src(%arg11 : memref<128x128xf32, #tpu.memory_space<vmem>>) dst(%dma_wait3A_442 : memref<10008x128xf32, #tpu.memory_space<vmem_shared>>)
        tpu.yield
      }) : () -> ()
      %dma_wait3A_417 = arith.constant 7 : i32
      %dma_wait3A_418 = arith.constant 0 : i32
      %dma_wait3A_419 = tpu.memref_slice %arg9[%dma_wait3A_417, %dma_wait3A_418] : memref<8x128xi32, #tpu.memory_space<vmem>> -> memref<1x128xi32, #tpu.memory_space<vmem>>
      %dma_wait3A_420 = tpu.memref_squeeze %dma_wait3A_419 : memref<1x128xi32, #tpu.memory_space<vmem>> -> memref<128xi32, #tpu.memory_space<vmem>>
      %dma_wait3A_421 = arith.constant 0 : i32
      %dma_wait3A_422 = arith.constant 0 : i32
      %dma_wait3A_423 = tpu.memref_slice %arg2[%arg0, %dma_wait3A_421, %dma_wait3A_422] : memref<2x10000x128xf32, #tpu.memory_space<hbm>> -> memref<1x10000x128xf32, #tpu.memory_space<hbm>>
      %dma_wait3A_424 = tpu.memref_squeeze %dma_wait3A_423 : memref<1x10000x128xf32, #tpu.memory_space<hbm>> -> memref<10000x128xf32, #tpu.memory_space<hbm>>
      %dma_wait3A_425 = arith.constant 0 : i32
      %dma_wait3A_426 = arith.constant 0 : i32
      %dma_wait3A_427 = tpu.memref_slice %dma_wait3A_424[%dma_wait3A_425, %dma_wait3A_426] : memref<10000x128xf32, #tpu.memory_space<hbm>> -> memref<10000x128xf32, #tpu.memory_space<hbm>>
      tpu.wait_indirect_dma semaphore(%arg15 : memref<!tpu.dma_semaphore, #tpu.memory_space<semaphore_mem>>) src(%dma_wait3A_427 : memref<10000x128xf32, #tpu.memory_space<hbm>>) dst(%arg12 : memref<128x128xf32, #tpu.memory_space<vmem>>)
      %run_scoped3A_428 = arith.constant 7 : i32
      "tpu.region"() ({
        %run_scoped3A_430 = tpu.sem_alloc : memref<!tpu.dma_semaphore, #tpu.memory_space<semaphore_mem>>
        %dma_start3A_431 = arith.constant 0 : i32
        %dma_start3A_432 = tpu.memref_slice %arg10[%run_scoped3A_428, %dma_start3A_431] : memref<8x128xi32, #tpu.memory_space<vmem>> -> memref<1x128xi32, #tpu.memory_space<vmem>>
        %dma_start3A_433 = tpu.memref_squeeze %dma_start3A_432 : memref<1x128xi32, #tpu.memory_space<vmem>> -> memref<128xi32, #tpu.memory_space<vmem>>
        %dma_start3A_434 = arith.constant 0 : i32
        %dma_start3A_435 = arith.constant 0 : i32
        %dma_start3A_436 = tpu.memref_slice %arg14[%dma_start3A_434, %dma_start3A_435] : memref<10008x128xf32, #tpu.memory_space<vmem_shared>> -> memref<10008x128xf32, #tpu.memory_space<vmem_shared>>
        tpu.enqueue_indirect_dma source(%arg12 : memref<128x128xf32, #tpu.memory_space<vmem>>) target(%dma_start3A_436 : memref<10008x128xf32, #tpu.memory_space<vmem_shared>>) offsets(%dma_start3A_433 : memref<128xi32, #tpu.memory_space<vmem>>) semaphore(%run_scoped3A_430 : memref<!tpu.dma_semaphore, #tpu.memory_space<semaphore_mem>>) {add = true}
        %dma_wait3A_437 = arith.constant 0 : i32
        %dma_wait3A_438 = tpu.memref_slice %arg10[%run_scoped3A_428, %dma_wait3A_437] : memref<8x128xi32, #tpu.memory_space<vmem>> -> memref<1x128xi32, #tpu.memory_space<vmem>>
        %dma_wait3A_439 = tpu.memref_squeeze %dma_wait3A_438 : memref<1x128xi32, #tpu.memory_space<vmem>> -> memref<128xi32, #tpu.memory_space<vmem>>
        %dma_wait3A_440 = arith.constant 0 : i32
        %dma_wait3A_441 = arith.constant 0 : i32
        %dma_wait3A_442 = tpu.memref_slice %arg14[%dma_wait3A_440, %dma_wait3A_441] : memref<10008x128xf32, #tpu.memory_space<vmem_shared>> -> memref<10008x128xf32, #tpu.memory_space<vmem_shared>>
        tpu.wait_indirect_dma semaphore(%run_scoped3A_430 : memref<!tpu.dma_semaphore, #tpu.memory_space<semaphore_mem>>) src(%arg12 : memref<128x128xf32, #tpu.memory_space<vmem>>) dst(%dma_wait3A_442 : memref<10008x128xf32, #tpu.memory_space<vmem_shared>>)
        tpu.yield
      }) : () -> ()
      %scan3A_429 = arith.constant 0 : i32
      scf.yield %scan3A_429 : i32
    }
    %scan3A_18 = arith.constant 10 : i32
    %barrier3A_19 = arith.constant 0 : index
    tpu.barrier barrier_id(%barrier3A_19)
    %eq3A_20 = arith.constant 15 : i32
    %eq3A_21 = arith.cmpi eq, %arg1, %eq3A_20 : i32
    %jit3A_22 = arith.constant 5 : i32
    %jit3A_23 = arith.constant 8 : i32
    %select_n3A_24 = arith.select %eq3A_21, %jit3A_22, %jit3A_23 : i32
    %while3A_25 = arith.constant 0 : i32
    %while3A_26 = arith.constant 0 : i32
    %while3A_27 = arith.subi %select_n3A_24, %while3A_25 : i32
    %while3A_28 = arith.addi %while3A_25, %while3A_27 : i32
    %while3A_29 = arith.constant 1 : i32
    %while3A_30 = arith.divsi %while3A_27, %while3A_29 : i32
    %while3A_31 = arith.muli %while3A_30, %while3A_29 : i32
    %while3A_32 = arith.addi %while3A_25, %while3A_31 : i32
    %while3A_33 = arith.constant 1 : i32
    %while3A_34 = scf.for %while3A_37 = %while3A_25 to %while3A_32 step %while3A_33 iter_args(%while3A_38 = %while3A_26) -> (i32)  : i32 {
      %mul3A = arith.constant 640 : i32
      %mul3A_39 = arith.muli %arg1, %mul3A : i32
      %mul3A_40 = arith.constant 80 : i32
      %mul3A_41 = arith.muli %while3A_37, %mul3A_40 : i32
      %add3A = arith.addi %mul3A_39, %mul3A_41 : i32
      "tpu.region"() ({
        %run_scoped3A = tpu.sem_alloc : memref<!tpu.dma_semaphore, #tpu.memory_space<semaphore_mem>>
        %dma_start3A = arith.constant 0 : i32
        %dma_start3A_43 = tpu.memref_slice %arg14[%add3A, %dma_start3A] : memref<10008x128xf32, #tpu.memory_space<vmem_shared>> -> memref<80x128xf32, #tpu.memory_space<vmem_shared>>
        %dma_start3A_44 = arith.constant 0 : i32
        %dma_start3A_45 = tpu.memref_slice %arg14[%add3A, %dma_start3A_44] : memref<10008x128xf32, #tpu.memory_space<vmem_shared>> -> memref<80x128xf32, #tpu.memory_space<vmem_shared>>
        tpu.enqueue_dma source(%dma_start3A_45 : memref<80x128xf32, #tpu.memory_space<vmem_shared>>) target(%arg13 : memref<80x128xf32, #tpu.memory_space<vmem>>) target_semaphore(%run_scoped3A : memref<!tpu.dma_semaphore, #tpu.memory_space<semaphore_mem>>)
        %dma_wait3A = arith.constant 0 : i32
        %dma_wait3A_46 = tpu.memref_slice %arg14[%add3A, %dma_wait3A] : memref<10008x128xf32, #tpu.memory_space<vmem_shared>> -> memref<80x128xf32, #tpu.memory_space<vmem_shared>>
        %dma_wait3A_47 = arith.constant 0 : i32
        %dma_wait3A_48 = tpu.memref_slice %arg14[%add3A, %dma_wait3A_47] : memref<10008x128xf32, #tpu.memory_space<vmem_shared>> -> memref<80x128xf32, #tpu.memory_space<vmem_shared>>
        tpu.wait_dma2 semaphore(%run_scoped3A : memref<!tpu.dma_semaphore, #tpu.memory_space<semaphore_mem>>) src(%dma_wait3A_48 : memref<80x128xf32, #tpu.memory_space<vmem_shared>>) dst(%arg13 : memref<80x128xf32, #tpu.memory_space<vmem>>)
        tpu.yield
      }) : () -> ()
      "tpu.region"() ({
        %run_scoped3A = tpu.sem_alloc : memref<!tpu.dma_semaphore, #tpu.memory_space<semaphore_mem>>
        %dma_start3A = arith.constant 0 : i32
        %dma_start3A_43 = arith.constant 0 : i32
        %dma_start3A_44 = tpu.memref_slice %arg6[%arg0, %dma_start3A, %dma_start3A_43] : memref<2x10000x128xf32, #tpu.memory_space<hbm>> -> memref<1x10000x128xf32, #tpu.memory_space<hbm>>
        %dma_start3A_45 = tpu.memref_squeeze %dma_start3A_44 : memref<1x10000x128xf32, #tpu.memory_space<hbm>> -> memref<10000x128xf32, #tpu.memory_space<hbm>>
        %dma_start3A_46 = arith.constant 0 : i32
        %dma_start3A_47 = tpu.memref_slice %dma_start3A_45[%add3A, %dma_start3A_46] : memref<10000x128xf32, #tpu.memory_space<hbm>> -> memref<80x128xf32, #tpu.memory_space<hbm>>
        %dma_start3A_48 = arith.constant 0 : i32
        %dma_start3A_49 = arith.constant 0 : i32
        %dma_start3A_50 = tpu.memref_slice %arg6[%arg0, %dma_start3A_48, %dma_start3A_49] : memref<2x10000x128xf32, #tpu.memory_space<hbm>> -> memref<1x10000x128xf32, #tpu.memory_space<hbm>>
        %dma_start3A_51 = tpu.memref_squeeze %dma_start3A_50 : memref<1x10000x128xf32, #tpu.memory_space<hbm>> -> memref<10000x128xf32, #tpu.memory_space<hbm>>
        %dma_start3A_52 = arith.constant 0 : i32
        %dma_start3A_53 = tpu.memref_slice %dma_start3A_51[%add3A, %dma_start3A_52] : memref<10000x128xf32, #tpu.memory_space<hbm>> -> memref<80x128xf32, #tpu.memory_space<hbm>>
        tpu.enqueue_dma source(%arg13 : memref<80x128xf32, #tpu.memory_space<vmem>>) target(%dma_start3A_53 : memref<80x128xf32, #tpu.memory_space<hbm>>) target_semaphore(%run_scoped3A : memref<!tpu.dma_semaphore, #tpu.memory_space<semaphore_mem>>)
        %dma_wait3A = arith.constant 0 : i32
        %dma_wait3A_54 = arith.constant 0 : i32
        %dma_wait3A_55 = tpu.memref_slice %arg6[%arg0, %dma_wait3A, %dma_wait3A_54] : memref<2x10000x128xf32, #tpu.memory_space<hbm>> -> memref<1x10000x128xf32, #tpu.memory_space<hbm>>
        %dma_wait3A_56 = tpu.memref_squeeze %dma_wait3A_55 : memref<1x10000x128xf32, #tpu.memory_space<hbm>> -> memref<10000x128xf32, #tpu.memory_space<hbm>>
        %dma_wait3A_57 = arith.constant 0 : i32
        %dma_wait3A_58 = tpu.memref_slice %dma_wait3A_56[%add3A, %dma_wait3A_57] : memref<10000x128xf32, #tpu.memory_space<hbm>> -> memref<80x128xf32, #tpu.memory_space<hbm>>
        %dma_wait3A_59 = arith.constant 0 : i32
        %dma_wait3A_60 = arith.constant 0 : i32
        %dma_wait3A_61 = tpu.memref_slice %arg6[%arg0, %dma_wait3A_59, %dma_wait3A_60] : memref<2x10000x128xf32, #tpu.memory_space<hbm>> -> memref<1x10000x128xf32, #tpu.memory_space<hbm>>
        %dma_wait3A_62 = tpu.memref_squeeze %dma_wait3A_61 : memref<1x10000x128xf32, #tpu.memory_space<hbm>> -> memref<10000x128xf32, #tpu.memory_space<hbm>>
        %dma_wait3A_63 = arith.constant 0 : i32
        %dma_wait3A_64 = tpu.memref_slice %dma_wait3A_62[%add3A, %dma_wait3A_63] : memref<10000x128xf32, #tpu.memory_space<hbm>> -> memref<80x128xf32, #tpu.memory_space<hbm>>
        tpu.wait_dma2 semaphore(%run_scoped3A : memref<!tpu.dma_semaphore, #tpu.memory_space<semaphore_mem>>) src(%arg13 : memref<80x128xf32, #tpu.memory_space<vmem>>) dst(%dma_wait3A_64 : memref<80x128xf32, #tpu.memory_space<hbm>>)
        tpu.yield
      }) : () -> ()
      %while3A_42 = arith.constant 0 : i32
      scf.yield %while3A_42 : i32
    }
    %while3A_35 = arith.constant 1 : i32
    %while3A_36 = scf.for %while3A_37 = %while3A_32 to %while3A_28 step %while3A_35 iter_args(%while3A_38 = %while3A_34) -> (i32)  : i32 {
      %mul3A = arith.constant 640 : i32
      %mul3A_39 = arith.muli %arg1, %mul3A : i32
      %mul3A_40 = arith.constant 80 : i32
      %mul3A_41 = arith.muli %while3A_37, %mul3A_40 : i32
      %add3A = arith.addi %mul3A_39, %mul3A_41 : i32
      "tpu.region"() ({
        %run_scoped3A = tpu.sem_alloc : memref<!tpu.dma_semaphore, #tpu.memory_space<semaphore_mem>>
        %dma_start3A = arith.constant 0 : i32
        %dma_start3A_43 = tpu.memref_slice %arg14[%add3A, %dma_start3A] : memref<10008x128xf32, #tpu.memory_space<vmem_shared>> -> memref<80x128xf32, #tpu.memory_space<vmem_shared>>
        %dma_start3A_44 = arith.constant 0 : i32
        %dma_start3A_45 = tpu.memref_slice %arg14[%add3A, %dma_start3A_44] : memref<10008x128xf32, #tpu.memory_space<vmem_shared>> -> memref<80x128xf32, #tpu.memory_space<vmem_shared>>
        tpu.enqueue_dma source(%dma_start3A_45 : memref<80x128xf32, #tpu.memory_space<vmem_shared>>) target(%arg13 : memref<80x128xf32, #tpu.memory_space<vmem>>) target_semaphore(%run_scoped3A : memref<!tpu.dma_semaphore, #tpu.memory_space<semaphore_mem>>)
        %dma_wait3A = arith.constant 0 : i32
        %dma_wait3A_46 = tpu.memref_slice %arg14[%add3A, %dma_wait3A] : memref<10008x128xf32, #tpu.memory_space<vmem_shared>> -> memref<80x128xf32, #tpu.memory_space<vmem_shared>>
        %dma_wait3A_47 = arith.constant 0 : i32
        %dma_wait3A_48 = tpu.memref_slice %arg14[%add3A, %dma_wait3A_47] : memref<10008x128xf32, #tpu.memory_space<vmem_shared>> -> memref<80x128xf32, #tpu.memory_space<vmem_shared>>
        tpu.wait_dma2 semaphore(%run_scoped3A : memref<!tpu.dma_semaphore, #tpu.memory_space<semaphore_mem>>) src(%dma_wait3A_48 : memref<80x128xf32, #tpu.memory_space<vmem_shared>>) dst(%arg13 : memref<80x128xf32, #tpu.memory_space<vmem>>)
        tpu.yield
      }) : () -> ()
      "tpu.region"() ({
        %run_scoped3A = tpu.sem_alloc : memref<!tpu.dma_semaphore, #tpu.memory_space<semaphore_mem>>
        %dma_start3A = arith.constant 0 : i32
        %dma_start3A_43 = arith.constant 0 : i32
        %dma_start3A_44 = tpu.memref_slice %arg6[%arg0, %dma_start3A, %dma_start3A_43] : memref<2x10000x128xf32, #tpu.memory_space<hbm>> -> memref<1x10000x128xf32, #tpu.memory_space<hbm>>
        %dma_start3A_45 = tpu.memref_squeeze %dma_start3A_44 : memref<1x10000x128xf32, #tpu.memory_space<hbm>> -> memref<10000x128xf32, #tpu.memory_space<hbm>>
        %dma_start3A_46 = arith.constant 0 : i32
        %dma_start3A_47 = tpu.memref_slice %dma_start3A_45[%add3A, %dma_start3A_46] : memref<10000x128xf32, #tpu.memory_space<hbm>> -> memref<80x128xf32, #tpu.memory_space<hbm>>
        %dma_start3A_48 = arith.constant 0 : i32
        %dma_start3A_49 = arith.constant 0 : i32
        %dma_start3A_50 = tpu.memref_slice %arg6[%arg0, %dma_start3A_48, %dma_start3A_49] : memref<2x10000x128xf32, #tpu.memory_space<hbm>> -> memref<1x10000x128xf32, #tpu.memory_space<hbm>>
        %dma_start3A_51 = tpu.memref_squeeze %dma_start3A_50 : memref<1x10000x128xf32, #tpu.memory_space<hbm>> -> memref<10000x128xf32, #tpu.memory_space<hbm>>
        %dma_start3A_52 = arith.constant 0 : i32
        %dma_start3A_53 = tpu.memref_slice %dma_start3A_51[%add3A, %dma_start3A_52] : memref<10000x128xf32, #tpu.memory_space<hbm>> -> memref<80x128xf32, #tpu.memory_space<hbm>>
        tpu.enqueue_dma source(%arg13 : memref<80x128xf32, #tpu.memory_space<vmem>>) target(%dma_start3A_53 : memref<80x128xf32, #tpu.memory_space<hbm>>) target_semaphore(%run_scoped3A : memref<!tpu.dma_semaphore, #tpu.memory_space<semaphore_mem>>)
        %dma_wait3A = arith.constant 0 : i32
        %dma_wait3A_54 = arith.constant 0 : i32
        %dma_wait3A_55 = tpu.memref_slice %arg6[%arg0, %dma_wait3A, %dma_wait3A_54] : memref<2x10000x128xf32, #tpu.memory_space<hbm>> -> memref<1x10000x128xf32, #tpu.memory_space<hbm>>
        %dma_wait3A_56 = tpu.memref_squeeze %dma_wait3A_55 : memref<1x10000x128xf32, #tpu.memory_space<hbm>> -> memref<10000x128xf32, #tpu.memory_space<hbm>>
        %dma_wait3A_57 = arith.constant 0 : i32
        %dma_wait3A_58 = tpu.memref_slice %dma_wait3A_56[%add3A, %dma_wait3A_57] : memref<10000x128xf32, #tpu.memory_space<hbm>> -> memref<80x128xf32, #tpu.memory_space<hbm>>
        %dma_wait3A_59 = arith.constant 0 : i32
        %dma_wait3A_60 = arith.constant 0 : i32
        %dma_wait3A_61 = tpu.memref_slice %arg6[%arg0, %dma_wait3A_59, %dma_wait3A_60] : memref<2x10000x128xf32, #tpu.memory_space<hbm>> -> memref<1x10000x128xf32, #tpu.memory_space<hbm>>
        %dma_wait3A_62 = tpu.memref_squeeze %dma_wait3A_61 : memref<1x10000x128xf32, #tpu.memory_space<hbm>> -> memref<10000x128xf32, #tpu.memory_space<hbm>>
        %dma_wait3A_63 = arith.constant 0 : i32
        %dma_wait3A_64 = tpu.memref_slice %dma_wait3A_62[%add3A, %dma_wait3A_63] : memref<10000x128xf32, #tpu.memory_space<hbm>> -> memref<80x128xf32, #tpu.memory_space<hbm>>
        tpu.wait_dma2 semaphore(%run_scoped3A : memref<!tpu.dma_semaphore, #tpu.memory_space<semaphore_mem>>) src(%arg13 : memref<80x128xf32, #tpu.memory_space<vmem>>) dst(%dma_wait3A_64 : memref<80x128xf32, #tpu.memory_space<hbm>>)
        tpu.yield
      }) : () -> ()
      %while3A_42 = arith.constant 0 : i32
      scf.yield %while3A_42 : i32
    }
    return
  }
}

module attributes {stable_mosaic.version = 14 : i64} {
  func.func @_enc_matmul_body(%arg0: i32, %arg1: memref<1000x128xf32, #tpu.memory_space<vmem>>, %arg2: memref<128x64xf32, #tpu.memory_space<vmem>>, %arg3: memref<1x64xf32, #tpu.memory_space<vmem>>, %arg4: memref<1000x128xf32, #tpu.memory_space<vmem>>) attributes {dimension_semantics = [#tpu.dimension_semantics<arbitrary>], iteration_bounds = array<i64: 10>, scalar_prefetch = 0 : i64, scratch_operands = 0 : i64, tpu.core_type = #tpu.core_type<tc>, window_params = [{transform_indices = @transform_0, window_bounds = array<i64: 1000, 128>}, {pipeline_mode = #tpu.pipeline_mode<synchronous>, transform_indices = @transform_1, window_bounds = array<i64: 128, 64>}, {pipeline_mode = #tpu.pipeline_mode<synchronous>, transform_indices = @transform_2, window_bounds = array<i64: 1, 64>}, {transform_indices = @transform_3, window_bounds = array<i64: 1000, 128>}]} {
    %get3A = arith.constant 0 : index
    %get3A_0 = arith.constant 0 : index
    %get3A_1 = vector.load %arg1[%get3A, %get3A_0] : memref<1000x128xf32, #tpu.memory_space<vmem>>, vector<1000x128xf32>
    %get3A_2 = arith.constant 0 : index
    %get3A_3 = arith.constant 0 : index
    %get3A_4 = vector.load %arg2[%get3A_2, %get3A_3] : memref<128x64xf32, #tpu.memory_space<vmem>>, vector<128x64xf32>
    %dot_general3A = arith.constant dense<0.000000e+00> : vector<1000x64xf32>
    %dot_general3A_5 = tpu.matmul %get3A_1, %get3A_4, %dot_general3A {dimension_numbers = #tpu.dot_dimension_numbers<[1], [0], [0], [1], [0, 0, 1, 1], [], []>, transpose_lhs_hint = false} : vector<1000x128xf32>, vector<128x64xf32>, vector<1000x64xf32> -> vector<1000x64xf32>
    %get3A_6 = arith.constant 0 : index
    %get3A_7 = arith.constant 0 : index
    %get3A_8 = vector.load %arg3[%get3A_6, %get3A_7] : memref<1x64xf32, #tpu.memory_space<vmem>>, vector<1x64xf32>
    %add3A = vector.broadcast %get3A_8 : vector<1x64xf32> to vector<1000x64xf32>
    %add3A_9 = arith.addf %dot_general3A_5, %add3A : vector<1000x64xf32>
    %broadcast_in_dim3A = arith.constant 1.000000e+00 : f32
    %broadcast_in_dim3A_10 = vector.broadcast %broadcast_in_dim3A : f32 to vector<1000x1xf32>
    %broadcast_in_dim3A_11 = arith.constant 0.000000e+00 : f32
    %broadcast_in_dim3A_12 = vector.broadcast %broadcast_in_dim3A_11 : f32 to vector<1000x63xf32>
    %concatenate3A = tpu.concatenate %broadcast_in_dim3A_10, %broadcast_in_dim3A_12 in 1 : vector<1000x1xf32>, vector<1000x63xf32> -> vector<1000x64xf32>
    %concatenate3A_13 = tpu.concatenate %add3A_9, %concatenate3A in 1 : vector<1000x64xf32>, vector<1000x64xf32> -> vector<1000x128xf32>
    %swap3A = arith.constant 0 : index
    %swap3A_14 = arith.constant 0 : index
    %swap3A_15 = vector.load %arg4[%swap3A, %swap3A_14] : memref<1000x128xf32, #tpu.memory_space<vmem>>, vector<1000x128xf32>
    tpu.vector_store %arg4[%swap3A, %swap3A_14], %concatenate3A_13 {strides = array<i32>} : memref<1000x128xf32, #tpu.memory_space<vmem>>, vector<1000x128xf32>,
    return
  }
  func.func @transform_0(%arg0: i32) -> (i32, i32) {
    %c0_i32 = arith.constant 0 : i32
    %c0_i32_0 = arith.constant 0 : i32
    return %arg0, %c0_i32 : i32, i32
  }
  func.func @transform_1(%arg0: i32) -> (i32, i32) {
    %c0_i32 = arith.constant 0 : i32
    %c0_i32_0 = arith.constant 0 : i32
    %c0_i32_1 = arith.constant 0 : i32
    return %c0_i32, %c0_i32_0 : i32, i32
  }
  func.func @transform_2(%arg0: i32) -> (i32, i32) {
    %c0_i32 = arith.constant 0 : i32
    %c0_i32_0 = arith.constant 0 : i32
    %c0_i32_1 = arith.constant 0 : i32
    return %c0_i32, %c0_i32_0 : i32, i32
  }
  func.func @transform_3(%arg0: i32) -> (i32, i32) {
    %c0_i32 = arith.constant 0 : i32
    %c0_i32_0 = arith.constant 0 : i32
    return %arg0, %c0_i32 : i32, i32
  }
}

module attributes {stable_mosaic.version = 14 : i64} {
  func.func @_enc_if_body(%arg0: i32, %arg1: memref<2x1000x128xf32, #tpu.memory_space<vmem>>, %arg2: memref<2x1000x128xf32, #tpu.memory_space<vmem>>, %arg3: memref<1000x64xf32, #tpu.memory_space<vmem>>, %arg4: memref<1000x1xf32, #tpu.memory_space<vmem>>) attributes {dimension_semantics = [#tpu.dimension_semantics<arbitrary>], iteration_bounds = array<i64: 10>, scalar_prefetch = 0 : i64, scratch_operands = 0 : i64, tpu.core_type = #tpu.core_type<tc>, window_params = [{transform_indices = @transform_0, window_bounds = array<i64: 2, 1000, 128>}, {transform_indices = @transform_1, window_bounds = array<i64: 2, 1000, 128>}, {transform_indices = @transform_2, window_bounds = array<i64: 1000, 64>}, {transform_indices = @transform_3, window_bounds = array<i64: 1000, 1>}]} {
    %get3A = arith.constant 0 : index
    %get3A_0 = arith.constant 0 : index
    %get3A_1 = arith.constant 0 : index
    %get3A_2 = vector.load %arg1[%get3A, %get3A_0, %get3A_1] : memref<2x1000x128xf32, #tpu.memory_space<vmem>>, vector<1x1000x128xf32>
    %get3A_3 = vector.shape_cast %get3A_2 : vector<1x1000x128xf32> to vector<1000x128xf32>
    %slice3A = vector.extract_strided_slice %get3A_3 {offsets = [0, 64], sizes = [1000, 1], strides = [1, 1]} : vector<1000x128xf32> to vector<1000x1xf32>
    %get3A_4 = arith.constant 1 : index
    %get3A_5 = arith.constant 0 : index
    %get3A_6 = arith.constant 0 : index
    %get3A_7 = vector.load %arg1[%get3A_4, %get3A_5, %get3A_6] : memref<2x1000x128xf32, #tpu.memory_space<vmem>>, vector<1x1000x128xf32>
    %get3A_8 = vector.shape_cast %get3A_7 : vector<1x1000x128xf32> to vector<1000x128xf32>
    %slice3A_9 = vector.extract_strided_slice %get3A_8 {offsets = [0, 64], sizes = [1000, 1], strides = [1, 1]} : vector<1000x128xf32> to vector<1000x1xf32>
    %add3A = arith.addf %slice3A, %slice3A_9 : vector<1000x1xf32>
    %max3A = arith.constant 1.000000e+00 : f32
    %max3A_10 = vector.broadcast %max3A : f32 to vector<1000x1xf32>
    %max3A_11 = arith.maximumf %add3A, %max3A_10 : vector<1000x1xf32>
    %div3A = arith.constant 1.000000e+00 : f32
    %div3A_12 = vector.broadcast %div3A : f32 to vector<1000x1xf32>
    %div3A_13 = arith.divf %div3A_12, %max3A_11 : vector<1000x1xf32>
    %get3A_14 = arith.constant 0 : index
    %get3A_15 = arith.constant 0 : index
    %get3A_16 = arith.constant 0 : index
    %get3A_17 = vector.load %arg1[%get3A_14, %get3A_15, %get3A_16] : memref<2x1000x128xf32, #tpu.memory_space<vmem>>, vector<1x1000x128xf32>
    %get3A_18 = vector.shape_cast %get3A_17 : vector<1x1000x128xf32> to vector<1000x128xf32>
    %slice3A_19 = vector.extract_strided_slice %get3A_18 {offsets = [0, 0], sizes = [1000, 64], strides = [1, 1]} : vector<1000x128xf32> to vector<1000x64xf32>
    %get3A_20 = arith.constant 1 : index
    %get3A_21 = arith.constant 0 : index
    %get3A_22 = arith.constant 0 : index
    %get3A_23 = vector.load %arg1[%get3A_20, %get3A_21, %get3A_22] : memref<2x1000x128xf32, #tpu.memory_space<vmem>>, vector<1x1000x128xf32>
    %get3A_24 = vector.shape_cast %get3A_23 : vector<1x1000x128xf32> to vector<1000x128xf32>
    %slice3A_25 = vector.extract_strided_slice %get3A_24 {offsets = [0, 0], sizes = [1000, 64], strides = [1, 1]} : vector<1000x128xf32> to vector<1000x64xf32>
    %add3A_26 = arith.addf %slice3A_19, %slice3A_25 : vector<1000x64xf32>
    %mul3A = vector.broadcast %div3A_13 : vector<1000x1xf32> to vector<1000x64xf32>
    %mul3A_27 = arith.mulf %add3A_26, %mul3A : vector<1000x64xf32>
    %broadcast_in_dim3A = arith.constant 0.000000e+00 : f32
    %broadcast_in_dim3A_28 = vector.broadcast %broadcast_in_dim3A : f32 to vector<1000x64xf32>
    %add3A_29 = arith.addf %broadcast_in_dim3A_28, %mul3A_27 : vector<1000x64xf32>
    %ge3A = arith.constant 1.000000e+00 : f32
    %ge3A_30 = vector.broadcast %ge3A : f32 to vector<1000x64xf32>
    %ge3A_31 = arith.cmpf oge, %add3A_29, %ge3A_30 : vector<1000x64xf32>
    %convert_element_type3A = arith.extui %ge3A_31 : vector<1000x64xi1> to vector<1000x64xi32>
    %convert_element_type3A_32 = arith.sitofp %convert_element_type3A : vector<1000x64xi32> to vector<1000x64xf32>
    %sub3A = arith.constant 1.000000e+00 : f32
    %sub3A_33 = vector.broadcast %sub3A : f32 to vector<1000x64xf32>
    %sub3A_34 = arith.subf %add3A_29, %sub3A_33 : vector<1000x64xf32>
    %mul3A_35 = arith.constant 4.000000e+00 : f32
    %mul3A_36 = vector.broadcast %mul3A_35 : f32 to vector<1000x64xf32>
    %mul3A_37 = arith.mulf %mul3A_36, %sub3A_34 : vector<1000x64xf32>
    %logistic3A = arith.negf %mul3A_37 : vector<1000x64xf32>
    %logistic3A_38 = math.exp %logistic3A : vector<1000x64xf32>
    %logistic3A_39 = arith.constant 1.000000e+00 : f32
    %logistic3A_40 = vector.broadcast %logistic3A_39 : f32 to vector<1000x64xf32>
    %logistic3A_41 = arith.addf %logistic3A_40, %logistic3A_38 : vector<1000x64xf32>
    %logistic3A_42 = arith.divf %logistic3A_40, %logistic3A_41 : vector<1000x64xf32>
    %sub3A_43 = arith.subf %convert_element_type3A_32, %logistic3A_42 : vector<1000x64xf32>
    %add3A_44 = arith.addf %logistic3A_42, %sub3A_43 : vector<1000x64xf32>
    %mul3A_45 = arith.constant 1.000000e+00 : f32
    %mul3A_46 = vector.broadcast %mul3A_45 : f32 to vector<1000x64xf32>
    %mul3A_47 = arith.mulf %add3A_44, %mul3A_46 : vector<1000x64xf32>
    %sub3A_48 = arith.subf %add3A_29, %mul3A_47 : vector<1000x64xf32>
    %add3A_49 = arith.addf %sub3A_48, %mul3A_27 : vector<1000x64xf32>
    %ge3A_50 = arith.constant 1.000000e+00 : f32
    %ge3A_51 = vector.broadcast %ge3A_50 : f32 to vector<1000x64xf32>
    %ge3A_52 = arith.cmpf oge, %add3A_49, %ge3A_51 : vector<1000x64xf32>
    %convert_element_type3A_53 = arith.extui %ge3A_52 : vector<1000x64xi1> to vector<1000x64xi32>
    %convert_element_type3A_54 = arith.sitofp %convert_element_type3A_53 : vector<1000x64xi32> to vector<1000x64xf32>
    %sub3A_55 = arith.constant 1.000000e+00 : f32
    %sub3A_56 = vector.broadcast %sub3A_55 : f32 to vector<1000x64xf32>
    %sub3A_57 = arith.subf %add3A_49, %sub3A_56 : vector<1000x64xf32>
    %mul3A_58 = arith.constant 4.000000e+00 : f32
    %mul3A_59 = vector.broadcast %mul3A_58 : f32 to vector<1000x64xf32>
    %mul3A_60 = arith.mulf %mul3A_59, %sub3A_57 : vector<1000x64xf32>
    %logistic3A_61 = arith.negf %mul3A_60 : vector<1000x64xf32>
    %logistic3A_62 = math.exp %logistic3A_61 : vector<1000x64xf32>
    %logistic3A_63 = arith.constant 1.000000e+00 : f32
    %logistic3A_64 = vector.broadcast %logistic3A_63 : f32 to vector<1000x64xf32>
    %logistic3A_65 = arith.addf %logistic3A_64, %logistic3A_62 : vector<1000x64xf32>
    %logistic3A_66 = arith.divf %logistic3A_64, %logistic3A_65 : vector<1000x64xf32>
    %sub3A_67 = arith.subf %convert_element_type3A_54, %logistic3A_66 : vector<1000x64xf32>
    %add3A_68 = arith.addf %logistic3A_66, %sub3A_67 : vector<1000x64xf32>
    %mul3A_69 = arith.constant 1.000000e+00 : f32
    %mul3A_70 = vector.broadcast %mul3A_69 : f32 to vector<1000x64xf32>
    %mul3A_71 = arith.mulf %add3A_68, %mul3A_70 : vector<1000x64xf32>
    %sub3A_72 = arith.subf %add3A_49, %mul3A_71 : vector<1000x64xf32>
    %add3A_73 = arith.addf %sub3A_72, %mul3A_27 : vector<1000x64xf32>
    %ge3A_74 = arith.constant 1.000000e+00 : f32
    %ge3A_75 = vector.broadcast %ge3A_74 : f32 to vector<1000x64xf32>
    %ge3A_76 = arith.cmpf oge, %add3A_73, %ge3A_75 : vector<1000x64xf32>
    %convert_element_type3A_77 = arith.extui %ge3A_76 : vector<1000x64xi1> to vector<1000x64xi32>
    %convert_element_type3A_78 = arith.sitofp %convert_element_type3A_77 : vector<1000x64xi32> to vector<1000x64xf32>
    %sub3A_79 = arith.constant 1.000000e+00 : f32
    %sub3A_80 = vector.broadcast %sub3A_79 : f32 to vector<1000x64xf32>
    %sub3A_81 = arith.subf %add3A_73, %sub3A_80 : vector<1000x64xf32>
    %mul3A_82 = arith.constant 4.000000e+00 : f32
    %mul3A_83 = vector.broadcast %mul3A_82 : f32 to vector<1000x64xf32>
    %mul3A_84 = arith.mulf %mul3A_83, %sub3A_81 : vector<1000x64xf32>
    %logistic3A_85 = arith.negf %mul3A_84 : vector<1000x64xf32>
    %logistic3A_86 = math.exp %logistic3A_85 : vector<1000x64xf32>
    %logistic3A_87 = arith.constant 1.000000e+00 : f32
    %logistic3A_88 = vector.broadcast %logistic3A_87 : f32 to vector<1000x64xf32>
    %logistic3A_89 = arith.addf %logistic3A_88, %logistic3A_86 : vector<1000x64xf32>
    %logistic3A_90 = arith.divf %logistic3A_88, %logistic3A_89 : vector<1000x64xf32>
    %sub3A_91 = arith.subf %convert_element_type3A_78, %logistic3A_90 : vector<1000x64xf32>
    %add3A_92 = arith.addf %logistic3A_90, %sub3A_91 : vector<1000x64xf32>
    %mul3A_93 = arith.constant 1.000000e+00 : f32
    %mul3A_94 = vector.broadcast %mul3A_93 : f32 to vector<1000x64xf32>
    %mul3A_95 = arith.mulf %add3A_92, %mul3A_94 : vector<1000x64xf32>
    %sub3A_96 = arith.subf %add3A_73, %mul3A_95 : vector<1000x64xf32>
    %add3A_97 = arith.addf %sub3A_96, %mul3A_27 : vector<1000x64xf32>
    %ge3A_98 = arith.constant 1.000000e+00 : f32
    %ge3A_99 = vector.broadcast %ge3A_98 : f32 to vector<1000x64xf32>
    %ge3A_100 = arith.cmpf oge, %add3A_97, %ge3A_99 : vector<1000x64xf32>
    %convert_element_type3A_101 = arith.extui %ge3A_100 : vector<1000x64xi1> to vector<1000x64xi32>
    %convert_element_type3A_102 = arith.sitofp %convert_element_type3A_101 : vector<1000x64xi32> to vector<1000x64xf32>
    %sub3A_103 = arith.constant 1.000000e+00 : f32
    %sub3A_104 = vector.broadcast %sub3A_103 : f32 to vector<1000x64xf32>
    %sub3A_105 = arith.subf %add3A_97, %sub3A_104 : vector<1000x64xf32>
    %mul3A_106 = arith.constant 4.000000e+00 : f32
    %mul3A_107 = vector.broadcast %mul3A_106 : f32 to vector<1000x64xf32>
    %mul3A_108 = arith.mulf %mul3A_107, %sub3A_105 : vector<1000x64xf32>
    %logistic3A_109 = arith.negf %mul3A_108 : vector<1000x64xf32>
    %logistic3A_110 = math.exp %logistic3A_109 : vector<1000x64xf32>
    %logistic3A_111 = arith.constant 1.000000e+00 : f32
    %logistic3A_112 = vector.broadcast %logistic3A_111 : f32 to vector<1000x64xf32>
    %logistic3A_113 = arith.addf %logistic3A_112, %logistic3A_110 : vector<1000x64xf32>
    %logistic3A_114 = arith.divf %logistic3A_112, %logistic3A_113 : vector<1000x64xf32>
    %sub3A_115 = arith.subf %convert_element_type3A_102, %logistic3A_114 : vector<1000x64xf32>
    %add3A_116 = arith.addf %logistic3A_114, %sub3A_115 : vector<1000x64xf32>
    %concatenate3A = tpu.concatenate %add3A_44, %add3A_68 in 1 : vector<1000x64xf32>, vector<1000x64xf32> -> vector<1000x128xf32>
    %swap3A = arith.constant 0 : index
    %swap3A_117 = arith.constant 0 : index
    %swap3A_118 = arith.constant 0 : index
    %swap3A_119 = vector.load %arg2[%swap3A, %swap3A_117, %swap3A_118] : memref<2x1000x128xf32, #tpu.memory_space<vmem>>, vector<1x1000x128xf32>
    %swap3A_120 = vector.shape_cast %swap3A_119 : vector<1x1000x128xf32> to vector<1000x128xf32>
    %swap3A_121 = vector.shape_cast %concatenate3A : vector<1000x128xf32> to vector<1x1000x128xf32>
    tpu.vector_store %arg2[%swap3A, %swap3A_117, %swap3A_118], %swap3A_121 {strides = array<i32>} : memref<2x1000x128xf32, #tpu.memory_space<vmem>>, vector<1x1000x128xf32>,
    %concatenate3A_122 = tpu.concatenate %add3A_92, %add3A_116 in 1 : vector<1000x64xf32>, vector<1000x64xf32> -> vector<1000x128xf32>
    %swap3A_123 = arith.constant 1 : index
    %swap3A_124 = arith.constant 0 : index
    %swap3A_125 = arith.constant 0 : index
    %swap3A_126 = vector.load %arg2[%swap3A_123, %swap3A_124, %swap3A_125] : memref<2x1000x128xf32, #tpu.memory_space<vmem>>, vector<1x1000x128xf32>
    %swap3A_127 = vector.shape_cast %swap3A_126 : vector<1x1000x128xf32> to vector<1000x128xf32>
    %swap3A_128 = vector.shape_cast %concatenate3A_122 : vector<1000x128xf32> to vector<1x1000x128xf32>
    tpu.vector_store %arg2[%swap3A_123, %swap3A_124, %swap3A_125], %swap3A_128 {strides = array<i32>} : memref<2x1000x128xf32, #tpu.memory_space<vmem>>, vector<1x1000x128xf32>,
    %add3A_129 = arith.addf %add3A_44, %add3A_68 : vector<1000x64xf32>
    %add3A_130 = arith.addf %add3A_129, %add3A_92 : vector<1000x64xf32>
    %add3A_131 = arith.addf %add3A_130, %add3A_116 : vector<1000x64xf32>
    %mul3A_132 = arith.constant 1.000000e-01 : f32
    %mul3A_133 = vector.broadcast %mul3A_132 : f32 to vector<1000x64xf32>
    %mul3A_134 = arith.mulf %mul3A_133, %add3A_131 : vector<1000x64xf32>
    %swap3A_135 = arith.constant 0 : index
    %swap3A_136 = arith.constant 0 : index
    %swap3A_137 = vector.load %arg3[%swap3A_135, %swap3A_136] : memref<1000x64xf32, #tpu.memory_space<vmem>>, vector<1000x64xf32>
    tpu.vector_store %arg3[%swap3A_135, %swap3A_136], %mul3A_134 {strides = array<i32>} : memref<1000x64xf32, #tpu.memory_space<vmem>>, vector<1000x64xf32>,
    %swap3A_138 = arith.constant 0 : index
    %swap3A_139 = arith.constant 0 : index
    %swap3A_140 = vector.load %arg4[%swap3A_138, %swap3A_139] : memref<1000x1xf32, #tpu.memory_space<vmem>>, vector<1000x1xf32>
    tpu.vector_store %arg4[%swap3A_138, %swap3A_139], %div3A_13 {strides = array<i32>} : memref<1000x1xf32, #tpu.memory_space<vmem>>, vector<1000x1xf32>,
    return
  }
  func.func @transform_0(%arg0: i32) -> (i32, i32, i32) {
    %c0_i32 = arith.constant 0 : i32
    %c0_i32_0 = arith.constant 0 : i32
    %c0_i32_1 = arith.constant 0 : i32
    return %c0_i32, %arg0, %c0_i32_0 : i32, i32, i32
  }
  func.func @transform_1(%arg0: i32) -> (i32, i32, i32) {
    %c0_i32 = arith.constant 0 : i32
    %c0_i32_0 = arith.constant 0 : i32
    %c0_i32_1 = arith.constant 0 : i32
    return %c0_i32, %arg0, %c0_i32_0 : i32, i32, i32
  }
  func.func @transform_2(%arg0: i32) -> (i32, i32) {
    %c0_i32 = arith.constant 0 : i32
    %c0_i32_0 = arith.constant 0 : i32
    return %arg0, %c0_i32 : i32, i32
  }
  func.func @transform_3(%arg0: i32) -> (i32, i32) {
    %c0_i32 = arith.constant 0 : i32
    %c0_i32_0 = arith.constant 0 : i32
    return %arg0, %c0_i32 : i32, i32
  }
}

module attributes {stable_mosaic.version = 14 : i64} {
  func.func @_layer_body(%arg0: i32, %arg1: memref<2x1000x128xf32, #tpu.memory_space<vmem>>, %arg2: memref<1000x1xf32, #tpu.memory_space<vmem>>, %arg3: memref<64x64xf32, #tpu.memory_space<vmem>>, %arg4: memref<1x64xf32, #tpu.memory_space<vmem>>, %arg5: memref<1000x64xf32, #tpu.memory_space<vmem>>, %arg6: memref<2x1000x128xf32, #tpu.memory_space<vmem>>, %arg7: memref<1000x64xf32, #tpu.memory_space<vmem>>) attributes {dimension_semantics = [#tpu.dimension_semantics<arbitrary>], iteration_bounds = array<i64: 10>, scalar_prefetch = 0 : i64, scratch_operands = 0 : i64, tpu.core_type = #tpu.core_type<tc>, window_params = [{transform_indices = @transform_0, window_bounds = array<i64: 2, 1000, 128>}, {transform_indices = @transform_1, window_bounds = array<i64: 1000, 1>}, {pipeline_mode = #tpu.pipeline_mode<synchronous>, transform_indices = @transform_2, window_bounds = array<i64: 64, 64>}, {pipeline_mode = #tpu.pipeline_mode<synchronous>, transform_indices = @transform_3, window_bounds = array<i64: 1, 64>}, {transform_indices = @transform_4, window_bounds = array<i64: 1000, 64>}, {transform_indices = @transform_5, window_bounds = array<i64: 2, 1000, 128>}, {transform_indices = @transform_6, window_bounds = array<i64: 1000, 64>}]} {
    %get3A = arith.constant 0 : index
    %get3A_0 = arith.constant 0 : index
    %get3A_1 = vector.load %arg2[%get3A, %get3A_0] : memref<1000x1xf32, #tpu.memory_space<vmem>>, vector<1000x1xf32>
    %broadcast_in_dim3A = arith.constant 0.000000e+00 : f32
    %broadcast_in_dim3A_2 = vector.broadcast %broadcast_in_dim3A : f32 to vector<1000x64xf32>
    %get3A_3 = arith.constant 0 : index
    %get3A_4 = arith.constant 0 : index
    %get3A_5 = arith.constant 0 : index
    %get3A_6 = vector.load %arg1[%get3A_3, %get3A_4, %get3A_5] : memref<2x1000x128xf32, #tpu.memory_space<vmem>>, vector<1x1000x128xf32>
    %get3A_7 = vector.shape_cast %get3A_6 : vector<1x1000x128xf32> to vector<1000x128xf32>
    %slice3A = vector.extract_strided_slice %get3A_7 {offsets = [0, 0], sizes = [1000, 64], strides = [1, 1]} : vector<1000x128xf32> to vector<1000x64xf32>
    %mul3A = vector.broadcast %get3A_1 : vector<1000x1xf32> to vector<1000x64xf32>
    %mul3A_8 = arith.mulf %slice3A, %mul3A : vector<1000x64xf32>
    %get3A_9 = arith.constant 0 : index
    %get3A_10 = arith.constant 0 : index
    %get3A_11 = vector.load %arg3[%get3A_9, %get3A_10] : memref<64x64xf32, #tpu.memory_space<vmem>>, vector<64x64xf32>
    %dot_general3A = arith.constant dense<0.000000e+00> : vector<1000x64xf32>
    %dot_general3A_12 = tpu.matmul %mul3A_8, %get3A_11, %dot_general3A {dimension_numbers = #tpu.dot_dimension_numbers<[1], [0], [0], [1], [0, 0, 1, 1], [], []>, transpose_lhs_hint = false} : vector<1000x64xf32>, vector<64x64xf32>, vector<1000x64xf32> -> vector<1000x64xf32>
    %get3A_13 = arith.constant 0 : index
    %get3A_14 = arith.constant 0 : index
    %get3A_15 = vector.load %arg4[%get3A_13, %get3A_14] : memref<1x64xf32, #tpu.memory_space<vmem>>, vector<1x64xf32>
    %add3A = vector.broadcast %get3A_15 : vector<1x64xf32> to vector<1000x64xf32>
    %add3A_16 = arith.addf %dot_general3A_12, %add3A : vector<1000x64xf32>
    %add3A_17 = arith.addf %broadcast_in_dim3A_2, %add3A_16 : vector<1000x64xf32>
    %ge3A = arith.constant 1.000000e+00 : f32
    %ge3A_18 = vector.broadcast %ge3A : f32 to vector<1000x64xf32>
    %ge3A_19 = arith.cmpf oge, %add3A_17, %ge3A_18 : vector<1000x64xf32>
    %convert_element_type3A = arith.extui %ge3A_19 : vector<1000x64xi1> to vector<1000x64xi32>
    %convert_element_type3A_20 = arith.sitofp %convert_element_type3A : vector<1000x64xi32> to vector<1000x64xf32>
    %sub3A = arith.constant 1.000000e+00 : f32
    %sub3A_21 = vector.broadcast %sub3A : f32 to vector<1000x64xf32>
    %sub3A_22 = arith.subf %add3A_17, %sub3A_21 : vector<1000x64xf32>
    %mul3A_23 = arith.constant 4.000000e+00 : f32
    %mul3A_24 = vector.broadcast %mul3A_23 : f32 to vector<1000x64xf32>
    %mul3A_25 = arith.mulf %mul3A_24, %sub3A_22 : vector<1000x64xf32>
    %logistic3A = arith.negf %mul3A_25 : vector<1000x64xf32>
    %logistic3A_26 = math.exp %logistic3A : vector<1000x64xf32>
    %logistic3A_27 = arith.constant 1.000000e+00 : f32
    %logistic3A_28 = vector.broadcast %logistic3A_27 : f32 to vector<1000x64xf32>
    %logistic3A_29 = arith.addf %logistic3A_28, %logistic3A_26 : vector<1000x64xf32>
    %logistic3A_30 = arith.divf %logistic3A_28, %logistic3A_29 : vector<1000x64xf32>
    %sub3A_31 = arith.subf %convert_element_type3A_20, %logistic3A_30 : vector<1000x64xf32>
    %add3A_32 = arith.addf %logistic3A_30, %sub3A_31 : vector<1000x64xf32>
    %mul3A_33 = arith.constant 1.000000e+00 : f32
    %mul3A_34 = vector.broadcast %mul3A_33 : f32 to vector<1000x64xf32>
    %mul3A_35 = arith.mulf %add3A_32, %mul3A_34 : vector<1000x64xf32>
    %sub3A_36 = arith.subf %add3A_17, %mul3A_35 : vector<1000x64xf32>
    %get3A_37 = arith.constant 0 : index
    %get3A_38 = arith.constant 0 : index
    %get3A_39 = arith.constant 0 : index
    %get3A_40 = vector.load %arg1[%get3A_37, %get3A_38, %get3A_39] : memref<2x1000x128xf32, #tpu.memory_space<vmem>>, vector<1x1000x128xf32>
    %get3A_41 = vector.shape_cast %get3A_40 : vector<1x1000x128xf32> to vector<1000x128xf32>
    %slice3A_42 = vector.extract_strided_slice %get3A_41 {offsets = [0, 64], sizes = [1000, 64], strides = [1, 1]} : vector<1000x128xf32> to vector<1000x64xf32>
    %mul3A_43 = vector.broadcast %get3A_1 : vector<1000x1xf32> to vector<1000x64xf32>
    %mul3A_44 = arith.mulf %slice3A_42, %mul3A_43 : vector<1000x64xf32>
    %get3A_45 = arith.constant 0 : index
    %get3A_46 = arith.constant 0 : index
    %get3A_47 = vector.load %arg3[%get3A_45, %get3A_46] : memref<64x64xf32, #tpu.memory_space<vmem>>, vector<64x64xf32>
    %dot_general3A_48 = arith.constant dense<0.000000e+00> : vector<1000x64xf32>
    %dot_general3A_49 = tpu.matmul %mul3A_44, %get3A_47, %dot_general3A_48 {dimension_numbers = #tpu.dot_dimension_numbers<[1], [0], [0], [1], [0, 0, 1, 1], [], []>, transpose_lhs_hint = false} : vector<1000x64xf32>, vector<64x64xf32>, vector<1000x64xf32> -> vector<1000x64xf32>
    %get3A_50 = arith.constant 0 : index
    %get3A_51 = arith.constant 0 : index
    %get3A_52 = vector.load %arg4[%get3A_50, %get3A_51] : memref<1x64xf32, #tpu.memory_space<vmem>>, vector<1x64xf32>
    %add3A_53 = vector.broadcast %get3A_52 : vector<1x64xf32> to vector<1000x64xf32>
    %add3A_54 = arith.addf %dot_general3A_49, %add3A_53 : vector<1000x64xf32>
    %add3A_55 = arith.addf %sub3A_36, %add3A_54 : vector<1000x64xf32>
    %ge3A_56 = arith.constant 1.000000e+00 : f32
    %ge3A_57 = vector.broadcast %ge3A_56 : f32 to vector<1000x64xf32>
    %ge3A_58 = arith.cmpf oge, %add3A_55, %ge3A_57 : vector<1000x64xf32>
    %convert_element_type3A_59 = arith.extui %ge3A_58 : vector<1000x64xi1> to vector<1000x64xi32>
    %convert_element_type3A_60 = arith.sitofp %convert_element_type3A_59 : vector<1000x64xi32> to vector<1000x64xf32>
    %sub3A_61 = arith.constant 1.000000e+00 : f32
    %sub3A_62 = vector.broadcast %sub3A_61 : f32 to vector<1000x64xf32>
    %sub3A_63 = arith.subf %add3A_55, %sub3A_62 : vector<1000x64xf32>
    %mul3A_64 = arith.constant 4.000000e+00 : f32
    %mul3A_65 = vector.broadcast %mul3A_64 : f32 to vector<1000x64xf32>
    %mul3A_66 = arith.mulf %mul3A_65, %sub3A_63 : vector<1000x64xf32>
    %logistic3A_67 = arith.negf %mul3A_66 : vector<1000x64xf32>
    %logistic3A_68 = math.exp %logistic3A_67 : vector<1000x64xf32>
    %logistic3A_69 = arith.constant 1.000000e+00 : f32
    %logistic3A_70 = vector.broadcast %logistic3A_69 : f32 to vector<1000x64xf32>
    %logistic3A_71 = arith.addf %logistic3A_70, %logistic3A_68 : vector<1000x64xf32>
    %logistic3A_72 = arith.divf %logistic3A_70, %logistic3A_71 : vector<1000x64xf32>
    %sub3A_73 = arith.subf %convert_element_type3A_60, %logistic3A_72 : vector<1000x64xf32>
    %add3A_74 = arith.addf %logistic3A_72, %sub3A_73 : vector<1000x64xf32>
    %mul3A_75 = arith.constant 1.000000e+00 : f32
    %mul3A_76 = vector.broadcast %mul3A_75 : f32 to vector<1000x64xf32>
    %mul3A_77 = arith.mulf %add3A_74, %mul3A_76 : vector<1000x64xf32>
    %sub3A_78 = arith.subf %add3A_55, %mul3A_77 : vector<1000x64xf32>
    %get3A_79 = arith.constant 1 : index
    %get3A_80 = arith.constant 0 : index
    %get3A_81 = arith.constant 0 : index
    %get3A_82 = vector.load %arg1[%get3A_79, %get3A_80, %get3A_81] : memref<2x1000x128xf32, #tpu.memory_space<vmem>>, vector<1x1000x128xf32>
    %get3A_83 = vector.shape_cast %get3A_82 : vector<1x1000x128xf32> to vector<1000x128xf32>
    %slice3A_84 = vector.extract_strided_slice %get3A_83 {offsets = [0, 0], sizes = [1000, 64], strides = [1, 1]} : vector<1000x128xf32> to vector<1000x64xf32>
    %mul3A_85 = vector.broadcast %get3A_1 : vector<1000x1xf32> to vector<1000x64xf32>
    %mul3A_86 = arith.mulf %slice3A_84, %mul3A_85 : vector<1000x64xf32>
    %get3A_87 = arith.constant 0 : index
    %get3A_88 = arith.constant 0 : index
    %get3A_89 = vector.load %arg3[%get3A_87, %get3A_88] : memref<64x64xf32, #tpu.memory_space<vmem>>, vector<64x64xf32>
    %dot_general3A_90 = arith.constant dense<0.000000e+00> : vector<1000x64xf32>
    %dot_general3A_91 = tpu.matmul %mul3A_86, %get3A_89, %dot_general3A_90 {dimension_numbers = #tpu.dot_dimension_numbers<[1], [0], [0], [1], [0, 0, 1, 1], [], []>, transpose_lhs_hint = false} : vector<1000x64xf32>, vector<64x64xf32>, vector<1000x64xf32> -> vector<1000x64xf32>
    %get3A_92 = arith.constant 0 : index
    %get3A_93 = arith.constant 0 : index
    %get3A_94 = vector.load %arg4[%get3A_92, %get3A_93] : memref<1x64xf32, #tpu.memory_space<vmem>>, vector<1x64xf32>
    %add3A_95 = vector.broadcast %get3A_94 : vector<1x64xf32> to vector<1000x64xf32>
    %add3A_96 = arith.addf %dot_general3A_91, %add3A_95 : vector<1000x64xf32>
    %add3A_97 = arith.addf %sub3A_78, %add3A_96 : vector<1000x64xf32>
    %ge3A_98 = arith.constant 1.000000e+00 : f32
    %ge3A_99 = vector.broadcast %ge3A_98 : f32 to vector<1000x64xf32>
    %ge3A_100 = arith.cmpf oge, %add3A_97, %ge3A_99 : vector<1000x64xf32>
    %convert_element_type3A_101 = arith.extui %ge3A_100 : vector<1000x64xi1> to vector<1000x64xi32>
    %convert_element_type3A_102 = arith.sitofp %convert_element_type3A_101 : vector<1000x64xi32> to vector<1000x64xf32>
    %sub3A_103 = arith.constant 1.000000e+00 : f32
    %sub3A_104 = vector.broadcast %sub3A_103 : f32 to vector<1000x64xf32>
    %sub3A_105 = arith.subf %add3A_97, %sub3A_104 : vector<1000x64xf32>
    %mul3A_106 = arith.constant 4.000000e+00 : f32
    %mul3A_107 = vector.broadcast %mul3A_106 : f32 to vector<1000x64xf32>
    %mul3A_108 = arith.mulf %mul3A_107, %sub3A_105 : vector<1000x64xf32>
    %logistic3A_109 = arith.negf %mul3A_108 : vector<1000x64xf32>
    %logistic3A_110 = math.exp %logistic3A_109 : vector<1000x64xf32>
    %logistic3A_111 = arith.constant 1.000000e+00 : f32
    %logistic3A_112 = vector.broadcast %logistic3A_111 : f32 to vector<1000x64xf32>
    %logistic3A_113 = arith.addf %logistic3A_112, %logistic3A_110 : vector<1000x64xf32>
    %logistic3A_114 = arith.divf %logistic3A_112, %logistic3A_113 : vector<1000x64xf32>
    %sub3A_115 = arith.subf %convert_element_type3A_102, %logistic3A_114 : vector<1000x64xf32>
    %add3A_116 = arith.addf %logistic3A_114, %sub3A_115 : vector<1000x64xf32>
    %mul3A_117 = arith.constant 1.000000e+00 : f32
    %mul3A_118 = vector.broadcast %mul3A_117 : f32 to vector<1000x64xf32>
    %mul3A_119 = arith.mulf %add3A_116, %mul3A_118 : vector<1000x64xf32>
    %sub3A_120 = arith.subf %add3A_97, %mul3A_119 : vector<1000x64xf32>
    %get3A_121 = arith.constant 1 : index
    %get3A_122 = arith.constant 0 : index
    %get3A_123 = arith.constant 0 : index
    %get3A_124 = vector.load %arg1[%get3A_121, %get3A_122, %get3A_123] : memref<2x1000x128xf32, #tpu.memory_space<vmem>>, vector<1x1000x128xf32>
    %get3A_125 = vector.shape_cast %get3A_124 : vector<1x1000x128xf32> to vector<1000x128xf32>
    %slice3A_126 = vector.extract_strided_slice %get3A_125 {offsets = [0, 64], sizes = [1000, 64], strides = [1, 1]} : vector<1000x128xf32> to vector<1000x64xf32>
    %mul3A_127 = vector.broadcast %get3A_1 : vector<1000x1xf32> to vector<1000x64xf32>
    %mul3A_128 = arith.mulf %slice3A_126, %mul3A_127 : vector<1000x64xf32>
    %get3A_129 = arith.constant 0 : index
    %get3A_130 = arith.constant 0 : index
    %get3A_131 = vector.load %arg3[%get3A_129, %get3A_130] : memref<64x64xf32, #tpu.memory_space<vmem>>, vector<64x64xf32>
    %dot_general3A_132 = arith.constant dense<0.000000e+00> : vector<1000x64xf32>
    %dot_general3A_133 = tpu.matmul %mul3A_128, %get3A_131, %dot_general3A_132 {dimension_numbers = #tpu.dot_dimension_numbers<[1], [0], [0], [1], [0, 0, 1, 1], [], []>, transpose_lhs_hint = false} : vector<1000x64xf32>, vector<64x64xf32>, vector<1000x64xf32> -> vector<1000x64xf32>
    %get3A_134 = arith.constant 0 : index
    %get3A_135 = arith.constant 0 : index
    %get3A_136 = vector.load %arg4[%get3A_134, %get3A_135] : memref<1x64xf32, #tpu.memory_space<vmem>>, vector<1x64xf32>
    %add3A_137 = vector.broadcast %get3A_136 : vector<1x64xf32> to vector<1000x64xf32>
    %add3A_138 = arith.addf %dot_general3A_133, %add3A_137 : vector<1000x64xf32>
    %add3A_139 = arith.addf %sub3A_120, %add3A_138 : vector<1000x64xf32>
    %ge3A_140 = arith.constant 1.000000e+00 : f32
    %ge3A_141 = vector.broadcast %ge3A_140 : f32 to vector<1000x64xf32>
    %ge3A_142 = arith.cmpf oge, %add3A_139, %ge3A_141 : vector<1000x64xf32>
    %convert_element_type3A_143 = arith.extui %ge3A_142 : vector<1000x64xi1> to vector<1000x64xi32>
    %convert_element_type3A_144 = arith.sitofp %convert_element_type3A_143 : vector<1000x64xi32> to vector<1000x64xf32>
    %sub3A_145 = arith.constant 1.000000e+00 : f32
    %sub3A_146 = vector.broadcast %sub3A_145 : f32 to vector<1000x64xf32>
    %sub3A_147 = arith.subf %add3A_139, %sub3A_146 : vector<1000x64xf32>
    %mul3A_148 = arith.constant 4.000000e+00 : f32
    %mul3A_149 = vector.broadcast %mul3A_148 : f32 to vector<1000x64xf32>
    %mul3A_150 = arith.mulf %mul3A_149, %sub3A_147 : vector<1000x64xf32>
    %logistic3A_151 = arith.negf %mul3A_150 : vector<1000x64xf32>
    %logistic3A_152 = math.exp %logistic3A_151 : vector<1000x64xf32>
    %logistic3A_153 = arith.constant 1.000000e+00 : f32
    %logistic3A_154 = vector.broadcast %logistic3A_153 : f32 to vector<1000x64xf32>
    %logistic3A_155 = arith.addf %logistic3A_154, %logistic3A_152 : vector<1000x64xf32>
    %logistic3A_156 = arith.divf %logistic3A_154, %logistic3A_155 : vector<1000x64xf32>
    %sub3A_157 = arith.subf %convert_element_type3A_144, %logistic3A_156 : vector<1000x64xf32>
    %add3A_158 = arith.addf %logistic3A_156, %sub3A_157 : vector<1000x64xf32>
    %concatenate3A = tpu.concatenate %add3A_32, %add3A_74 in 1 : vector<1000x64xf32>, vector<1000x64xf32> -> vector<1000x128xf32>
    %swap3A = arith.constant 0 : index
    %swap3A_159 = arith.constant 0 : index
    %swap3A_160 = arith.constant 0 : index
    %swap3A_161 = vector.load %arg6[%swap3A, %swap3A_159, %swap3A_160] : memref<2x1000x128xf32, #tpu.memory_space<vmem>>, vector<1x1000x128xf32>
    %swap3A_162 = vector.shape_cast %swap3A_161 : vector<1x1000x128xf32> to vector<1000x128xf32>
    %swap3A_163 = vector.shape_cast %concatenate3A : vector<1000x128xf32> to vector<1x1000x128xf32>
    tpu.vector_store %arg6[%swap3A, %swap3A_159, %swap3A_160], %swap3A_163 {strides = array<i32>} : memref<2x1000x128xf32, #tpu.memory_space<vmem>>, vector<1x1000x128xf32>,
    %concatenate3A_164 = tpu.concatenate %add3A_116, %add3A_158 in 1 : vector<1000x64xf32>, vector<1000x64xf32> -> vector<1000x128xf32>
    %swap3A_165 = arith.constant 1 : index
    %swap3A_166 = arith.constant 0 : index
    %swap3A_167 = arith.constant 0 : index
    %swap3A_168 = vector.load %arg6[%swap3A_165, %swap3A_166, %swap3A_167] : memref<2x1000x128xf32, #tpu.memory_space<vmem>>, vector<1x1000x128xf32>
    %swap3A_169 = vector.shape_cast %swap3A_168 : vector<1x1000x128xf32> to vector<1000x128xf32>
    %swap3A_170 = vector.shape_cast %concatenate3A_164 : vector<1000x128xf32> to vector<1x1000x128xf32>
    tpu.vector_store %arg6[%swap3A_165, %swap3A_166, %swap3A_167], %swap3A_170 {strides = array<i32>} : memref<2x1000x128xf32, #tpu.memory_space<vmem>>, vector<1x1000x128xf32>,
    %get3A_171 = arith.constant 0 : index
    %get3A_172 = arith.constant 0 : index
    %get3A_173 = vector.load %arg5[%get3A_171, %get3A_172] : memref<1000x64xf32, #tpu.memory_space<vmem>>, vector<1000x64xf32>
    %add3A_174 = arith.addf %add3A_32, %add3A_74 : vector<1000x64xf32>
    %add3A_175 = arith.addf %add3A_174, %add3A_116 : vector<1000x64xf32>
    %add3A_176 = arith.addf %add3A_175, %add3A_158 : vector<1000x64xf32>
    %mul3A_177 = arith.constant 1.000000e-01 : f32
    %mul3A_178 = vector.broadcast %mul3A_177 : f32 to vector<1000x64xf32>
    %mul3A_179 = arith.mulf %mul3A_178, %add3A_176 : vector<1000x64xf32>
    %add3A_180 = arith.addf %get3A_173, %mul3A_179 : vector<1000x64xf32>
    %swap3A_181 = arith.constant 0 : index
    %swap3A_182 = arith.constant 0 : index
    %swap3A_183 = vector.load %arg7[%swap3A_181, %swap3A_182] : memref<1000x64xf32, #tpu.memory_space<vmem>>, vector<1000x64xf32>
    tpu.vector_store %arg7[%swap3A_181, %swap3A_182], %add3A_180 {strides = array<i32>} : memref<1000x64xf32, #tpu.memory_space<vmem>>, vector<1000x64xf32>,
    return
  }
  func.func @transform_0(%arg0: i32) -> (i32, i32, i32) {
    %c0_i32 = arith.constant 0 : i32
    %c0_i32_0 = arith.constant 0 : i32
    %c0_i32_1 = arith.constant 0 : i32
    return %c0_i32, %arg0, %c0_i32_0 : i32, i32, i32
  }
  func.func @transform_1(%arg0: i32) -> (i32, i32) {
    %c0_i32 = arith.constant 0 : i32
    %c0_i32_0 = arith.constant 0 : i32
    return %arg0, %c0_i32 : i32, i32
  }
  func.func @transform_2(%arg0: i32) -> (i32, i32) {
    %c0_i32 = arith.constant 0 : i32
    %c0_i32_0 = arith.constant 0 : i32
    %c0_i32_1 = arith.constant 0 : i32
    return %c0_i32, %c0_i32_0 : i32, i32
  }
  func.func @transform_3(%arg0: i32) -> (i32, i32) {
    %c0_i32 = arith.constant 0 : i32
    %c0_i32_0 = arith.constant 0 : i32
    %c0_i32_1 = arith.constant 0 : i32
    return %c0_i32, %c0_i32_0 : i32, i32
  }
  func.func @transform_4(%arg0: i32) -> (i32, i32) {
    %c0_i32 = arith.constant 0 : i32
    %c0_i32_0 = arith.constant 0 : i32
    return %arg0, %c0_i32 : i32, i32
  }
  func.func @transform_5(%arg0: i32) -> (i32, i32, i32) {
    %c0_i32 = arith.constant 0 : i32
    %c0_i32_0 = arith.constant 0 : i32
    %c0_i32_1 = arith.constant 0 : i32
    return %c0_i32, %arg0, %c0_i32_0 : i32, i32, i32
  }
  func.func @transform_6(%arg0: i32) -> (i32, i32) {
    %c0_i32 = arith.constant 0 : i32
    %c0_i32_0 = arith.constant 0 : i32
    return %arg0, %c0_i32 : i32, i32
  }
}

module attributes {stable_mosaic.version = 14 : i64} {
  func.func @_final_body(%arg0: i32, %arg1: memref<2x1000x128xf32, #tpu.memory_space<vmem>>, %arg2: memref<1000x1xf32, #tpu.memory_space<vmem>>, %arg3: memref<64x64xf32, #tpu.memory_space<vmem>>, %arg4: memref<1x64xf32, #tpu.memory_space<vmem>>, %arg5: memref<1000x64xf32, #tpu.memory_space<vmem>>, %arg6: memref<64x16xf32, #tpu.memory_space<vmem>>, %arg7: memref<1x16xf32, #tpu.memory_space<vmem>>, %arg8: memref<1000x16xf32, #tpu.memory_space<vmem>>) attributes {dimension_semantics = [#tpu.dimension_semantics<arbitrary>], iteration_bounds = array<i64: 10>, scalar_prefetch = 0 : i64, scratch_operands = 0 : i64, tpu.core_type = #tpu.core_type<tc>, window_params = [{transform_indices = @transform_0, window_bounds = array<i64: 2, 1000, 128>}, {transform_indices = @transform_1, window_bounds = array<i64: 1000, 1>}, {pipeline_mode = #tpu.pipeline_mode<synchronous>, transform_indices = @transform_2, window_bounds = array<i64: 64, 64>}, {pipeline_mode = #tpu.pipeline_mode<synchronous>, transform_indices = @transform_3, window_bounds = array<i64: 1, 64>}, {transform_indices = @transform_4, window_bounds = array<i64: 1000, 64>}, {pipeline_mode = #tpu.pipeline_mode<synchronous>, transform_indices = @transform_5, window_bounds = array<i64: 64, 16>}, {pipeline_mode = #tpu.pipeline_mode<synchronous>, transform_indices = @transform_6, window_bounds = array<i64: 1, 16>}, {transform_indices = @transform_7, window_bounds = array<i64: 1000, 16>}]} {
    %get3A = arith.constant 0 : index
    %get3A_0 = arith.constant 0 : index
    %get3A_1 = vector.load %arg2[%get3A, %get3A_0] : memref<1000x1xf32, #tpu.memory_space<vmem>>, vector<1000x1xf32>
    %broadcast_in_dim3A = arith.constant 0.000000e+00 : f32
    %broadcast_in_dim3A_2 = vector.broadcast %broadcast_in_dim3A : f32 to vector<1000x64xf32>
    %broadcast_in_dim3A_3 = arith.constant 0.000000e+00 : f32
    %broadcast_in_dim3A_4 = vector.broadcast %broadcast_in_dim3A_3 : f32 to vector<1000x64xf32>
    %get3A_5 = arith.constant 0 : index
    %get3A_6 = arith.constant 0 : index
    %get3A_7 = arith.constant 0 : index
    %get3A_8 = vector.load %arg1[%get3A_5, %get3A_6, %get3A_7] : memref<2x1000x128xf32, #tpu.memory_space<vmem>>, vector<1x1000x128xf32>
    %get3A_9 = vector.shape_cast %get3A_8 : vector<1x1000x128xf32> to vector<1000x128xf32>
    %slice3A = vector.extract_strided_slice %get3A_9 {offsets = [0, 0], sizes = [1000, 64], strides = [1, 1]} : vector<1000x128xf32> to vector<1000x64xf32>
    %mul3A = vector.broadcast %get3A_1 : vector<1000x1xf32> to vector<1000x64xf32>
    %mul3A_10 = arith.mulf %slice3A, %mul3A : vector<1000x64xf32>
    %get3A_11 = arith.constant 0 : index
    %get3A_12 = arith.constant 0 : index
    %get3A_13 = vector.load %arg3[%get3A_11, %get3A_12] : memref<64x64xf32, #tpu.memory_space<vmem>>, vector<64x64xf32>
    %dot_general3A = arith.constant dense<0.000000e+00> : vector<1000x64xf32>
    %dot_general3A_14 = tpu.matmul %mul3A_10, %get3A_13, %dot_general3A {dimension_numbers = #tpu.dot_dimension_numbers<[1], [0], [0], [1], [0, 0, 1, 1], [], []>, transpose_lhs_hint = false} : vector<1000x64xf32>, vector<64x64xf32>, vector<1000x64xf32> -> vector<1000x64xf32>
    %get3A_15 = arith.constant 0 : index
    %get3A_16 = arith.constant 0 : index
    %get3A_17 = vector.load %arg4[%get3A_15, %get3A_16] : memref<1x64xf32, #tpu.memory_space<vmem>>, vector<1x64xf32>
    %add3A = vector.broadcast %get3A_17 : vector<1x64xf32> to vector<1000x64xf32>
    %add3A_18 = arith.addf %dot_general3A_14, %add3A : vector<1000x64xf32>
    %add3A_19 = arith.addf %broadcast_in_dim3A_2, %add3A_18 : vector<1000x64xf32>
    %ge3A = arith.constant 1.000000e+00 : f32
    %ge3A_20 = vector.broadcast %ge3A : f32 to vector<1000x64xf32>
    %ge3A_21 = arith.cmpf oge, %add3A_19, %ge3A_20 : vector<1000x64xf32>
    %convert_element_type3A = arith.extui %ge3A_21 : vector<1000x64xi1> to vector<1000x64xi32>
    %convert_element_type3A_22 = arith.sitofp %convert_element_type3A : vector<1000x64xi32> to vector<1000x64xf32>
    %sub3A = arith.constant 1.000000e+00 : f32
    %sub3A_23 = vector.broadcast %sub3A : f32 to vector<1000x64xf32>
    %sub3A_24 = arith.subf %add3A_19, %sub3A_23 : vector<1000x64xf32>
    %mul3A_25 = arith.constant 4.000000e+00 : f32
    %mul3A_26 = vector.broadcast %mul3A_25 : f32 to vector<1000x64xf32>
    %mul3A_27 = arith.mulf %mul3A_26, %sub3A_24 : vector<1000x64xf32>
    %logistic3A = arith.negf %mul3A_27 : vector<1000x64xf32>
    %logistic3A_28 = math.exp %logistic3A : vector<1000x64xf32>
    %logistic3A_29 = arith.constant 1.000000e+00 : f32
    %logistic3A_30 = vector.broadcast %logistic3A_29 : f32 to vector<1000x64xf32>
    %logistic3A_31 = arith.addf %logistic3A_30, %logistic3A_28 : vector<1000x64xf32>
    %logistic3A_32 = arith.divf %logistic3A_30, %logistic3A_31 : vector<1000x64xf32>
    %sub3A_33 = arith.subf %convert_element_type3A_22, %logistic3A_32 : vector<1000x64xf32>
    %add3A_34 = arith.addf %logistic3A_32, %sub3A_33 : vector<1000x64xf32>
    %mul3A_35 = arith.constant 1.000000e+00 : f32
    %mul3A_36 = vector.broadcast %mul3A_35 : f32 to vector<1000x64xf32>
    %mul3A_37 = arith.mulf %add3A_34, %mul3A_36 : vector<1000x64xf32>
    %sub3A_38 = arith.subf %add3A_19, %mul3A_37 : vector<1000x64xf32>
    %add3A_39 = arith.addf %broadcast_in_dim3A_4, %add3A_34 : vector<1000x64xf32>
    %get3A_40 = arith.constant 0 : index
    %get3A_41 = arith.constant 0 : index
    %get3A_42 = arith.constant 0 : index
    %get3A_43 = vector.load %arg1[%get3A_40, %get3A_41, %get3A_42] : memref<2x1000x128xf32, #tpu.memory_space<vmem>>, vector<1x1000x128xf32>
    %get3A_44 = vector.shape_cast %get3A_43 : vector<1x1000x128xf32> to vector<1000x128xf32>
    %slice3A_45 = vector.extract_strided_slice %get3A_44 {offsets = [0, 64], sizes = [1000, 64], strides = [1, 1]} : vector<1000x128xf32> to vector<1000x64xf32>
    %mul3A_46 = vector.broadcast %get3A_1 : vector<1000x1xf32> to vector<1000x64xf32>
    %mul3A_47 = arith.mulf %slice3A_45, %mul3A_46 : vector<1000x64xf32>
    %get3A_48 = arith.constant 0 : index
    %get3A_49 = arith.constant 0 : index
    %get3A_50 = vector.load %arg3[%get3A_48, %get3A_49] : memref<64x64xf32, #tpu.memory_space<vmem>>, vector<64x64xf32>
    %dot_general3A_51 = arith.constant dense<0.000000e+00> : vector<1000x64xf32>
    %dot_general3A_52 = tpu.matmul %mul3A_47, %get3A_50, %dot_general3A_51 {dimension_numbers = #tpu.dot_dimension_numbers<[1], [0], [0], [1], [0, 0, 1, 1], [], []>, transpose_lhs_hint = false} : vector<1000x64xf32>, vector<64x64xf32>, vector<1000x64xf32> -> vector<1000x64xf32>
    %get3A_53 = arith.constant 0 : index
    %get3A_54 = arith.constant 0 : index
    %get3A_55 = vector.load %arg4[%get3A_53, %get3A_54] : memref<1x64xf32, #tpu.memory_space<vmem>>, vector<1x64xf32>
    %add3A_56 = vector.broadcast %get3A_55 : vector<1x64xf32> to vector<1000x64xf32>
    %add3A_57 = arith.addf %dot_general3A_52, %add3A_56 : vector<1000x64xf32>
    %add3A_58 = arith.addf %sub3A_38, %add3A_57 : vector<1000x64xf32>
    %ge3A_59 = arith.constant 1.000000e+00 : f32
    %ge3A_60 = vector.broadcast %ge3A_59 : f32 to vector<1000x64xf32>
    %ge3A_61 = arith.cmpf oge, %add3A_58, %ge3A_60 : vector<1000x64xf32>
    %convert_element_type3A_62 = arith.extui %ge3A_61 : vector<1000x64xi1> to vector<1000x64xi32>
    %convert_element_type3A_63 = arith.sitofp %convert_element_type3A_62 : vector<1000x64xi32> to vector<1000x64xf32>
    %sub3A_64 = arith.constant 1.000000e+00 : f32
    %sub3A_65 = vector.broadcast %sub3A_64 : f32 to vector<1000x64xf32>
    %sub3A_66 = arith.subf %add3A_58, %sub3A_65 : vector<1000x64xf32>
    %mul3A_67 = arith.constant 4.000000e+00 : f32
    %mul3A_68 = vector.broadcast %mul3A_67 : f32 to vector<1000x64xf32>
    %mul3A_69 = arith.mulf %mul3A_68, %sub3A_66 : vector<1000x64xf32>
    %logistic3A_70 = arith.negf %mul3A_69 : vector<1000x64xf32>
    %logistic3A_71 = math.exp %logistic3A_70 : vector<1000x64xf32>
    %logistic3A_72 = arith.constant 1.000000e+00 : f32
    %logistic3A_73 = vector.broadcast %logistic3A_72 : f32 to vector<1000x64xf32>
    %logistic3A_74 = arith.addf %logistic3A_73, %logistic3A_71 : vector<1000x64xf32>
    %logistic3A_75 = arith.divf %logistic3A_73, %logistic3A_74 : vector<1000x64xf32>
    %sub3A_76 = arith.subf %convert_element_type3A_63, %logistic3A_75 : vector<1000x64xf32>
    %add3A_77 = arith.addf %logistic3A_75, %sub3A_76 : vector<1000x64xf32>
    %mul3A_78 = arith.constant 1.000000e+00 : f32
    %mul3A_79 = vector.broadcast %mul3A_78 : f32 to vector<1000x64xf32>
    %mul3A_80 = arith.mulf %add3A_77, %mul3A_79 : vector<1000x64xf32>
    %sub3A_81 = arith.subf %add3A_58, %mul3A_80 : vector<1000x64xf32>
    %add3A_82 = arith.addf %add3A_39, %add3A_77 : vector<1000x64xf32>
    %get3A_83 = arith.constant 1 : index
    %get3A_84 = arith.constant 0 : index
    %get3A_85 = arith.constant 0 : index
    %get3A_86 = vector.load %arg1[%get3A_83, %get3A_84, %get3A_85] : memref<2x1000x128xf32, #tpu.memory_space<vmem>>, vector<1x1000x128xf32>
    %get3A_87 = vector.shape_cast %get3A_86 : vector<1x1000x128xf32> to vector<1000x128xf32>
    %slice3A_88 = vector.extract_strided_slice %get3A_87 {offsets = [0, 0], sizes = [1000, 64], strides = [1, 1]} : vector<1000x128xf32> to vector<1000x64xf32>
    %mul3A_89 = vector.broadcast %get3A_1 : vector<1000x1xf32> to vector<1000x64xf32>
    %mul3A_90 = arith.mulf %slice3A_88, %mul3A_89 : vector<1000x64xf32>
    %get3A_91 = arith.constant 0 : index
    %get3A_92 = arith.constant 0 : index
    %get3A_93 = vector.load %arg3[%get3A_91, %get3A_92] : memref<64x64xf32, #tpu.memory_space<vmem>>, vector<64x64xf32>
    %dot_general3A_94 = arith.constant dense<0.000000e+00> : vector<1000x64xf32>
    %dot_general3A_95 = tpu.matmul %mul3A_90, %get3A_93, %dot_general3A_94 {dimension_numbers = #tpu.dot_dimension_numbers<[1], [0], [0], [1], [0, 0, 1, 1], [], []>, transpose_lhs_hint = false} : vector<1000x64xf32>, vector<64x64xf32>, vector<1000x64xf32> -> vector<1000x64xf32>
    %get3A_96 = arith.constant 0 : index
    %get3A_97 = arith.constant 0 : index
    %get3A_98 = vector.load %arg4[%get3A_96, %get3A_97] : memref<1x64xf32, #tpu.memory_space<vmem>>, vector<1x64xf32>
    %add3A_99 = vector.broadcast %get3A_98 : vector<1x64xf32> to vector<1000x64xf32>
    %add3A_100 = arith.addf %dot_general3A_95, %add3A_99 : vector<1000x64xf32>
    %add3A_101 = arith.addf %sub3A_81, %add3A_100 : vector<1000x64xf32>
    %ge3A_102 = arith.constant 1.000000e+00 : f32
    %ge3A_103 = vector.broadcast %ge3A_102 : f32 to vector<1000x64xf32>
    %ge3A_104 = arith.cmpf oge, %add3A_101, %ge3A_103 : vector<1000x64xf32>
    %convert_element_type3A_105 = arith.extui %ge3A_104 : vector<1000x64xi1> to vector<1000x64xi32>
    %convert_element_type3A_106 = arith.sitofp %convert_element_type3A_105 : vector<1000x64xi32> to vector<1000x64xf32>
    %sub3A_107 = arith.constant 1.000000e+00 : f32
    %sub3A_108 = vector.broadcast %sub3A_107 : f32 to vector<1000x64xf32>
    %sub3A_109 = arith.subf %add3A_101, %sub3A_108 : vector<1000x64xf32>
    %mul3A_110 = arith.constant 4.000000e+00 : f32
    %mul3A_111 = vector.broadcast %mul3A_110 : f32 to vector<1000x64xf32>
    %mul3A_112 = arith.mulf %mul3A_111, %sub3A_109 : vector<1000x64xf32>
    %logistic3A_113 = arith.negf %mul3A_112 : vector<1000x64xf32>
    %logistic3A_114 = math.exp %logistic3A_113 : vector<1000x64xf32>
    %logistic3A_115 = arith.constant 1.000000e+00 : f32
    %logistic3A_116 = vector.broadcast %logistic3A_115 : f32 to vector<1000x64xf32>
    %logistic3A_117 = arith.addf %logistic3A_116, %logistic3A_114 : vector<1000x64xf32>
    %logistic3A_118 = arith.divf %logistic3A_116, %logistic3A_117 : vector<1000x64xf32>
    %sub3A_119 = arith.subf %convert_element_type3A_106, %logistic3A_118 : vector<1000x64xf32>
    %add3A_120 = arith.addf %logistic3A_118, %sub3A_119 : vector<1000x64xf32>
    %mul3A_121 = arith.constant 1.000000e+00 : f32
    %mul3A_122 = vector.broadcast %mul3A_121 : f32 to vector<1000x64xf32>
    %mul3A_123 = arith.mulf %add3A_120, %mul3A_122 : vector<1000x64xf32>
    %sub3A_124 = arith.subf %add3A_101, %mul3A_123 : vector<1000x64xf32>
    %add3A_125 = arith.addf %add3A_82, %add3A_120 : vector<1000x64xf32>
    %get3A_126 = arith.constant 1 : index
    %get3A_127 = arith.constant 0 : index
    %get3A_128 = arith.constant 0 : index
    %get3A_129 = vector.load %arg1[%get3A_126, %get3A_127, %get3A_128] : memref<2x1000x128xf32, #tpu.memory_space<vmem>>, vector<1x1000x128xf32>
    %get3A_130 = vector.shape_cast %get3A_129 : vector<1x1000x128xf32> to vector<1000x128xf32>
    %slice3A_131 = vector.extract_strided_slice %get3A_130 {offsets = [0, 64], sizes = [1000, 64], strides = [1, 1]} : vector<1000x128xf32> to vector<1000x64xf32>
    %mul3A_132 = vector.broadcast %get3A_1 : vector<1000x1xf32> to vector<1000x64xf32>
    %mul3A_133 = arith.mulf %slice3A_131, %mul3A_132 : vector<1000x64xf32>
    %get3A_134 = arith.constant 0 : index
    %get3A_135 = arith.constant 0 : index
    %get3A_136 = vector.load %arg3[%get3A_134, %get3A_135] : memref<64x64xf32, #tpu.memory_space<vmem>>, vector<64x64xf32>
    %dot_general3A_137 = arith.constant dense<0.000000e+00> : vector<1000x64xf32>
    %dot_general3A_138 = tpu.matmul %mul3A_133, %get3A_136, %dot_general3A_137 {dimension_numbers = #tpu.dot_dimension_numbers<[1], [0], [0], [1], [0, 0, 1, 1], [], []>, transpose_lhs_hint = false} : vector<1000x64xf32>, vector<64x64xf32>, vector<1000x64xf32> -> vector<1000x64xf32>
    %get3A_139 = arith.constant 0 : index
    %get3A_140 = arith.constant 0 : index
    %get3A_141 = vector.load %arg4[%get3A_139, %get3A_140] : memref<1x64xf32, #tpu.memory_space<vmem>>, vector<1x64xf32>
    %add3A_142 = vector.broadcast %get3A_141 : vector<1x64xf32> to vector<1000x64xf32>
    %add3A_143 = arith.addf %dot_general3A_138, %add3A_142 : vector<1000x64xf32>
    %add3A_144 = arith.addf %sub3A_124, %add3A_143 : vector<1000x64xf32>
    %ge3A_145 = arith.constant 1.000000e+00 : f32
    %ge3A_146 = vector.broadcast %ge3A_145 : f32 to vector<1000x64xf32>
    %ge3A_147 = arith.cmpf oge, %add3A_144, %ge3A_146 : vector<1000x64xf32>
    %convert_element_type3A_148 = arith.extui %ge3A_147 : vector<1000x64xi1> to vector<1000x64xi32>
    %convert_element_type3A_149 = arith.sitofp %convert_element_type3A_148 : vector<1000x64xi32> to vector<1000x64xf32>
    %sub3A_150 = arith.constant 1.000000e+00 : f32
    %sub3A_151 = vector.broadcast %sub3A_150 : f32 to vector<1000x64xf32>
    %sub3A_152 = arith.subf %add3A_144, %sub3A_151 : vector<1000x64xf32>
    %mul3A_153 = arith.constant 4.000000e+00 : f32
    %mul3A_154 = vector.broadcast %mul3A_153 : f32 to vector<1000x64xf32>
    %mul3A_155 = arith.mulf %mul3A_154, %sub3A_152 : vector<1000x64xf32>
    %logistic3A_156 = arith.negf %mul3A_155 : vector<1000x64xf32>
    %logistic3A_157 = math.exp %logistic3A_156 : vector<1000x64xf32>
    %logistic3A_158 = arith.constant 1.000000e+00 : f32
    %logistic3A_159 = vector.broadcast %logistic3A_158 : f32 to vector<1000x64xf32>
    %logistic3A_160 = arith.addf %logistic3A_159, %logistic3A_157 : vector<1000x64xf32>
    %logistic3A_161 = arith.divf %logistic3A_159, %logistic3A_160 : vector<1000x64xf32>
    %sub3A_162 = arith.subf %convert_element_type3A_149, %logistic3A_161 : vector<1000x64xf32>
    %add3A_163 = arith.addf %logistic3A_161, %sub3A_162 : vector<1000x64xf32>
    %add3A_164 = arith.addf %add3A_125, %add3A_163 : vector<1000x64xf32>
    %get3A_165 = arith.constant 0 : index
    %get3A_166 = arith.constant 0 : index
    %get3A_167 = vector.load %arg5[%get3A_165, %get3A_166] : memref<1000x64xf32, #tpu.memory_space<vmem>>, vector<1000x64xf32>
    %mul3A_168 = arith.constant 1.000000e-01 : f32
    %mul3A_169 = vector.broadcast %mul3A_168 : f32 to vector<1000x64xf32>
    %mul3A_170 = arith.mulf %mul3A_169, %add3A_164 : vector<1000x64xf32>
    %add3A_171 = arith.addf %get3A_167, %mul3A_170 : vector<1000x64xf32>
    %get3A_172 = arith.constant 0 : index
    %get3A_173 = arith.constant 0 : index
    %get3A_174 = vector.load %arg6[%get3A_172, %get3A_173] : memref<64x16xf32, #tpu.memory_space<vmem>>, vector<64x16xf32>
    %dot_general3A_175 = arith.constant dense<0.000000e+00> : vector<1000x16xf32>
    %dot_general3A_176 = tpu.matmul %add3A_171, %get3A_174, %dot_general3A_175 {dimension_numbers = #tpu.dot_dimension_numbers<[1], [0], [0], [1], [0, 0, 1, 1], [], []>, transpose_lhs_hint = false} : vector<1000x64xf32>, vector<64x16xf32>, vector<1000x16xf32> -> vector<1000x16xf32>
    %get3A_177 = arith.constant 0 : index
    %get3A_178 = arith.constant 0 : index
    %get3A_179 = vector.load %arg7[%get3A_177, %get3A_178] : memref<1x16xf32, #tpu.memory_space<vmem>>, vector<1x16xf32>
    %add3A_180 = vector.broadcast %get3A_179 : vector<1x16xf32> to vector<1000x16xf32>
    %add3A_181 = arith.addf %dot_general3A_176, %add3A_180 : vector<1000x16xf32>
    %swap3A = arith.constant 0 : index
    %swap3A_182 = arith.constant 0 : index
    %swap3A_183 = vector.load %arg8[%swap3A, %swap3A_182] : memref<1000x16xf32, #tpu.memory_space<vmem>>, vector<1000x16xf32>
    tpu.vector_store %arg8[%swap3A, %swap3A_182], %add3A_181 {strides = array<i32>} : memref<1000x16xf32, #tpu.memory_space<vmem>>, vector<1000x16xf32>,
    return
  }
  func.func @transform_0(%arg0: i32) -> (i32, i32, i32) {
    %c0_i32 = arith.constant 0 : i32
    %c0_i32_0 = arith.constant 0 : i32
    %c0_i32_1 = arith.constant 0 : i32
    return %c0_i32, %arg0, %c0_i32_0 : i32, i32, i32
  }
  func.func @transform_1(%arg0: i32) -> (i32, i32) {
    %c0_i32 = arith.constant 0 : i32
    %c0_i32_0 = arith.constant 0 : i32
    return %arg0, %c0_i32 : i32, i32
  }
  func.func @transform_2(%arg0: i32) -> (i32, i32) {
    %c0_i32 = arith.constant 0 : i32
    %c0_i32_0 = arith.constant 0 : i32
    %c0_i32_1 = arith.constant 0 : i32
    return %c0_i32, %c0_i32_0 : i32, i32
  }
  func.func @transform_3(%arg0: i32) -> (i32, i32) {
    %c0_i32 = arith.constant 0 : i32
    %c0_i32_0 = arith.constant 0 : i32
    %c0_i32_1 = arith.constant 0 : i32
    return %c0_i32, %c0_i32_0 : i32, i32
  }
  func.func @transform_4(%arg0: i32) -> (i32, i32) {
    %c0_i32 = arith.constant 0 : i32
    %c0_i32_0 = arith.constant 0 : i32
    return %arg0, %c0_i32 : i32, i32
  }
  func.func @transform_5(%arg0: i32) -> (i32, i32) {
    %c0_i32 = arith.constant 0 : i32
    %c0_i32_0 = arith.constant 0 : i32
    %c0_i32_1 = arith.constant 0 : i32
    return %c0_i32, %c0_i32_0 : i32, i32
  }
  func.func @transform_6(%arg0: i32) -> (i32, i32) {
    %c0_i32 = arith.constant 0 : i32
    %c0_i32_0 = arith.constant 0 : i32
    %c0_i32_1 = arith.constant 0 : i32
    return %c0_i32, %c0_i32_0 : i32, i32
  }
  func.func @transform_7(%arg0: i32) -> (i32, i32) {
    %c0_i32 = arith.constant 0 : i32
    %c0_i32_0 = arith.constant 0 : i32
    return %arg0, %c0_i32 : i32, i32
  }
}

</mosaic_0001>

<sc_bundles>
// kernel: kernel.12.cloned.1.call-start
scs
__scs_entry_jumppad:
0x0: {  	(pc) =	sbr.rel $0x88, $3  }
0x1: {  	(tag) =	ssettag $0x0;
	lr =	simm.s32 $0x1  }
0x2: {  	[smem:$0x3F99] =	sst lr;
	_ =	strace $0xD0000000  }
0x3: {  	_ = 	snop  }
0x4: {  	_ = 	snop  }
0x5: {  	_ = 	snop  }
0x6: {  	_ = 	snop  }
0x7: {  	_ = 	snop  }
__scs_overlays_trampoline_lowered:
0x8: {  	[smem:$0x3FA8] =	sst s0  }
0x9: {  	[smem:$0x3FA9] =	sst s1  }
0xa: {  	[smem:$0x3FAA] =	sst s2  }
0xb: {  	[smem:$0x3FAB] =	sst s3  }
0xc: {  	[smem:$0x3FAC] =	sst s4  }
0xd: {  	[smem:$0x3FAD] =	sst s5  }
0xe: {  	[smem:$0x3FAE] =	sst s6  }
0xf: {  	[smem:$0x3FAF] =	sst s7  }
0x10: {  	[smem:$0x3FB0] =	sst s8  }
0x11: {  	[smem:$0x3FB1] =	sst s9;
	s0 =	simm.s32 @!p0 $0x0  }
0x12: {  	s1 =	sld [smem:$0x3F97];
	s0 =	simm.s32 @p0 $0x1  }
0x13: {  	[smem:$0x3FB2] =	sst s0;
	s0 =	simm.s32 @!p1 $0x0  }
0x14: {  	s2 =	sld [smem:$0x3F96];
	s0 =	simm.s32 @p1 $0x1  }
0x15: {  	[smem:$0x3FB3] =	sst s0;
	s0 =	simm.s32 @!p2 $0x0  }
0x16: {  	s3 =	sld [smem:$0x3FDB];
	s0 =	simm.s32 @p2 $0x1  }
0x17: {  	s4 =	simm.s32 $0x1BF5;
	[smem:$0x3FB5] =	sst s0  }
0x18: {  	s0 =	sld [smem:$0x3F98];
	_ =	swait.ge [sflag:s4], $0x0  }
0x19: {  	s7 =	sld [smem:$0x3F99]  }
0x1a: {  	s8 =	sadd.s32 $0xFFFFE003, lr  }
0x1b: {  	s9 =	sadd.s32 $0xFFFFFEF7, lr;
	s5 =	simm.s32 $0xFFFFFFFF;
	p2 =	slt.u32 s8, $0xFFFFF086  }
0x1c: {  	p1 =	slt.u32 s9, $0xF7A;
	s5 =	simm.s32 @!p2 $0x0  }
0x1d: {  	s5 =	simm.s32 @p1 $0x1;
	p0 =	seq.s32 s7, s2  }
0x1e: {  	s7 =	smul.u32 @!p0 $0xF7A, s2;
	p2 =	seq.s32 @!p0 s5, $0x0  }
0x1f: {  	s9 =	smul.u32 $0xF7A, s1;
	s8 =	simm.s32 @!p0 $0x1BF5;
	p2 =	por !p2, p0  }
0x20: {  	[sflag:s8] =	ssyncset.s32 @!p0 $0xFFFFF086;
	s6 =	sadd.s32 @!p0 s3, s7;
	s7 =	simm.s32 @!p0 $0x108  }
0x21: {  	s3 =	sadd.s32 s3, s9;
	s6 =	sadd.s32 @!p0 $0x88, s6;
	s7 =	simm.s32 @p2 $0x1082  }
0x22: {  	[simem:s7], [sflag:s8] =	dma.local @!p0 [hbm:s6], $0xF7A  }
0x23: {  	s9 =	sor.u32 $0xD0000000, s2;
	s6 =	simm.s32 $0x108;
	_ =	swait.ge @!p0 [sflag:s8], $0x0  }
0x24: {  	s3 =	sadd.s32 $0x88, s3;
	s6 =	simm.s32 @!p1 $0x1082;
	[sflag:s4] =	ssyncset.s32 $0xFFFFF086  }
0x25: {  	[simem:s6], [sflag:s4] =	dma.local [hbm:s3], $0xF7A  }
0x26: {  	[smem:$0x3F99] =	sst s1;
	(tag) =	ssettag s2;
	_ =	strace s9  }
0x27: {  	s1 =	sld [smem:$0x3FA9]  }
0x28: {  	s2 =	sld [smem:$0x3FAA]  }
0x29: {  	s4 =	sld [smem:$0x3FAC]  }
0x2a: {  	p0 =	seq.s32 s5, $0x0;
	s5 =	sld [smem:$0x3FAD]  }
0x2b: {  	s6 =	sld [smem:$0x3FAE]  }
0x2c: {  	s7 =	sld [smem:$0x3FAF]  }
0x2d: {  	s3 =	simm.s32 $0x108;
	s8 =	sld [smem:$0x3FB0]  }
0x2e: {  	s3 =	simm.s32 @!p0 $0x1082;
	s9 =	sld [smem:$0x3FB1]  }
0x2f: {  	lr =	sadd.s32 s0, s3;
	s0 =	sld [smem:$0x3FA8]  }
0x30: {  	s3 =	sld [smem:$0x3FAB]  }
0x31: {  	[smem:$0x3FB4] =	sst s10  }
0x32: {  	s10 =	sld [smem:$0x3FB2];
	_ =	sdelay $0x3  }
0x33: {  	p0 =	seq.s32 s10, $0x1;
	s10 =	sld [smem:$0x3FB4];
	_ =	sdelay $0x3  }
0x34: {  	[smem:$0x3FB4] =	sst s10  }
0x35: {  	s10 =	sld [smem:$0x3FB3];
	_ =	sdelay $0x3  }
0x36: {  	p1 =	seq.s32 s10, $0x1;
	s10 =	sld [smem:$0x3FB4];
	_ =	sdelay $0x3  }
0x37: {  	[smem:$0x3FB4] =	sst s10  }
0x38: {  	s10 =	sld [smem:$0x3FB5]  }
0x39: {  	_ = 	snop;
	(pc) =	sbr.ind lr, $3  }
0x3a: {  	_ = 	snop  }
0x3b: {  	_ = 	snop  }
0x3c: {  	p2 =	seq.s32 s10, $0x1;
	s10 =	sld [smem:$0x3FB4]  }
0x3d: {  	_ =	shalt  }
0x3e: {  	_ =	shalt  }
0x3f: {  	_ =	shalt  }
0x40: {  	_ =	shalt  }
0x41: {  	_ =	shalt  }
0x42: {  	_ =	shalt  }
0x43: {  	_ =	shalt  }
0x44: {  	_ =	shalt  }
0x45: {  	_ =	shalt  }
0x46: {  	_ =	shalt  }
0x47: {  	_ =	shalt  }
0x48: {  	_ =	shalt  }
0x49: {  	_ =	shalt  }
0x4a: {  	_ =	shalt  }
0x4b: {  	_ =	shalt  }
0x4c: {  	_ =	shalt  }
0x4d: {  	_ =	shalt  }
0x4e: {  	_ =	shalt  }
0x4f: {  	_ =	shalt  }
0x50: {  	_ =	shalt  }
0x51: {  	_ =	shalt  }
0x52: {  	_ =	shalt  }
0x53: {  	_ =	shalt  }
0x54: {  	_ =	shalt  }
0x55: {  	_ =	shalt  }
0x56: {  	_ =	shalt  }
0x57: {  	_ =	shalt  }
0x58: {  	_ =	shalt  }
0x59: {  	_ =	shalt  }
0x5a: {  	_ =	shalt  }
0x5b: {  	_ =	shalt  }
0x5c: {  	_ =	shalt  }
0x5d: {  	_ =	shalt  }
0x5e: {  	_ =	shalt  }
0x5f: {  	_ =	shalt  }
0x60: {  	_ =	shalt  }
0x61: {  	_ =	shalt  }
0x62: {  	_ =	shalt  }
0x63: {  	_ =	shalt  }
0x64: {  	_ =	shalt  }
0x65: {  	_ =	shalt  }
0x66: {  	_ =	shalt  }
0x67: {  	_ =	shalt  }
0x68: {  	_ =	shalt  }
0x69: {  	_ =	shalt  }
0x6a: {  	_ =	shalt  }
0x6b: {  	_ =	shalt  }
0x6c: {  	_ =	shalt  }
0x6d: {  	_ =	shalt  }
0x6e: {  	_ =	shalt  }
0x6f: {  	_ =	shalt  }
0x70: {  	_ =	shalt  }
0x71: {  	_ =	shalt  }
0x72: {  	_ =	shalt  }
0x73: {  	_ =	shalt  }
0x74: {  	_ =	shalt  }
0x75: {  	_ =	shalt  }
0x76: {  	_ =	shalt  }
0x77: {  	_ =	shalt  }
0x78: {  	_ =	shalt  }
0x79: {  	_ =	shalt  }
0x7a: {  	_ =	shalt  }
0x7b: {  	_ =	shalt  }
0x7c: {  	_ =	shalt  }
0x7d: {  	_ =	shalt  }
0x7e: {  	_ =	shalt  }
0x7f: {  	_ =	shalt  }
0x80: {  	_ =	shalt  }
0x81: {  	_ =	shalt  }
0x82: {  	_ =	shalt  }
0x83: {  	_ =	shalt  }
0x84: {  	_ =	shalt  }
0x85: {  	_ =	shalt  }
0x86: {  	_ =	shalt  }
0x87: {  	_ =	shalt  }
.Lfunc_end0:
.L_simem_size_0:
called_computation.1_lowered:
.L_overlay_start_0:
0x88: {  	s2 =	sld [smem:$0x3FD9]  }
0x89: {  	s3 =	sld [smem:$0x3FFE];
	_ =	sdelay $0x1  }
0x8a: {  	s1 =	srdreg.scid  }
0x8b: {  	s0 =	sand.u32 $0x1, s1  }
0x8c: {  	s17 =	sshll.u32 s0, $0xA;
	s2 =	sadd.s32 s3, s2  }
0x8d: {  	s2 =	sadd.s32 s2, s17  }
0x8e: {  	[smem:$0x3FC0] =	sst s2  }
0x8f: {  	_ = 	snop  }
0x90: {  	s2 =	sld [smem:$0x3FD0];
	(tm) =	ssettm $0x1  }
0x91: {  	s18 =	sld [smem:$0x3FFB];
	_ =	sdelay $0x3  }
0x92: {  	_ =	strace s18  }
0x93: {  	s3 =	sld [smem:$0x3FFC];
	_ =	sdelay $0x3  }
0x94: {  	_ =	strace s3  }
0x95: {  	s3 =	sld [smem:$0x3FFD];
	_ =	sdelay $0x3  }
0x96: {  	_ =	strace s3  }
0x97: {  	_ =	strace $0x8FFFFFFF  }
0x98: {  	s19 =	sld [smem:$0x3FDB];
	_ =	sdelay $0x1  }
0x99: {  	s4 =	simm.s32 $_scs_section_size  }
0x9a: {  	s5 =	simm.s32 $_size__tile_overlayer_lowered;
	s6 =	simm.s32 $_tile_overlayer_lowered  }
0x9b: {  	s22 =	simm.s32 $0x1BFF;
	s21 =	sshll.u32 s6, $0x1;
	s3 =	sadd.s32 s4, s19  }
0x9c: {  	s7 =	simm.s32 $0x0;
	s20 =	sshll.u32 s5, $0x1;
	s5 =	sadd.s32 s21, s3  }
0x9d: {  	[timem:s7], [sflag:s22] =	dma.local [hbm:s5], s20  }
0x9e: {  	_ =	swait.ge [sflag:s22], s20  }
0x9f: {  	s4 =	ssub.s32 $0x0, s20;
	[sflag:s22] =	ssyncset.done $0x0  }
0xa0: {  	[sflag:s22] =	ssyncadd.s32 s4;
	_ =	sdelay $0x1  }
0xa1: {  	s23 =	simm.s32 $0x1B8B  }
0xa2: {  	_ =	swait.ge [sflag:s23], $0x1  }
0xa3: {  	[sflag:s23] =	ssyncset.done $0x0  }
0xa4: {  	s25 =	simm.s32 $0x1B8E;
	s24 =	sld [smem:$0x3FFE];
	[sflag:s23] =	ssyncadd.s32 $0xFFFFFFFF  }
0xa5: {  	s26 =	simm.s32 $execute0_lowered;
	[smem:$0x3FD2] =	sst s25  }
0xa6: {  	s5 =	sshll.u32 s26, $0x1;
	_ =	strace $0x80000049;
	[dreg:$0x1] =	wrdreg $0xFFFFFFFF  }
0xa7: {  	s28 =	simm.s32 $_size_execute0_lowered;
	s3 =	sadd.s32 s3, s5;
	[dreg:$0x0] =	wrdreg $0x0  }
0xa8: {  	s5 =	sshll.u32 s28, $0x1;
	[dreg:$0x2] =	wrdreg s3  }
0xa9: {  	[dreg:$0x3] =	wrdreg s5  }
0xaa: {  	[dreg:$0x4] =	wrdreg $0xC0  }
0xab: {  	_ =	task [dreg:s7], $0x5FFFF  }
0xac: {  	[dreg:$0x1] =	wrdreg $0xFFFFFFFF  }
0xad: {  	[dreg:$0x0] =	wrdreg $0x60  }
0xae: {  	[dreg:$0x2] =	wrdreg s24  }
0xaf: {  	[dreg:$0x3] =	wrdreg s2  }
0xb0: {  	[dreg:$0x4] =	wrdreg $0xB8000  }
0xb1: {  	[dreg:$0x5] =	wrdreg $0x9  }
0xb2: {  	_ =	task.clear_ibuf [dreg:s7], $0x6FFFF;
	_ =	strace $0x90000049  }
0xb3: {  	s29 =	simm.s32 $0x9;
	_ =	strace $0x8000004B  }
0xb4: {  	_ =	swait.ge [sflag:s29], $0x1  }
0xb5: {  	[sflag:s29] =	ssyncadd.s32 $0xFFFFFFFF  }
0xb6: {  	_ =	strace $0x9000004B  }
0xb7: {  	_ =	sfence  }
0xb8: {  	s30 =	sld [smem:$0x0];
	_ =	sdelay $0x2  }
0xb9: {  	s31 =	sshll.u32 s1, $0xD;
	s1 =	sshrl.u32 s1, $0x2  }
0xba: {  	s3 =	sand.u32 $0x4000, s31;
	s1 =	sadd.s32 s1, s30  }
0xbb: {  	s0 =	sor.u32 s3, s0;
	s1 =	sshll.u32 s1, $0x11  }
0xbc: {  	s0 =	sor.u32 s1, s0  }
0xbd: {  	s0 =	sadd.s32 $0x8F2B, s0  }
0xbe: {  	[sflag:s0] =	ssyncadd.remote.s32 $0x1  }
0xbf: {  	_ =	sfence.sel $0xFFFF  }
0xc0: {  	[dreg:$0x0] =	wrdreg $0xFFFFFFFF;
	(pc) =	sbr.abs _section_cstart, $3  }
0xc1: {  	[dreg:$0x1] =	wrdreg $0xFFFFFFFF  }
0xc2: {  	_ =	task.clear_ibuf [dreg:s7], $0x2FFFF;
	_ =	strace $0x9FFFFFFF  }
0xc3: {  	(tm) =	ssettm $0x7FFFFFFF  }
tec
execute0_lowered:
.L_overlay_start_1:
0x0: {  	(tag) =	ssettag $0x1  }
0x1: {  	s0 =	rddreg [dreg:$0x0]  }
0x2: {  	s3 =	rddreg [dreg:$0x2];
	s4 =	simm.s32 $0x0  }
0x3: {  	s8 =	stileid.u32;
	s2 =	srdreg.scid;
	s21 =	simm.s32 $0x5  }
0x4: {  	s10 =	simm.s32 $0x480;
	s12 =	simm.s32 $0x100;
	s13 =	simm.s32 $0x180  }
0x5: {  	s15 =	simm.s32 $0x500;
	s16 =	simm.s32 $0x580;
	s17 =	simm.s32 $0x200  }
0x6: {  	s18 =	simm.s32 $0x280;
	s19 =	simm.s32 $0x600;
	s20 =	simm.s32 $0x680  }
0x7: {  	s22 =	simm.s32 $0x300;
	s23 =	simm.s32 $0x380;
	[smem:$0x7FF] =	sst s4  }
0x8: {  	s28 =	simm.s32 $0xA80;
	_ =	strace $0x8000004A;
	[dreg:$0x6] =	wrdreg s10  }
0x9: {  	s29 =	simm.s32 $0xE00;
	s30 =	simm.s32 $0xE80;
	[dreg:$0x7] =	wrdreg s12  }
0xa: {  	s31 =	simm.s32 $0xB00;
	s1 =	smul.u32 $0xA00, s8;
	[dreg:$0x8] =	wrdreg s13  }
0xb: {  	s2 =	sand.u32 $0x1, s2;
	s25 =	smul.u32 $0x50000, s8;
	[dreg:$0x9] =	wrdreg s15  }
0xc: {  	p0 =	seq.s32 s8, $0xF;
	s14 =	smul.u32 $0x2800, s8;
	[dreg:$0xa] =	wrdreg s16  }
0xd: {  	s8 =	simm.s32 $0x0;
	s5 =	smul.u32 $0x27100, s2;
	[dreg:$0xb] =	wrdreg s17  }
0xe: {  	s2 =	ssub.s32 $0x2, s2;
	s21 =	simm.s32 @!p0 $0x8;
	[dreg:$0xc] =	wrdreg s18  }
0xf: {  	s12 =	simm.s32 $0x3;
	s13 =	simm.s32 $0x400;
	[dreg:$0xd] =	wrdreg s19  }
0x10: {  	s15 =	simm.s32 $0xC00;
	s16 =	simm.s32 $0x80;
	[dreg:$0xe] =	wrdreg s20  }
0x11: {  	s17 =	simm.s32 $0x1000;
	[dreg:$0xf] =	wrdreg s22;
	s18 =	simm.s32 $0x5000  }
0x12: {  	[dreg:$0x10] =	wrdreg s23;
	s19 =	simm.s32 $0x1;
	s20 =	simm.s32 $0x2  }
0x13: {  	s22 =	simm.s32 $0x900;
	s23 =	simm.s32 $0x980;
	s1 =	sadd.s32 s1, s0  }
0x14: {  	s6 =	sshrl.u32 s2, $0x1;
	s11 =	sshrl.u32 s25, $0x2;
	[dreg:$0x17] =	wrdreg s14  }
0x15: {  	s14 =	simm.s32 $0x800;
	s25 =	simm.s32 $0x780;
	[dreg:$0x14] =	wrdreg s21  }
0x16: {  	s0 =	sadd.s32 s5, s0;
	s2 =	ssub.s32 s2, s6;
	s24 =	sadd.s32 $0x33000, s1  }
0x17: {  	s26 =	sadd.s32 $0x29000, s1;
	s1 =	sadd.s32 s11, s3;
	[dreg:$0x12] =	wrdreg s25  }
0x18: {  	s11 =	simm.s32 $0x9000;
	s25 =	simm.s32 $0xD80;
	[dreg:$0x4] =	wrdreg s24  }
0x19: {  	s6 =	sadd.s32 $0x3D000, s0;
	s7 =	sadd.s32 $0x8B200, s0;
	[dreg:$0x5] =	wrdreg s26  }
0x1a: {  	s9 =	smax.u32 s2, $0x1;
	[dreg:$0x16] =	wrdreg s1;
	s24 =	simm.s32 $0x700  }
0x1b: {  	s26 =	simm.s32 $0x880;
	s0 =	simm.s32 $0xB80;
	[dreg:$0x15] =	wrdreg s9  }
0x1c: {  	s2 =	simm.s32 $0xF00;
	s1 =	simm.s32 $0xF80;
	[dreg:$0x11] =	wrdreg s24  }
0x1d: {  	[dreg:$0x13] =	wrdreg s26;
	s24 =	simm.s32 $0xD00;
	s26 =	simm.s32 $0xA00  }
.LBB2_1:
0x1e: {  	s5 =	rddreg [dreg:$0x1]  }
0x1f: {  	[tilespmem:s11], [sflag:$0x3] =	stream.linear.gather [hbm4b:s5+s4], $0x2800, $0x38;
	[tilespmem:$0x1F0C0] =	vst v63  }
0x20: {  	p0 =	sne.s32 s21, $0x1;
	_ =	swait.ge [sflag:s12], $0x2800  }
.Ltmp0:
0x21: {  	[sflag:s12] =	ssyncset.done $0x0;
	(pc) =	sbr.rel @!p0 .LBB2_3-.Ltmp0, $4  }
0x22: {  	s9 =	rddreg [dreg:$0x16];
	[sflag:s12] =	ssyncadd.s32 $0xFFFFD800  }
0x23: {  	[spmem:s9] =	stream.linear.scatter [tilespmem:s11], [sflag:$0x3], $0x2800, $0x38;
	[tilespmem:$0x1F0C0] =	vst v63  }
0x24: {  	_ =	swait.ge [sflag:s12], $0x2800  }
0x25: {  	s5 =	sadd.s32 $0xFFFFFFFF, s21;
	[sflag:s12] =	ssyncset.done $0x0  }
.LBB2_2:
0x26: {  	p1 =	sne.s32 s5, $0x1;
	[sflag:s12] =	ssyncadd.s32 $0xFFFFD800;
	s9 =	sadd.s32 $0x2800, s9  }
.Ltmp1:
0x27: {  	s5 =	sadd.s32 $0xFFFFFFFF, s5;
	(pc) =	sbr.rel @p1 .LBB2_2-.Ltmp1, $4  }
0x28: {  	_ = 	snop  }
0x29: {  	[spmem:s9] =	stream.linear.scatter [tilespmem:s11], [sflag:$0x3], $0x2800, $0x38;
	[tilespmem:$0x1F0C0] =	vst v63  }
0x2a: {  	_ =	swait.ge [sflag:s12], $0x2800  }
0x2b: {  	[sflag:s12] =	ssyncset.done $0x0  }
.LBB2_3:
0x2c: {  	[dreg:$0x18] =	wrdreg s8;
	[sflag:s12] =	ssyncadd.s32 $0xFFFFD800  }
0x2d: {  	[bflag:$0x0] =	sbarrier.arrive $0xFFFF  }
0x2e: {  	s5 =	rddreg [dreg:$0x5]  }
0x2f: {  	s5 =	sadd.s32 $0x0, s5  }
0x30: {  	[tilespmem:s4], [sflag:$0x3] =	stream.linear.gather [hbm4b:s5+s4], $0x400, $0x38;
	[tilespmem:$0x1F0C0] =	vst v63  }
0x31: {  	_ =	swait.ge [sflag:s12], $0x400  }
0x32: {  	s9 =	rddreg [dreg:$0x4];
	[sflag:s12] =	ssyncset.done $0x0  }
0x33: {  	[sflag:s12] =	ssyncadd.s32 $0xFFFFFC00;
	s9 =	sadd.s32 $0x0, s9  }
0x34: {  	[tilespmem:s13], [sflag:$0x3] =	stream.linear.gather [hbm4b:s9+s4], $0x400, $0x38;
	[tilespmem:$0x1F0C0] =	vst v63  }
0x35: {  	_ =	swait.ge [sflag:s12], $0x400  }
0x36: {  	[sflag:s12] =	ssyncset.done $0x0  }
0x37: {  	s5 =	sadd.s32 $0x80, s5;
	[sflag:s12] =	ssyncadd.s32 $0xFFFFFC00  }
0x38: {  	[tilespmem:s14], [sflag:$0x2] =	stream.linear.gather [hbm4b:s5+s4], $0x400, $0x38;
	[tilespmem:$0x1F0C0] =	vst v63  }
0x39: {  	s8 =	sadd.s32 $0x80, s9  }
0x3a: {  	[tilespmem:s15], [sflag:$0x2] =	stream.linear.gather [hbm4b:s8+s4], $0x400, $0x38;
	[tilespmem:$0x1F0C0] =	vst v63  }
0x3b: {  	_ = 	snop  }
0x3c: {  	[tilespmem:s17], [sflag:$0x1] =	stream.indirect.gather [hbm4b:s6+s16], $0x80, s4, s16, $0xb8;
	[tilespmem:$0x1F0C0] =	vst v63  }
0x3d: {  	_ = 	snop  }
0x3e: {  	[tilespmem:s18], [sflag:$0x1] =	stream.indirect.gather [hbm4b:s6+s16], $0x80, s16, s16, $0xb8;
	[tilespmem:$0x1F0C0] =	vst v63  }
0x3f: {  	_ =	swait.ge [sflag:s19], $0x4000  }
0x40: {  	[sflag:s19] =	ssyncset.done $0x0  }
0x41: {  	[sflag:s19] =	ssyncadd.s32 $0xFFFFC000  }
0x42: {  	[spmem:s3] =	stream.indirect.scatter.add.f32 [tilespmem:s17], [sflag:$0x3], $0x80, s13, s16, $0xb8;
	[tilespmem:$0x1F0C0] =	vst v63  }
0x43: {  	_ =	swait.ge [sflag:s12], $0x4000  }
0x44: {  	[sflag:s12] =	ssyncset.done $0x0  }
0x45: {  	[sflag:s12] =	ssyncadd.s32 $0xFFFFC000  }
0x46: {  	_ =	swait.ge [sflag:s19], $0x4000  }
0x47: {  	[sflag:s19] =	ssyncset.done $0x0  }
0x48: {  	s9 =	rddreg [dreg:$0x6];
	[sflag:s19] =	ssyncadd.s32 $0xFFFFC000  }
0x49: {  	[spmem:s3] =	stream.indirect.scatter.add.f32 [tilespmem:s18], [sflag:$0x3], $0x80, s9, s16, $0xb8;
	[tilespmem:$0x1F0C0] =	vst v63  }
0x4a: {  	_ =	swait.ge [sflag:s12], $0x4000  }
0x4b: {  	[sflag:s12] =	ssyncset.done $0x0  }
0x4c: {  	s10 =	rddreg [dreg:$0x7];
	[sflag:s12] =	ssyncadd.s32 $0xFFFFC000  }
0x4d: {  	[tilespmem:s17], [sflag:$0x1] =	stream.indirect.gather [hbm4b:s6+s16], $0x80, s10, s16, $0xb8;
	[tilespmem:$0x1F0C0] =	vst v63  }
0x4e: {  	s21 =	rddreg [dreg:$0x8]  }
0x4f: {  	[tilespmem:s18], [sflag:$0x1] =	stream.indirect.gather [hbm4b:s6+s16], $0x80, s21, s16, $0xb8;
	[tilespmem:$0x1F0C0] =	vst v63  }
0x50: {  	_ =	swait.ge [sflag:s19], $0x4000  }
0x51: {  	[sflag:s19] =	ssyncset.done $0x0  }
0x52: {  	s8 =	rddreg [dreg:$0x9];
	[sflag:s19] =	ssyncadd.s32 $0xFFFFC000  }
0x53: {  	[spmem:s3] =	stream.indirect.scatter.add.f32 [tilespmem:s17], [sflag:$0x3], $0x80, s8, s16, $0xb8;
	[tilespmem:$0x1F0C0] =	vst v63  }
0x54: {  	_ =	swait.ge [sflag:s12], $0x4000  }
0x55: {  	[sflag:s12] =	ssyncset.done $0x0  }
0x56: {  	[sflag:s12] =	ssyncadd.s32 $0xFFFFC000  }
0x57: {  	_ =	swait.ge [sflag:s19], $0x4000  }
0x58: {  	[sflag:s19] =	ssyncset.done $0x0  }
0x59: {  	s9 =	rddreg [dreg:$0xa];
	[sflag:s19] =	ssyncadd.s32 $0xFFFFC000  }
0x5a: {  	[spmem:s3] =	stream.indirect.scatter.add.f32 [tilespmem:s18], [sflag:$0x3], $0x80, s9, s16, $0xb8;
	[tilespmem:$0x1F0C0] =	vst v63  }
0x5b: {  	_ =	swait.ge [sflag:s12], $0x4000  }
0x5c: {  	[sflag:s12] =	ssyncset.done $0x0  }
0x5d: {  	s10 =	rddreg [dreg:$0xb];
	[sflag:s12] =	ssyncadd.s32 $0xFFFFC000  }
0x5e: {  	[tilespmem:s17], [sflag:$0x1] =	stream.indirect.gather [hbm4b:s6+s16], $0x80, s10, s16, $0xb8;
	[tilespmem:$0x1F0C0] =	vst v63  }
0x5f: {  	s21 =	rddreg [dreg:$0xc]  }
0x60: {  	[tilespmem:s18], [sflag:$0x1] =	stream.indirect.gather [hbm4b:s6+s16], $0x80, s21, s16, $0xb8;
	[tilespmem:$0x1F0C0] =	vst v63  }
0x61: {  	_ =	swait.ge [sflag:s19], $0x4000  }
0x62: {  	[sflag:s19] =	ssyncset.done $0x0  }
0x63: {  	s8 =	rddreg [dreg:$0xd];
	[sflag:s19] =	ssyncadd.s32 $0xFFFFC000  }
0x64: {  	[spmem:s3] =	stream.indirect.scatter.add.f32 [tilespmem:s17], [sflag:$0x3], $0x80, s8, s16, $0xb8;
	[tilespmem:$0x1F0C0] =	vst v63  }
0x65: {  	_ =	swait.ge [sflag:s12], $0x4000  }
0x66: {  	[sflag:s12] =	ssyncset.done $0x0  }
0x67: {  	[sflag:s12] =	ssyncadd.s32 $0xFFFFC000  }
0x68: {  	_ =	swait.ge [sflag:s19], $0x4000  }
0x69: {  	[sflag:s19] =	ssyncset.done $0x0  }
0x6a: {  	s9 =	rddreg [dreg:$0xe];
	[sflag:s19] =	ssyncadd.s32 $0xFFFFC000  }
0x6b: {  	[spmem:s3] =	stream.indirect.scatter.add.f32 [tilespmem:s18], [sflag:$0x3], $0x80, s9, s16, $0xb8;
	[tilespmem:$0x1F0C0] =	vst v63  }
0x6c: {  	_ =	swait.ge [sflag:s12], $0x4000  }
0x6d: {  	[sflag:s12] =	ssyncset.done $0x0  }
0x6e: {  	s10 =	rddreg [dreg:$0xf];
	[sflag:s12] =	ssyncadd.s32 $0xFFFFC000  }
0x6f: {  	[tilespmem:s17], [sflag:$0x1] =	stream.indirect.gather [hbm4b:s6+s16], $0x80, s10, s16, $0xb8;
	[tilespmem:$0x1F0C0] =	vst v63  }
0x70: {  	s21 =	rddreg [dreg:$0x10]  }
0x71: {  	[tilespmem:s18], [sflag:$0x1] =	stream.indirect.gather [hbm4b:s6+s16], $0x80, s21, s16, $0xb8;
	[tilespmem:$0x1F0C0] =	vst v63  }
0x72: {  	_ =	swait.ge [sflag:s19], $0x4000  }
0x73: {  	[sflag:s19] =	ssyncset.done $0x0  }
0x74: {  	s8 =	rddreg [dreg:$0x11];
	[sflag:s19] =	ssyncadd.s32 $0xFFFFC000  }
0x75: {  	[spmem:s3] =	stream.indirect.scatter.add.f32 [tilespmem:s17], [sflag:$0x3], $0x80, s8, s16, $0xb8;
	[tilespmem:$0x1F0C0] =	vst v63  }
0x76: {  	_ =	swait.ge [sflag:s12], $0x4000  }
0x77: {  	[sflag:s12] =	ssyncset.done $0x0  }
0x78: {  	[sflag:s12] =	ssyncadd.s32 $0xFFFFC000  }
0x79: {  	_ =	swait.ge [sflag:s19], $0x4000  }
0x7a: {  	[sflag:s19] =	ssyncset.done $0x0  }
0x7b: {  	s9 =	rddreg [dreg:$0x12];
	[sflag:s19] =	ssyncadd.s32 $0xFFFFC000  }
0x7c: {  	[spmem:s3] =	stream.indirect.scatter.add.f32 [tilespmem:s18], [sflag:$0x3], $0x80, s9, s16, $0xb8;
	[tilespmem:$0x1F0C0] =	vst v63  }
0x7d: {  	_ =	swait.ge [sflag:s12], $0x4000  }
0x7e: {  	[sflag:s12] =	ssyncset.done $0x0  }
0x7f: {  	[sflag:s12] =	ssyncadd.s32 $0xFFFFC000  }
0x80: {  	_ =	swait.ge [sflag:s20], $0x400  }
0x81: {  	[sflag:s20] =	ssyncset.done $0x0  }
0x82: {  	[sflag:s20] =	ssyncadd.s32 $0xFFFFFC00  }
0x83: {  	_ =	swait.ge [sflag:s20], $0x400  }
0x84: {  	[sflag:s20] =	ssyncset.done $0x0  }
0x85: {  	[sflag:s20] =	ssyncadd.s32 $0xFFFFFC00  }
0x86: {  	[tilespmem:s17], [sflag:$0x1] =	stream.indirect.gather [hbm4b:s6+s16], $0x80, s14, s16, $0xb8;
	[tilespmem:$0x1F0C0] =	vst v63  }
0x87: {  	s10 =	rddreg [dreg:$0x13]  }
0x88: {  	[tilespmem:s18], [sflag:$0x1] =	stream.indirect.gather [hbm4b:s6+s16], $0x80, s10, s16, $0xb8;
	[tilespmem:$0x1F0C0] =	vst v63  }
0x89: {  	_ =	swait.ge [sflag:s19], $0x4000  }
0x8a: {  	[sflag:s19] =	ssyncset.done $0x0  }
0x8b: {  	[sflag:s19] =	ssyncadd.s32 $0xFFFFC000  }
0x8c: {  	[spmem:s3] =	stream.indirect.scatter.add.f32 [tilespmem:s17], [sflag:$0x3], $0x80, s15, s16, $0xb8;
	[tilespmem:$0x1F0C0] =	vst v63  }
0x8d: {  	_ =	swait.ge [sflag:s12], $0x4000  }
0x8e: {  	[sflag:s12] =	ssyncset.done $0x0  }
0x8f: {  	[sflag:s12] =	ssyncadd.s32 $0xFFFFC000  }
0x90: {  	_ =	swait.ge [sflag:s19], $0x4000  }
0x91: {  	[sflag:s19] =	ssyncset.done $0x0  }
0x92: {  	s21 =	simm.s32 $0xC80;
	[sflag:s19] =	ssyncadd.s32 $0xFFFFC000  }
0x93: {  	[spmem:s3] =	stream.indirect.scatter.add.f32 [tilespmem:s18], [sflag:$0x3], $0x80, s21, s16, $0xb8;
	[tilespmem:$0x1F0C0] =	vst v63  }
0x94: {  	_ =	swait.ge [sflag:s12], $0x4000  }
0x95: {  	[sflag:s12] =	ssyncset.done $0x0  }
0x96: {  	[sflag:s12] =	ssyncadd.s32 $0xFFFFC000  }
0x97: {  	[tilespmem:s17], [sflag:$0x1] =	stream.indirect.gather [hbm4b:s6+s16], $0x80, s22, s16, $0xb8;
	[tilespmem:$0x1F0C0] =	vst v63  }
0x98: {  	_ = 	snop  }
0x99: {  	[tilespmem:s18], [sflag:$0x1] =	stream.indirect.gather [hbm4b:s6+s16], $0x80, s23, s16, $0xb8;
	[tilespmem:$0x1F0C0] =	vst v63  }
0x9a: {  	_ =	swait.ge [sflag:s19], $0x4000  }
0x9b: {  	[sflag:s19] =	ssyncset.done $0x0  }
0x9c: {  	[sflag:s19] =	ssyncadd.s32 $0xFFFFC000  }
0x9d: {  	[spmem:s3] =	stream.indirect.scatter.add.f32 [tilespmem:s17], [sflag:$0x3], $0x80, s24, s16, $0xb8;
	[tilespmem:$0x1F0C0] =	vst v63  }
0x9e: {  	_ =	swait.ge [sflag:s12], $0x4000  }
0x9f: {  	[sflag:s12] =	ssyncset.done $0x0  }
0xa0: {  	[sflag:s12] =	ssyncadd.s32 $0xFFFFC000  }
0xa1: {  	_ =	swait.ge [sflag:s19], $0x4000  }
0xa2: {  	[sflag:s19] =	ssyncset.done $0x0  }
0xa3: {  	[sflag:s19] =	ssyncadd.s32 $0xFFFFC000  }
0xa4: {  	[spmem:s3] =	stream.indirect.scatter.add.f32 [tilespmem:s18], [sflag:$0x3], $0x80, s25, s16, $0xb8;
	[tilespmem:$0x1F0C0] =	vst v63  }
0xa5: {  	_ =	swait.ge [sflag:s12], $0x4000  }
0xa6: {  	[sflag:s12] =	ssyncset.done $0x0  }
0xa7: {  	[sflag:s12] =	ssyncadd.s32 $0xFFFFC000  }
0xa8: {  	[tilespmem:s17], [sflag:$0x1] =	stream.indirect.gather [hbm4b:s6+s16], $0x80, s26, s16, $0xb8;
	[tilespmem:$0x1F0C0] =	vst v63  }
0xa9: {  	_ = 	snop  }
0xaa: {  	[tilespmem:s18], [sflag:$0x1] =	stream.indirect.gather [hbm4b:s6+s16], $0x80, s28, s16, $0xb8;
	[tilespmem:$0x1F0C0] =	vst v63  }
0xab: {  	_ =	swait.ge [sflag:s19], $0x4000  }
0xac: {  	[sflag:s19] =	ssyncset.done $0x0  }
0xad: {  	[sflag:s19] =	ssyncadd.s32 $0xFFFFC000  }
0xae: {  	[spmem:s3] =	stream.indirect.scatter.add.f32 [tilespmem:s17], [sflag:$0x3], $0x80, s29, s16, $0xb8;
	[tilespmem:$0x1F0C0] =	vst v63  }
0xaf: {  	_ =	swait.ge [sflag:s12], $0x4000  }
0xb0: {  	[sflag:s12] =	ssyncset.done $0x0  }
0xb1: {  	[sflag:s12] =	ssyncadd.s32 $0xFFFFC000  }
0xb2: {  	_ =	swait.ge [sflag:s19], $0x4000  }
0xb3: {  	[sflag:s19] =	ssyncset.done $0x0  }
0xb4: {  	[sflag:s19] =	ssyncadd.s32 $0xFFFFC000  }
0xb5: {  	[spmem:s3] =	stream.indirect.scatter.add.f32 [tilespmem:s18], [sflag:$0x3], $0x80, s30, s16, $0xb8;
	[tilespmem:$0x1F0C0] =	vst v63  }
0xb6: {  	_ =	swait.ge [sflag:s12], $0x4000  }
0xb7: {  	[sflag:s12] =	ssyncset.done $0x0  }
0xb8: {  	[sflag:s12] =	ssyncadd.s32 $0xFFFFC000  }
0xb9: {  	[tilespmem:s17], [sflag:$0x1] =	stream.indirect.gather [hbm4b:s6+s16], $0x80, s31, s16, $0xb8;
	[tilespmem:$0x1F0C0] =	vst v63  }
0xba: {  	_ = 	snop  }
0xbb: {  	[tilespmem:s18], [sflag:$0x1] =	stream.indirect.gather [hbm4b:s6+s16], $0x80, s0, s16, $0xb8;
	[tilespmem:$0x1F0C0] =	vst v63  }
0xbc: {  	_ =	swait.ge [sflag:s19], $0x4000  }
0xbd: {  	[sflag:s19] =	ssyncset.done $0x0  }
0xbe: {  	[sflag:s19] =	ssyncadd.s32 $0xFFFFC000  }
0xbf: {  	[spmem:s3] =	stream.indirect.scatter.add.f32 [tilespmem:s17], [sflag:$0x3], $0x80, s2, s16, $0xb8;
	[tilespmem:$0x1F0C0] =	vst v63  }
0xc0: {  	_ =	swait.ge [sflag:s12], $0x4000  }
0xc1: {  	[sflag:s12] =	ssyncset.done $0x0  }
0xc2: {  	[sflag:s12] =	ssyncadd.s32 $0xFFFFC000  }
0xc3: {  	_ =	swait.ge [sflag:s19], $0x4000  }
0xc4: {  	[sflag:s19] =	ssyncset.done $0x0  }
0xc5: {  	[sflag:s19] =	ssyncadd.s32 $0xFFFFC000  }
0xc6: {  	[spmem:s3] =	stream.indirect.scatter.add.f32 [tilespmem:s18], [sflag:$0x3], $0x80, s1, s16, $0xb8;
	[tilespmem:$0x1F0C0] =	vst v63  }
0xc7: {  	s5 =	simm.s32 $0x200;
	_ =	swait.ge [sflag:s12], $0x4000  }
0xc8: {  	s10 =	simm.s32 $0x100;
	s9 =	rddreg [dreg:$0x5];
	[sflag:s12] =	ssyncset.done $0x0  }
.LBB2_4:
0xc9: {  	[sflag:s12] =	ssyncadd.s32 $0xFFFFC000;
	s9 =	sadd.s32 s10, s9  }
0xca: {  	[tilespmem:s4], [sflag:$0x3] =	stream.linear.gather [hbm4b:s9+s4], $0x400, $0x38;
	[tilespmem:$0x1F0C0] =	vst v63  }
0xcb: {  	_ =	swait.ge [sflag:s12], $0x400  }
0xcc: {  	s21 =	rddreg [dreg:$0x4];
	[sflag:s12] =	ssyncset.done $0x0  }
0xcd: {  	[sflag:s12] =	ssyncadd.s32 $0xFFFFFC00;
	s21 =	sadd.s32 s10, s21  }
0xce: {  	[tilespmem:s13], [sflag:$0x3] =	stream.linear.gather [hbm4b:s21+s4], $0x400, $0x38;
	[tilespmem:$0x1F0C0] =	vst v63  }
0xcf: {  	_ =	swait.ge [sflag:s12], $0x400  }
0xd0: {  	[sflag:s12] =	ssyncset.done $0x0  }
0xd1: {  	s9 =	sadd.s32 $0x80, s9;
	[sflag:s12] =	ssyncadd.s32 $0xFFFFFC00  }
0xd2: {  	[tilespmem:s14], [sflag:$0x2] =	stream.linear.gather [hbm4b:s9+s4], $0x400, $0x38;
	[tilespmem:$0x1F0C0] =	vst v63  }
0xd3: {  	s9 =	sadd.s32 $0x80, s21  }
0xd4: {  	[tilespmem:s15], [sflag:$0x2] =	stream.linear.gather [hbm4b:s9+s4], $0x400, $0x38;
	[tilespmem:$0x1F0C0] =	vst v63  }
0xd5: {  	_ = 	snop  }
0xd6: {  	[tilespmem:s17], [sflag:$0x1] =	stream.indirect.gather [hbm4b:s6+s16], $0x80, s4, s16, $0xb8;
	[tilespmem:$0x1F0C0] =	vst v63  }
0xd7: {  	_ = 	snop  }
0xd8: {  	[tilespmem:s18], [sflag:$0x1] =	stream.indirect.gather [hbm4b:s6+s16], $0x80, s16, s16, $0xb8;
	[tilespmem:$0x1F0C0] =	vst v63  }
0xd9: {  	_ =	swait.ge [sflag:s19], $0x4000  }
0xda: {  	[sflag:s19] =	ssyncset.done $0x0  }
0xdb: {  	[sflag:s19] =	ssyncadd.s32 $0xFFFFC000  }
0xdc: {  	[spmem:s3] =	stream.indirect.scatter.add.f32 [tilespmem:s17], [sflag:$0x3], $0x80, s13, s16, $0xb8;
	[tilespmem:$0x1F0C0] =	vst v63  }
0xdd: {  	_ =	swait.ge [sflag:s12], $0x4000  }
0xde: {  	[sflag:s12] =	ssyncset.done $0x0  }
0xdf: {  	[sflag:s12] =	ssyncadd.s32 $0xFFFFC000  }
0xe0: {  	_ =	swait.ge [sflag:s19], $0x4000  }
0xe1: {  	[sflag:s19] =	ssyncset.done $0x0  }
0xe2: {  	s9 =	rddreg [dreg:$0x6];
	[sflag:s19] =	ssyncadd.s32 $0xFFFFC000  }
0xe3: {  	[spmem:s3] =	stream.indirect.scatter.add.f32 [tilespmem:s18], [sflag:$0x3], $0x80, s9, s16, $0xb8;
	[tilespmem:$0x1F0C0] =	vst v63  }
0xe4: {  	_ =	swait.ge [sflag:s12], $0x4000  }
0xe5: {  	s8 =	smov.u32 s5;
	[sflag:s12] =	ssyncset.done $0x0  }
0xe6: {  	s10 =	smov.u32 s8;
	s8 =	rddreg [dreg:$0x7];
	[sflag:s12] =	ssyncadd.s32 $0xFFFFC000  }
0xe7: {  	[tilespmem:s17], [sflag:$0x1] =	stream.indirect.gather [hbm4b:s6+s16], $0x80, s8, s16, $0xb8;
	[tilespmem:$0x1F0C0] =	vst v63  }
0xe8: {  	s9 =	rddreg [dreg:$0x8]  }
0xe9: {  	[tilespmem:s18], [sflag:$0x1] =	stream.indirect.gather [hbm4b:s6+s16], $0x80, s9, s16, $0xb8;
	[tilespmem:$0x1F0C0] =	vst v63  }
0xea: {  	_ =	swait.ge [sflag:s19], $0x4000  }
0xeb: {  	[sflag:s19] =	ssyncset.done $0x0  }
0xec: {  	s9 =	rddreg [dreg:$0x9];
	[sflag:s19] =	ssyncadd.s32 $0xFFFFC000  }
0xed: {  	[spmem:s3] =	stream.indirect.scatter.add.f32 [tilespmem:s17], [sflag:$0x3], $0x80, s9, s16, $0xb8;
	[tilespmem:$0x1F0C0] =	vst v63  }
0xee: {  	_ =	swait.ge [sflag:s12], $0x4000  }
0xef: {  	[sflag:s12] =	ssyncset.done $0x0  }
0xf0: {  	[sflag:s12] =	ssyncadd.s32 $0xFFFFC000  }
0xf1: {  	_ =	swait.ge [sflag:s19], $0x4000  }
0xf2: {  	[sflag:s19] =	ssyncset.done $0x0  }
0xf3: {  	s9 =	rddreg [dreg:$0xa];
	[sflag:s19] =	ssyncadd.s32 $0xFFFFC000  }
0xf4: {  	[spmem:s3] =	stream.indirect.scatter.add.f32 [tilespmem:s18], [sflag:$0x3], $0x80, s9, s16, $0xb8;
	[tilespmem:$0x1F0C0] =	vst v63  }
0xf5: {  	_ =	swait.ge [sflag:s12], $0x4000  }
0xf6: {  	[sflag:s12] =	ssyncset.done $0x0  }
0xf7: {  	s8 =	rddreg [dreg:$0xb];
	[sflag:s12] =	ssyncadd.s32 $0xFFFFC000  }
0xf8: {  	[tilespmem:s17], [sflag:$0x1] =	stream.indirect.gather [hbm4b:s6+s16], $0x80, s8, s16, $0xb8;
	[tilespmem:$0x1F0C0] =	vst v63  }
0xf9: {  	s9 =	rddreg [dreg:$0xc]  }
0xfa: {  	[tilespmem:s18], [sflag:$0x1] =	stream.indirect.gather [hbm4b:s6+s16], $0x80, s9, s16, $0xb8;
	[tilespmem:$0x1F0C0] =	vst v63  }
0xfb: {  	_ =	swait.ge [sflag:s19], $0x4000  }
0xfc: {  	[sflag:s19] =	ssyncset.done $0x0  }
0xfd: {  	s9 =	rddreg [dreg:$0xd];
	[sflag:s19] =	ssyncadd.s32 $0xFFFFC000  }
0xfe: {  	[spmem:s3] =	stream.indirect.scatter.add.f32 [tilespmem:s17], [sflag:$0x3], $0x80, s9, s16, $0xb8;
	[tilespmem:$0x1F0C0] =	vst v63  }
0xff: {  	_ =	swait.ge [sflag:s12], $0x4000  }
0x100: {  	[sflag:s12] =	ssyncset.done $0x0  }
0x101: {  	[sflag:s12] =	ssyncadd.s32 $0xFFFFC000  }
0x102: {  	_ =	swait.ge [sflag:s19], $0x4000  }
0x103: {  	[sflag:s19] =	ssyncset.done $0x0  }
0x104: {  	s9 =	rddreg [dreg:$0xe];
	[sflag:s19] =	ssyncadd.s32 $0xFFFFC000  }
0x105: {  	[spmem:s3] =	stream.indirect.scatter.add.f32 [tilespmem:s18], [sflag:$0x3], $0x80, s9, s16, $0xb8;
	[tilespmem:$0x1F0C0] =	vst v63  }
0x106: {  	_ =	swait.ge [sflag:s12], $0x4000  }
0x107: {  	[sflag:s12] =	ssyncset.done $0x0  }
0x108: {  	s8 =	rddreg [dreg:$0xf];
	[sflag:s12] =	ssyncadd.s32 $0xFFFFC000  }
0x109: {  	[tilespmem:s17], [sflag:$0x1] =	stream.indirect.gather [hbm4b:s6+s16], $0x80, s8, s16, $0xb8;
	[tilespmem:$0x1F0C0] =	vst v63  }
0x10a: {  	s9 =	rddreg [dreg:$0x10]  }
0x10b: {  	[tilespmem:s18], [sflag:$0x1] =	stream.indirect.gather [hbm4b:s6+s16], $0x80, s9, s16, $0xb8;
	[tilespmem:$0x1F0C0] =	vst v63  }
0x10c: {  	_ =	swait.ge [sflag:s19], $0x4000  }
0x10d: {  	[sflag:s19] =	ssyncset.done $0x0  }
0x10e: {  	s9 =	rddreg [dreg:$0x11];
	[sflag:s19] =	ssyncadd.s32 $0xFFFFC000  }
0x10f: {  	[spmem:s3] =	stream.indirect.scatter.add.f32 [tilespmem:s17], [sflag:$0x3], $0x80, s9, s16, $0xb8;
	[tilespmem:$0x1F0C0] =	vst v63  }
0x110: {  	_ =	swait.ge [sflag:s12], $0x4000  }
0x111: {  	[sflag:s12] =	ssyncset.done $0x0  }
0x112: {  	[sflag:s12] =	ssyncadd.s32 $0xFFFFC000  }
0x113: {  	_ =	swait.ge [sflag:s19], $0x4000  }
0x114: {  	[sflag:s19] =	ssyncset.done $0x0  }
0x115: {  	s9 =	rddreg [dreg:$0x12];
	[sflag:s19] =	ssyncadd.s32 $0xFFFFC000  }
0x116: {  	[spmem:s3] =	stream.indirect.scatter.add.f32 [tilespmem:s18], [sflag:$0x3], $0x80, s9, s16, $0xb8;
	[tilespmem:$0x1F0C0] =	vst v63  }
0x117: {  	_ =	swait.ge [sflag:s12], $0x4000  }
0x118: {  	[sflag:s12] =	ssyncset.done $0x0  }
0x119: {  	[sflag:s12] =	ssyncadd.s32 $0xFFFFC000  }
0x11a: {  	_ =	swait.ge [sflag:s20], $0x400  }
0x11b: {  	[sflag:s20] =	ssyncset.done $0x0  }
0x11c: {  	[sflag:s20] =	ssyncadd.s32 $0xFFFFFC00  }
0x11d: {  	_ =	swait.ge [sflag:s20], $0x400  }
0x11e: {  	[sflag:s20] =	ssyncset.done $0x0  }
0x11f: {  	[sflag:s20] =	ssyncadd.s32 $0xFFFFFC00  }
0x120: {  	[tilespmem:s17], [sflag:$0x1] =	stream.indirect.gather [hbm4b:s6+s16], $0x80, s14, s16, $0xb8;
	[tilespmem:$0x1F0C0] =	vst v63  }
0x121: {  	s9 =	rddreg [dreg:$0x13]  }
0x122: {  	[tilespmem:s18], [sflag:$0x1] =	stream.indirect.gather [hbm4b:s6+s16], $0x80, s9, s16, $0xb8;
	[tilespmem:$0x1F0C0] =	vst v63  }
0x123: {  	_ =	swait.ge [sflag:s19], $0x4000  }
0x124: {  	[sflag:s19] =	ssyncset.done $0x0  }
0x125: {  	[sflag:s19] =	ssyncadd.s32 $0xFFFFC000  }
0x126: {  	[spmem:s3] =	stream.indirect.scatter.add.f32 [tilespmem:s17], [sflag:$0x3], $0x80, s15, s16, $0xb8;
	[tilespmem:$0x1F0C0] =	vst v63  }
0x127: {  	_ =	swait.ge [sflag:s12], $0x4000  }
0x128: {  	[sflag:s12] =	ssyncset.done $0x0  }
0x129: {  	[sflag:s12] =	ssyncadd.s32 $0xFFFFC000  }
0x12a: {  	_ =	swait.ge [sflag:s19], $0x4000  }
0x12b: {  	[sflag:s19] =	ssyncset.done $0x0  }
0x12c: {  	s21 =	simm.s32 $0xC80;
	[sflag:s19] =	ssyncadd.s32 $0xFFFFC000  }
0x12d: {  	[spmem:s3] =	stream.indirect.scatter.add.f32 [tilespmem:s18], [sflag:$0x3], $0x80, s21, s16, $0xb8;
	[tilespmem:$0x1F0C0] =	vst v63  }
0x12e: {  	_ =	swait.ge [sflag:s12], $0x4000  }
0x12f: {  	[sflag:s12] =	ssyncset.done $0x0  }
0x130: {  	[sflag:s12] =	ssyncadd.s32 $0xFFFFC000  }
0x131: {  	[tilespmem:s17], [sflag:$0x1] =	stream.indirect.gather [hbm4b:s6+s16], $0x80, s22, s16, $0xb8;
	[tilespmem:$0x1F0C0] =	vst v63  }
0x132: {  	_ = 	snop  }
0x133: {  	[tilespmem:s18], [sflag:$0x1] =	stream.indirect.gather [hbm4b:s6+s16], $0x80, s23, s16, $0xb8;
	[tilespmem:$0x1F0C0] =	vst v63  }
0x134: {  	_ =	swait.ge [sflag:s19], $0x4000  }
0x135: {  	[sflag:s19] =	ssyncset.done $0x0  }
0x136: {  	[sflag:s19] =	ssyncadd.s32 $0xFFFFC000  }
0x137: {  	[spmem:s3] =	stream.indirect.scatter.add.f32 [tilespmem:s17], [sflag:$0x3], $0x80, s24, s16, $0xb8;
	[tilespmem:$0x1F0C0] =	vst v63  }
0x138: {  	_ =	swait.ge [sflag:s12], $0x4000  }
0x139: {  	[sflag:s12] =	ssyncset.done $0x0  }
0x13a: {  	[sflag:s12] =	ssyncadd.s32 $0xFFFFC000  }
0x13b: {  	_ =	swait.ge [sflag:s19], $0x4000  }
0x13c: {  	[sflag:s19] =	ssyncset.done $0x0  }
0x13d: {  	[sflag:s19] =	ssyncadd.s32 $0xFFFFC000  }
0x13e: {  	[spmem:s3] =	stream.indirect.scatter.add.f32 [tilespmem:s18], [sflag:$0x3], $0x80, s25, s16, $0xb8;
	[tilespmem:$0x1F0C0] =	vst v63  }
0x13f: {  	_ =	swait.ge [sflag:s12], $0x4000  }
0x140: {  	[sflag:s12] =	ssyncset.done $0x0  }
0x141: {  	[sflag:s12] =	ssyncadd.s32 $0xFFFFC000  }
0x142: {  	[tilespmem:s17], [sflag:$0x1] =	stream.indirect.gather [hbm4b:s6+s16], $0x80, s26, s16, $0xb8;
	[tilespmem:$0x1F0C0] =	vst v63  }
0x143: {  	_ = 	snop  }
0x144: {  	[tilespmem:s18], [sflag:$0x1] =	stream.indirect.gather [hbm4b:s6+s16], $0x80, s28, s16, $0xb8;
	[tilespmem:$0x1F0C0] =	vst v63  }
0x145: {  	_ =	swait.ge [sflag:s19], $0x4000  }
0x146: {  	[sflag:s19] =	ssyncset.done $0x0  }
0x147: {  	[sflag:s19] =	ssyncadd.s32 $0xFFFFC000  }
0x148: {  	[spmem:s3] =	stream.indirect.scatter.add.f32 [tilespmem:s17], [sflag:$0x3], $0x80, s29, s16, $0xb8;
	[tilespmem:$0x1F0C0] =	vst v63  }
0x149: {  	_ =	swait.ge [sflag:s12], $0x4000  }
0x14a: {  	[sflag:s12] =	ssyncset.done $0x0  }
0x14b: {  	[sflag:s12] =	ssyncadd.s32 $0xFFFFC000  }
0x14c: {  	_ =	swait.ge [sflag:s19], $0x4000  }
0x14d: {  	[sflag:s19] =	ssyncset.done $0x0  }
0x14e: {  	[sflag:s19] =	ssyncadd.s32 $0xFFFFC000  }
0x14f: {  	[spmem:s3] =	stream.indirect.scatter.add.f32 [tilespmem:s18], [sflag:$0x3], $0x80, s30, s16, $0xb8;
	[tilespmem:$0x1F0C0] =	vst v63  }
0x150: {  	_ =	swait.ge [sflag:s12], $0x4000  }
0x151: {  	[sflag:s12] =	ssyncset.done $0x0  }
0x152: {  	[sflag:s12] =	ssyncadd.s32 $0xFFFFC000  }
0x153: {  	[tilespmem:s17], [sflag:$0x1] =	stream.indirect.gather [hbm4b:s6+s16], $0x80, s31, s16, $0xb8;
	[tilespmem:$0x1F0C0] =	vst v63  }
0x154: {  	_ = 	snop  }
0x155: {  	[tilespmem:s18], [sflag:$0x1] =	stream.indirect.gather [hbm4b:s6+s16], $0x80, s0, s16, $0xb8;
	[tilespmem:$0x1F0C0] =	vst v63  }
0x156: {  	_ =	swait.ge [sflag:s19], $0x4000  }
0x157: {  	[sflag:s19] =	ssyncset.done $0x0  }
0x158: {  	[sflag:s19] =	ssyncadd.s32 $0xFFFFC000  }
0x159: {  	[spmem:s3] =	stream.indirect.scatter.add.f32 [tilespmem:s17], [sflag:$0x3], $0x80, s2, s16, $0xb8;
	[tilespmem:$0x1F0C0] =	vst v63  }
0x15a: {  	_ =	swait.ge [sflag:s12], $0x4000  }
0x15b: {  	[sflag:s12] =	ssyncset.done $0x0  }
0x15c: {  	[sflag:s12] =	ssyncadd.s32 $0xFFFFC000  }
0x15d: {  	p1 =	sne.s32 s5, $0x900;
	_ =	swait.ge [sflag:s19], $0x4000  }
.Ltmp2:
0x15e: {  	[sflag:s19] =	ssyncset.done $0x0;
	(pc) =	sbr.rel @p1 .LBB2_4-.Ltmp2, $4  }
0x15f: {  	[sflag:s19] =	ssyncadd.s32 $0xFFFFC000  }
0x160: {  	[spmem:s3] =	stream.indirect.scatter.add.f32 [tilespmem:s18], [sflag:$0x3], $0x80, s1, s16, $0xb8;
	[tilespmem:$0x1F0C0] =	vst v63  }
0x161: {  	_ =	swait.ge [sflag:s12], $0x4000  }
0x162: {  	s5 =	sadd.s32 $0x100, s5;
	s9 =	rddreg [dreg:$0x5];
	[sflag:s12] =	ssyncset.done $0x0  }
0x163: {  	[sflag:s12] =	ssyncadd.s32 $0xFFFFC000;
	s5 =	sadd.s32 s10, s9  }
0x164: {  	[tilespmem:s4], [sflag:$0x3] =	stream.linear.gather [hbm4b:s5+s4], $0x400, $0x38;
	[tilespmem:$0x1F0C0] =	vst v63  }
0x165: {  	_ =	swait.ge [sflag:s12], $0x400  }
0x166: {  	s8 =	rddreg [dreg:$0x4];
	[sflag:s12] =	ssyncset.done $0x0  }
0x167: {  	[sflag:s12] =	ssyncadd.s32 $0xFFFFFC00;
	s8 =	sadd.s32 s10, s8  }
0x168: {  	[tilespmem:s13], [sflag:$0x3] =	stream.linear.gather [hbm4b:s8+s4], $0x400, $0x38;
	[tilespmem:$0x1F0C0] =	vst v63  }
0x169: {  	_ =	swait.ge [sflag:s12], $0x400  }
0x16a: {  	[sflag:s12] =	ssyncset.done $0x0  }
0x16b: {  	s5 =	sadd.s32 $0x80, s5;
	[sflag:s12] =	ssyncadd.s32 $0xFFFFFC00  }
0x16c: {  	[tilespmem:s14], [sflag:$0x2] =	stream.linear.gather [hbm4b:s5+s4], $0x400, $0x38;
	[tilespmem:$0x1F0C0] =	vst v63  }
0x16d: {  	s10 =	sadd.s32 $0x80, s8  }
0x16e: {  	[tilespmem:s15], [sflag:$0x2] =	stream.linear.gather [hbm4b:s10+s4], $0x400, $0x38;
	[tilespmem:$0x1F0C0] =	vst v63  }
0x16f: {  	_ = 	snop  }
0x170: {  	[tilespmem:s17], [sflag:$0x1] =	stream.indirect.gather [hbm4b:s6+s16], $0x80, s4, s16, $0xb8;
	[tilespmem:$0x1F0C0] =	vst v63  }
0x171: {  	_ = 	snop  }
0x172: {  	[tilespmem:s18], [sflag:$0x1] =	stream.indirect.gather [hbm4b:s6+s16], $0x80, s16, s16, $0xb8;
	[tilespmem:$0x1F0C0] =	vst v63  }
0x173: {  	_ =	swait.ge [sflag:s19], $0x4000  }
0x174: {  	[sflag:s19] =	ssyncset.done $0x0  }
0x175: {  	[sflag:s19] =	ssyncadd.s32 $0xFFFFC000  }
0x176: {  	[spmem:s3] =	stream.indirect.scatter.add.f32 [tilespmem:s17], [sflag:$0x3], $0x80, s13, s16, $0xb8;
	[tilespmem:$0x1F0C0] =	vst v63  }
0x177: {  	_ =	swait.ge [sflag:s12], $0x4000  }
0x178: {  	[sflag:s12] =	ssyncset.done $0x0  }
0x179: {  	[sflag:s12] =	ssyncadd.s32 $0xFFFFC000  }
0x17a: {  	_ =	swait.ge [sflag:s19], $0x4000  }
0x17b: {  	[sflag:s19] =	ssyncset.done $0x0  }
0x17c: {  	s8 =	rddreg [dreg:$0x6];
	[sflag:s19] =	ssyncadd.s32 $0xFFFFC000  }
0x17d: {  	[spmem:s3] =	stream.indirect.scatter.add.f32 [tilespmem:s18], [sflag:$0x3], $0x80, s8, s16, $0xb8;
	[tilespmem:$0x1F0C0] =	vst v63  }
0x17e: {  	_ =	swait.ge [sflag:s12], $0x4000  }
0x17f: {  	[sflag:s12] =	ssyncset.done $0x0  }
0x180: {  	s9 =	rddreg [dreg:$0x7];
	[sflag:s12] =	ssyncadd.s32 $0xFFFFC000  }
0x181: {  	[tilespmem:s17], [sflag:$0x1] =	stream.indirect.gather [hbm4b:s6+s16], $0x80, s9, s16, $0xb8;
	[tilespmem:$0x1F0C0] =	vst v63  }
0x182: {  	s10 =	rddreg [dreg:$0x8]  }
0x183: {  	[tilespmem:s18], [sflag:$0x1] =	stream.indirect.gather [hbm4b:s6+s16], $0x80, s10, s16, $0xb8;
	[tilespmem:$0x1F0C0] =	vst v63  }
0x184: {  	_ =	swait.ge [sflag:s19], $0x4000  }
0x185: {  	[sflag:s19] =	ssyncset.done $0x0  }
0x186: {  	s9 =	rddreg [dreg:$0x9];
	[sflag:s19] =	ssyncadd.s32 $0xFFFFC000  }
0x187: {  	[spmem:s3] =	stream.indirect.scatter.add.f32 [tilespmem:s17], [sflag:$0x3], $0x80, s9, s16, $0xb8;
	[tilespmem:$0x1F0C0] =	vst v63  }
0x188: {  	_ =	swait.ge [sflag:s12], $0x4000  }
0x189: {  	[sflag:s12] =	ssyncset.done $0x0  }
0x18a: {  	[sflag:s12] =	ssyncadd.s32 $0xFFFFC000  }
0x18b: {  	_ =	swait.ge [sflag:s19], $0x4000  }
0x18c: {  	[sflag:s19] =	ssyncset.done $0x0  }
0x18d: {  	s10 =	rddreg [dreg:$0xa];
	[sflag:s19] =	ssyncadd.s32 $0xFFFFC000  }
0x18e: {  	[spmem:s3] =	stream.indirect.scatter.add.f32 [tilespmem:s18], [sflag:$0x3], $0x80, s10, s16, $0xb8;
	[tilespmem:$0x1F0C0] =	vst v63  }
0x18f: {  	_ =	swait.ge [sflag:s12], $0x4000  }
0x190: {  	[sflag:s12] =	ssyncset.done $0x0  }
0x191: {  	s8 =	rddreg [dreg:$0xb];
	[sflag:s12] =	ssyncadd.s32 $0xFFFFC000  }
0x192: {  	[tilespmem:s17], [sflag:$0x1] =	stream.indirect.gather [hbm4b:s6+s16], $0x80, s8, s16, $0xb8;
	[tilespmem:$0x1F0C0] =	vst v63  }
0x193: {  	s9 =	rddreg [dreg:$0xc]  }
0x194: {  	[tilespmem:s18], [sflag:$0x1] =	stream.indirect.gather [hbm4b:s6+s16], $0x80, s9, s16, $0xb8;
	[tilespmem:$0x1F0C0] =	vst v63  }
0x195: {  	_ =	swait.ge [sflag:s19], $0x4000  }
0x196: {  	[sflag:s19] =	ssyncset.done $0x0  }
0x197: {  	s10 =	rddreg [dreg:$0xd];
	[sflag:s19] =	ssyncadd.s32 $0xFFFFC000  }
0x198: {  	[spmem:s3] =	stream.indirect.scatter.add.f32 [tilespmem:s17], [sflag:$0x3], $0x80, s10, s16, $0xb8;
	[tilespmem:$0x1F0C0] =	vst v63  }
0x199: {  	_ =	swait.ge [sflag:s12], $0x4000  }
0x19a: {  	[sflag:s12] =	ssyncset.done $0x0  }
0x19b: {  	[sflag:s12] =	ssyncadd.s32 $0xFFFFC000  }
0x19c: {  	_ =	swait.ge [sflag:s19], $0x4000  }
0x19d: {  	[sflag:s19] =	ssyncset.done $0x0  }
0x19e: {  	s8 =	rddreg [dreg:$0xe];
	[sflag:s19] =	ssyncadd.s32 $0xFFFFC000  }
0x19f: {  	[spmem:s3] =	stream.indirect.scatter.add.f32 [tilespmem:s18], [sflag:$0x3], $0x80, s8, s16, $0xb8;
	[tilespmem:$0x1F0C0] =	vst v63  }
0x1a0: {  	_ =	swait.ge [sflag:s12], $0x4000  }
0x1a1: {  	[sflag:s12] =	ssyncset.done $0x0  }
0x1a2: {  	s9 =	rddreg [dreg:$0xf];
	[sflag:s12] =	ssyncadd.s32 $0xFFFFC000  }
0x1a3: {  	[tilespmem:s17], [sflag:$0x1] =	stream.indirect.gather [hbm4b:s6+s16], $0x80, s9, s16, $0xb8;
	[tilespmem:$0x1F0C0] =	vst v63  }
0x1a4: {  	s10 =	rddreg [dreg:$0x10]  }
0x1a5: {  	[tilespmem:s18], [sflag:$0x1] =	stream.indirect.gather [hbm4b:s6+s16], $0x80, s10, s16, $0xb8;
	[tilespmem:$0x1F0C0] =	vst v63  }
0x1a6: {  	_ =	swait.ge [sflag:s19], $0x4000  }
0x1a7: {  	[sflag:s19] =	ssyncset.done $0x0  }
0x1a8: {  	s8 =	rddreg [dreg:$0x11];
	[sflag:s19] =	ssyncadd.s32 $0xFFFFC000  }
0x1a9: {  	[spmem:s3] =	stream.indirect.scatter.add.f32 [tilespmem:s17], [sflag:$0x3], $0x80, s8, s16, $0xb8;
	[tilespmem:$0x1F0C0] =	vst v63  }
0x1aa: {  	_ =	swait.ge [sflag:s12], $0x4000  }
0x1ab: {  	[sflag:s12] =	ssyncset.done $0x0  }
0x1ac: {  	[sflag:s12] =	ssyncadd.s32 $0xFFFFC000  }
0x1ad: {  	_ =	swait.ge [sflag:s19], $0x4000  }
0x1ae: {  	[sflag:s19] =	ssyncset.done $0x0  }
0x1af: {  	s9 =	rddreg [dreg:$0x12];
	[sflag:s19] =	ssyncadd.s32 $0xFFFFC000  }
0x1b0: {  	[spmem:s3] =	stream.indirect.scatter.add.f32 [tilespmem:s18], [sflag:$0x3], $0x80, s9, s16, $0xb8;
	[tilespmem:$0x1F0C0] =	vst v63  }
0x1b1: {  	_ =	swait.ge [sflag:s12], $0x4000  }
0x1b2: {  	[sflag:s12] =	ssyncset.done $0x0  }
0x1b3: {  	[sflag:s12] =	ssyncadd.s32 $0xFFFFC000  }
0x1b4: {  	_ =	swait.ge [sflag:s20], $0x400  }
0x1b5: {  	[sflag:s20] =	ssyncset.done $0x0  }
0x1b6: {  	[sflag:s20] =	ssyncadd.s32 $0xFFFFFC00  }
0x1b7: {  	_ =	swait.ge [sflag:s20], $0x400  }
0x1b8: {  	[sflag:s20] =	ssyncset.done $0x0  }
0x1b9: {  	[sflag:s20] =	ssyncadd.s32 $0xFFFFFC00  }
0x1ba: {  	[tilespmem:s17], [sflag:$0x1] =	stream.indirect.gather [hbm4b:s6+s16], $0x80, s14, s16, $0xb8;
	[tilespmem:$0x1F0C0] =	vst v63  }
0x1bb: {  	s10 =	rddreg [dreg:$0x13]  }
0x1bc: {  	[tilespmem:s18], [sflag:$0x1] =	stream.indirect.gather [hbm4b:s6+s16], $0x80, s10, s16, $0xb8;
	[tilespmem:$0x1F0C0] =	vst v63  }
0x1bd: {  	_ =	swait.ge [sflag:s19], $0x4000  }
0x1be: {  	[sflag:s19] =	ssyncset.done $0x0  }
0x1bf: {  	[sflag:s19] =	ssyncadd.s32 $0xFFFFC000  }
0x1c0: {  	[spmem:s3] =	stream.indirect.scatter.add.f32 [tilespmem:s17], [sflag:$0x3], $0x80, s15, s16, $0xb8;
	[tilespmem:$0x1F0C0] =	vst v63  }
0x1c1: {  	_ =	swait.ge [sflag:s12], $0x4000  }
0x1c2: {  	[sflag:s12] =	ssyncset.done $0x0  }
0x1c3: {  	[sflag:s12] =	ssyncadd.s32 $0xFFFFC000  }
0x1c4: {  	_ =	swait.ge [sflag:s19], $0x4000  }
0x1c5: {  	[sflag:s19] =	ssyncset.done $0x0  }
0x1c6: {  	[sflag:s19] =	ssyncadd.s32 $0xFFFFC000  }
0x1c7: {  	[spmem:s3] =	stream.indirect.scatter.add.f32 [tilespmem:s18], [sflag:$0x3], $0x80, s21, s16, $0xb8;
	[tilespmem:$0x1F0C0] =	vst v63  }
0x1c8: {  	_ =	swait.ge [sflag:s12], $0x4000  }
0x1c9: {  	[sflag:s12] =	ssyncset.done $0x0  }
0x1ca: {  	[sflag:s12] =	ssyncadd.s32 $0xFFFFC000  }
0x1cb: {  	[tilespmem:s17], [sflag:$0x1] =	stream.indirect.gather [hbm4b:s6+s16], $0x80, s22, s16, $0xb8;
	[tilespmem:$0x1F0C0] =	vst v63  }
0x1cc: {  	_ = 	snop  }
0x1cd: {  	[tilespmem:s18], [sflag:$0x1] =	stream.indirect.gather [hbm4b:s6+s16], $0x80, s23, s16, $0xb8;
	[tilespmem:$0x1F0C0] =	vst v63  }
0x1ce: {  	_ =	swait.ge [sflag:s19], $0x4000  }
0x1cf: {  	[sflag:s19] =	ssyncset.done $0x0  }
0x1d0: {  	[sflag:s19] =	ssyncadd.s32 $0xFFFFC000  }
0x1d1: {  	[spmem:s3] =	stream.indirect.scatter.add.f32 [tilespmem:s17], [sflag:$0x3], $0x80, s24, s16, $0xb8;
	[tilespmem:$0x1F0C0] =	vst v63  }
0x1d2: {  	_ =	swait.ge [sflag:s12], $0x4000  }
0x1d3: {  	[sflag:s12] =	ssyncset.done $0x0  }
0x1d4: {  	[sflag:s12] =	ssyncadd.s32 $0xFFFFC000  }
0x1d5: {  	_ =	swait.ge [sflag:s19], $0x4000  }
0x1d6: {  	[sflag:s19] =	ssyncset.done $0x0  }
0x1d7: {  	[sflag:s19] =	ssyncadd.s32 $0xFFFFC000  }
0x1d8: {  	[spmem:s3] =	stream.indirect.scatter.add.f32 [tilespmem:s18], [sflag:$0x3], $0x80, s25, s16, $0xb8;
	[tilespmem:$0x1F0C0] =	vst v63  }
0x1d9: {  	_ =	swait.ge [sflag:s12], $0x4000  }
0x1da: {  	[sflag:s12] =	ssyncset.done $0x0  }
0x1db: {  	[sflag:s12] =	ssyncadd.s32 $0xFFFFC000  }
0x1dc: {  	[tilespmem:s17], [sflag:$0x1] =	stream.indirect.gather [hbm4b:s6+s16], $0x80, s26, s16, $0xb8;
	[tilespmem:$0x1F0C0] =	vst v63  }
0x1dd: {  	_ = 	snop  }
0x1de: {  	[tilespmem:s18], [sflag:$0x1] =	stream.indirect.gather [hbm4b:s6+s16], $0x80, s28, s16, $0xb8;
	[tilespmem:$0x1F0C0] =	vst v63  }
0x1df: {  	_ =	swait.ge [sflag:s19], $0x4000  }
0x1e0: {  	[sflag:s19] =	ssyncset.done $0x0  }
0x1e1: {  	[sflag:s19] =	ssyncadd.s32 $0xFFFFC000  }
0x1e2: {  	[spmem:s3] =	stream.indirect.scatter.add.f32 [tilespmem:s17], [sflag:$0x3], $0x80, s29, s16, $0xb8;
	[tilespmem:$0x1F0C0] =	vst v63  }
0x1e3: {  	_ =	swait.ge [sflag:s12], $0x4000  }
0x1e4: {  	[sflag:s12] =	ssyncset.done $0x0  }
0x1e5: {  	[sflag:s12] =	ssyncadd.s32 $0xFFFFC000  }
0x1e6: {  	_ =	swait.ge [sflag:s19], $0x4000  }
0x1e7: {  	[sflag:s19] =	ssyncset.done $0x0  }
0x1e8: {  	[sflag:s19] =	ssyncadd.s32 $0xFFFFC000  }
0x1e9: {  	[spmem:s3] =	stream.indirect.scatter.add.f32 [tilespmem:s18], [sflag:$0x3], $0x80, s30, s16, $0xb8;
	[tilespmem:$0x1F0C0] =	vst v63  }
0x1ea: {  	_ =	swait.ge [sflag:s12], $0x4000  }
0x1eb: {  	[sflag:s12] =	ssyncset.done $0x0  }
0x1ec: {  	[sflag:s12] =	ssyncadd.s32 $0xFFFFC000  }
0x1ed: {  	[tilespmem:s17], [sflag:$0x1] =	stream.indirect.gather [hbm4b:s6+s16], $0x80, s31, s16, $0xb8;
	[tilespmem:$0x1F0C0] =	vst v63  }
0x1ee: {  	_ = 	snop  }
0x1ef: {  	[tilespmem:s18], [sflag:$0x1] =	stream.indirect.gather [hbm4b:s6+s16], $0x80, s0, s16, $0xb8;
	[tilespmem:$0x1F0C0] =	vst v63  }
0x1f0: {  	_ =	swait.ge [sflag:s19], $0x4000  }
0x1f1: {  	[sflag:s19] =	ssyncset.done $0x0  }
0x1f2: {  	[sflag:s19] =	ssyncadd.s32 $0xFFFFC000  }
0x1f3: {  	[spmem:s3] =	stream.indirect.scatter.add.f32 [tilespmem:s17], [sflag:$0x3], $0x80, s2, s16, $0xb8;
	[tilespmem:$0x1F0C0] =	vst v63  }
0x1f4: {  	_ =	swait.ge [sflag:s12], $0x4000  }
0x1f5: {  	[sflag:s12] =	ssyncset.done $0x0  }
0x1f6: {  	[sflag:s12] =	ssyncadd.s32 $0xFFFFC000  }
0x1f7: {  	_ =	swait.ge [sflag:s19], $0x4000  }
0x1f8: {  	[sflag:s19] =	ssyncset.done $0x0  }
0x1f9: {  	[sflag:s19] =	ssyncadd.s32 $0xFFFFC000  }
0x1fa: {  	[spmem:s3] =	stream.indirect.scatter.add.f32 [tilespmem:s18], [sflag:$0x3], $0x80, s1, s16, $0xb8;
	[tilespmem:$0x1F0C0] =	vst v63  }
0x1fb: {  	_ =	swait.ge [sflag:s12], $0x4000  }
0x1fc: {  	[sflag:s12] =	ssyncset.done $0x0  }
0x1fd: {  	[sflag:s12] =	ssyncadd.s32 $0xFFFFC000  }
0x1fe: {  	[bflag:$0x0] =	sbarrier.arrive $0xFFFF  }
0x1ff: {  	s9 =	rddreg [dreg:$0x16]  }
0x200: {  	[tilespmem:s11], [sflag:$0x3] =	stream.linear.gather [spmem:s9], $0x2800, $0x38;
	[tilespmem:$0x1F0C0] =	vst v63  }
0x201: {  	_ =	swait.ge [sflag:s12], $0x2800  }
0x202: {  	[sflag:s12] =	ssyncset.done $0x0;
	s10 =	rddreg [dreg:$0x17]  }
.Ltmp3:
0x203: {  	[sflag:s12] =	ssyncadd.s32 $0xFFFFD800;
	s21 =	sadd.s32 s10, s7;
	(pc) =	sbr.rel @!p0 .LBB2_7-.Ltmp3, $4  }
0x204: {  	[hbm4b:s21+s4] =	stream.linear.scatter [tilespmem:s11], [sflag:$0x3], $0x2800, $0x38;
	[tilespmem:$0x1F0C0] =	vst v63  }
0x205: {  	_ =	swait.ge [sflag:s12], $0x2800  }
0x206: {  	s21 =	rddreg [dreg:$0x14]  }
0x207: {  	[sflag:s12] =	ssyncset.done $0x0;
	s5 =	sadd.s32 $0xFFFFFFFF, s21  }
.LBB2_6:
0x208: {  	[sflag:s12] =	ssyncadd.s32 $0xFFFFD800;
	s10 =	sadd.s32 $0x500, s10;
	s9 =	sadd.s32 $0x2800, s9  }
0x209: {  	[tilespmem:s11], [sflag:$0x3] =	stream.linear.gather [spmem:s9], $0x2800, $0x38;
	[tilespmem:$0x1F0C0] =	vst v63  }
0x20a: {  	p0 =	sne.s32 s5, $0x1;
	s5 =	sadd.s32 $0xFFFFFFFF, s5;
	_ =	swait.ge [sflag:s12], $0x2800  }
.Ltmp4:
0x20b: {  	[sflag:s12] =	ssyncset.done $0x0;
	(pc) =	sbr.rel @p0 .LBB2_6-.Ltmp4, $4  }
0x20c: {  	s8 =	sadd.s32 s10, s7;
	[sflag:s12] =	ssyncadd.s32 $0xFFFFD800  }
0x20d: {  	[hbm4b:s8+s4] =	stream.linear.scatter [tilespmem:s11], [sflag:$0x3], $0x2800, $0x38;
	[tilespmem:$0x1F0C0] =	vst v63  }
0x20e: {  	_ =	swait.ge [sflag:s12], $0x2800  }
0x20f: {  	[sflag:s12] =	ssyncset.done $0x0  }
.LBB2_7:
0x210: {  	s8 =	rddreg [dreg:$0x18]  }
0x211: {  	s5 =	rddreg [dreg:$0x15];
	s8 =	sadd.s32 $0x1, s8  }
0x212: {  	p0 =	sne.s32 s8, s5  }
.Ltmp5:
0x213: {  	_ = 	snop;
	(pc) =	sbr.rel @p0 .LBB2_1-.Ltmp5, $2  }
0x214: {  	_ =	sdelay $0x2  }
0x215: {  	[sflag:s12] =	ssyncadd.s32 $0xFFFFD800  }
0x216: {  	_ =	sfence.sel $0x180000  }
0x217: {  	[bflag:$0x0] =	sbarrier.arrive $0xFFFF  }
0x218: {  	_ =	strace $0x9000004A  }
0x219: {  	s0 =	stileid.u32;
	[bflag:$0x2] =	sbarrier.arrive $0xFFFF  }
0x21a: {  	p0 =	sne.s32 s0, $0x0;
	s0 =	rddreg [dreg:$0x3]  }
0x21b: {  	s0 =	sadd.s32 @!p0 $0x100000, s0  }
0x21c: {  	[sflag:s0] =	ssyncadd.tile.s32 @!p0 $0x1;
	_ =	shalt  }
.Lfunc_end2:
_tile_overlayer_lowered:
.L_overlay_start_2:
0x21d: {  	(tag) =	ssettag $0x2  }
0x21e: {  	s0 =	rddreg [dreg:$0x0];
	s2 =	stileid.u32  }
0x21f: {  	s1 =	rddreg [dreg:$0x1];
	p0 =	sne.s32 s2, $0x0  }
0x220: {  	s3 =	rddreg [dreg:$0x2];
	[bflag:$0x3] =	sbarrier.arrive $0xFFFF;
	s2 =	simm.s32 @!p0 $0x1C03  }
0x221: {  	[timem:s3], [sflag:s2] =	dma.local @!p0 [hbm:s0], s1  }
0x222: {  	s0 =	simm.s32 @!p0 $0x3  }
0x223: {  	_ =	swait.ge @!p0 [sflag:s0], s1  }
0x224: {  	s1 =	ssub.s32 @!p0 $0x0, s1;
	[sflag:s0] =	ssyncset.done @!p0 $0x0  }
0x225: {  	[sflag:s0] =	ssyncadd.s32 @!p0 s1  }
0x226: {  	[bflag:$0x3] =	sbarrier.arrive $0xFFFF  }
0x227: {  	_ =	shalt  }

// kernel: kernel.15.cloned.1.call-start
scs
__scs_entry_jumppad:
0x0: {  	(pc) =	sbr.rel $0x88, $3  }
0x1: {  	(tag) =	ssettag $0x0;
	lr =	simm.s32 $0x1  }
0x2: {  	[smem:$0x3F99] =	sst lr;
	_ =	strace $0xD0000000  }
0x3: {  	_ = 	snop  }
0x4: {  	_ = 	snop  }
0x5: {  	_ = 	snop  }
0x6: {  	_ = 	snop  }
0x7: {  	_ = 	snop  }
__scs_overlays_trampoline_lowered:
0x8: {  	[smem:$0x3FA8] =	sst s0  }
0x9: {  	[smem:$0x3FA9] =	sst s1  }
0xa: {  	[smem:$0x3FAA] =	sst s2  }
0xb: {  	[smem:$0x3FAB] =	sst s3  }
0xc: {  	[smem:$0x3FAC] =	sst s4  }
0xd: {  	[smem:$0x3FAD] =	sst s5  }
0xe: {  	[smem:$0x3FAE] =	sst s6  }
0xf: {  	[smem:$0x3FAF] =	sst s7  }
0x10: {  	[smem:$0x3FB0] =	sst s8  }
0x11: {  	[smem:$0x3FB1] =	sst s9;
	s0 =	simm.s32 @!p0 $0x0  }
0x12: {  	s1 =	sld [smem:$0x3F97];
	s0 =	simm.s32 @p0 $0x1  }
0x13: {  	[smem:$0x3FB2] =	sst s0;
	s0 =	simm.s32 @!p1 $0x0  }
0x14: {  	s2 =	sld [smem:$0x3F96];
	s0 =	simm.s32 @p1 $0x1  }
0x15: {  	[smem:$0x3FB3] =	sst s0;
	s0 =	simm.s32 @!p2 $0x0  }
0x16: {  	s3 =	sld [smem:$0x3FDB];
	s0 =	simm.s32 @p2 $0x1  }
0x17: {  	s4 =	simm.s32 $0x1BF5;
	[smem:$0x3FB5] =	sst s0  }
0x18: {  	s0 =	sld [smem:$0x3F98];
	_ =	swait.ge [sflag:s4], $0x0  }
0x19: {  	s7 =	sld [smem:$0x3F99]  }
0x1a: {  	s8 =	sadd.s32 $0xFFFFE003, lr  }
0x1b: {  	s9 =	sadd.s32 $0xFFFFFEF7, lr;
	s5 =	simm.s32 $0xFFFFFFFF;
	p2 =	slt.u32 s8, $0xFFFFF086  }
0x1c: {  	p1 =	slt.u32 s9, $0xF7A;
	s5 =	simm.s32 @!p2 $0x0  }
0x1d: {  	s5 =	simm.s32 @p1 $0x1;
	p0 =	seq.s32 s7, s2  }
0x1e: {  	s7 =	smul.u32 @!p0 $0xF7A, s2;
	p2 =	seq.s32 @!p0 s5, $0x0  }
0x1f: {  	s9 =	smul.u32 $0xF7A, s1;
	s8 =	simm.s32 @!p0 $0x1BF5;
	p2 =	por !p2, p0  }
0x20: {  	[sflag:s8] =	ssyncset.s32 @!p0 $0xFFFFF086;
	s6 =	sadd.s32 @!p0 s3, s7;
	s7 =	simm.s32 @!p0 $0x108  }
0x21: {  	s3 =	sadd.s32 s3, s9;
	s6 =	sadd.s32 @!p0 $0x88, s6;
	s7 =	simm.s32 @p2 $0x1082  }
0x22: {  	[simem:s7], [sflag:s8] =	dma.local @!p0 [hbm:s6], $0xF7A  }
0x23: {  	s9 =	sor.u32 $0xD0000000, s2;
	s6 =	simm.s32 $0x108;
	_ =	swait.ge @!p0 [sflag:s8], $0x0  }
0x24: {  	s3 =	sadd.s32 $0x88, s3;
	s6 =	simm.s32 @!p1 $0x1082;
	[sflag:s4] =	ssyncset.s32 $0xFFFFF086  }
0x25: {  	[simem:s6], [sflag:s4] =	dma.local [hbm:s3], $0xF7A  }
0x26: {  	[smem:$0x3F99] =	sst s1;
	(tag) =	ssettag s2;
	_ =	strace s9  }
0x27: {  	s1 =	sld [smem:$0x3FA9]  }
0x28: {  	s2 =	sld [smem:$0x3FAA]  }
0x29: {  	s4 =	sld [smem:$0x3FAC]  }
0x2a: {  	p0 =	seq.s32 s5, $0x0;
	s5 =	sld [smem:$0x3FAD]  }
0x2b: {  	s6 =	sld [smem:$0x3FAE]  }
0x2c: {  	s7 =	sld [smem:$0x3FAF]  }
0x2d: {  	s3 =	simm.s32 $0x108;
	s8 =	sld [smem:$0x3FB0]  }
0x2e: {  	s3 =	simm.s32 @!p0 $0x1082;
	s9 =	sld [smem:$0x3FB1]  }
0x2f: {  	lr =	sadd.s32 s0, s3;
	s0 =	sld [smem:$0x3FA8]  }
0x30: {  	s3 =	sld [smem:$0x3FAB]  }
0x31: {  	[smem:$0x3FB4] =	sst s10  }
0x32: {  	s10 =	sld [smem:$0x3FB2];
	_ =	sdelay $0x3  }
0x33: {  	p0 =	seq.s32 s10, $0x1;
	s10 =	sld [smem:$0x3FB4];
	_ =	sdelay $0x3  }
0x34: {  	[smem:$0x3FB4] =	sst s10  }
0x35: {  	s10 =	sld [smem:$0x3FB3];
	_ =	sdelay $0x3  }
0x36: {  	p1 =	seq.s32 s10, $0x1;
	s10 =	sld [smem:$0x3FB4];
	_ =	sdelay $0x3  }
0x37: {  	[smem:$0x3FB4] =	sst s10  }
0x38: {  	s10 =	sld [smem:$0x3FB5]  }
0x39: {  	_ = 	snop;
	(pc) =	sbr.ind lr, $3  }
0x3a: {  	_ = 	snop  }
0x3b: {  	_ = 	snop  }
0x3c: {  	p2 =	seq.s32 s10, $0x1;
	s10 =	sld [smem:$0x3FB4]  }
0x3d: {  	_ =	shalt  }
0x3e: {  	_ =	shalt  }
0x3f: {  	_ =	shalt  }
0x40: {  	_ =	shalt  }
0x41: {  	_ =	shalt  }
0x42: {  	_ =	shalt  }
0x43: {  	_ =	shalt  }
0x44: {  	_ =	shalt  }
0x45: {  	_ =	shalt  }
0x46: {  	_ =	shalt  }
0x47: {  	_ =	shalt  }
0x48: {  	_ =	shalt  }
0x49: {  	_ =	shalt  }
0x4a: {  	_ =	shalt  }
0x4b: {  	_ =	shalt  }
0x4c: {  	_ =	shalt  }
0x4d: {  	_ =	shalt  }
0x4e: {  	_ =	shalt  }
0x4f: {  	_ =	shalt  }
0x50: {  	_ =	shalt  }
0x51: {  	_ =	shalt  }
0x52: {  	_ =	shalt  }
0x53: {  	_ =	shalt  }
0x54: {  	_ =	shalt  }
0x55: {  	_ =	shalt  }
0x56: {  	_ =	shalt  }
0x57: {  	_ =	shalt  }
0x58: {  	_ =	shalt  }
0x59: {  	_ =	shalt  }
0x5a: {  	_ =	shalt  }
0x5b: {  	_ =	shalt  }
0x5c: {  	_ =	shalt  }
0x5d: {  	_ =	shalt  }
0x5e: {  	_ =	shalt  }
0x5f: {  	_ =	shalt  }
0x60: {  	_ =	shalt  }
0x61: {  	_ =	shalt  }
0x62: {  	_ =	shalt  }
0x63: {  	_ =	shalt  }
0x64: {  	_ =	shalt  }
0x65: {  	_ =	shalt  }
0x66: {  	_ =	shalt  }
0x67: {  	_ =	shalt  }
0x68: {  	_ =	shalt  }
0x69: {  	_ =	shalt  }
0x6a: {  	_ =	shalt  }
0x6b: {  	_ =	shalt  }
0x6c: {  	_ =	shalt  }
0x6d: {  	_ =	shalt  }
0x6e: {  	_ =	shalt  }
0x6f: {  	_ =	shalt  }
0x70: {  	_ =	shalt  }
0x71: {  	_ =	shalt  }
0x72: {  	_ =	shalt  }
0x73: {  	_ =	shalt  }
0x74: {  	_ =	shalt  }
0x75: {  	_ =	shalt  }
0x76: {  	_ =	shalt  }
0x77: {  	_ =	shalt  }
0x78: {  	_ =	shalt  }
0x79: {  	_ =	shalt  }
0x7a: {  	_ =	shalt  }
0x7b: {  	_ =	shalt  }
0x7c: {  	_ =	shalt  }
0x7d: {  	_ =	shalt  }
0x7e: {  	_ =	shalt  }
0x7f: {  	_ =	shalt  }
0x80: {  	_ =	shalt  }
0x81: {  	_ =	shalt  }
0x82: {  	_ =	shalt  }
0x83: {  	_ =	shalt  }
0x84: {  	_ =	shalt  }
0x85: {  	_ =	shalt  }
0x86: {  	_ =	shalt  }
0x87: {  	_ =	shalt  }
.Lfunc_end0:
.L_simem_size_0:
called_computation.2_lowered:
.L_overlay_start_0:
0x88: {  	s2 =	sld [smem:$0x3FD9]  }
0x89: {  	s3 =	sld [smem:$0x3FFE];
	_ =	sdelay $0x1  }
0x8a: {  	s1 =	srdreg.scid  }
0x8b: {  	s0 =	sand.u32 $0x1, s1  }
0x8c: {  	s17 =	sshll.u32 s0, $0xA;
	s2 =	sadd.s32 s3, s2  }
0x8d: {  	s2 =	sadd.s32 s2, s17  }
0x8e: {  	[smem:$0x3FC0] =	sst s2  }
0x8f: {  	_ = 	snop  }
0x90: {  	s2 =	sld [smem:$0x3FD0];
	(tm) =	ssettm $0x1  }
0x91: {  	s18 =	sld [smem:$0x3FFB];
	_ =	sdelay $0x3  }
0x92: {  	_ =	strace s18  }
0x93: {  	s3 =	sld [smem:$0x3FFC];
	_ =	sdelay $0x3  }
0x94: {  	_ =	strace s3  }
0x95: {  	s3 =	sld [smem:$0x3FFD];
	_ =	sdelay $0x3  }
0x96: {  	_ =	strace s3  }
0x97: {  	_ =	strace $0x8FFFFFFF  }
0x98: {  	s19 =	sld [smem:$0x3FDB];
	_ =	sdelay $0x1  }
0x99: {  	s4 =	simm.s32 $_scs_section_size  }
0x9a: {  	s5 =	simm.s32 $_size__tile_overlayer_lowered;
	s6 =	simm.s32 $_tile_overlayer_lowered  }
0x9b: {  	s22 =	simm.s32 $0x1BFF;
	s21 =	sshll.u32 s6, $0x1;
	s3 =	sadd.s32 s4, s19  }
0x9c: {  	s7 =	simm.s32 $0x0;
	s20 =	sshll.u32 s5, $0x1;
	s5 =	sadd.s32 s21, s3  }
0x9d: {  	[timem:s7], [sflag:s22] =	dma.local [hbm:s5], s20  }
0x9e: {  	_ =	swait.ge [sflag:s22], s20  }
0x9f: {  	s4 =	ssub.s32 $0x0, s20;
	[sflag:s22] =	ssyncset.done $0x0  }
0xa0: {  	[sflag:s22] =	ssyncadd.s32 s4;
	_ =	sdelay $0x1  }
0xa1: {  	s23 =	simm.s32 $0x1B8B  }
0xa2: {  	_ =	swait.ge [sflag:s23], $0x1  }
0xa3: {  	[sflag:s23] =	ssyncset.done $0x0  }
0xa4: {  	s25 =	simm.s32 $0x1B8E;
	s24 =	sld [smem:$0x3FFE];
	[sflag:s23] =	ssyncadd.s32 $0xFFFFFFFF  }
0xa5: {  	s26 =	simm.s32 $execute0_lowered;
	[smem:$0x3FD2] =	sst s25  }
0xa6: {  	s5 =	sshll.u32 s26, $0x1;
	_ =	strace $0x8000004C;
	[dreg:$0x1] =	wrdreg $0xFFFFFFFF  }
0xa7: {  	s28 =	simm.s32 $_size_execute0_lowered;
	s3 =	sadd.s32 s3, s5;
	[dreg:$0x0] =	wrdreg $0x0  }
0xa8: {  	s5 =	sshll.u32 s28, $0x1;
	[dreg:$0x2] =	wrdreg s3  }
0xa9: {  	[dreg:$0x3] =	wrdreg s5  }
0xaa: {  	[dreg:$0x4] =	wrdreg $0xC0  }
0xab: {  	_ =	task [dreg:s7], $0x5FFFF  }
0xac: {  	[dreg:$0x1] =	wrdreg $0xFFFFFFFF  }
0xad: {  	[dreg:$0x0] =	wrdreg $0x60  }
0xae: {  	[dreg:$0x2] =	wrdreg s24  }
0xaf: {  	[dreg:$0x3] =	wrdreg s2  }
0xb0: {  	[dreg:$0x4] =	wrdreg $0xB8000  }
0xb1: {  	[dreg:$0x5] =	wrdreg $0x9  }
0xb2: {  	_ =	task.clear_ibuf [dreg:s7], $0x6FFFF;
	_ =	strace $0x9000004C  }
0xb3: {  	s29 =	simm.s32 $0x9;
	_ =	strace $0x8000004E  }
0xb4: {  	_ =	swait.ge [sflag:s29], $0x1  }
0xb5: {  	[sflag:s29] =	ssyncadd.s32 $0xFFFFFFFF  }
0xb6: {  	_ =	strace $0x9000004E  }
0xb7: {  	_ =	sfence  }
0xb8: {  	s30 =	sld [smem:$0x0];
	_ =	sdelay $0x2  }
0xb9: {  	s31 =	sshll.u32 s1, $0xD;
	s1 =	sshrl.u32 s1, $0x2  }
0xba: {  	s3 =	sand.u32 $0x4000, s31;
	s1 =	sadd.s32 s1, s30  }
0xbb: {  	s0 =	sor.u32 s3, s0;
	s1 =	sshll.u32 s1, $0x11  }
0xbc: {  	s0 =	sor.u32 s1, s0  }
0xbd: {  	s0 =	sadd.s32 $0x8F2B, s0  }
0xbe: {  	[sflag:s0] =	ssyncadd.remote.s32 $0x1  }
0xbf: {  	_ =	sfence.sel $0xFFFF  }
0xc0: {  	[dreg:$0x0] =	wrdreg $0xFFFFFFFF;
	(pc) =	sbr.abs _section_cstart, $3  }
0xc1: {  	[dreg:$0x1] =	wrdreg $0xFFFFFFFF  }
0xc2: {  	_ =	task.clear_ibuf [dreg:s7], $0x2FFFF;
	_ =	strace $0x9FFFFFFF  }
0xc3: {  	(tm) =	ssettm $0x7FFFFFFF  }
tec
execute0_lowered:
.L_overlay_start_1:
0x0: {  	(tag) =	ssettag $0x1  }
0x1: {  	s0 =	rddreg [dreg:$0x0]  }
0x2: {  	s3 =	rddreg [dreg:$0x2];
	s4 =	simm.s32 $0x0  }
0x3: {  	s8 =	stileid.u32;
	s2 =	srdreg.scid;
	s21 =	simm.s32 $0x5  }
0x4: {  	s10 =	simm.s32 $0x480;
	s12 =	simm.s32 $0x100;
	s13 =	simm.s32 $0x180  }
0x5: {  	s15 =	simm.s32 $0x500;
	s16 =	simm.s32 $0x580;
	s17 =	simm.s32 $0x200  }
0x6: {  	s18 =	simm.s32 $0x280;
	s19 =	simm.s32 $0x600;
	s20 =	simm.s32 $0x680  }
0x7: {  	s22 =	simm.s32 $0x300;
	s23 =	simm.s32 $0x380;
	[smem:$0x7FF] =	sst s4  }
0x8: {  	s28 =	simm.s32 $0xA80;
	_ =	strace $0x8000004D;
	[dreg:$0x6] =	wrdreg s10  }
0x9: {  	s29 =	simm.s32 $0xE00;
	s30 =	simm.s32 $0xE80;
	[dreg:$0x7] =	wrdreg s12  }
0xa: {  	s31 =	simm.s32 $0xB00;
	s1 =	smul.u32 $0xA00, s8;
	[dreg:$0x8] =	wrdreg s13  }
0xb: {  	s2 =	sand.u32 $0x1, s2;
	s25 =	smul.u32 $0x50000, s8;
	[dreg:$0x9] =	wrdreg s15  }
0xc: {  	p0 =	seq.s32 s8, $0xF;
	s14 =	smul.u32 $0x2800, s8;
	[dreg:$0xa] =	wrdreg s16  }
0xd: {  	s8 =	simm.s32 $0x0;
	s5 =	smul.u32 $0x27100, s2;
	[dreg:$0xb] =	wrdreg s17  }
0xe: {  	s2 =	ssub.s32 $0x2, s2;
	s21 =	simm.s32 @!p0 $0x8;
	[dreg:$0xc] =	wrdreg s18  }
0xf: {  	s12 =	simm.s32 $0x3;
	s13 =	simm.s32 $0x400;
	[dreg:$0xd] =	wrdreg s19  }
0x10: {  	s15 =	simm.s32 $0xC00;
	s16 =	simm.s32 $0x80;
	[dreg:$0xe] =	wrdreg s20  }
0x11: {  	s17 =	simm.s32 $0x1000;
	[dreg:$0xf] =	wrdreg s22;
	s18 =	simm.s32 $0x5000  }
0x12: {  	[dreg:$0x10] =	wrdreg s23;
	s19 =	simm.s32 $0x1;
	s20 =	simm.s32 $0x2  }
0x13: {  	s22 =	simm.s32 $0x900;
	s23 =	simm.s32 $0x980;
	s1 =	sadd.s32 s1, s0  }
0x14: {  	s6 =	sshrl.u32 s2, $0x1;
	s11 =	sshrl.u32 s25, $0x2;
	[dreg:$0x17] =	wrdreg s14  }
0x15: {  	s14 =	simm.s32 $0x800;
	s25 =	simm.s32 $0x780;
	[dreg:$0x14] =	wrdreg s21  }
0x16: {  	s0 =	sadd.s32 s5, s0;
	s2 =	ssub.s32 s2, s6;
	s24 =	sadd.s32 $0x33000, s1  }
0x17: {  	s26 =	sadd.s32 $0x29000, s1;
	s1 =	sadd.s32 s11, s3;
	[dreg:$0x12] =	wrdreg s25  }
0x18: {  	s11 =	simm.s32 $0x9000;
	s25 =	simm.s32 $0xD80;
	[dreg:$0x4] =	wrdreg s24  }
0x19: {  	s6 =	sadd.s32 $0x3D000, s0;
	s7 =	sadd.s32 $0x8B200, s0;
	[dreg:$0x5] =	wrdreg s26  }
0x1a: {  	s9 =	smax.u32 s2, $0x1;
	[dreg:$0x16] =	wrdreg s1;
	s24 =	simm.s32 $0x700  }
0x1b: {  	s26 =	simm.s32 $0x880;
	s0 =	simm.s32 $0xB80;
	[dreg:$0x15] =	wrdreg s9  }
0x1c: {  	s2 =	simm.s32 $0xF00;
	s1 =	simm.s32 $0xF80;
	[dreg:$0x11] =	wrdreg s24  }
0x1d: {  	[dreg:$0x13] =	wrdreg s26;
	s24 =	simm.s32 $0xD00;
	s26 =	simm.s32 $0xA00  }
.LBB2_1:
0x1e: {  	s5 =	rddreg [dreg:$0x1]  }
0x1f: {  	[tilespmem:s11], [sflag:$0x3] =	stream.linear.gather [hbm4b:s5+s4], $0x2800, $0x38;
	[tilespmem:$0x1F0C0] =	vst v63  }
0x20: {  	p0 =	sne.s32 s21, $0x1;
	_ =	swait.ge [sflag:s12], $0x2800  }
.Ltmp0:
0x21: {  	[sflag:s12] =	ssyncset.done $0x0;
	(pc) =	sbr.rel @!p0 .LBB2_3-.Ltmp0, $4  }
0x22: {  	s9 =	rddreg [dreg:$0x16];
	[sflag:s12] =	ssyncadd.s32 $0xFFFFD800  }
0x23: {  	[spmem:s9] =	stream.linear.scatter [tilespmem:s11], [sflag:$0x3], $0x2800, $0x38;
	[tilespmem:$0x1F0C0] =	vst v63  }
0x24: {  	_ =	swait.ge [sflag:s12], $0x2800  }
0x25: {  	s5 =	sadd.s32 $0xFFFFFFFF, s21;
	[sflag:s12] =	ssyncset.done $0x0  }
.LBB2_2:
0x26: {  	p1 =	sne.s32 s5, $0x1;
	[sflag:s12] =	ssyncadd.s32 $0xFFFFD800;
	s9 =	sadd.s32 $0x2800, s9  }
.Ltmp1:
0x27: {  	s5 =	sadd.s32 $0xFFFFFFFF, s5;
	(pc) =	sbr.rel @p1 .LBB2_2-.Ltmp1, $4  }
0x28: {  	_ = 	snop  }
0x29: {  	[spmem:s9] =	stream.linear.scatter [tilespmem:s11], [sflag:$0x3], $0x2800, $0x38;
	[tilespmem:$0x1F0C0] =	vst v63  }
0x2a: {  	_ =	swait.ge [sflag:s12], $0x2800  }
0x2b: {  	[sflag:s12] =	ssyncset.done $0x0  }
.LBB2_3:
0x2c: {  	[dreg:$0x18] =	wrdreg s8;
	[sflag:s12] =	ssyncadd.s32 $0xFFFFD800  }
0x2d: {  	[bflag:$0x0] =	sbarrier.arrive $0xFFFF  }
0x2e: {  	s5 =	rddreg [dreg:$0x5]  }
0x2f: {  	s5 =	sadd.s32 $0x0, s5  }
0x30: {  	[tilespmem:s4], [sflag:$0x3] =	stream.linear.gather [hbm4b:s5+s4], $0x400, $0x38;
	[tilespmem:$0x1F0C0] =	vst v63  }
0x31: {  	_ =	swait.ge [sflag:s12], $0x400  }
0x32: {  	s9 =	rddreg [dreg:$0x4];
	[sflag:s12] =	ssyncset.done $0x0  }
0x33: {  	[sflag:s12] =	ssyncadd.s32 $0xFFFFFC00;
	s9 =	sadd.s32 $0x0, s9  }
0x34: {  	[tilespmem:s13], [sflag:$0x3] =	stream.linear.gather [hbm4b:s9+s4], $0x400, $0x38;
	[tilespmem:$0x1F0C0] =	vst v63  }
0x35: {  	_ =	swait.ge [sflag:s12], $0x400  }
0x36: {  	[sflag:s12] =	ssyncset.done $0x0  }
0x37: {  	s5 =	sadd.s32 $0x80, s5;
	[sflag:s12] =	ssyncadd.s32 $0xFFFFFC00  }
0x38: {  	[tilespmem:s14], [sflag:$0x2] =	stream.linear.gather [hbm4b:s5+s4], $0x400, $0x38;
	[tilespmem:$0x1F0C0] =	vst v63  }
0x39: {  	s8 =	sadd.s32 $0x80, s9  }
0x3a: {  	[tilespmem:s15], [sflag:$0x2] =	stream.linear.gather [hbm4b:s8+s4], $0x400, $0x38;
	[tilespmem:$0x1F0C0] =	vst v63  }
0x3b: {  	_ = 	snop  }
0x3c: {  	[tilespmem:s17], [sflag:$0x1] =	stream.indirect.gather [hbm4b:s6+s16], $0x80, s4, s16, $0xb8;
	[tilespmem:$0x1F0C0] =	vst v63  }
0x3d: {  	_ = 	snop  }
0x3e: {  	[tilespmem:s18], [sflag:$0x1] =	stream.indirect.gather [hbm4b:s6+s16], $0x80, s16, s16, $0xb8;
	[tilespmem:$0x1F0C0] =	vst v63  }
0x3f: {  	_ =	swait.ge [sflag:s19], $0x4000  }
0x40: {  	[sflag:s19] =	ssyncset.done $0x0  }
0x41: {  	[sflag:s19] =	ssyncadd.s32 $0xFFFFC000  }
0x42: {  	[spmem:s3] =	stream.indirect.scatter.add.f32 [tilespmem:s17], [sflag:$0x3], $0x80, s13, s16, $0xb8;
	[tilespmem:$0x1F0C0] =	vst v63  }
0x43: {  	_ =	swait.ge [sflag:s12], $0x4000  }
0x44: {  	[sflag:s12] =	ssyncset.done $0x0  }
0x45: {  	[sflag:s12] =	ssyncadd.s32 $0xFFFFC000  }
0x46: {  	_ =	swait.ge [sflag:s19], $0x4000  }
0x47: {  	[sflag:s19] =	ssyncset.done $0x0  }
0x48: {  	s9 =	rddreg [dreg:$0x6];
	[sflag:s19] =	ssyncadd.s32 $0xFFFFC000  }
0x49: {  	[spmem:s3] =	stream.indirect.scatter.add.f32 [tilespmem:s18], [sflag:$0x3], $0x80, s9, s16, $0xb8;
	[tilespmem:$0x1F0C0] =	vst v63  }
0x4a: {  	_ =	swait.ge [sflag:s12], $0x4000  }
0x4b: {  	[sflag:s12] =	ssyncset.done $0x0  }
0x4c: {  	s10 =	rddreg [dreg:$0x7];
	[sflag:s12] =	ssyncadd.s32 $0xFFFFC000  }
0x4d: {  	[tilespmem:s17], [sflag:$0x1] =	stream.indirect.gather [hbm4b:s6+s16], $0x80, s10, s16, $0xb8;
	[tilespmem:$0x1F0C0] =	vst v63  }
0x4e: {  	s21 =	rddreg [dreg:$0x8]  }
0x4f: {  	[tilespmem:s18], [sflag:$0x1] =	stream.indirect.gather [hbm4b:s6+s16], $0x80, s21, s16, $0xb8;
	[tilespmem:$0x1F0C0] =	vst v63  }
0x50: {  	_ =	swait.ge [sflag:s19], $0x4000  }
0x51: {  	[sflag:s19] =	ssyncset.done $0x0  }
0x52: {  	s8 =	rddreg [dreg:$0x9];
	[sflag:s19] =	ssyncadd.s32 $0xFFFFC000  }
0x53: {  	[spmem:s3] =	stream.indirect.scatter.add.f32 [tilespmem:s17], [sflag:$0x3], $0x80, s8, s16, $0xb8;
	[tilespmem:$0x1F0C0] =	vst v63  }
0x54: {  	_ =	swait.ge [sflag:s12], $0x4000  }
0x55: {  	[sflag:s12] =	ssyncset.done $0x0  }
0x56: {  	[sflag:s12] =	ssyncadd.s32 $0xFFFFC000  }
0x57: {  	_ =	swait.ge [sflag:s19], $0x4000  }
0x58: {  	[sflag:s19] =	ssyncset.done $0x0  }
0x59: {  	s9 =	rddreg [dreg:$0xa];
	[sflag:s19] =	ssyncadd.s32 $0xFFFFC000  }
0x5a: {  	[spmem:s3] =	stream.indirect.scatter.add.f32 [tilespmem:s18], [sflag:$0x3], $0x80, s9, s16, $0xb8;
	[tilespmem:$0x1F0C0] =	vst v63  }
0x5b: {  	_ =	swait.ge [sflag:s12], $0x4000  }
0x5c: {  	[sflag:s12] =	ssyncset.done $0x0  }
0x5d: {  	s10 =	rddreg [dreg:$0xb];
	[sflag:s12] =	ssyncadd.s32 $0xFFFFC000  }
0x5e: {  	[tilespmem:s17], [sflag:$0x1] =	stream.indirect.gather [hbm4b:s6+s16], $0x80, s10, s16, $0xb8;
	[tilespmem:$0x1F0C0] =	vst v63  }
0x5f: {  	s21 =	rddreg [dreg:$0xc]  }
0x60: {  	[tilespmem:s18], [sflag:$0x1] =	stream.indirect.gather [hbm4b:s6+s16], $0x80, s21, s16, $0xb8;
	[tilespmem:$0x1F0C0] =	vst v63  }
0x61: {  	_ =	swait.ge [sflag:s19], $0x4000  }
0x62: {  	[sflag:s19] =	ssyncset.done $0x0  }
0x63: {  	s8 =	rddreg [dreg:$0xd];
	[sflag:s19] =	ssyncadd.s32 $0xFFFFC000  }
0x64: {  	[spmem:s3] =	stream.indirect.scatter.add.f32 [tilespmem:s17], [sflag:$0x3], $0x80, s8, s16, $0xb8;
	[tilespmem:$0x1F0C0] =	vst v63  }
0x65: {  	_ =	swait.ge [sflag:s12], $0x4000  }
0x66: {  	[sflag:s12] =	ssyncset.done $0x0  }
0x67: {  	[sflag:s12] =	ssyncadd.s32 $0xFFFFC000  }
0x68: {  	_ =	swait.ge [sflag:s19], $0x4000  }
0x69: {  	[sflag:s19] =	ssyncset.done $0x0  }
0x6a: {  	s9 =	rddreg [dreg:$0xe];
	[sflag:s19] =	ssyncadd.s32 $0xFFFFC000  }
0x6b: {  	[spmem:s3] =	stream.indirect.scatter.add.f32 [tilespmem:s18], [sflag:$0x3], $0x80, s9, s16, $0xb8;
	[tilespmem:$0x1F0C0] =	vst v63  }
0x6c: {  	_ =	swait.ge [sflag:s12], $0x4000  }
0x6d: {  	[sflag:s12] =	ssyncset.done $0x0  }
0x6e: {  	s10 =	rddreg [dreg:$0xf];
	[sflag:s12] =	ssyncadd.s32 $0xFFFFC000  }
0x6f: {  	[tilespmem:s17], [sflag:$0x1] =	stream.indirect.gather [hbm4b:s6+s16], $0x80, s10, s16, $0xb8;
	[tilespmem:$0x1F0C0] =	vst v63  }
0x70: {  	s21 =	rddreg [dreg:$0x10]  }
0x71: {  	[tilespmem:s18], [sflag:$0x1] =	stream.indirect.gather [hbm4b:s6+s16], $0x80, s21, s16, $0xb8;
	[tilespmem:$0x1F0C0] =	vst v63  }
0x72: {  	_ =	swait.ge [sflag:s19], $0x4000  }
0x73: {  	[sflag:s19] =	ssyncset.done $0x0  }
0x74: {  	s8 =	rddreg [dreg:$0x11];
	[sflag:s19] =	ssyncadd.s32 $0xFFFFC000  }
0x75: {  	[spmem:s3] =	stream.indirect.scatter.add.f32 [tilespmem:s17], [sflag:$0x3], $0x80, s8, s16, $0xb8;
	[tilespmem:$0x1F0C0] =	vst v63  }
0x76: {  	_ =	swait.ge [sflag:s12], $0x4000  }
0x77: {  	[sflag:s12] =	ssyncset.done $0x0  }
0x78: {  	[sflag:s12] =	ssyncadd.s32 $0xFFFFC000  }
0x79: {  	_ =	swait.ge [sflag:s19], $0x4000  }
0x7a: {  	[sflag:s19] =	ssyncset.done $0x0  }
0x7b: {  	s9 =	rddreg [dreg:$0x12];
	[sflag:s19] =	ssyncadd.s32 $0xFFFFC000  }
0x7c: {  	[spmem:s3] =	stream.indirect.scatter.add.f32 [tilespmem:s18], [sflag:$0x3], $0x80, s9, s16, $0xb8;
	[tilespmem:$0x1F0C0] =	vst v63  }
0x7d: {  	_ =	swait.ge [sflag:s12], $0x4000  }
0x7e: {  	[sflag:s12] =	ssyncset.done $0x0  }
0x7f: {  	[sflag:s12] =	ssyncadd.s32 $0xFFFFC000  }
0x80: {  	_ =	swait.ge [sflag:s20], $0x400  }
0x81: {  	[sflag:s20] =	ssyncset.done $0x0  }
0x82: {  	[sflag:s20] =	ssyncadd.s32 $0xFFFFFC00  }
0x83: {  	_ =	swait.ge [sflag:s20], $0x400  }
0x84: {  	[sflag:s20] =	ssyncset.done $0x0  }
0x85: {  	[sflag:s20] =	ssyncadd.s32 $0xFFFFFC00  }
0x86: {  	[tilespmem:s17], [sflag:$0x1] =	stream.indirect.gather [hbm4b:s6+s16], $0x80, s14, s16, $0xb8;
	[tilespmem:$0x1F0C0] =	vst v63  }
0x87: {  	s10 =	rddreg [dreg:$0x13]  }
0x88: {  	[tilespmem:s18], [sflag:$0x1] =	stream.indirect.gather [hbm4b:s6+s16], $0x80, s10, s16, $0xb8;
	[tilespmem:$0x1F0C0] =	vst v63  }
0x89: {  	_ =	swait.ge [sflag:s19], $0x4000  }
0x8a: {  	[sflag:s19] =	ssyncset.done $0x0  }
0x8b: {  	[sflag:s19] =	ssyncadd.s32 $0xFFFFC000  }
0x8c: {  	[spmem:s3] =	stream.indirect.scatter.add.f32 [tilespmem:s17], [sflag:$0x3], $0x80, s15, s16, $0xb8;
	[tilespmem:$0x1F0C0] =	vst v63  }
0x8d: {  	_ =	swait.ge [sflag:s12], $0x4000  }
0x8e: {  	[sflag:s12] =	ssyncset.done $0x0  }
0x8f: {  	[sflag:s12] =	ssyncadd.s32 $0xFFFFC000  }
0x90: {  	_ =	swait.ge [sflag:s19], $0x4000  }
0x91: {  	[sflag:s19] =	ssyncset.done $0x0  }
0x92: {  	s21 =	simm.s32 $0xC80;
	[sflag:s19] =	ssyncadd.s32 $0xFFFFC000  }
0x93: {  	[spmem:s3] =	stream.indirect.scatter.add.f32 [tilespmem:s18], [sflag:$0x3], $0x80, s21, s16, $0xb8;
	[tilespmem:$0x1F0C0] =	vst v63  }
0x94: {  	_ =	swait.ge [sflag:s12], $0x4000  }
0x95: {  	[sflag:s12] =	ssyncset.done $0x0  }
0x96: {  	[sflag:s12] =	ssyncadd.s32 $0xFFFFC000  }
0x97: {  	[tilespmem:s17], [sflag:$0x1] =	stream.indirect.gather [hbm4b:s6+s16], $0x80, s22, s16, $0xb8;
	[tilespmem:$0x1F0C0] =	vst v63  }
0x98: {  	_ = 	snop  }
0x99: {  	[tilespmem:s18], [sflag:$0x1] =	stream.indirect.gather [hbm4b:s6+s16], $0x80, s23, s16, $0xb8;
	[tilespmem:$0x1F0C0] =	vst v63  }
0x9a: {  	_ =	swait.ge [sflag:s19], $0x4000  }
0x9b: {  	[sflag:s19] =	ssyncset.done $0x0  }
0x9c: {  	[sflag:s19] =	ssyncadd.s32 $0xFFFFC000  }
0x9d: {  	[spmem:s3] =	stream.indirect.scatter.add.f32 [tilespmem:s17], [sflag:$0x3], $0x80, s24, s16, $0xb8;
	[tilespmem:$0x1F0C0] =	vst v63  }
0x9e: {  	_ =	swait.ge [sflag:s12], $0x4000  }
0x9f: {  	[sflag:s12] =	ssyncset.done $0x0  }
0xa0: {  	[sflag:s12] =	ssyncadd.s32 $0xFFFFC000  }
0xa1: {  	_ =	swait.ge [sflag:s19], $0x4000  }
0xa2: {  	[sflag:s19] =	ssyncset.done $0x0  }
0xa3: {  	[sflag:s19] =	ssyncadd.s32 $0xFFFFC000  }
0xa4: {  	[spmem:s3] =	stream.indirect.scatter.add.f32 [tilespmem:s18], [sflag:$0x3], $0x80, s25, s16, $0xb8;
	[tilespmem:$0x1F0C0] =	vst v63  }
0xa5: {  	_ =	swait.ge [sflag:s12], $0x4000  }
0xa6: {  	[sflag:s12] =	ssyncset.done $0x0  }
0xa7: {  	[sflag:s12] =	ssyncadd.s32 $0xFFFFC000  }
0xa8: {  	[tilespmem:s17], [sflag:$0x1] =	stream.indirect.gather [hbm4b:s6+s16], $0x80, s26, s16, $0xb8;
	[tilespmem:$0x1F0C0] =	vst v63  }
0xa9: {  	_ = 	snop  }
0xaa: {  	[tilespmem:s18], [sflag:$0x1] =	stream.indirect.gather [hbm4b:s6+s16], $0x80, s28, s16, $0xb8;
	[tilespmem:$0x1F0C0] =	vst v63  }
0xab: {  	_ =	swait.ge [sflag:s19], $0x4000  }
0xac: {  	[sflag:s19] =	ssyncset.done $0x0  }
0xad: {  	[sflag:s19] =	ssyncadd.s32 $0xFFFFC000  }
0xae: {  	[spmem:s3] =	stream.indirect.scatter.add.f32 [tilespmem:s17], [sflag:$0x3], $0x80, s29, s16, $0xb8;
	[tilespmem:$0x1F0C0] =	vst v63  }
0xaf: {  	_ =	swait.ge [sflag:s12], $0x4000  }
0xb0: {  	[sflag:s12] =	ssyncset.done $0x0  }
0xb1: {  	[sflag:s12] =	ssyncadd.s32 $0xFFFFC000  }
0xb2: {  	_ =	swait.ge [sflag:s19], $0x4000  }
0xb3: {  	[sflag:s19] =	ssyncset.done $0x0  }
0xb4: {  	[sflag:s19] =	ssyncadd.s32 $0xFFFFC000  }
0xb5: {  	[spmem:s3] =	stream.indirect.scatter.add.f32 [tilespmem:s18], [sflag:$0x3], $0x80, s30, s16, $0xb8;
	[tilespmem:$0x1F0C0] =	vst v63  }
0xb6: {  	_ =	swait.ge [sflag:s12], $0x4000  }
0xb7: {  	[sflag:s12] =	ssyncset.done $0x0  }
0xb8: {  	[sflag:s12] =	ssyncadd.s32 $0xFFFFC000  }
0xb9: {  	[tilespmem:s17], [sflag:$0x1] =	stream.indirect.gather [hbm4b:s6+s16], $0x80, s31, s16, $0xb8;
	[tilespmem:$0x1F0C0] =	vst v63  }
0xba: {  	_ = 	snop  }
0xbb: {  	[tilespmem:s18], [sflag:$0x1] =	stream.indirect.gather [hbm4b:s6+s16], $0x80, s0, s16, $0xb8;
	[tilespmem:$0x1F0C0] =	vst v63  }
0xbc: {  	_ =	swait.ge [sflag:s19], $0x4000  }
0xbd: {  	[sflag:s19] =	ssyncset.done $0x0  }
0xbe: {  	[sflag:s19] =	ssyncadd.s32 $0xFFFFC000  }
0xbf: {  	[spmem:s3] =	stream.indirect.scatter.add.f32 [tilespmem:s17], [sflag:$0x3], $0x80, s2, s16, $0xb8;
	[tilespmem:$0x1F0C0] =	vst v63  }
0xc0: {  	_ =	swait.ge [sflag:s12], $0x4000  }
0xc1: {  	[sflag:s12] =	ssyncset.done $0x0  }
0xc2: {  	[sflag:s12] =	ssyncadd.s32 $0xFFFFC000  }
0xc3: {  	_ =	swait.ge [sflag:s19], $0x4000  }
0xc4: {  	[sflag:s19] =	ssyncset.done $0x0  }
0xc5: {  	[sflag:s19] =	ssyncadd.s32 $0xFFFFC000  }
0xc6: {  	[spmem:s3] =	stream.indirect.scatter.add.f32 [tilespmem:s18], [sflag:$0x3], $0x80, s1, s16, $0xb8;
	[tilespmem:$0x1F0C0] =	vst v63  }
0xc7: {  	s5 =	simm.s32 $0x200;
	_ =	swait.ge [sflag:s12], $0x4000  }
0xc8: {  	s10 =	simm.s32 $0x100;
	s9 =	rddreg [dreg:$0x5];
	[sflag:s12] =	ssyncset.done $0x0  }
.LBB2_4:
0xc9: {  	[sflag:s12] =	ssyncadd.s32 $0xFFFFC000;
	s9 =	sadd.s32 s10, s9  }
0xca: {  	[tilespmem:s4], [sflag:$0x3] =	stream.linear.gather [hbm4b:s9+s4], $0x400, $0x38;
	[tilespmem:$0x1F0C0] =	vst v63  }
0xcb: {  	_ =	swait.ge [sflag:s12], $0x400  }
0xcc: {  	s21 =	rddreg [dreg:$0x4];
	[sflag:s12] =	ssyncset.done $0x0  }
0xcd: {  	[sflag:s12] =	ssyncadd.s32 $0xFFFFFC00;
	s21 =	sadd.s32 s10, s21  }
0xce: {  	[tilespmem:s13], [sflag:$0x3] =	stream.linear.gather [hbm4b:s21+s4], $0x400, $0x38;
	[tilespmem:$0x1F0C0] =	vst v63  }
0xcf: {  	_ =	swait.ge [sflag:s12], $0x400  }
0xd0: {  	[sflag:s12] =	ssyncset.done $0x0  }
0xd1: {  	s9 =	sadd.s32 $0x80, s9;
	[sflag:s12] =	ssyncadd.s32 $0xFFFFFC00  }
0xd2: {  	[tilespmem:s14], [sflag:$0x2] =	stream.linear.gather [hbm4b:s9+s4], $0x400, $0x38;
	[tilespmem:$0x1F0C0] =	vst v63  }
0xd3: {  	s9 =	sadd.s32 $0x80, s21  }
0xd4: {  	[tilespmem:s15], [sflag:$0x2] =	stream.linear.gather [hbm4b:s9+s4], $0x400, $0x38;
	[tilespmem:$0x1F0C0] =	vst v63  }
0xd5: {  	_ = 	snop  }
0xd6: {  	[tilespmem:s17], [sflag:$0x1] =	stream.indirect.gather [hbm4b:s6+s16], $0x80, s4, s16, $0xb8;
	[tilespmem:$0x1F0C0] =	vst v63  }
0xd7: {  	_ = 	snop  }
0xd8: {  	[tilespmem:s18], [sflag:$0x1] =	stream.indirect.gather [hbm4b:s6+s16], $0x80, s16, s16, $0xb8;
	[tilespmem:$0x1F0C0] =	vst v63  }
0xd9: {  	_ =	swait.ge [sflag:s19], $0x4000  }
0xda: {  	[sflag:s19] =	ssyncset.done $0x0  }
0xdb: {  	[sflag:s19] =	ssyncadd.s32 $0xFFFFC000  }
0xdc: {  	[spmem:s3] =	stream.indirect.scatter.add.f32 [tilespmem:s17], [sflag:$0x3], $0x80, s13, s16, $0xb8;
	[tilespmem:$0x1F0C0] =	vst v63  }
0xdd: {  	_ =	swait.ge [sflag:s12], $0x4000  }
0xde: {  	[sflag:s12] =	ssyncset.done $0x0  }
0xdf: {  	[sflag:s12] =	ssyncadd.s32 $0xFFFFC000  }
0xe0: {  	_ =	swait.ge [sflag:s19], $0x4000  }
0xe1: {  	[sflag:s19] =	ssyncset.done $0x0  }
0xe2: {  	s9 =	rddreg [dreg:$0x6];
	[sflag:s19] =	ssyncadd.s32 $0xFFFFC000  }
0xe3: {  	[spmem:s3] =	stream.indirect.scatter.add.f32 [tilespmem:s18], [sflag:$0x3], $0x80, s9, s16, $0xb8;
	[tilespmem:$0x1F0C0] =	vst v63  }
0xe4: {  	_ =	swait.ge [sflag:s12], $0x4000  }
0xe5: {  	s8 =	smov.u32 s5;
	[sflag:s12] =	ssyncset.done $0x0  }
0xe6: {  	s10 =	smov.u32 s8;
	s8 =	rddreg [dreg:$0x7];
	[sflag:s12] =	ssyncadd.s32 $0xFFFFC000  }
0xe7: {  	[tilespmem:s17], [sflag:$0x1] =	stream.indirect.gather [hbm4b:s6+s16], $0x80, s8, s16, $0xb8;
	[tilespmem:$0x1F0C0] =	vst v63  }
0xe8: {  	s9 =	rddreg [dreg:$0x8]  }
0xe9: {  	[tilespmem:s18], [sflag:$0x1] =	stream.indirect.gather [hbm4b:s6+s16], $0x80, s9, s16, $0xb8;
	[tilespmem:$0x1F0C0] =	vst v63  }
0xea: {  	_ =	swait.ge [sflag:s19], $0x4000  }
0xeb: {  	[sflag:s19] =	ssyncset.done $0x0  }
0xec: {  	s9 =	rddreg [dreg:$0x9];
	[sflag:s19] =	ssyncadd.s32 $0xFFFFC000  }
0xed: {  	[spmem:s3] =	stream.indirect.scatter.add.f32 [tilespmem:s17], [sflag:$0x3], $0x80, s9, s16, $0xb8;
	[tilespmem:$0x1F0C0] =	vst v63  }
0xee: {  	_ =	swait.ge [sflag:s12], $0x4000  }
0xef: {  	[sflag:s12] =	ssyncset.done $0x0  }
0xf0: {  	[sflag:s12] =	ssyncadd.s32 $0xFFFFC000  }
0xf1: {  	_ =	swait.ge [sflag:s19], $0x4000  }
0xf2: {  	[sflag:s19] =	ssyncset.done $0x0  }
0xf3: {  	s9 =	rddreg [dreg:$0xa];
	[sflag:s19] =	ssyncadd.s32 $0xFFFFC000  }
0xf4: {  	[spmem:s3] =	stream.indirect.scatter.add.f32 [tilespmem:s18], [sflag:$0x3], $0x80, s9, s16, $0xb8;
	[tilespmem:$0x1F0C0] =	vst v63  }
0xf5: {  	_ =	swait.ge [sflag:s12], $0x4000  }
0xf6: {  	[sflag:s12] =	ssyncset.done $0x0  }
0xf7: {  	s8 =	rddreg [dreg:$0xb];
	[sflag:s12] =	ssyncadd.s32 $0xFFFFC000  }
0xf8: {  	[tilespmem:s17], [sflag:$0x1] =	stream.indirect.gather [hbm4b:s6+s16], $0x80, s8, s16, $0xb8;
	[tilespmem:$0x1F0C0] =	vst v63  }
0xf9: {  	s9 =	rddreg [dreg:$0xc]  }
0xfa: {  	[tilespmem:s18], [sflag:$0x1] =	stream.indirect.gather [hbm4b:s6+s16], $0x80, s9, s16, $0xb8;
	[tilespmem:$0x1F0C0] =	vst v63  }
0xfb: {  	_ =	swait.ge [sflag:s19], $0x4000  }
0xfc: {  	[sflag:s19] =	ssyncset.done $0x0  }
0xfd: {  	s9 =	rddreg [dreg:$0xd];
	[sflag:s19] =	ssyncadd.s32 $0xFFFFC000  }
0xfe: {  	[spmem:s3] =	stream.indirect.scatter.add.f32 [tilespmem:s17], [sflag:$0x3], $0x80, s9, s16, $0xb8;
	[tilespmem:$0x1F0C0] =	vst v63  }
0xff: {  	_ =	swait.ge [sflag:s12], $0x4000  }
0x100: {  	[sflag:s12] =	ssyncset.done $0x0  }
0x101: {  	[sflag:s12] =	ssyncadd.s32 $0xFFFFC000  }
0x102: {  	_ =	swait.ge [sflag:s19], $0x4000  }
0x103: {  	[sflag:s19] =	ssyncset.done $0x0  }
0x104: {  	s9 =	rddreg [dreg:$0xe];
	[sflag:s19] =	ssyncadd.s32 $0xFFFFC000  }
0x105: {  	[spmem:s3] =	stream.indirect.scatter.add.f32 [tilespmem:s18], [sflag:$0x3], $0x80, s9, s16, $0xb8;
	[tilespmem:$0x1F0C0] =	vst v63  }
0x106: {  	_ =	swait.ge [sflag:s12], $0x4000  }
0x107: {  	[sflag:s12] =	ssyncset.done $0x0  }
0x108: {  	s8 =	rddreg [dreg:$0xf];
	[sflag:s12] =	ssyncadd.s32 $0xFFFFC000  }
0x109: {  	[tilespmem:s17], [sflag:$0x1] =	stream.indirect.gather [hbm4b:s6+s16], $0x80, s8, s16, $0xb8;
	[tilespmem:$0x1F0C0] =	vst v63  }
0x10a: {  	s9 =	rddreg [dreg:$0x10]  }
0x10b: {  	[tilespmem:s18], [sflag:$0x1] =	stream.indirect.gather [hbm4b:s6+s16], $0x80, s9, s16, $0xb8;
	[tilespmem:$0x1F0C0] =	vst v63  }
0x10c: {  	_ =	swait.ge [sflag:s19], $0x4000  }
0x10d: {  	[sflag:s19] =	ssyncset.done $0x0  }
0x10e: {  	s9 =	rddreg [dreg:$0x11];
	[sflag:s19] =	ssyncadd.s32 $0xFFFFC000  }
0x10f: {  	[spmem:s3] =	stream.indirect.scatter.add.f32 [tilespmem:s17], [sflag:$0x3], $0x80, s9, s16, $0xb8;
	[tilespmem:$0x1F0C0] =	vst v63  }
0x110: {  	_ =	swait.ge [sflag:s12], $0x4000  }
0x111: {  	[sflag:s12] =	ssyncset.done $0x0  }
0x112: {  	[sflag:s12] =	ssyncadd.s32 $0xFFFFC000  }
0x113: {  	_ =	swait.ge [sflag:s19], $0x4000  }
0x114: {  	[sflag:s19] =	ssyncset.done $0x0  }
0x115: {  	s9 =	rddreg [dreg:$0x12];
	[sflag:s19] =	ssyncadd.s32 $0xFFFFC000  }
0x116: {  	[spmem:s3] =	stream.indirect.scatter.add.f32 [tilespmem:s18], [sflag:$0x3], $0x80, s9, s16, $0xb8;
	[tilespmem:$0x1F0C0] =	vst v63  }
0x117: {  	_ =	swait.ge [sflag:s12], $0x4000  }
0x118: {  	[sflag:s12] =	ssyncset.done $0x0  }
0x119: {  	[sflag:s12] =	ssyncadd.s32 $0xFFFFC000  }
0x11a: {  	_ =	swait.ge [sflag:s20], $0x400  }
0x11b: {  	[sflag:s20] =	ssyncset.done $0x0  }
0x11c: {  	[sflag:s20] =	ssyncadd.s32 $0xFFFFFC00  }
0x11d: {  	_ =	swait.ge [sflag:s20], $0x400  }
0x11e: {  	[sflag:s20] =	ssyncset.done $0x0  }
0x11f: {  	[sflag:s20] =	ssyncadd.s32 $0xFFFFFC00  }
0x120: {  	[tilespmem:s17], [sflag:$0x1] =	stream.indirect.gather [hbm4b:s6+s16], $0x80, s14, s16, $0xb8;
	[tilespmem:$0x1F0C0] =	vst v63  }
0x121: {  	s9 =	rddreg [dreg:$0x13]  }
0x122: {  	[tilespmem:s18], [sflag:$0x1] =	stream.indirect.gather [hbm4b:s6+s16], $0x80, s9, s16, $0xb8;
	[tilespmem:$0x1F0C0] =	vst v63  }
0x123: {  	_ =	swait.ge [sflag:s19], $0x4000  }
0x124: {  	[sflag:s19] =	ssyncset.done $0x0  }
0x125: {  	[sflag:s19] =	ssyncadd.s32 $0xFFFFC000  }
0x126: {  	[spmem:s3] =	stream.indirect.scatter.add.f32 [tilespmem:s17], [sflag:$0x3], $0x80, s15, s16, $0xb8;
	[tilespmem:$0x1F0C0] =	vst v63  }
0x127: {  	_ =	swait.ge [sflag:s12], $0x4000  }
0x128: {  	[sflag:s12] =	ssyncset.done $0x0  }
0x129: {  	[sflag:s12] =	ssyncadd.s32 $0xFFFFC000  }
0x12a: {  	_ =	swait.ge [sflag:s19], $0x4000  }
0x12b: {  	[sflag:s19] =	ssyncset.done $0x0  }
0x12c: {  	s21 =	simm.s32 $0xC80;
	[sflag:s19] =	ssyncadd.s32 $0xFFFFC000  }
0x12d: {  	[spmem:s3] =	stream.indirect.scatter.add.f32 [tilespmem:s18], [sflag:$0x3], $0x80, s21, s16, $0xb8;
	[tilespmem:$0x1F0C0] =	vst v63  }
0x12e: {  	_ =	swait.ge [sflag:s12], $0x4000  }
0x12f: {  	[sflag:s12] =	ssyncset.done $0x0  }
0x130: {  	[sflag:s12] =	ssyncadd.s32 $0xFFFFC000  }
0x131: {  	[tilespmem:s17], [sflag:$0x1] =	stream.indirect.gather [hbm4b:s6+s16], $0x80, s22, s16, $0xb8;
	[tilespmem:$0x1F0C0] =	vst v63  }
0x132: {  	_ = 	snop  }
0x133: {  	[tilespmem:s18], [sflag:$0x1] =	stream.indirect.gather [hbm4b:s6+s16], $0x80, s23, s16, $0xb8;
	[tilespmem:$0x1F0C0] =	vst v63  }
0x134: {  	_ =	swait.ge [sflag:s19], $0x4000  }
0x135: {  	[sflag:s19] =	ssyncset.done $0x0  }
0x136: {  	[sflag:s19] =	ssyncadd.s32 $0xFFFFC000  }
0x137: {  	[spmem:s3] =	stream.indirect.scatter.add.f32 [tilespmem:s17], [sflag:$0x3], $0x80, s24, s16, $0xb8;
	[tilespmem:$0x1F0C0] =	vst v63  }
0x138: {  	_ =	swait.ge [sflag:s12], $0x4000  }
0x139: {  	[sflag:s12] =	ssyncset.done $0x0  }
0x13a: {  	[sflag:s12] =	ssyncadd.s32 $0xFFFFC000  }
0x13b: {  	_ =	swait.ge [sflag:s19], $0x4000  }
0x13c: {  	[sflag:s19] =	ssyncset.done $0x0  }
0x13d: {  	[sflag:s19] =	ssyncadd.s32 $0xFFFFC000  }
0x13e: {  	[spmem:s3] =	stream.indirect.scatter.add.f32 [tilespmem:s18], [sflag:$0x3], $0x80, s25, s16, $0xb8;
	[tilespmem:$0x1F0C0] =	vst v63  }
0x13f: {  	_ =	swait.ge [sflag:s12], $0x4000  }
0x140: {  	[sflag:s12] =	ssyncset.done $0x0  }
0x141: {  	[sflag:s12] =	ssyncadd.s32 $0xFFFFC000  }
0x142: {  	[tilespmem:s17], [sflag:$0x1] =	stream.indirect.gather [hbm4b:s6+s16], $0x80, s26, s16, $0xb8;
	[tilespmem:$0x1F0C0] =	vst v63  }
0x143: {  	_ = 	snop  }
0x144: {  	[tilespmem:s18], [sflag:$0x1] =	stream.indirect.gather [hbm4b:s6+s16], $0x80, s28, s16, $0xb8;
	[tilespmem:$0x1F0C0] =	vst v63  }
0x145: {  	_ =	swait.ge [sflag:s19], $0x4000  }
0x146: {  	[sflag:s19] =	ssyncset.done $0x0  }
0x147: {  	[sflag:s19] =	ssyncadd.s32 $0xFFFFC000  }
0x148: {  	[spmem:s3] =	stream.indirect.scatter.add.f32 [tilespmem:s17], [sflag:$0x3], $0x80, s29, s16, $0xb8;
	[tilespmem:$0x1F0C0] =	vst v63  }
0x149: {  	_ =	swait.ge [sflag:s12], $0x4000  }
0x14a: {  	[sflag:s12] =	ssyncset.done $0x0  }
0x14b: {  	[sflag:s12] =	ssyncadd.s32 $0xFFFFC000  }
0x14c: {  	_ =	swait.ge [sflag:s19], $0x4000  }
0x14d: {  	[sflag:s19] =	ssyncset.done $0x0  }
0x14e: {  	[sflag:s19] =	ssyncadd.s32 $0xFFFFC000  }
0x14f: {  	[spmem:s3] =	stream.indirect.scatter.add.f32 [tilespmem:s18], [sflag:$0x3], $0x80, s30, s16, $0xb8;
	[tilespmem:$0x1F0C0] =	vst v63  }
0x150: {  	_ =	swait.ge [sflag:s12], $0x4000  }
0x151: {  	[sflag:s12] =	ssyncset.done $0x0  }
0x152: {  	[sflag:s12] =	ssyncadd.s32 $0xFFFFC000  }
0x153: {  	[tilespmem:s17], [sflag:$0x1] =	stream.indirect.gather [hbm4b:s6+s16], $0x80, s31, s16, $0xb8;
	[tilespmem:$0x1F0C0] =	vst v63  }
0x154: {  	_ = 	snop  }
0x155: {  	[tilespmem:s18], [sflag:$0x1] =	stream.indirect.gather [hbm4b:s6+s16], $0x80, s0, s16, $0xb8;
	[tilespmem:$0x1F0C0] =	vst v63  }
0x156: {  	_ =	swait.ge [sflag:s19], $0x4000  }
0x157: {  	[sflag:s19] =	ssyncset.done $0x0  }
0x158: {  	[sflag:s19] =	ssyncadd.s32 $0xFFFFC000  }
0x159: {  	[spmem:s3] =	stream.indirect.scatter.add.f32 [tilespmem:s17], [sflag:$0x3], $0x80, s2, s16, $0xb8;
	[tilespmem:$0x1F0C0] =	vst v63  }
0x15a: {  	_ =	swait.ge [sflag:s12], $0x4000  }
0x15b: {  	[sflag:s12] =	ssyncset.done $0x0  }
0x15c: {  	[sflag:s12] =	ssyncadd.s32 $0xFFFFC000  }
0x15d: {  	p1 =	sne.s32 s5, $0x900;
	_ =	swait.ge [sflag:s19], $0x4000  }
.Ltmp2:
0x15e: {  	[sflag:s19] =	ssyncset.done $0x0;
	(pc) =	sbr.rel @p1 .LBB2_4-.Ltmp2, $4  }
0x15f: {  	[sflag:s19] =	ssyncadd.s32 $0xFFFFC000  }
0x160: {  	[spmem:s3] =	stream.indirect.scatter.add.f32 [tilespmem:s18], [sflag:$0x3], $0x80, s1, s16, $0xb8;
	[tilespmem:$0x1F0C0] =	vst v63  }
0x161: {  	_ =	swait.ge [sflag:s12], $0x4000  }
0x162: {  	s5 =	sadd.s32 $0x100, s5;
	s9 =	rddreg [dreg:$0x5];
	[sflag:s12] =	ssyncset.done $0x0  }
0x163: {  	[sflag:s12] =	ssyncadd.s32 $0xFFFFC000;
	s5 =	sadd.s32 s10, s9  }
0x164: {  	[tilespmem:s4], [sflag:$0x3] =	stream.linear.gather [hbm4b:s5+s4], $0x400, $0x38;
	[tilespmem:$0x1F0C0] =	vst v63  }
0x165: {  	_ =	swait.ge [sflag:s12], $0x400  }
0x166: {  	s8 =	rddreg [dreg:$0x4];
	[sflag:s12] =	ssyncset.done $0x0  }
0x167: {  	[sflag:s12] =	ssyncadd.s32 $0xFFFFFC00;
	s8 =	sadd.s32 s10, s8  }
0x168: {  	[tilespmem:s13], [sflag:$0x3] =	stream.linear.gather [hbm4b:s8+s4], $0x400, $0x38;
	[tilespmem:$0x1F0C0] =	vst v63  }
0x169: {  	_ =	swait.ge [sflag:s12], $0x400  }
0x16a: {  	[sflag:s12] =	ssyncset.done $0x0  }
0x16b: {  	s5 =	sadd.s32 $0x80, s5;
	[sflag:s12] =	ssyncadd.s32 $0xFFFFFC00  }
0x16c: {  	[tilespmem:s14], [sflag:$0x2] =	stream.linear.gather [hbm4b:s5+s4], $0x400, $0x38;
	[tilespmem:$0x1F0C0] =	vst v63  }
0x16d: {  	s10 =	sadd.s32 $0x80, s8  }
0x16e: {  	[tilespmem:s15], [sflag:$0x2] =	stream.linear.gather [hbm4b:s10+s4], $0x400, $0x38;
	[tilespmem:$0x1F0C0] =	vst v63  }
0x16f: {  	_ = 	snop  }
0x170: {  	[tilespmem:s17], [sflag:$0x1] =	stream.indirect.gather [hbm4b:s6+s16], $0x80, s4, s16, $0xb8;
	[tilespmem:$0x1F0C0] =	vst v63  }
0x171: {  	_ = 	snop  }
0x172: {  	[tilespmem:s18], [sflag:$0x1] =	stream.indirect.gather [hbm4b:s6+s16], $0x80, s16, s16, $0xb8;
	[tilespmem:$0x1F0C0] =	vst v63  }
0x173: {  	_ =	swait.ge [sflag:s19], $0x4000  }
0x174: {  	[sflag:s19] =	ssyncset.done $0x0  }
0x175: {  	[sflag:s19] =	ssyncadd.s32 $0xFFFFC000  }
0x176: {  	[spmem:s3] =	stream.indirect.scatter.add.f32 [tilespmem:s17], [sflag:$0x3], $0x80, s13, s16, $0xb8;
	[tilespmem:$0x1F0C0] =	vst v63  }
0x177: {  	_ =	swait.ge [sflag:s12], $0x4000  }
0x178: {  	[sflag:s12] =	ssyncset.done $0x0  }
0x179: {  	[sflag:s12] =	ssyncadd.s32 $0xFFFFC000  }
0x17a: {  	_ =	swait.ge [sflag:s19], $0x4000  }
0x17b: {  	[sflag:s19] =	ssyncset.done $0x0  }
0x17c: {  	s8 =	rddreg [dreg:$0x6];
	[sflag:s19] =	ssyncadd.s32 $0xFFFFC000  }
0x17d: {  	[spmem:s3] =	stream.indirect.scatter.add.f32 [tilespmem:s18], [sflag:$0x3], $0x80, s8, s16, $0xb8;
	[tilespmem:$0x1F0C0] =	vst v63  }
0x17e: {  	_ =	swait.ge [sflag:s12], $0x4000  }
0x17f: {  	[sflag:s12] =	ssyncset.done $0x0  }
0x180: {  	s9 =	rddreg [dreg:$0x7];
	[sflag:s12] =	ssyncadd.s32 $0xFFFFC000  }
0x181: {  	[tilespmem:s17], [sflag:$0x1] =	stream.indirect.gather [hbm4b:s6+s16], $0x80, s9, s16, $0xb8;
	[tilespmem:$0x1F0C0] =	vst v63  }
0x182: {  	s10 =	rddreg [dreg:$0x8]  }
0x183: {  	[tilespmem:s18], [sflag:$0x1] =	stream.indirect.gather [hbm4b:s6+s16], $0x80, s10, s16, $0xb8;
	[tilespmem:$0x1F0C0] =	vst v63  }
0x184: {  	_ =	swait.ge [sflag:s19], $0x4000  }
0x185: {  	[sflag:s19] =	ssyncset.done $0x0  }
0x186: {  	s9 =	rddreg [dreg:$0x9];
	[sflag:s19] =	ssyncadd.s32 $0xFFFFC000  }
0x187: {  	[spmem:s3] =	stream.indirect.scatter.add.f32 [tilespmem:s17], [sflag:$0x3], $0x80, s9, s16, $0xb8;
	[tilespmem:$0x1F0C0] =	vst v63  }
0x188: {  	_ =	swait.ge [sflag:s12], $0x4000  }
0x189: {  	[sflag:s12] =	ssyncset.done $0x0  }
0x18a: {  	[sflag:s12] =	ssyncadd.s32 $0xFFFFC000  }
0x18b: {  	_ =	swait.ge [sflag:s19], $0x4000  }
0x18c: {  	[sflag:s19] =	ssyncset.done $0x0  }
0x18d: {  	s10 =	rddreg [dreg:$0xa];
	[sflag:s19] =	ssyncadd.s32 $0xFFFFC000  }
0x18e: {  	[spmem:s3] =	stream.indirect.scatter.add.f32 [tilespmem:s18], [sflag:$0x3], $0x80, s10, s16, $0xb8;
	[tilespmem:$0x1F0C0] =	vst v63  }
0x18f: {  	_ =	swait.ge [sflag:s12], $0x4000  }
0x190: {  	[sflag:s12] =	ssyncset.done $0x0  }
0x191: {  	s8 =	rddreg [dreg:$0xb];
	[sflag:s12] =	ssyncadd.s32 $0xFFFFC000  }
0x192: {  	[tilespmem:s17], [sflag:$0x1] =	stream.indirect.gather [hbm4b:s6+s16], $0x80, s8, s16, $0xb8;
	[tilespmem:$0x1F0C0] =	vst v63  }
0x193: {  	s9 =	rddreg [dreg:$0xc]  }
0x194: {  	[tilespmem:s18], [sflag:$0x1] =	stream.indirect.gather [hbm4b:s6+s16], $0x80, s9, s16, $0xb8;
	[tilespmem:$0x1F0C0] =	vst v63  }
0x195: {  	_ =	swait.ge [sflag:s19], $0x4000  }
0x196: {  	[sflag:s19] =	ssyncset.done $0x0  }
0x197: {  	s10 =	rddreg [dreg:$0xd];
	[sflag:s19] =	ssyncadd.s32 $0xFFFFC000  }
0x198: {  	[spmem:s3] =	stream.indirect.scatter.add.f32 [tilespmem:s17], [sflag:$0x3], $0x80, s10, s16, $0xb8;
	[tilespmem:$0x1F0C0] =	vst v63  }
0x199: {  	_ =	swait.ge [sflag:s12], $0x4000  }
0x19a: {  	[sflag:s12] =	ssyncset.done $0x0  }
0x19b: {  	[sflag:s12] =	ssyncadd.s32 $0xFFFFC000  }
0x19c: {  	_ =	swait.ge [sflag:s19], $0x4000  }
0x19d: {  	[sflag:s19] =	ssyncset.done $0x0  }
0x19e: {  	s8 =	rddreg [dreg:$0xe];
	[sflag:s19] =	ssyncadd.s32 $0xFFFFC000  }
0x19f: {  	[spmem:s3] =	stream.indirect.scatter.add.f32 [tilespmem:s18], [sflag:$0x3], $0x80, s8, s16, $0xb8;
	[tilespmem:$0x1F0C0] =	vst v63  }
0x1a0: {  	_ =	swait.ge [sflag:s12], $0x4000  }
0x1a1: {  	[sflag:s12] =	ssyncset.done $0x0  }
0x1a2: {  	s9 =	rddreg [dreg:$0xf];
	[sflag:s12] =	ssyncadd.s32 $0xFFFFC000  }
0x1a3: {  	[tilespmem:s17], [sflag:$0x1] =	stream.indirect.gather [hbm4b:s6+s16], $0x80, s9, s16, $0xb8;
	[tilespmem:$0x1F0C0] =	vst v63  }
0x1a4: {  	s10 =	rddreg [dreg:$0x10]  }
0x1a5: {  	[tilespmem:s18], [sflag:$0x1] =	stream.indirect.gather [hbm4b:s6+s16], $0x80, s10, s16, $0xb8;
	[tilespmem:$0x1F0C0] =	vst v63  }
0x1a6: {  	_ =	swait.ge [sflag:s19], $0x4000  }
0x1a7: {  	[sflag:s19] =	ssyncset.done $0x0  }
0x1a8: {  	s8 =	rddreg [dreg:$0x11];
	[sflag:s19] =	ssyncadd.s32 $0xFFFFC000  }
0x1a9: {  	[spmem:s3] =	stream.indirect.scatter.add.f32 [tilespmem:s17], [sflag:$0x3], $0x80, s8, s16, $0xb8;
	[tilespmem:$0x1F0C0] =	vst v63  }
0x1aa: {  	_ =	swait.ge [sflag:s12], $0x4000  }
0x1ab: {  	[sflag:s12] =	ssyncset.done $0x0  }
0x1ac: {  	[sflag:s12] =	ssyncadd.s32 $0xFFFFC000  }
0x1ad: {  	_ =	swait.ge [sflag:s19], $0x4000  }
0x1ae: {  	[sflag:s19] =	ssyncset.done $0x0  }
0x1af: {  	s9 =	rddreg [dreg:$0x12];
	[sflag:s19] =	ssyncadd.s32 $0xFFFFC000  }
0x1b0: {  	[spmem:s3] =	stream.indirect.scatter.add.f32 [tilespmem:s18], [sflag:$0x3], $0x80, s9, s16, $0xb8;
	[tilespmem:$0x1F0C0] =	vst v63  }
0x1b1: {  	_ =	swait.ge [sflag:s12], $0x4000  }
0x1b2: {  	[sflag:s12] =	ssyncset.done $0x0  }
0x1b3: {  	[sflag:s12] =	ssyncadd.s32 $0xFFFFC000  }
0x1b4: {  	_ =	swait.ge [sflag:s20], $0x400  }
0x1b5: {  	[sflag:s20] =	ssyncset.done $0x0  }
0x1b6: {  	[sflag:s20] =	ssyncadd.s32 $0xFFFFFC00  }
0x1b7: {  	_ =	swait.ge [sflag:s20], $0x400  }
0x1b8: {  	[sflag:s20] =	ssyncset.done $0x0  }
0x1b9: {  	[sflag:s20] =	ssyncadd.s32 $0xFFFFFC00  }
0x1ba: {  	[tilespmem:s17], [sflag:$0x1] =	stream.indirect.gather [hbm4b:s6+s16], $0x80, s14, s16, $0xb8;
	[tilespmem:$0x1F0C0] =	vst v63  }
0x1bb: {  	s10 =	rddreg [dreg:$0x13]  }
0x1bc: {  	[tilespmem:s18], [sflag:$0x1] =	stream.indirect.gather [hbm4b:s6+s16], $0x80, s10, s16, $0xb8;
	[tilespmem:$0x1F0C0] =	vst v63  }
0x1bd: {  	_ =	swait.ge [sflag:s19], $0x4000  }
0x1be: {  	[sflag:s19] =	ssyncset.done $0x0  }
0x1bf: {  	[sflag:s19] =	ssyncadd.s32 $0xFFFFC000  }
0x1c0: {  	[spmem:s3] =	stream.indirect.scatter.add.f32 [tilespmem:s17], [sflag:$0x3], $0x80, s15, s16, $0xb8;
	[tilespmem:$0x1F0C0] =	vst v63  }
0x1c1: {  	_ =	swait.ge [sflag:s12], $0x4000  }
0x1c2: {  	[sflag:s12] =	ssyncset.done $0x0  }
0x1c3: {  	[sflag:s12] =	ssyncadd.s32 $0xFFFFC000  }
0x1c4: {  	_ =	swait.ge [sflag:s19], $0x4000  }
0x1c5: {  	[sflag:s19] =	ssyncset.done $0x0  }
0x1c6: {  	[sflag:s19] =	ssyncadd.s32 $0xFFFFC000  }
0x1c7: {  	[spmem:s3] =	stream.indirect.scatter.add.f32 [tilespmem:s18], [sflag:$0x3], $0x80, s21, s16, $0xb8;
	[tilespmem:$0x1F0C0] =	vst v63  }
0x1c8: {  	_ =	swait.ge [sflag:s12], $0x4000  }
0x1c9: {  	[sflag:s12] =	ssyncset.done $0x0  }
0x1ca: {  	[sflag:s12] =	ssyncadd.s32 $0xFFFFC000  }
0x1cb: {  	[tilespmem:s17], [sflag:$0x1] =	stream.indirect.gather [hbm4b:s6+s16], $0x80, s22, s16, $0xb8;
	[tilespmem:$0x1F0C0] =	vst v63  }
0x1cc: {  	_ = 	snop  }
0x1cd: {  	[tilespmem:s18], [sflag:$0x1] =	stream.indirect.gather [hbm4b:s6+s16], $0x80, s23, s16, $0xb8;
	[tilespmem:$0x1F0C0] =	vst v63  }
0x1ce: {  	_ =	swait.ge [sflag:s19], $0x4000  }
0x1cf: {  	[sflag:s19] =	ssyncset.done $0x0  }
0x1d0: {  	[sflag:s19] =	ssyncadd.s32 $0xFFFFC000  }
0x1d1: {  	[spmem:s3] =	stream.indirect.scatter.add.f32 [tilespmem:s17], [sflag:$0x3], $0x80, s24, s16, $0xb8;
	[tilespmem:$0x1F0C0] =	vst v63  }
0x1d2: {  	_ =	swait.ge [sflag:s12], $0x4000  }
0x1d3: {  	[sflag:s12] =	ssyncset.done $0x0  }
0x1d4: {  	[sflag:s12] =	ssyncadd.s32 $0xFFFFC000  }
0x1d5: {  	_ =	swait.ge [sflag:s19], $0x4000  }
0x1d6: {  	[sflag:s19] =	ssyncset.done $0x0  }
0x1d7: {  	[sflag:s19] =	ssyncadd.s32 $0xFFFFC000  }
0x1d8: {  	[spmem:s3] =	stream.indirect.scatter.add.f32 [tilespmem:s18], [sflag:$0x3], $0x80, s25, s16, $0xb8;
	[tilespmem:$0x1F0C0] =	vst v63  }
0x1d9: {  	_ =	swait.ge [sflag:s12], $0x4000  }
0x1da: {  	[sflag:s12] =	ssyncset.done $0x0  }
0x1db: {  	[sflag:s12] =	ssyncadd.s32 $0xFFFFC000  }
0x1dc: {  	[tilespmem:s17], [sflag:$0x1] =	stream.indirect.gather [hbm4b:s6+s16], $0x80, s26, s16, $0xb8;
	[tilespmem:$0x1F0C0] =	vst v63  }
0x1dd: {  	_ = 	snop  }
0x1de: {  	[tilespmem:s18], [sflag:$0x1] =	stream.indirect.gather [hbm4b:s6+s16], $0x80, s28, s16, $0xb8;
	[tilespmem:$0x1F0C0] =	vst v63  }
0x1df: {  	_ =	swait.ge [sflag:s19], $0x4000  }
0x1e0: {  	[sflag:s19] =	ssyncset.done $0x0  }
0x1e1: {  	[sflag:s19] =	ssyncadd.s32 $0xFFFFC000  }
0x1e2: {  	[spmem:s3] =	stream.indirect.scatter.add.f32 [tilespmem:s17], [sflag:$0x3], $0x80, s29, s16, $0xb8;
	[tilespmem:$0x1F0C0] =	vst v63  }
0x1e3: {  	_ =	swait.ge [sflag:s12], $0x4000  }
0x1e4: {  	[sflag:s12] =	ssyncset.done $0x0  }
0x1e5: {  	[sflag:s12] =	ssyncadd.s32 $0xFFFFC000  }
0x1e6: {  	_ =	swait.ge [sflag:s19], $0x4000  }
0x1e7: {  	[sflag:s19] =	ssyncset.done $0x0  }
0x1e8: {  	[sflag:s19] =	ssyncadd.s32 $0xFFFFC000  }
0x1e9: {  	[spmem:s3] =	stream.indirect.scatter.add.f32 [tilespmem:s18], [sflag:$0x3], $0x80, s30, s16, $0xb8;
	[tilespmem:$0x1F0C0] =	vst v63  }
0x1ea: {  	_ =	swait.ge [sflag:s12], $0x4000  }
0x1eb: {  	[sflag:s12] =	ssyncset.done $0x0  }
0x1ec: {  	[sflag:s12] =	ssyncadd.s32 $0xFFFFC000  }
0x1ed: {  	[tilespmem:s17], [sflag:$0x1] =	stream.indirect.gather [hbm4b:s6+s16], $0x80, s31, s16, $0xb8;
	[tilespmem:$0x1F0C0] =	vst v63  }
0x1ee: {  	_ = 	snop  }
0x1ef: {  	[tilespmem:s18], [sflag:$0x1] =	stream.indirect.gather [hbm4b:s6+s16], $0x80, s0, s16, $0xb8;
	[tilespmem:$0x1F0C0] =	vst v63  }
0x1f0: {  	_ =	swait.ge [sflag:s19], $0x4000  }
0x1f1: {  	[sflag:s19] =	ssyncset.done $0x0  }
0x1f2: {  	[sflag:s19] =	ssyncadd.s32 $0xFFFFC000  }
0x1f3: {  	[spmem:s3] =	stream.indirect.scatter.add.f32 [tilespmem:s17], [sflag:$0x3], $0x80, s2, s16, $0xb8;
	[tilespmem:$0x1F0C0] =	vst v63  }
0x1f4: {  	_ =	swait.ge [sflag:s12], $0x4000  }
0x1f5: {  	[sflag:s12] =	ssyncset.done $0x0  }
0x1f6: {  	[sflag:s12] =	ssyncadd.s32 $0xFFFFC000  }
0x1f7: {  	_ =	swait.ge [sflag:s19], $0x4000  }
0x1f8: {  	[sflag:s19] =	ssyncset.done $0x0  }
0x1f9: {  	[sflag:s19] =	ssyncadd.s32 $0xFFFFC000  }
0x1fa: {  	[spmem:s3] =	stream.indirect.scatter.add.f32 [tilespmem:s18], [sflag:$0x3], $0x80, s1, s16, $0xb8;
	[tilespmem:$0x1F0C0] =	vst v63  }
0x1fb: {  	_ =	swait.ge [sflag:s12], $0x4000  }
0x1fc: {  	[sflag:s12] =	ssyncset.done $0x0  }
0x1fd: {  	[sflag:s12] =	ssyncadd.s32 $0xFFFFC000  }
0x1fe: {  	[bflag:$0x0] =	sbarrier.arrive $0xFFFF  }
0x1ff: {  	s9 =	rddreg [dreg:$0x16]  }
0x200: {  	[tilespmem:s11], [sflag:$0x3] =	stream.linear.gather [spmem:s9], $0x2800, $0x38;
	[tilespmem:$0x1F0C0] =	vst v63  }
0x201: {  	_ =	swait.ge [sflag:s12], $0x2800  }
0x202: {  	[sflag:s12] =	ssyncset.done $0x0;
	s10 =	rddreg [dreg:$0x17]  }
.Ltmp3:
0x203: {  	[sflag:s12] =	ssyncadd.s32 $0xFFFFD800;
	s21 =	sadd.s32 s10, s7;
	(pc) =	sbr.rel @!p0 .LBB2_7-.Ltmp3, $4  }
0x204: {  	[hbm4b:s21+s4] =	stream.linear.scatter [tilespmem:s11], [sflag:$0x3], $0x2800, $0x38;
	[tilespmem:$0x1F0C0] =	vst v63  }
0x205: {  	_ =	swait.ge [sflag:s12], $0x2800  }
0x206: {  	s21 =	rddreg [dreg:$0x14]  }
0x207: {  	[sflag:s12] =	ssyncset.done $0x0;
	s5 =	sadd.s32 $0xFFFFFFFF, s21  }
.LBB2_6:
0x208: {  	[sflag:s12] =	ssyncadd.s32 $0xFFFFD800;
	s10 =	sadd.s32 $0x500, s10;
	s9 =	sadd.s32 $0x2800, s9  }
0x209: {  	[tilespmem:s11], [sflag:$0x3] =	stream.linear.gather [spmem:s9], $0x2800, $0x38;
	[tilespmem:$0x1F0C0] =	vst v63  }
0x20a: {  	p0 =	sne.s32 s5, $0x1;
	s5 =	sadd.s32 $0xFFFFFFFF, s5;
	_ =	swait.ge [sflag:s12], $0x2800  }
.Ltmp4:
0x20b: {  	[sflag:s12] =	ssyncset.done $0x0;
	(pc) =	sbr.rel @p0 .LBB2_6-.Ltmp4, $4  }
0x20c: {  	s8 =	sadd.s32 s10, s7;
	[sflag:s12] =	ssyncadd.s32 $0xFFFFD800  }
0x20d: {  	[hbm4b:s8+s4] =	stream.linear.scatter [tilespmem:s11], [sflag:$0x3], $0x2800, $0x38;
	[tilespmem:$0x1F0C0] =	vst v63  }
0x20e: {  	_ =	swait.ge [sflag:s12], $0x2800  }
0x20f: {  	[sflag:s12] =	ssyncset.done $0x0  }
.LBB2_7:
0x210: {  	s8 =	rddreg [dreg:$0x18]  }
0x211: {  	s5 =	rddreg [dreg:$0x15];
	s8 =	sadd.s32 $0x1, s8  }
0x212: {  	p0 =	sne.s32 s8, s5  }
.Ltmp5:
0x213: {  	_ = 	snop;
	(pc) =	sbr.rel @p0 .LBB2_1-.Ltmp5, $2  }
0x214: {  	_ =	sdelay $0x2  }
0x215: {  	[sflag:s12] =	ssyncadd.s32 $0xFFFFD800  }
0x216: {  	_ =	sfence.sel $0x180000  }
0x217: {  	[bflag:$0x0] =	sbarrier.arrive $0xFFFF  }
0x218: {  	_ =	strace $0x9000004D  }
0x219: {  	s0 =	stileid.u32;
	[bflag:$0x2] =	sbarrier.arrive $0xFFFF  }
0x21a: {  	p0 =	sne.s32 s0, $0x0;
	s0 =	rddreg [dreg:$0x3]  }
0x21b: {  	s0 =	sadd.s32 @!p0 $0x100000, s0  }
0x21c: {  	[sflag:s0] =	ssyncadd.tile.s32 @!p0 $0x1;
	_ =	shalt  }
.Lfunc_end2:
_tile_overlayer_lowered:
.L_overlay_start_2:
0x21d: {  	(tag) =	ssettag $0x2  }
0x21e: {  	s0 =	rddreg [dreg:$0x0];
	s2 =	stileid.u32  }
0x21f: {  	s1 =	rddreg [dreg:$0x1];
	p0 =	sne.s32 s2, $0x0  }
0x220: {  	s3 =	rddreg [dreg:$0x2];
	[bflag:$0x3] =	sbarrier.arrive $0xFFFF;
	s2 =	simm.s32 @!p0 $0x1C03  }
0x221: {  	[timem:s3], [sflag:s2] =	dma.local @!p0 [hbm:s0], s1  }
0x222: {  	s0 =	simm.s32 @!p0 $0x3  }
0x223: {  	_ =	swait.ge @!p0 [sflag:s0], s1  }
0x224: {  	s1 =	ssub.s32 @!p0 $0x0, s1;
	[sflag:s0] =	ssyncset.done @!p0 $0x0  }
0x225: {  	[sflag:s0] =	ssyncadd.s32 @!p0 s1  }
0x226: {  	[bflag:$0x3] =	sbarrier.arrive $0xFFFF  }
0x227: {  	_ =	shalt  }

// kernel: kernel.9.cloned.1.call-start
scs
__scs_entry_jumppad:
0x0: {  	(pc) =	sbr.rel $0x88, $3  }
0x1: {  	(tag) =	ssettag $0x0;
	lr =	simm.s32 $0x1  }
0x2: {  	[smem:$0x3F99] =	sst lr;
	_ =	strace $0xD0000000  }
0x3: {  	_ = 	snop  }
0x4: {  	_ = 	snop  }
0x5: {  	_ = 	snop  }
0x6: {  	_ = 	snop  }
0x7: {  	_ = 	snop  }
__scs_overlays_trampoline_lowered:
0x8: {  	[smem:$0x3FA8] =	sst s0  }
0x9: {  	[smem:$0x3FA9] =	sst s1  }
0xa: {  	[smem:$0x3FAA] =	sst s2  }
0xb: {  	[smem:$0x3FAB] =	sst s3  }
0xc: {  	[smem:$0x3FAC] =	sst s4  }
0xd: {  	[smem:$0x3FAD] =	sst s5  }
0xe: {  	[smem:$0x3FAE] =	sst s6  }
0xf: {  	[smem:$0x3FAF] =	sst s7  }
0x10: {  	[smem:$0x3FB0] =	sst s8  }
0x11: {  	[smem:$0x3FB1] =	sst s9;
	s0 =	simm.s32 @!p0 $0x0  }
0x12: {  	s1 =	sld [smem:$0x3F97];
	s0 =	simm.s32 @p0 $0x1  }
0x13: {  	[smem:$0x3FB2] =	sst s0;
	s0 =	simm.s32 @!p1 $0x0  }
0x14: {  	s2 =	sld [smem:$0x3F96];
	s0 =	simm.s32 @p1 $0x1  }
0x15: {  	[smem:$0x3FB3] =	sst s0;
	s0 =	simm.s32 @!p2 $0x0  }
0x16: {  	s3 =	sld [smem:$0x3FDB];
	s0 =	simm.s32 @p2 $0x1  }
0x17: {  	s4 =	simm.s32 $0x1BF5;
	[smem:$0x3FB5] =	sst s0  }
0x18: {  	s0 =	sld [smem:$0x3F98];
	_ =	swait.ge [sflag:s4], $0x0  }
0x19: {  	s7 =	sld [smem:$0x3F99]  }
0x1a: {  	s8 =	sadd.s32 $0xFFFFE003, lr  }
0x1b: {  	s9 =	sadd.s32 $0xFFFFFEF7, lr;
	s5 =	simm.s32 $0xFFFFFFFF;
	p2 =	slt.u32 s8, $0xFFFFF086  }
0x1c: {  	p1 =	slt.u32 s9, $0xF7A;
	s5 =	simm.s32 @!p2 $0x0  }
0x1d: {  	s5 =	simm.s32 @p1 $0x1;
	p0 =	seq.s32 s7, s2  }
0x1e: {  	s7 =	smul.u32 @!p0 $0xF7A, s2;
	p2 =	seq.s32 @!p0 s5, $0x0  }
0x1f: {  	s9 =	smul.u32 $0xF7A, s1;
	s8 =	simm.s32 @!p0 $0x1BF5;
	p2 =	por !p2, p0  }
0x20: {  	[sflag:s8] =	ssyncset.s32 @!p0 $0xFFFFF086;
	s6 =	sadd.s32 @!p0 s3, s7;
	s7 =	simm.s32 @!p0 $0x108  }
0x21: {  	s3 =	sadd.s32 s3, s9;
	s6 =	sadd.s32 @!p0 $0x88, s6;
	s7 =	simm.s32 @p2 $0x1082  }
0x22: {  	[simem:s7], [sflag:s8] =	dma.local @!p0 [hbm:s6], $0xF7A  }
0x23: {  	s9 =	sor.u32 $0xD0000000, s2;
	s6 =	simm.s32 $0x108;
	_ =	swait.ge @!p0 [sflag:s8], $0x0  }
0x24: {  	s3 =	sadd.s32 $0x88, s3;
	s6 =	simm.s32 @!p1 $0x1082;
	[sflag:s4] =	ssyncset.s32 $0xFFFFF086  }
0x25: {  	[simem:s6], [sflag:s4] =	dma.local [hbm:s3], $0xF7A  }
0x26: {  	[smem:$0x3F99] =	sst s1;
	(tag) =	ssettag s2;
	_ =	strace s9  }
0x27: {  	s1 =	sld [smem:$0x3FA9]  }
0x28: {  	s2 =	sld [smem:$0x3FAA]  }
0x29: {  	s4 =	sld [smem:$0x3FAC]  }
0x2a: {  	p0 =	seq.s32 s5, $0x0;
	s5 =	sld [smem:$0x3FAD]  }
0x2b: {  	s6 =	sld [smem:$0x3FAE]  }
0x2c: {  	s7 =	sld [smem:$0x3FAF]  }
0x2d: {  	s3 =	simm.s32 $0x108;
	s8 =	sld [smem:$0x3FB0]  }
0x2e: {  	s3 =	simm.s32 @!p0 $0x1082;
	s9 =	sld [smem:$0x3FB1]  }
0x2f: {  	lr =	sadd.s32 s0, s3;
	s0 =	sld [smem:$0x3FA8]  }
0x30: {  	s3 =	sld [smem:$0x3FAB]  }
0x31: {  	[smem:$0x3FB4] =	sst s10  }
0x32: {  	s10 =	sld [smem:$0x3FB2];
	_ =	sdelay $0x3  }
0x33: {  	p0 =	seq.s32 s10, $0x1;
	s10 =	sld [smem:$0x3FB4];
	_ =	sdelay $0x3  }
0x34: {  	[smem:$0x3FB4] =	sst s10  }
0x35: {  	s10 =	sld [smem:$0x3FB3];
	_ =	sdelay $0x3  }
0x36: {  	p1 =	seq.s32 s10, $0x1;
	s10 =	sld [smem:$0x3FB4];
	_ =	sdelay $0x3  }
0x37: {  	[smem:$0x3FB4] =	sst s10  }
0x38: {  	s10 =	sld [smem:$0x3FB5]  }
0x39: {  	_ = 	snop;
	(pc) =	sbr.ind lr, $3  }
0x3a: {  	_ = 	snop  }
0x3b: {  	_ = 	snop  }
0x3c: {  	p2 =	seq.s32 s10, $0x1;
	s10 =	sld [smem:$0x3FB4]  }
0x3d: {  	_ =	shalt  }
0x3e: {  	_ =	shalt  }
0x3f: {  	_ =	shalt  }
0x40: {  	_ =	shalt  }
0x41: {  	_ =	shalt  }
0x42: {  	_ =	shalt  }
0x43: {  	_ =	shalt  }
0x44: {  	_ =	shalt  }
0x45: {  	_ =	shalt  }
0x46: {  	_ =	shalt  }
0x47: {  	_ =	shalt  }
0x48: {  	_ =	shalt  }
0x49: {  	_ =	shalt  }
0x4a: {  	_ =	shalt  }
0x4b: {  	_ =	shalt  }
0x4c: {  	_ =	shalt  }
0x4d: {  	_ =	shalt  }
0x4e: {  	_ =	shalt  }
0x4f: {  	_ =	shalt  }
0x50: {  	_ =	shalt  }
0x51: {  	_ =	shalt  }
0x52: {  	_ =	shalt  }
0x53: {  	_ =	shalt  }
0x54: {  	_ =	shalt  }
0x55: {  	_ =	shalt  }
0x56: {  	_ =	shalt  }
0x57: {  	_ =	shalt  }
0x58: {  	_ =	shalt  }
0x59: {  	_ =	shalt  }
0x5a: {  	_ =	shalt  }
0x5b: {  	_ =	shalt  }
0x5c: {  	_ =	shalt  }
0x5d: {  	_ =	shalt  }
0x5e: {  	_ =	shalt  }
0x5f: {  	_ =	shalt  }
0x60: {  	_ =	shalt  }
0x61: {  	_ =	shalt  }
0x62: {  	_ =	shalt  }
0x63: {  	_ =	shalt  }
0x64: {  	_ =	shalt  }
0x65: {  	_ =	shalt  }
0x66: {  	_ =	shalt  }
0x67: {  	_ =	shalt  }
0x68: {  	_ =	shalt  }
0x69: {  	_ =	shalt  }
0x6a: {  	_ =	shalt  }
0x6b: {  	_ =	shalt  }
0x6c: {  	_ =	shalt  }
0x6d: {  	_ =	shalt  }
0x6e: {  	_ =	shalt  }
0x6f: {  	_ =	shalt  }
0x70: {  	_ =	shalt  }
0x71: {  	_ =	shalt  }
0x72: {  	_ =	shalt  }
0x73: {  	_ =	shalt  }
0x74: {  	_ =	shalt  }
0x75: {  	_ =	shalt  }
0x76: {  	_ =	shalt  }
0x77: {  	_ =	shalt  }
0x78: {  	_ =	shalt  }
0x79: {  	_ =	shalt  }
0x7a: {  	_ =	shalt  }
0x7b: {  	_ =	shalt  }
0x7c: {  	_ =	shalt  }
0x7d: {  	_ =	shalt  }
0x7e: {  	_ =	shalt  }
0x7f: {  	_ =	shalt  }
0x80: {  	_ =	shalt  }
0x81: {  	_ =	shalt  }
0x82: {  	_ =	shalt  }
0x83: {  	_ =	shalt  }
0x84: {  	_ =	shalt  }
0x85: {  	_ =	shalt  }
0x86: {  	_ =	shalt  }
0x87: {  	_ =	shalt  }
.Lfunc_end0:
.L_simem_size_0:
called_computation_lowered:
.L_overlay_start_0:
0x88: {  	s2 =	sld [smem:$0x3FD9]  }
0x89: {  	s3 =	sld [smem:$0x3FFE];
	_ =	sdelay $0x1  }
0x8a: {  	s1 =	srdreg.scid  }
0x8b: {  	s0 =	sand.u32 $0x1, s1  }
0x8c: {  	s17 =	sshll.u32 s0, $0xA;
	s2 =	sadd.s32 s3, s2  }
0x8d: {  	s2 =	sadd.s32 s2, s17  }
0x8e: {  	[smem:$0x3FC0] =	sst s2  }
0x8f: {  	_ = 	snop  }
0x90: {  	s2 =	sld [smem:$0x3FD0];
	(tm) =	ssettm $0x1  }
0x91: {  	s18 =	sld [smem:$0x3FFB];
	_ =	sdelay $0x3  }
0x92: {  	_ =	strace s18  }
0x93: {  	s3 =	sld [smem:$0x3FFC];
	_ =	sdelay $0x3  }
0x94: {  	_ =	strace s3  }
0x95: {  	s3 =	sld [smem:$0x3FFD];
	_ =	sdelay $0x3  }
0x96: {  	_ =	strace s3  }
0x97: {  	_ =	strace $0x8FFFFFFF  }
0x98: {  	s19 =	sld [smem:$0x3FDB];
	_ =	sdelay $0x1  }
0x99: {  	s4 =	simm.s32 $_scs_section_size  }
0x9a: {  	s5 =	simm.s32 $_size__tile_overlayer_lowered;
	s6 =	simm.s32 $_tile_overlayer_lowered  }
0x9b: {  	s22 =	simm.s32 $0x1BFF;
	s21 =	sshll.u32 s6, $0x1;
	s3 =	sadd.s32 s4, s19  }
0x9c: {  	s7 =	simm.s32 $0x0;
	s20 =	sshll.u32 s5, $0x1;
	s5 =	sadd.s32 s21, s3  }
0x9d: {  	[timem:s7], [sflag:s22] =	dma.local [hbm:s5], s20  }
0x9e: {  	_ =	swait.ge [sflag:s22], s20  }
0x9f: {  	s4 =	ssub.s32 $0x0, s20;
	[sflag:s22] =	ssyncset.done $0x0  }
0xa0: {  	[sflag:s22] =	ssyncadd.s32 s4;
	_ =	sdelay $0x1  }
0xa1: {  	s23 =	simm.s32 $0x1B8B  }
0xa2: {  	_ =	swait.ge [sflag:s23], $0x1  }
0xa3: {  	[sflag:s23] =	ssyncset.done $0x0  }
0xa4: {  	s25 =	simm.s32 $0x1B8E;
	s24 =	sld [smem:$0x3FFE];
	[sflag:s23] =	ssyncadd.s32 $0xFFFFFFFF  }
0xa5: {  	s26 =	simm.s32 $execute0_lowered;
	[smem:$0x3FD2] =	sst s25  }
0xa6: {  	s5 =	sshll.u32 s26, $0x1;
	_ =	strace $0x80000046;
	[dreg:$0x1] =	wrdreg $0xFFFFFFFF  }
0xa7: {  	s28 =	simm.s32 $_size_execute0_lowered;
	s3 =	sadd.s32 s3, s5;
	[dreg:$0x0] =	wrdreg $0x0  }
0xa8: {  	s5 =	sshll.u32 s28, $0x1;
	[dreg:$0x2] =	wrdreg s3  }
0xa9: {  	[dreg:$0x3] =	wrdreg s5  }
0xaa: {  	[dreg:$0x4] =	wrdreg $0xC0  }
0xab: {  	_ =	task [dreg:s7], $0x5FFFF  }
0xac: {  	[dreg:$0x1] =	wrdreg $0xFFFFFFFF  }
0xad: {  	[dreg:$0x0] =	wrdreg $0x60  }
0xae: {  	[dreg:$0x2] =	wrdreg s24  }
0xaf: {  	[dreg:$0x3] =	wrdreg s2  }
0xb0: {  	[dreg:$0x4] =	wrdreg $0xB8000  }
0xb1: {  	[dreg:$0x5] =	wrdreg $0x9  }
0xb2: {  	_ =	task.clear_ibuf [dreg:s7], $0x6FFFF;
	_ =	strace $0x90000046  }
0xb3: {  	s29 =	simm.s32 $0x9;
	_ =	strace $0x80000048  }
0xb4: {  	_ =	swait.ge [sflag:s29], $0x1  }
0xb5: {  	[sflag:s29] =	ssyncadd.s32 $0xFFFFFFFF  }
0xb6: {  	_ =	strace $0x90000048  }
0xb7: {  	_ =	sfence  }
0xb8: {  	s30 =	sld [smem:$0x0];
	_ =	sdelay $0x2  }
0xb9: {  	s31 =	sshll.u32 s1, $0xD;
	s1 =	sshrl.u32 s1, $0x2  }
0xba: {  	s3 =	sand.u32 $0x4000, s31;
	s1 =	sadd.s32 s1, s30  }
0xbb: {  	s0 =	sor.u32 s3, s0;
	s1 =	sshll.u32 s1, $0x11  }
0xbc: {  	s0 =	sor.u32 s1, s0  }
0xbd: {  	s0 =	sadd.s32 $0x8F2B, s0  }
0xbe: {  	[sflag:s0] =	ssyncadd.remote.s32 $0x1  }
0xbf: {  	_ =	sfence.sel $0xFFFF  }
0xc0: {  	[dreg:$0x0] =	wrdreg $0xFFFFFFFF;
	(pc) =	sbr.abs _section_cstart, $3  }
0xc1: {  	[dreg:$0x1] =	wrdreg $0xFFFFFFFF  }
0xc2: {  	_ =	task.clear_ibuf [dreg:s7], $0x2FFFF;
	_ =	strace $0x9FFFFFFF  }
0xc3: {  	(tm) =	ssettm $0x7FFFFFFF  }
tec
execute0_lowered:
.L_overlay_start_1:
0x0: {  	(tag) =	ssettag $0x1  }
0x1: {  	s0 =	rddreg [dreg:$0x0]  }
0x2: {  	s2 =	rddreg [dreg:$0x2]  }
0x3: {  	s3 =	simm.s32 $0x0;
	s1 =	srdreg.scid;
	s9 =	stileid.u32  }
0x4: {  	s21 =	simm.s32 $0x5;
	s10 =	simm.s32 $0x480;
	s12 =	simm.s32 $0x100  }
0x5: {  	s13 =	simm.s32 $0x180;
	s15 =	simm.s32 $0x500;
	s16 =	simm.s32 $0x580  }
0x6: {  	s17 =	simm.s32 $0x200;
	s18 =	simm.s32 $0x280;
	s19 =	simm.s32 $0x600  }
0x7: {  	s20 =	simm.s32 $0x680;
	s22 =	simm.s32 $0x300;
	[smem:$0x7FF] =	sst s3  }
0x8: {  	s23 =	simm.s32 $0x380;
	_ =	strace $0x80000047;
	[dreg:$0x6] =	wrdreg s10  }
0x9: {  	s24 =	simm.s32 $0x700;
	s28 =	simm.s32 $0xA80;
	[dreg:$0x7] =	wrdreg s12  }
0xa: {  	s29 =	simm.s32 $0xE00;
	s30 =	simm.s32 $0xE80;
	[dreg:$0x8] =	wrdreg s13  }
0xb: {  	s31 =	simm.s32 $0xB00;
	s8 =	smul.u32 $0x500, s9;
	[dreg:$0x9] =	wrdreg s15  }
0xc: {  	s1 =	sand.u32 $0x1, s1;
	s26 =	smul.u32 $0x50000, s9;
	[dreg:$0xa] =	wrdreg s16  }
0xd: {  	s5 =	sadd.s32 $0x1E00, s0;
	s14 =	smul.u32 $0x2800, s9;
	[dreg:$0xb] =	wrdreg s17  }
0xe: {  	p0 =	seq.s32 s9, $0xF;
	s4 =	smul.u32 $0x5000, s1;
	[dreg:$0xc] =	wrdreg s18  }
0xf: {  	s6 =	smul.u32 $0x27100, s1;
	s1 =	ssub.s32 $0x2, s1;
	[dreg:$0xd] =	wrdreg s19  }
0x10: {  	s21 =	simm.s32 @!p0 $0x8;
	s12 =	simm.s32 $0x3;
	[dreg:$0xe] =	wrdreg s20  }
0x11: {  	s13 =	simm.s32 $0x400;
	s15 =	simm.s32 $0xC00;
	[dreg:$0xf] =	wrdreg s22  }
0x12: {  	s16 =	simm.s32 $0x80;
	s17 =	simm.s32 $0x1000;
	[dreg:$0x10] =	wrdreg s23  }
0x13: {  	s18 =	simm.s32 $0x5000;
	s19 =	simm.s32 $0x1;
	[dreg:$0x11] =	wrdreg s24  }
0x14: {  	s20 =	simm.s32 $0x2;
	s22 =	simm.s32 $0x900;
	s23 =	simm.s32 $0x980  }
0x15: {  	s24 =	simm.s32 $0xD00;
	s7 =	sshrl.u32 s1, $0x1;
	s11 =	sshrl.u32 s26, $0x2  }
0x16: {  	[dreg:$0x17] =	wrdreg s14;
	s14 =	simm.s32 $0x800;
	s26 =	simm.s32 $0x880  }
0x17: {  	[dreg:$0x14] =	wrdreg s21;
	s4 =	sadd.s32 s4, s0;
	s0 =	sadd.s32 s6, s0  }
0x18: {  	s1 =	ssub.s32 s1, s7;
	[dreg:$0x13] =	wrdreg s26;
	s26 =	simm.s32 $0xA00  }
0x19: {  	s4 =	sadd.s32 s8, s4;
	s7 =	sadd.s32 $0x3D000, s0;
	s1 =	smax.u32 s1, $0x1  }
0x1a: {  	s0 =	simm.s32 $0xB80;
	s25 =	sadd.s32 $0x33000, s4;
	[dreg:$0x15] =	wrdreg s1  }
0x1b: {  	s8 =	sadd.s32 $0x29000, s4;
	s1 =	sadd.s32 s11, s2;
	[dreg:$0x4] =	wrdreg s25  }
0x1c: {  	s11 =	simm.s32 $0x9000;
	s4 =	simm.s32 $0xF00;
	[dreg:$0x5] =	wrdreg s8  }
0x1d: {  	[dreg:$0x16] =	wrdreg s1;
	s25 =	simm.s32 $0x780;
	s1 =	simm.s32 $0xF80  }
0x1e: {  	s8 =	simm.s32 $0x0;
	[dreg:$0x12] =	wrdreg s25;
	s25 =	simm.s32 $0xD80  }
.LBB2_1:
0x1f: {  	s6 =	rddreg [dreg:$0x1]  }
0x20: {  	[tilespmem:s11], [sflag:$0x3] =	stream.linear.gather [hbm4b:s6+s3], $0x2800, $0x38;
	[tilespmem:$0x1F0C0] =	vst v63  }
0x21: {  	p0 =	sne.s32 s21, $0x1;
	_ =	swait.ge [sflag:s12], $0x2800  }
.Ltmp0:
0x22: {  	[sflag:s12] =	ssyncset.done $0x0;
	(pc) =	sbr.rel @!p0 .LBB2_3-.Ltmp0, $4  }
0x23: {  	s9 =	rddreg [dreg:$0x16];
	[sflag:s12] =	ssyncadd.s32 $0xFFFFD800  }
0x24: {  	[spmem:s9] =	stream.linear.scatter [tilespmem:s11], [sflag:$0x3], $0x2800, $0x38;
	[tilespmem:$0x1F0C0] =	vst v63  }
0x25: {  	_ =	swait.ge [sflag:s12], $0x2800  }
0x26: {  	s6 =	sadd.s32 $0xFFFFFFFF, s21;
	[sflag:s12] =	ssyncset.done $0x0  }
.LBB2_2:
0x27: {  	p1 =	sne.s32 s6, $0x1;
	[sflag:s12] =	ssyncadd.s32 $0xFFFFD800;
	s9 =	sadd.s32 $0x2800, s9  }
.Ltmp1:
0x28: {  	s6 =	sadd.s32 $0xFFFFFFFF, s6;
	(pc) =	sbr.rel @p1 .LBB2_2-.Ltmp1, $4  }
0x29: {  	_ = 	snop  }
0x2a: {  	[spmem:s9] =	stream.linear.scatter [tilespmem:s11], [sflag:$0x3], $0x2800, $0x38;
	[tilespmem:$0x1F0C0] =	vst v63  }
0x2b: {  	_ =	swait.ge [sflag:s12], $0x2800  }
0x2c: {  	[sflag:s12] =	ssyncset.done $0x0  }
.LBB2_3:
0x2d: {  	[dreg:$0x18] =	wrdreg s8;
	[sflag:s12] =	ssyncadd.s32 $0xFFFFD800  }
0x2e: {  	[bflag:$0x0] =	sbarrier.arrive $0xFFFF  }
0x2f: {  	s6 =	rddreg [dreg:$0x5]  }
0x30: {  	s6 =	sadd.s32 $0x0, s6  }
0x31: {  	[tilespmem:s3], [sflag:$0x3] =	stream.linear.gather [hbm4b:s6+s3], $0x400, $0x38;
	[tilespmem:$0x1F0C0] =	vst v63  }
0x32: {  	_ =	swait.ge [sflag:s12], $0x400  }
0x33: {  	s9 =	rddreg [dreg:$0x4];
	[sflag:s12] =	ssyncset.done $0x0  }
0x34: {  	[sflag:s12] =	ssyncadd.s32 $0xFFFFFC00;
	s9 =	sadd.s32 $0x0, s9  }
0x35: {  	[tilespmem:s13], [sflag:$0x3] =	stream.linear.gather [hbm4b:s9+s3], $0x400, $0x38;
	[tilespmem:$0x1F0C0] =	vst v63  }
0x36: {  	_ =	swait.ge [sflag:s12], $0x400  }
0x37: {  	[sflag:s12] =	ssyncset.done $0x0  }
0x38: {  	s6 =	sadd.s32 $0x80, s6;
	[sflag:s12] =	ssyncadd.s32 $0xFFFFFC00  }
0x39: {  	[tilespmem:s14], [sflag:$0x2] =	stream.linear.gather [hbm4b:s6+s3], $0x400, $0x38;
	[tilespmem:$0x1F0C0] =	vst v63  }
0x3a: {  	s8 =	sadd.s32 $0x80, s9  }
0x3b: {  	[tilespmem:s15], [sflag:$0x2] =	stream.linear.gather [hbm4b:s8+s3], $0x400, $0x38;
	[tilespmem:$0x1F0C0] =	vst v63  }
0x3c: {  	_ = 	snop  }
0x3d: {  	[tilespmem:s17], [sflag:$0x1] =	stream.indirect.gather [hbm4b:s5+s16], $0x80, s3, s16, $0xb8;
	[tilespmem:$0x1F0C0] =	vst v63  }
0x3e: {  	_ = 	snop  }
0x3f: {  	[tilespmem:s18], [sflag:$0x1] =	stream.indirect.gather [hbm4b:s5+s16], $0x80, s16, s16, $0xb8;
	[tilespmem:$0x1F0C0] =	vst v63  }
0x40: {  	_ =	swait.ge [sflag:s19], $0x4000  }
0x41: {  	[sflag:s19] =	ssyncset.done $0x0  }
0x42: {  	[sflag:s19] =	ssyncadd.s32 $0xFFFFC000  }
0x43: {  	[spmem:s2] =	stream.indirect.scatter.add.f32 [tilespmem:s17], [sflag:$0x3], $0x80, s13, s16, $0xb8;
	[tilespmem:$0x1F0C0] =	vst v63  }
0x44: {  	_ =	swait.ge [sflag:s12], $0x4000  }
0x45: {  	[sflag:s12] =	ssyncset.done $0x0  }
0x46: {  	[sflag:s12] =	ssyncadd.s32 $0xFFFFC000  }
0x47: {  	_ =	swait.ge [sflag:s19], $0x4000  }
0x48: {  	[sflag:s19] =	ssyncset.done $0x0  }
0x49: {  	s9 =	rddreg [dreg:$0x6];
	[sflag:s19] =	ssyncadd.s32 $0xFFFFC000  }
0x4a: {  	[spmem:s2] =	stream.indirect.scatter.add.f32 [tilespmem:s18], [sflag:$0x3], $0x80, s9, s16, $0xb8;
	[tilespmem:$0x1F0C0] =	vst v63  }
0x4b: {  	_ =	swait.ge [sflag:s12], $0x4000  }
0x4c: {  	[sflag:s12] =	ssyncset.done $0x0  }
0x4d: {  	s10 =	rddreg [dreg:$0x7];
	[sflag:s12] =	ssyncadd.s32 $0xFFFFC000  }
0x4e: {  	[tilespmem:s17], [sflag:$0x1] =	stream.indirect.gather [hbm4b:s5+s16], $0x80, s10, s16, $0xb8;
	[tilespmem:$0x1F0C0] =	vst v63  }
0x4f: {  	s21 =	rddreg [dreg:$0x8]  }
0x50: {  	[tilespmem:s18], [sflag:$0x1] =	stream.indirect.gather [hbm4b:s5+s16], $0x80, s21, s16, $0xb8;
	[tilespmem:$0x1F0C0] =	vst v63  }
0x51: {  	_ =	swait.ge [sflag:s19], $0x4000  }
0x52: {  	[sflag:s19] =	ssyncset.done $0x0  }
0x53: {  	s8 =	rddreg [dreg:$0x9];
	[sflag:s19] =	ssyncadd.s32 $0xFFFFC000  }
0x54: {  	[spmem:s2] =	stream.indirect.scatter.add.f32 [tilespmem:s17], [sflag:$0x3], $0x80, s8, s16, $0xb8;
	[tilespmem:$0x1F0C0] =	vst v63  }
0x55: {  	_ =	swait.ge [sflag:s12], $0x4000  }
0x56: {  	[sflag:s12] =	ssyncset.done $0x0  }
0x57: {  	[sflag:s12] =	ssyncadd.s32 $0xFFFFC000  }
0x58: {  	_ =	swait.ge [sflag:s19], $0x4000  }
0x59: {  	[sflag:s19] =	ssyncset.done $0x0  }
0x5a: {  	s9 =	rddreg [dreg:$0xa];
	[sflag:s19] =	ssyncadd.s32 $0xFFFFC000  }
0x5b: {  	[spmem:s2] =	stream.indirect.scatter.add.f32 [tilespmem:s18], [sflag:$0x3], $0x80, s9, s16, $0xb8;
	[tilespmem:$0x1F0C0] =	vst v63  }
0x5c: {  	_ =	swait.ge [sflag:s12], $0x4000  }
0x5d: {  	[sflag:s12] =	ssyncset.done $0x0  }
0x5e: {  	s10 =	rddreg [dreg:$0xb];
	[sflag:s12] =	ssyncadd.s32 $0xFFFFC000  }
0x5f: {  	[tilespmem:s17], [sflag:$0x1] =	stream.indirect.gather [hbm4b:s5+s16], $0x80, s10, s16, $0xb8;
	[tilespmem:$0x1F0C0] =	vst v63  }
0x60: {  	s21 =	rddreg [dreg:$0xc]  }
0x61: {  	[tilespmem:s18], [sflag:$0x1] =	stream.indirect.gather [hbm4b:s5+s16], $0x80, s21, s16, $0xb8;
	[tilespmem:$0x1F0C0] =	vst v63  }
0x62: {  	_ =	swait.ge [sflag:s19], $0x4000  }
0x63: {  	[sflag:s19] =	ssyncset.done $0x0  }
0x64: {  	s8 =	rddreg [dreg:$0xd];
	[sflag:s19] =	ssyncadd.s32 $0xFFFFC000  }
0x65: {  	[spmem:s2] =	stream.indirect.scatter.add.f32 [tilespmem:s17], [sflag:$0x3], $0x80, s8, s16, $0xb8;
	[tilespmem:$0x1F0C0] =	vst v63  }
0x66: {  	_ =	swait.ge [sflag:s12], $0x4000  }
0x67: {  	[sflag:s12] =	ssyncset.done $0x0  }
0x68: {  	[sflag:s12] =	ssyncadd.s32 $0xFFFFC000  }
0x69: {  	_ =	swait.ge [sflag:s19], $0x4000  }
0x6a: {  	[sflag:s19] =	ssyncset.done $0x0  }
0x6b: {  	s9 =	rddreg [dreg:$0xe];
	[sflag:s19] =	ssyncadd.s32 $0xFFFFC000  }
0x6c: {  	[spmem:s2] =	stream.indirect.scatter.add.f32 [tilespmem:s18], [sflag:$0x3], $0x80, s9, s16, $0xb8;
	[tilespmem:$0x1F0C0] =	vst v63  }
0x6d: {  	_ =	swait.ge [sflag:s12], $0x4000  }
0x6e: {  	[sflag:s12] =	ssyncset.done $0x0  }
0x6f: {  	s10 =	rddreg [dreg:$0xf];
	[sflag:s12] =	ssyncadd.s32 $0xFFFFC000  }
0x70: {  	[tilespmem:s17], [sflag:$0x1] =	stream.indirect.gather [hbm4b:s5+s16], $0x80, s10, s16, $0xb8;
	[tilespmem:$0x1F0C0] =	vst v63  }
0x71: {  	s21 =	rddreg [dreg:$0x10]  }
0x72: {  	[tilespmem:s18], [sflag:$0x1] =	stream.indirect.gather [hbm4b:s5+s16], $0x80, s21, s16, $0xb8;
	[tilespmem:$0x1F0C0] =	vst v63  }
0x73: {  	_ =	swait.ge [sflag:s19], $0x4000  }
0x74: {  	[sflag:s19] =	ssyncset.done $0x0  }
0x75: {  	s8 =	rddreg [dreg:$0x11];
	[sflag:s19] =	ssyncadd.s32 $0xFFFFC000  }
0x76: {  	[spmem:s2] =	stream.indirect.scatter.add.f32 [tilespmem:s17], [sflag:$0x3], $0x80, s8, s16, $0xb8;
	[tilespmem:$0x1F0C0] =	vst v63  }
0x77: {  	_ =	swait.ge [sflag:s12], $0x4000  }
0x78: {  	[sflag:s12] =	ssyncset.done $0x0  }
0x79: {  	[sflag:s12] =	ssyncadd.s32 $0xFFFFC000  }
0x7a: {  	_ =	swait.ge [sflag:s19], $0x4000  }
0x7b: {  	[sflag:s19] =	ssyncset.done $0x0  }
0x7c: {  	s9 =	rddreg [dreg:$0x12];
	[sflag:s19] =	ssyncadd.s32 $0xFFFFC000  }
0x7d: {  	[spmem:s2] =	stream.indirect.scatter.add.f32 [tilespmem:s18], [sflag:$0x3], $0x80, s9, s16, $0xb8;
	[tilespmem:$0x1F0C0] =	vst v63  }
0x7e: {  	_ =	swait.ge [sflag:s12], $0x4000  }
0x7f: {  	[sflag:s12] =	ssyncset.done $0x0  }
0x80: {  	[sflag:s12] =	ssyncadd.s32 $0xFFFFC000  }
0x81: {  	_ =	swait.ge [sflag:s20], $0x400  }
0x82: {  	[sflag:s20] =	ssyncset.done $0x0  }
0x83: {  	[sflag:s20] =	ssyncadd.s32 $0xFFFFFC00  }
0x84: {  	_ =	swait.ge [sflag:s20], $0x400  }
0x85: {  	[sflag:s20] =	ssyncset.done $0x0  }
0x86: {  	[sflag:s20] =	ssyncadd.s32 $0xFFFFFC00  }
0x87: {  	[tilespmem:s17], [sflag:$0x1] =	stream.indirect.gather [hbm4b:s5+s16], $0x80, s14, s16, $0xb8;
	[tilespmem:$0x1F0C0] =	vst v63  }
0x88: {  	s10 =	rddreg [dreg:$0x13]  }
0x89: {  	[tilespmem:s18], [sflag:$0x1] =	stream.indirect.gather [hbm4b:s5+s16], $0x80, s10, s16, $0xb8;
	[tilespmem:$0x1F0C0] =	vst v63  }
0x8a: {  	_ =	swait.ge [sflag:s19], $0x4000  }
0x8b: {  	[sflag:s19] =	ssyncset.done $0x0  }
0x8c: {  	[sflag:s19] =	ssyncadd.s32 $0xFFFFC000  }
0x8d: {  	[spmem:s2] =	stream.indirect.scatter.add.f32 [tilespmem:s17], [sflag:$0x3], $0x80, s15, s16, $0xb8;
	[tilespmem:$0x1F0C0] =	vst v63  }
0x8e: {  	_ =	swait.ge [sflag:s12], $0x4000  }
0x8f: {  	[sflag:s12] =	ssyncset.done $0x0  }
0x90: {  	[sflag:s12] =	ssyncadd.s32 $0xFFFFC000  }
0x91: {  	_ =	swait.ge [sflag:s19], $0x4000  }
0x92: {  	[sflag:s19] =	ssyncset.done $0x0  }
0x93: {  	s21 =	simm.s32 $0xC80;
	[sflag:s19] =	ssyncadd.s32 $0xFFFFC000  }
0x94: {  	[spmem:s2] =	stream.indirect.scatter.add.f32 [tilespmem:s18], [sflag:$0x3], $0x80, s21, s16, $0xb8;
	[tilespmem:$0x1F0C0] =	vst v63  }
0x95: {  	_ =	swait.ge [sflag:s12], $0x4000  }
0x96: {  	[sflag:s12] =	ssyncset.done $0x0  }
0x97: {  	[sflag:s12] =	ssyncadd.s32 $0xFFFFC000  }
0x98: {  	[tilespmem:s17], [sflag:$0x1] =	stream.indirect.gather [hbm4b:s5+s16], $0x80, s22, s16, $0xb8;
	[tilespmem:$0x1F0C0] =	vst v63  }
0x99: {  	_ = 	snop  }
0x9a: {  	[tilespmem:s18], [sflag:$0x1] =	stream.indirect.gather [hbm4b:s5+s16], $0x80, s23, s16, $0xb8;
	[tilespmem:$0x1F0C0] =	vst v63  }
0x9b: {  	_ =	swait.ge [sflag:s19], $0x4000  }
0x9c: {  	[sflag:s19] =	ssyncset.done $0x0  }
0x9d: {  	[sflag:s19] =	ssyncadd.s32 $0xFFFFC000  }
0x9e: {  	[spmem:s2] =	stream.indirect.scatter.add.f32 [tilespmem:s17], [sflag:$0x3], $0x80, s24, s16, $0xb8;
	[tilespmem:$0x1F0C0] =	vst v63  }
0x9f: {  	_ =	swait.ge [sflag:s12], $0x4000  }
0xa0: {  	[sflag:s12] =	ssyncset.done $0x0  }
0xa1: {  	[sflag:s12] =	ssyncadd.s32 $0xFFFFC000  }
0xa2: {  	_ =	swait.ge [sflag:s19], $0x4000  }
0xa3: {  	[sflag:s19] =	ssyncset.done $0x0  }
0xa4: {  	[sflag:s19] =	ssyncadd.s32 $0xFFFFC000  }
0xa5: {  	[spmem:s2] =	stream.indirect.scatter.add.f32 [tilespmem:s18], [sflag:$0x3], $0x80, s25, s16, $0xb8;
	[tilespmem:$0x1F0C0] =	vst v63  }
0xa6: {  	_ =	swait.ge [sflag:s12], $0x4000  }
0xa7: {  	[sflag:s12] =	ssyncset.done $0x0  }
0xa8: {  	[sflag:s12] =	ssyncadd.s32 $0xFFFFC000  }
0xa9: {  	[tilespmem:s17], [sflag:$0x1] =	stream.indirect.gather [hbm4b:s5+s16], $0x80, s26, s16, $0xb8;
	[tilespmem:$0x1F0C0] =	vst v63  }
0xaa: {  	_ = 	snop  }
0xab: {  	[tilespmem:s18], [sflag:$0x1] =	stream.indirect.gather [hbm4b:s5+s16], $0x80, s28, s16, $0xb8;
	[tilespmem:$0x1F0C0] =	vst v63  }
0xac: {  	_ =	swait.ge [sflag:s19], $0x4000  }
0xad: {  	[sflag:s19] =	ssyncset.done $0x0  }
0xae: {  	[sflag:s19] =	ssyncadd.s32 $0xFFFFC000  }
0xaf: {  	[spmem:s2] =	stream.indirect.scatter.add.f32 [tilespmem:s17], [sflag:$0x3], $0x80, s29, s16, $0xb8;
	[tilespmem:$0x1F0C0] =	vst v63  }
0xb0: {  	_ =	swait.ge [sflag:s12], $0x4000  }
0xb1: {  	[sflag:s12] =	ssyncset.done $0x0  }
0xb2: {  	[sflag:s12] =	ssyncadd.s32 $0xFFFFC000  }
0xb3: {  	_ =	swait.ge [sflag:s19], $0x4000  }
0xb4: {  	[sflag:s19] =	ssyncset.done $0x0  }
0xb5: {  	[sflag:s19] =	ssyncadd.s32 $0xFFFFC000  }
0xb6: {  	[spmem:s2] =	stream.indirect.scatter.add.f32 [tilespmem:s18], [sflag:$0x3], $0x80, s30, s16, $0xb8;
	[tilespmem:$0x1F0C0] =	vst v63  }
0xb7: {  	_ =	swait.ge [sflag:s12], $0x4000  }
0xb8: {  	[sflag:s12] =	ssyncset.done $0x0  }
0xb9: {  	[sflag:s12] =	ssyncadd.s32 $0xFFFFC000  }
0xba: {  	[tilespmem:s17], [sflag:$0x1] =	stream.indirect.gather [hbm4b:s5+s16], $0x80, s31, s16, $0xb8;
	[tilespmem:$0x1F0C0] =	vst v63  }
0xbb: {  	_ = 	snop  }
0xbc: {  	[tilespmem:s18], [sflag:$0x1] =	stream.indirect.gather [hbm4b:s5+s16], $0x80, s0, s16, $0xb8;
	[tilespmem:$0x1F0C0] =	vst v63  }
0xbd: {  	_ =	swait.ge [sflag:s19], $0x4000  }
0xbe: {  	[sflag:s19] =	ssyncset.done $0x0  }
0xbf: {  	[sflag:s19] =	ssyncadd.s32 $0xFFFFC000  }
0xc0: {  	[spmem:s2] =	stream.indirect.scatter.add.f32 [tilespmem:s17], [sflag:$0x3], $0x80, s4, s16, $0xb8;
	[tilespmem:$0x1F0C0] =	vst v63  }
0xc1: {  	_ =	swait.ge [sflag:s12], $0x4000  }
0xc2: {  	[sflag:s12] =	ssyncset.done $0x0  }
0xc3: {  	[sflag:s12] =	ssyncadd.s32 $0xFFFFC000  }
0xc4: {  	_ =	swait.ge [sflag:s19], $0x4000  }
0xc5: {  	[sflag:s19] =	ssyncset.done $0x0  }
0xc6: {  	[sflag:s19] =	ssyncadd.s32 $0xFFFFC000  }
0xc7: {  	[spmem:s2] =	stream.indirect.scatter.add.f32 [tilespmem:s18], [sflag:$0x3], $0x80, s1, s16, $0xb8;
	[tilespmem:$0x1F0C0] =	vst v63  }
0xc8: {  	s6 =	simm.s32 $0x200;
	_ =	swait.ge [sflag:s12], $0x4000  }
0xc9: {  	s10 =	simm.s32 $0x100;
	s9 =	rddreg [dreg:$0x5];
	[sflag:s12] =	ssyncset.done $0x0  }
.LBB2_4:
0xca: {  	[sflag:s12] =	ssyncadd.s32 $0xFFFFC000;
	s9 =	sadd.s32 s10, s9  }
0xcb: {  	[tilespmem:s3], [sflag:$0x3] =	stream.linear.gather [hbm4b:s9+s3], $0x400, $0x38;
	[tilespmem:$0x1F0C0] =	vst v63  }
0xcc: {  	_ =	swait.ge [sflag:s12], $0x400  }
0xcd: {  	s21 =	rddreg [dreg:$0x4];
	[sflag:s12] =	ssyncset.done $0x0  }
0xce: {  	[sflag:s12] =	ssyncadd.s32 $0xFFFFFC00;
	s21 =	sadd.s32 s10, s21  }
0xcf: {  	[tilespmem:s13], [sflag:$0x3] =	stream.linear.gather [hbm4b:s21+s3], $0x400, $0x38;
	[tilespmem:$0x1F0C0] =	vst v63  }
0xd0: {  	_ =	swait.ge [sflag:s12], $0x400  }
0xd1: {  	[sflag:s12] =	ssyncset.done $0x0  }
0xd2: {  	s9 =	sadd.s32 $0x80, s9;
	[sflag:s12] =	ssyncadd.s32 $0xFFFFFC00  }
0xd3: {  	[tilespmem:s14], [sflag:$0x2] =	stream.linear.gather [hbm4b:s9+s3], $0x400, $0x38;
	[tilespmem:$0x1F0C0] =	vst v63  }
0xd4: {  	s9 =	sadd.s32 $0x80, s21  }
0xd5: {  	[tilespmem:s15], [sflag:$0x2] =	stream.linear.gather [hbm4b:s9+s3], $0x400, $0x38;
	[tilespmem:$0x1F0C0] =	vst v63  }
0xd6: {  	_ = 	snop  }
0xd7: {  	[tilespmem:s17], [sflag:$0x1] =	stream.indirect.gather [hbm4b:s5+s16], $0x80, s3, s16, $0xb8;
	[tilespmem:$0x1F0C0] =	vst v63  }
0xd8: {  	_ = 	snop  }
0xd9: {  	[tilespmem:s18], [sflag:$0x1] =	stream.indirect.gather [hbm4b:s5+s16], $0x80, s16, s16, $0xb8;
	[tilespmem:$0x1F0C0] =	vst v63  }
0xda: {  	_ =	swait.ge [sflag:s19], $0x4000  }
0xdb: {  	[sflag:s19] =	ssyncset.done $0x0  }
0xdc: {  	[sflag:s19] =	ssyncadd.s32 $0xFFFFC000  }
0xdd: {  	[spmem:s2] =	stream.indirect.scatter.add.f32 [tilespmem:s17], [sflag:$0x3], $0x80, s13, s16, $0xb8;
	[tilespmem:$0x1F0C0] =	vst v63  }
0xde: {  	_ =	swait.ge [sflag:s12], $0x4000  }
0xdf: {  	[sflag:s12] =	ssyncset.done $0x0  }
0xe0: {  	[sflag:s12] =	ssyncadd.s32 $0xFFFFC000  }
0xe1: {  	_ =	swait.ge [sflag:s19], $0x4000  }
0xe2: {  	[sflag:s19] =	ssyncset.done $0x0  }
0xe3: {  	s9 =	rddreg [dreg:$0x6];
	[sflag:s19] =	ssyncadd.s32 $0xFFFFC000  }
0xe4: {  	[spmem:s2] =	stream.indirect.scatter.add.f32 [tilespmem:s18], [sflag:$0x3], $0x80, s9, s16, $0xb8;
	[tilespmem:$0x1F0C0] =	vst v63  }
0xe5: {  	_ =	swait.ge [sflag:s12], $0x4000  }
0xe6: {  	s8 =	smov.u32 s6;
	[sflag:s12] =	ssyncset.done $0x0  }
0xe7: {  	s10 =	smov.u32 s8;
	s8 =	rddreg [dreg:$0x7];
	[sflag:s12] =	ssyncadd.s32 $0xFFFFC000  }
0xe8: {  	[tilespmem:s17], [sflag:$0x1] =	stream.indirect.gather [hbm4b:s5+s16], $0x80, s8, s16, $0xb8;
	[tilespmem:$0x1F0C0] =	vst v63  }
0xe9: {  	s9 =	rddreg [dreg:$0x8]  }
0xea: {  	[tilespmem:s18], [sflag:$0x1] =	stream.indirect.gather [hbm4b:s5+s16], $0x80, s9, s16, $0xb8;
	[tilespmem:$0x1F0C0] =	vst v63  }
0xeb: {  	_ =	swait.ge [sflag:s19], $0x4000  }
0xec: {  	[sflag:s19] =	ssyncset.done $0x0  }
0xed: {  	s9 =	rddreg [dreg:$0x9];
	[sflag:s19] =	ssyncadd.s32 $0xFFFFC000  }
0xee: {  	[spmem:s2] =	stream.indirect.scatter.add.f32 [tilespmem:s17], [sflag:$0x3], $0x80, s9, s16, $0xb8;
	[tilespmem:$0x1F0C0] =	vst v63  }
0xef: {  	_ =	swait.ge [sflag:s12], $0x4000  }
0xf0: {  	[sflag:s12] =	ssyncset.done $0x0  }
0xf1: {  	[sflag:s12] =	ssyncadd.s32 $0xFFFFC000  }
0xf2: {  	_ =	swait.ge [sflag:s19], $0x4000  }
0xf3: {  	[sflag:s19] =	ssyncset.done $0x0  }
0xf4: {  	s9 =	rddreg [dreg:$0xa];
	[sflag:s19] =	ssyncadd.s32 $0xFFFFC000  }
0xf5: {  	[spmem:s2] =	stream.indirect.scatter.add.f32 [tilespmem:s18], [sflag:$0x3], $0x80, s9, s16, $0xb8;
	[tilespmem:$0x1F0C0] =	vst v63  }
0xf6: {  	_ =	swait.ge [sflag:s12], $0x4000  }
0xf7: {  	[sflag:s12] =	ssyncset.done $0x0  }
0xf8: {  	s8 =	rddreg [dreg:$0xb];
	[sflag:s12] =	ssyncadd.s32 $0xFFFFC000  }
0xf9: {  	[tilespmem:s17], [sflag:$0x1] =	stream.indirect.gather [hbm4b:s5+s16], $0x80, s8, s16, $0xb8;
	[tilespmem:$0x1F0C0] =	vst v63  }
0xfa: {  	s9 =	rddreg [dreg:$0xc]  }
0xfb: {  	[tilespmem:s18], [sflag:$0x1] =	stream.indirect.gather [hbm4b:s5+s16], $0x80, s9, s16, $0xb8;
	[tilespmem:$0x1F0C0] =	vst v63  }
0xfc: {  	_ =	swait.ge [sflag:s19], $0x4000  }
0xfd: {  	[sflag:s19] =	ssyncset.done $0x0  }
0xfe: {  	s9 =	rddreg [dreg:$0xd];
	[sflag:s19] =	ssyncadd.s32 $0xFFFFC000  }
0xff: {  	[spmem:s2] =	stream.indirect.scatter.add.f32 [tilespmem:s17], [sflag:$0x3], $0x80, s9, s16, $0xb8;
	[tilespmem:$0x1F0C0] =	vst v63  }
0x100: {  	_ =	swait.ge [sflag:s12], $0x4000  }
0x101: {  	[sflag:s12] =	ssyncset.done $0x0  }
0x102: {  	[sflag:s12] =	ssyncadd.s32 $0xFFFFC000  }
0x103: {  	_ =	swait.ge [sflag:s19], $0x4000  }
0x104: {  	[sflag:s19] =	ssyncset.done $0x0  }
0x105: {  	s9 =	rddreg [dreg:$0xe];
	[sflag:s19] =	ssyncadd.s32 $0xFFFFC000  }
0x106: {  	[spmem:s2] =	stream.indirect.scatter.add.f32 [tilespmem:s18], [sflag:$0x3], $0x80, s9, s16, $0xb8;
	[tilespmem:$0x1F0C0] =	vst v63  }
0x107: {  	_ =	swait.ge [sflag:s12], $0x4000  }
0x108: {  	[sflag:s12] =	ssyncset.done $0x0  }
0x109: {  	s8 =	rddreg [dreg:$0xf];
	[sflag:s12] =	ssyncadd.s32 $0xFFFFC000  }
0x10a: {  	[tilespmem:s17], [sflag:$0x1] =	stream.indirect.gather [hbm4b:s5+s16], $0x80, s8, s16, $0xb8;
	[tilespmem:$0x1F0C0] =	vst v63  }
0x10b: {  	s9 =	rddreg [dreg:$0x10]  }
0x10c: {  	[tilespmem:s18], [sflag:$0x1] =	stream.indirect.gather [hbm4b:s5+s16], $0x80, s9, s16, $0xb8;
	[tilespmem:$0x1F0C0] =	vst v63  }
0x10d: {  	_ =	swait.ge [sflag:s19], $0x4000  }
0x10e: {  	[sflag:s19] =	ssyncset.done $0x0  }
0x10f: {  	s9 =	rddreg [dreg:$0x11];
	[sflag:s19] =	ssyncadd.s32 $0xFFFFC000  }
0x110: {  	[spmem:s2] =	stream.indirect.scatter.add.f32 [tilespmem:s17], [sflag:$0x3], $0x80, s9, s16, $0xb8;
	[tilespmem:$0x1F0C0] =	vst v63  }
0x111: {  	_ =	swait.ge [sflag:s12], $0x4000  }
0x112: {  	[sflag:s12] =	ssyncset.done $0x0  }
0x113: {  	[sflag:s12] =	ssyncadd.s32 $0xFFFFC000  }
0x114: {  	_ =	swait.ge [sflag:s19], $0x4000  }
0x115: {  	[sflag:s19] =	ssyncset.done $0x0  }
0x116: {  	s9 =	rddreg [dreg:$0x12];
	[sflag:s19] =	ssyncadd.s32 $0xFFFFC000  }
0x117: {  	[spmem:s2] =	stream.indirect.scatter.add.f32 [tilespmem:s18], [sflag:$0x3], $0x80, s9, s16, $0xb8;
	[tilespmem:$0x1F0C0] =	vst v63  }
0x118: {  	_ =	swait.ge [sflag:s12], $0x4000  }
0x119: {  	[sflag:s12] =	ssyncset.done $0x0  }
0x11a: {  	[sflag:s12] =	ssyncadd.s32 $0xFFFFC000  }
0x11b: {  	_ =	swait.ge [sflag:s20], $0x400  }
0x11c: {  	[sflag:s20] =	ssyncset.done $0x0  }
0x11d: {  	[sflag:s20] =	ssyncadd.s32 $0xFFFFFC00  }
0x11e: {  	_ =	swait.ge [sflag:s20], $0x400  }
0x11f: {  	[sflag:s20] =	ssyncset.done $0x0  }
0x120: {  	[sflag:s20] =	ssyncadd.s32 $0xFFFFFC00  }
0x121: {  	[tilespmem:s17], [sflag:$0x1] =	stream.indirect.gather [hbm4b:s5+s16], $0x80, s14, s16, $0xb8;
	[tilespmem:$0x1F0C0] =	vst v63  }
0x122: {  	s9 =	rddreg [dreg:$0x13]  }
0x123: {  	[tilespmem:s18], [sflag:$0x1] =	stream.indirect.gather [hbm4b:s5+s16], $0x80, s9, s16, $0xb8;
	[tilespmem:$0x1F0C0] =	vst v63  }
0x124: {  	_ =	swait.ge [sflag:s19], $0x4000  }
0x125: {  	[sflag:s19] =	ssyncset.done $0x0  }
0x126: {  	[sflag:s19] =	ssyncadd.s32 $0xFFFFC000  }
0x127: {  	[spmem:s2] =	stream.indirect.scatter.add.f32 [tilespmem:s17], [sflag:$0x3], $0x80, s15, s16, $0xb8;
	[tilespmem:$0x1F0C0] =	vst v63  }
0x128: {  	_ =	swait.ge [sflag:s12], $0x4000  }
0x129: {  	[sflag:s12] =	ssyncset.done $0x0  }
0x12a: {  	[sflag:s12] =	ssyncadd.s32 $0xFFFFC000  }
0x12b: {  	_ =	swait.ge [sflag:s19], $0x4000  }
0x12c: {  	[sflag:s19] =	ssyncset.done $0x0  }
0x12d: {  	s21 =	simm.s32 $0xC80;
	[sflag:s19] =	ssyncadd.s32 $0xFFFFC000  }
0x12e: {  	[spmem:s2] =	stream.indirect.scatter.add.f32 [tilespmem:s18], [sflag:$0x3], $0x80, s21, s16, $0xb8;
	[tilespmem:$0x1F0C0] =	vst v63  }
0x12f: {  	_ =	swait.ge [sflag:s12], $0x4000  }
0x130: {  	[sflag:s12] =	ssyncset.done $0x0  }
0x131: {  	[sflag:s12] =	ssyncadd.s32 $0xFFFFC000  }
0x132: {  	[tilespmem:s17], [sflag:$0x1] =	stream.indirect.gather [hbm4b:s5+s16], $0x80, s22, s16, $0xb8;
	[tilespmem:$0x1F0C0] =	vst v63  }
0x133: {  	_ = 	snop  }
0x134: {  	[tilespmem:s18], [sflag:$0x1] =	stream.indirect.gather [hbm4b:s5+s16], $0x80, s23, s16, $0xb8;
	[tilespmem:$0x1F0C0] =	vst v63  }
0x135: {  	_ =	swait.ge [sflag:s19], $0x4000  }
0x136: {  	[sflag:s19] =	ssyncset.done $0x0  }
0x137: {  	[sflag:s19] =	ssyncadd.s32 $0xFFFFC000  }
0x138: {  	[spmem:s2] =	stream.indirect.scatter.add.f32 [tilespmem:s17], [sflag:$0x3], $0x80, s24, s16, $0xb8;
	[tilespmem:$0x1F0C0] =	vst v63  }
0x139: {  	_ =	swait.ge [sflag:s12], $0x4000  }
0x13a: {  	[sflag:s12] =	ssyncset.done $0x0  }
0x13b: {  	[sflag:s12] =	ssyncadd.s32 $0xFFFFC000  }
0x13c: {  	_ =	swait.ge [sflag:s19], $0x4000  }
0x13d: {  	[sflag:s19] =	ssyncset.done $0x0  }
0x13e: {  	[sflag:s19] =	ssyncadd.s32 $0xFFFFC000  }
0x13f: {  	[spmem:s2] =	stream.indirect.scatter.add.f32 [tilespmem:s18], [sflag:$0x3], $0x80, s25, s16, $0xb8;
	[tilespmem:$0x1F0C0] =	vst v63  }
0x140: {  	_ =	swait.ge [sflag:s12], $0x4000  }
0x141: {  	[sflag:s12] =	ssyncset.done $0x0  }
0x142: {  	[sflag:s12] =	ssyncadd.s32 $0xFFFFC000  }
0x143: {  	[tilespmem:s17], [sflag:$0x1] =	stream.indirect.gather [hbm4b:s5+s16], $0x80, s26, s16, $0xb8;
	[tilespmem:$0x1F0C0] =	vst v63  }
0x144: {  	_ = 	snop  }
0x145: {  	[tilespmem:s18], [sflag:$0x1] =	stream.indirect.gather [hbm4b:s5+s16], $0x80, s28, s16, $0xb8;
	[tilespmem:$0x1F0C0] =	vst v63  }
0x146: {  	_ =	swait.ge [sflag:s19], $0x4000  }
0x147: {  	[sflag:s19] =	ssyncset.done $0x0  }
0x148: {  	[sflag:s19] =	ssyncadd.s32 $0xFFFFC000  }
0x149: {  	[spmem:s2] =	stream.indirect.scatter.add.f32 [tilespmem:s17], [sflag:$0x3], $0x80, s29, s16, $0xb8;
	[tilespmem:$0x1F0C0] =	vst v63  }
0x14a: {  	_ =	swait.ge [sflag:s12], $0x4000  }
0x14b: {  	[sflag:s12] =	ssyncset.done $0x0  }
0x14c: {  	[sflag:s12] =	ssyncadd.s32 $0xFFFFC000  }
0x14d: {  	_ =	swait.ge [sflag:s19], $0x4000  }
0x14e: {  	[sflag:s19] =	ssyncset.done $0x0  }
0x14f: {  	[sflag:s19] =	ssyncadd.s32 $0xFFFFC000  }
0x150: {  	[spmem:s2] =	stream.indirect.scatter.add.f32 [tilespmem:s18], [sflag:$0x3], $0x80, s30, s16, $0xb8;
	[tilespmem:$0x1F0C0] =	vst v63  }
0x151: {  	_ =	swait.ge [sflag:s12], $0x4000  }
0x152: {  	[sflag:s12] =	ssyncset.done $0x0  }
0x153: {  	[sflag:s12] =	ssyncadd.s32 $0xFFFFC000  }
0x154: {  	[tilespmem:s17], [sflag:$0x1] =	stream.indirect.gather [hbm4b:s5+s16], $0x80, s31, s16, $0xb8;
	[tilespmem:$0x1F0C0] =	vst v63  }
0x155: {  	_ = 	snop  }
0x156: {  	[tilespmem:s18], [sflag:$0x1] =	stream.indirect.gather [hbm4b:s5+s16], $0x80, s0, s16, $0xb8;
	[tilespmem:$0x1F0C0] =	vst v63  }
0x157: {  	_ =	swait.ge [sflag:s19], $0x4000  }
0x158: {  	[sflag:s19] =	ssyncset.done $0x0  }
0x159: {  	[sflag:s19] =	ssyncadd.s32 $0xFFFFC000  }
0x15a: {  	[spmem:s2] =	stream.indirect.scatter.add.f32 [tilespmem:s17], [sflag:$0x3], $0x80, s4, s16, $0xb8;
	[tilespmem:$0x1F0C0] =	vst v63  }
0x15b: {  	_ =	swait.ge [sflag:s12], $0x4000  }
0x15c: {  	[sflag:s12] =	ssyncset.done $0x0  }
0x15d: {  	[sflag:s12] =	ssyncadd.s32 $0xFFFFC000  }
0x15e: {  	p1 =	sne.s32 s6, $0x400;
	_ =	swait.ge [sflag:s19], $0x4000  }
.Ltmp2:
0x15f: {  	[sflag:s19] =	ssyncset.done $0x0;
	(pc) =	sbr.rel @p1 .LBB2_4-.Ltmp2, $4  }
0x160: {  	[sflag:s19] =	ssyncadd.s32 $0xFFFFC000  }
0x161: {  	[spmem:s2] =	stream.indirect.scatter.add.f32 [tilespmem:s18], [sflag:$0x3], $0x80, s1, s16, $0xb8;
	[tilespmem:$0x1F0C0] =	vst v63  }
0x162: {  	_ =	swait.ge [sflag:s12], $0x4000  }
0x163: {  	s6 =	sadd.s32 $0x100, s6;
	s9 =	rddreg [dreg:$0x5];
	[sflag:s12] =	ssyncset.done $0x0  }
0x164: {  	[sflag:s12] =	ssyncadd.s32 $0xFFFFC000;
	s6 =	sadd.s32 s10, s9  }
0x165: {  	[tilespmem:s3], [sflag:$0x3] =	stream.linear.gather [hbm4b:s6+s3], $0x400, $0x38;
	[tilespmem:$0x1F0C0] =	vst v63  }
0x166: {  	_ =	swait.ge [sflag:s12], $0x400  }
0x167: {  	s8 =	rddreg [dreg:$0x4];
	[sflag:s12] =	ssyncset.done $0x0  }
0x168: {  	[sflag:s12] =	ssyncadd.s32 $0xFFFFFC00;
	s8 =	sadd.s32 s10, s8  }
0x169: {  	[tilespmem:s13], [sflag:$0x3] =	stream.linear.gather [hbm4b:s8+s3], $0x400, $0x38;
	[tilespmem:$0x1F0C0] =	vst v63  }
0x16a: {  	_ =	swait.ge [sflag:s12], $0x400  }
0x16b: {  	[sflag:s12] =	ssyncset.done $0x0  }
0x16c: {  	s6 =	sadd.s32 $0x80, s6;
	[sflag:s12] =	ssyncadd.s32 $0xFFFFFC00  }
0x16d: {  	[tilespmem:s14], [sflag:$0x2] =	stream.linear.gather [hbm4b:s6+s3], $0x400, $0x38;
	[tilespmem:$0x1F0C0] =	vst v63  }
0x16e: {  	s10 =	sadd.s32 $0x80, s8  }
0x16f: {  	[tilespmem:s15], [sflag:$0x2] =	stream.linear.gather [hbm4b:s10+s3], $0x400, $0x38;
	[tilespmem:$0x1F0C0] =	vst v63  }
0x170: {  	_ = 	snop  }
0x171: {  	[tilespmem:s17], [sflag:$0x1] =	stream.indirect.gather [hbm4b:s5+s16], $0x80, s3, s16, $0xb8;
	[tilespmem:$0x1F0C0] =	vst v63  }
0x172: {  	_ = 	snop  }
0x173: {  	[tilespmem:s18], [sflag:$0x1] =	stream.indirect.gather [hbm4b:s5+s16], $0x80, s16, s16, $0xb8;
	[tilespmem:$0x1F0C0] =	vst v63  }
0x174: {  	_ =	swait.ge [sflag:s19], $0x4000  }
0x175: {  	[sflag:s19] =	ssyncset.done $0x0  }
0x176: {  	[sflag:s19] =	ssyncadd.s32 $0xFFFFC000  }
0x177: {  	[spmem:s2] =	stream.indirect.scatter.add.f32 [tilespmem:s17], [sflag:$0x3], $0x80, s13, s16, $0xb8;
	[tilespmem:$0x1F0C0] =	vst v63  }
0x178: {  	_ =	swait.ge [sflag:s12], $0x4000  }
0x179: {  	[sflag:s12] =	ssyncset.done $0x0  }
0x17a: {  	[sflag:s12] =	ssyncadd.s32 $0xFFFFC000  }
0x17b: {  	_ =	swait.ge [sflag:s19], $0x4000  }
0x17c: {  	[sflag:s19] =	ssyncset.done $0x0  }
0x17d: {  	s8 =	rddreg [dreg:$0x6];
	[sflag:s19] =	ssyncadd.s32 $0xFFFFC000  }
0x17e: {  	[spmem:s2] =	stream.indirect.scatter.add.f32 [tilespmem:s18], [sflag:$0x3], $0x80, s8, s16, $0xb8;
	[tilespmem:$0x1F0C0] =	vst v63  }
0x17f: {  	_ =	swait.ge [sflag:s12], $0x4000  }
0x180: {  	[sflag:s12] =	ssyncset.done $0x0  }
0x181: {  	s9 =	rddreg [dreg:$0x7];
	[sflag:s12] =	ssyncadd.s32 $0xFFFFC000  }
0x182: {  	[tilespmem:s17], [sflag:$0x1] =	stream.indirect.gather [hbm4b:s5+s16], $0x80, s9, s16, $0xb8;
	[tilespmem:$0x1F0C0] =	vst v63  }
0x183: {  	s10 =	rddreg [dreg:$0x8]  }
0x184: {  	[tilespmem:s18], [sflag:$0x1] =	stream.indirect.gather [hbm4b:s5+s16], $0x80, s10, s16, $0xb8;
	[tilespmem:$0x1F0C0] =	vst v63  }
0x185: {  	_ =	swait.ge [sflag:s19], $0x4000  }
0x186: {  	[sflag:s19] =	ssyncset.done $0x0  }
0x187: {  	s9 =	rddreg [dreg:$0x9];
	[sflag:s19] =	ssyncadd.s32 $0xFFFFC000  }
0x188: {  	[spmem:s2] =	stream.indirect.scatter.add.f32 [tilespmem:s17], [sflag:$0x3], $0x80, s9, s16, $0xb8;
	[tilespmem:$0x1F0C0] =	vst v63  }
0x189: {  	_ =	swait.ge [sflag:s12], $0x4000  }
0x18a: {  	[sflag:s12] =	ssyncset.done $0x0  }
0x18b: {  	[sflag:s12] =	ssyncadd.s32 $0xFFFFC000  }
0x18c: {  	_ =	swait.ge [sflag:s19], $0x4000  }
0x18d: {  	[sflag:s19] =	ssyncset.done $0x0  }
0x18e: {  	s10 =	rddreg [dreg:$0xa];
	[sflag:s19] =	ssyncadd.s32 $0xFFFFC000  }
0x18f: {  	[spmem:s2] =	stream.indirect.scatter.add.f32 [tilespmem:s18], [sflag:$0x3], $0x80, s10, s16, $0xb8;
	[tilespmem:$0x1F0C0] =	vst v63  }
0x190: {  	_ =	swait.ge [sflag:s12], $0x4000  }
0x191: {  	[sflag:s12] =	ssyncset.done $0x0  }
0x192: {  	s8 =	rddreg [dreg:$0xb];
	[sflag:s12] =	ssyncadd.s32 $0xFFFFC000  }
0x193: {  	[tilespmem:s17], [sflag:$0x1] =	stream.indirect.gather [hbm4b:s5+s16], $0x80, s8, s16, $0xb8;
	[tilespmem:$0x1F0C0] =	vst v63  }
0x194: {  	s9 =	rddreg [dreg:$0xc]  }
0x195: {  	[tilespmem:s18], [sflag:$0x1] =	stream.indirect.gather [hbm4b:s5+s16], $0x80, s9, s16, $0xb8;
	[tilespmem:$0x1F0C0] =	vst v63  }
0x196: {  	_ =	swait.ge [sflag:s19], $0x4000  }
0x197: {  	[sflag:s19] =	ssyncset.done $0x0  }
0x198: {  	s10 =	rddreg [dreg:$0xd];
	[sflag:s19] =	ssyncadd.s32 $0xFFFFC000  }
0x199: {  	[spmem:s2] =	stream.indirect.scatter.add.f32 [tilespmem:s17], [sflag:$0x3], $0x80, s10, s16, $0xb8;
	[tilespmem:$0x1F0C0] =	vst v63  }
0x19a: {  	_ =	swait.ge [sflag:s12], $0x4000  }
0x19b: {  	[sflag:s12] =	ssyncset.done $0x0  }
0x19c: {  	[sflag:s12] =	ssyncadd.s32 $0xFFFFC000  }
0x19d: {  	_ =	swait.ge [sflag:s19], $0x4000  }
0x19e: {  	[sflag:s19] =	ssyncset.done $0x0  }
0x19f: {  	s8 =	rddreg [dreg:$0xe];
	[sflag:s19] =	ssyncadd.s32 $0xFFFFC000  }
0x1a0: {  	[spmem:s2] =	stream.indirect.scatter.add.f32 [tilespmem:s18], [sflag:$0x3], $0x80, s8, s16, $0xb8;
	[tilespmem:$0x1F0C0] =	vst v63  }
0x1a1: {  	_ =	swait.ge [sflag:s12], $0x4000  }
0x1a2: {  	[sflag:s12] =	ssyncset.done $0x0  }
0x1a3: {  	s9 =	rddreg [dreg:$0xf];
	[sflag:s12] =	ssyncadd.s32 $0xFFFFC000  }
0x1a4: {  	[tilespmem:s17], [sflag:$0x1] =	stream.indirect.gather [hbm4b:s5+s16], $0x80, s9, s16, $0xb8;
	[tilespmem:$0x1F0C0] =	vst v63  }
0x1a5: {  	s10 =	rddreg [dreg:$0x10]  }
0x1a6: {  	[tilespmem:s18], [sflag:$0x1] =	stream.indirect.gather [hbm4b:s5+s16], $0x80, s10, s16, $0xb8;
	[tilespmem:$0x1F0C0] =	vst v63  }
0x1a7: {  	_ =	swait.ge [sflag:s19], $0x4000  }
0x1a8: {  	[sflag:s19] =	ssyncset.done $0x0  }
0x1a9: {  	s8 =	rddreg [dreg:$0x11];
	[sflag:s19] =	ssyncadd.s32 $0xFFFFC000  }
0x1aa: {  	[spmem:s2] =	stream.indirect.scatter.add.f32 [tilespmem:s17], [sflag:$0x3], $0x80, s8, s16, $0xb8;
	[tilespmem:$0x1F0C0] =	vst v63  }
0x1ab: {  	_ =	swait.ge [sflag:s12], $0x4000  }
0x1ac: {  	[sflag:s12] =	ssyncset.done $0x0  }
0x1ad: {  	[sflag:s12] =	ssyncadd.s32 $0xFFFFC000  }
0x1ae: {  	_ =	swait.ge [sflag:s19], $0x4000  }
0x1af: {  	[sflag:s19] =	ssyncset.done $0x0  }
0x1b0: {  	s9 =	rddreg [dreg:$0x12];
	[sflag:s19] =	ssyncadd.s32 $0xFFFFC000  }
0x1b1: {  	[spmem:s2] =	stream.indirect.scatter.add.f32 [tilespmem:s18], [sflag:$0x3], $0x80, s9, s16, $0xb8;
	[tilespmem:$0x1F0C0] =	vst v63  }
0x1b2: {  	_ =	swait.ge [sflag:s12], $0x4000  }
0x1b3: {  	[sflag:s12] =	ssyncset.done $0x0  }
0x1b4: {  	[sflag:s12] =	ssyncadd.s32 $0xFFFFC000  }
0x1b5: {  	_ =	swait.ge [sflag:s20], $0x400  }
0x1b6: {  	[sflag:s20] =	ssyncset.done $0x0  }
0x1b7: {  	[sflag:s20] =	ssyncadd.s32 $0xFFFFFC00  }
0x1b8: {  	_ =	swait.ge [sflag:s20], $0x400  }
0x1b9: {  	[sflag:s20] =	ssyncset.done $0x0  }
0x1ba: {  	[sflag:s20] =	ssyncadd.s32 $0xFFFFFC00  }
0x1bb: {  	[tilespmem:s17], [sflag:$0x1] =	stream.indirect.gather [hbm4b:s5+s16], $0x80, s14, s16, $0xb8;
	[tilespmem:$0x1F0C0] =	vst v63  }
0x1bc: {  	s10 =	rddreg [dreg:$0x13]  }
0x1bd: {  	[tilespmem:s18], [sflag:$0x1] =	stream.indirect.gather [hbm4b:s5+s16], $0x80, s10, s16, $0xb8;
	[tilespmem:$0x1F0C0] =	vst v63  }
0x1be: {  	_ =	swait.ge [sflag:s19], $0x4000  }
0x1bf: {  	[sflag:s19] =	ssyncset.done $0x0  }
0x1c0: {  	[sflag:s19] =	ssyncadd.s32 $0xFFFFC000  }
0x1c1: {  	[spmem:s2] =	stream.indirect.scatter.add.f32 [tilespmem:s17], [sflag:$0x3], $0x80, s15, s16, $0xb8;
	[tilespmem:$0x1F0C0] =	vst v63  }
0x1c2: {  	_ =	swait.ge [sflag:s12], $0x4000  }
0x1c3: {  	[sflag:s12] =	ssyncset.done $0x0  }
0x1c4: {  	[sflag:s12] =	ssyncadd.s32 $0xFFFFC000  }
0x1c5: {  	_ =	swait.ge [sflag:s19], $0x4000  }
0x1c6: {  	[sflag:s19] =	ssyncset.done $0x0  }
0x1c7: {  	[sflag:s19] =	ssyncadd.s32 $0xFFFFC000  }
0x1c8: {  	[spmem:s2] =	stream.indirect.scatter.add.f32 [tilespmem:s18], [sflag:$0x3], $0x80, s21, s16, $0xb8;
	[tilespmem:$0x1F0C0] =	vst v63  }
0x1c9: {  	_ =	swait.ge [sflag:s12], $0x4000  }
0x1ca: {  	[sflag:s12] =	ssyncset.done $0x0  }
0x1cb: {  	[sflag:s12] =	ssyncadd.s32 $0xFFFFC000  }
0x1cc: {  	[tilespmem:s17], [sflag:$0x1] =	stream.indirect.gather [hbm4b:s5+s16], $0x80, s22, s16, $0xb8;
	[tilespmem:$0x1F0C0] =	vst v63  }
0x1cd: {  	_ = 	snop  }
0x1ce: {  	[tilespmem:s18], [sflag:$0x1] =	stream.indirect.gather [hbm4b:s5+s16], $0x80, s23, s16, $0xb8;
	[tilespmem:$0x1F0C0] =	vst v63  }
0x1cf: {  	_ =	swait.ge [sflag:s19], $0x4000  }
0x1d0: {  	[sflag:s19] =	ssyncset.done $0x0  }
0x1d1: {  	[sflag:s19] =	ssyncadd.s32 $0xFFFFC000  }
0x1d2: {  	[spmem:s2] =	stream.indirect.scatter.add.f32 [tilespmem:s17], [sflag:$0x3], $0x80, s24, s16, $0xb8;
	[tilespmem:$0x1F0C0] =	vst v63  }
0x1d3: {  	_ =	swait.ge [sflag:s12], $0x4000  }
0x1d4: {  	[sflag:s12] =	ssyncset.done $0x0  }
0x1d5: {  	[sflag:s12] =	ssyncadd.s32 $0xFFFFC000  }
0x1d6: {  	_ =	swait.ge [sflag:s19], $0x4000  }
0x1d7: {  	[sflag:s19] =	ssyncset.done $0x0  }
0x1d8: {  	[sflag:s19] =	ssyncadd.s32 $0xFFFFC000  }
0x1d9: {  	[spmem:s2] =	stream.indirect.scatter.add.f32 [tilespmem:s18], [sflag:$0x3], $0x80, s25, s16, $0xb8;
	[tilespmem:$0x1F0C0] =	vst v63  }
0x1da: {  	_ =	swait.ge [sflag:s12], $0x4000  }
0x1db: {  	[sflag:s12] =	ssyncset.done $0x0  }
0x1dc: {  	[sflag:s12] =	ssyncadd.s32 $0xFFFFC000  }
0x1dd: {  	[tilespmem:s17], [sflag:$0x1] =	stream.indirect.gather [hbm4b:s5+s16], $0x80, s26, s16, $0xb8;
	[tilespmem:$0x1F0C0] =	vst v63  }
0x1de: {  	_ = 	snop  }
0x1df: {  	[tilespmem:s18], [sflag:$0x1] =	stream.indirect.gather [hbm4b:s5+s16], $0x80, s28, s16, $0xb8;
	[tilespmem:$0x1F0C0] =	vst v63  }
0x1e0: {  	_ =	swait.ge [sflag:s19], $0x4000  }
0x1e1: {  	[sflag:s19] =	ssyncset.done $0x0  }
0x1e2: {  	[sflag:s19] =	ssyncadd.s32 $0xFFFFC000  }
0x1e3: {  	[spmem:s2] =	stream.indirect.scatter.add.f32 [tilespmem:s17], [sflag:$0x3], $0x80, s29, s16, $0xb8;
	[tilespmem:$0x1F0C0] =	vst v63  }
0x1e4: {  	_ =	swait.ge [sflag:s12], $0x4000  }
0x1e5: {  	[sflag:s12] =	ssyncset.done $0x0  }
0x1e6: {  	[sflag:s12] =	ssyncadd.s32 $0xFFFFC000  }
0x1e7: {  	_ =	swait.ge [sflag:s19], $0x4000  }
0x1e8: {  	[sflag:s19] =	ssyncset.done $0x0  }
0x1e9: {  	[sflag:s19] =	ssyncadd.s32 $0xFFFFC000  }
0x1ea: {  	[spmem:s2] =	stream.indirect.scatter.add.f32 [tilespmem:s18], [sflag:$0x3], $0x80, s30, s16, $0xb8;
	[tilespmem:$0x1F0C0] =	vst v63  }
0x1eb: {  	_ =	swait.ge [sflag:s12], $0x4000  }
0x1ec: {  	[sflag:s12] =	ssyncset.done $0x0  }
0x1ed: {  	[sflag:s12] =	ssyncadd.s32 $0xFFFFC000  }
0x1ee: {  	[tilespmem:s17], [sflag:$0x1] =	stream.indirect.gather [hbm4b:s5+s16], $0x80, s31, s16, $0xb8;
	[tilespmem:$0x1F0C0] =	vst v63  }
0x1ef: {  	_ = 	snop  }
0x1f0: {  	[tilespmem:s18], [sflag:$0x1] =	stream.indirect.gather [hbm4b:s5+s16], $0x80, s0, s16, $0xb8;
	[tilespmem:$0x1F0C0] =	vst v63  }
0x1f1: {  	_ =	swait.ge [sflag:s19], $0x4000  }
0x1f2: {  	[sflag:s19] =	ssyncset.done $0x0  }
0x1f3: {  	[sflag:s19] =	ssyncadd.s32 $0xFFFFC000  }
0x1f4: {  	[spmem:s2] =	stream.indirect.scatter.add.f32 [tilespmem:s17], [sflag:$0x3], $0x80, s4, s16, $0xb8;
	[tilespmem:$0x1F0C0] =	vst v63  }
0x1f5: {  	_ =	swait.ge [sflag:s12], $0x4000  }
0x1f6: {  	[sflag:s12] =	ssyncset.done $0x0  }
0x1f7: {  	[sflag:s12] =	ssyncadd.s32 $0xFFFFC000  }
0x1f8: {  	_ =	swait.ge [sflag:s19], $0x4000  }
0x1f9: {  	[sflag:s19] =	ssyncset.done $0x0  }
0x1fa: {  	[sflag:s19] =	ssyncadd.s32 $0xFFFFC000  }
0x1fb: {  	[spmem:s2] =	stream.indirect.scatter.add.f32 [tilespmem:s18], [sflag:$0x3], $0x80, s1, s16, $0xb8;
	[tilespmem:$0x1F0C0] =	vst v63  }
0x1fc: {  	_ =	swait.ge [sflag:s12], $0x4000  }
0x1fd: {  	[sflag:s12] =	ssyncset.done $0x0  }
0x1fe: {  	[sflag:s12] =	ssyncadd.s32 $0xFFFFC000  }
0x1ff: {  	[bflag:$0x0] =	sbarrier.arrive $0xFFFF  }
0x200: {  	s9 =	rddreg [dreg:$0x16]  }
0x201: {  	[tilespmem:s11], [sflag:$0x3] =	stream.linear.gather [spmem:s9], $0x2800, $0x38;
	[tilespmem:$0x1F0C0] =	vst v63  }
0x202: {  	_ =	swait.ge [sflag:s12], $0x2800  }
0x203: {  	[sflag:s12] =	ssyncset.done $0x0;
	s10 =	rddreg [dreg:$0x17]  }
.Ltmp3:
0x204: {  	[sflag:s12] =	ssyncadd.s32 $0xFFFFD800;
	s21 =	sadd.s32 s10, s7;
	(pc) =	sbr.rel @!p0 .LBB2_7-.Ltmp3, $4  }
0x205: {  	[hbm4b:s21+s3] =	stream.linear.scatter [tilespmem:s11], [sflag:$0x3], $0x2800, $0x38;
	[tilespmem:$0x1F0C0] =	vst v63  }
0x206: {  	_ =	swait.ge [sflag:s12], $0x2800  }
0x207: {  	s21 =	rddreg [dreg:$0x14]  }
0x208: {  	[sflag:s12] =	ssyncset.done $0x0;
	s6 =	sadd.s32 $0xFFFFFFFF, s21  }
.LBB2_6:
0x209: {  	[sflag:s12] =	ssyncadd.s32 $0xFFFFD800;
	s10 =	sadd.s32 $0x500, s10;
	s9 =	sadd.s32 $0x2800, s9  }
0x20a: {  	[tilespmem:s11], [sflag:$0x3] =	stream.linear.gather [spmem:s9], $0x2800, $0x38;
	[tilespmem:$0x1F0C0] =	vst v63  }
0x20b: {  	p0 =	sne.s32 s6, $0x1;
	s6 =	sadd.s32 $0xFFFFFFFF, s6;
	_ =	swait.ge [sflag:s12], $0x2800  }
.Ltmp4:
0x20c: {  	[sflag:s12] =	ssyncset.done $0x0;
	(pc) =	sbr.rel @p0 .LBB2_6-.Ltmp4, $4  }
0x20d: {  	s8 =	sadd.s32 s10, s7;
	[sflag:s12] =	ssyncadd.s32 $0xFFFFD800  }
0x20e: {  	[hbm4b:s8+s3] =	stream.linear.scatter [tilespmem:s11], [sflag:$0x3], $0x2800, $0x38;
	[tilespmem:$0x1F0C0] =	vst v63  }
0x20f: {  	_ =	swait.ge [sflag:s12], $0x2800  }
0x210: {  	[sflag:s12] =	ssyncset.done $0x0  }
.LBB2_7:
0x211: {  	s8 =	rddreg [dreg:$0x18]  }
0x212: {  	s6 =	rddreg [dreg:$0x15];
	s8 =	sadd.s32 $0x1, s8  }
0x213: {  	p0 =	sne.s32 s8, s6  }
.Ltmp5:
0x214: {  	_ = 	snop;
	(pc) =	sbr.rel @p0 .LBB2_1-.Ltmp5, $2  }
0x215: {  	_ =	sdelay $0x2  }
0x216: {  	[sflag:s12] =	ssyncadd.s32 $0xFFFFD800  }
0x217: {  	_ =	sfence.sel $0x180000  }
0x218: {  	[bflag:$0x0] =	sbarrier.arrive $0xFFFF  }
0x219: {  	_ =	strace $0x90000047  }
0x21a: {  	s0 =	stileid.u32;
	[bflag:$0x2] =	sbarrier.arrive $0xFFFF  }
0x21b: {  	p0 =	sne.s32 s0, $0x0;
	s0 =	rddreg [dreg:$0x3]  }
0x21c: {  	s0 =	sadd.s32 @!p0 $0x100000, s0  }
0x21d: {  	[sflag:s0] =	ssyncadd.tile.s32 @!p0 $0x1;
	_ =	shalt  }
.Lfunc_end2:
_tile_overlayer_lowered:
.L_overlay_start_2:
0x21e: {  	(tag) =	ssettag $0x2  }
0x21f: {  	s0 =	rddreg [dreg:$0x0];
	s2 =	stileid.u32  }
0x220: {  	s1 =	rddreg [dreg:$0x1];
	p0 =	sne.s32 s2, $0x0  }
0x221: {  	s3 =	rddreg [dreg:$0x2];
	[bflag:$0x3] =	sbarrier.arrive $0xFFFF;
	s2 =	simm.s32 @!p0 $0x1C03  }
0x222: {  	[timem:s3], [sflag:s2] =	dma.local @!p0 [hbm:s0], s1  }
0x223: {  	s0 =	simm.s32 @!p0 $0x3  }
0x224: {  	_ =	swait.ge @!p0 [sflag:s0], s1  }
0x225: {  	s1 =	ssub.s32 @!p0 $0x0, s1;
	[sflag:s0] =	ssyncset.done @!p0 $0x0  }
0x226: {  	[sflag:s0] =	ssyncadd.s32 @!p0 s1  }
0x227: {  	[bflag:$0x3] =	sbarrier.arrive $0xFFFF  }
0x228: {  	_ =	shalt  }

</sc_bundles>
